<compile_context>
chip_gen: v7x
topology: tpu7x:2x2x1
jax: 0.10.2.dev20260603
libtpu: 0.0.44.dev20260713+nightly
codegen_flags: <defaults>
</compile_context>

<pallas_src>
import functools

import jax
import jax.numpy as jnp
import numpy as np
from jax import lax
from jax.experimental import pallas as pl
from jax.experimental.pallas import tpu as pltpu
from jax.experimental.pallas import tpu_sc as plsc

NC = 2
NS = 16
LANES = 16
K = 128
ZR = 64


def _tc_gate_kernel(x_ref, w_ref, a2t_ref, y0_ref, y1_ref, r16_ref):
    sup = jnp.dot(x_ref[...], w_ref[...], preferred_element_type=jnp.float32)
    z = jnp.sum(sup * a2t_ref[...], axis=1, keepdims=True)
    z = jnp.where(z >= 0, z, 0.1 * z)
    r = jax.nn.sigmoid(z)
    y = sup * r
    h = y.shape[1] // 2
    y0_ref[...] = y[:, :h]
    y1_ref[...] = y[:, h:]
    r16_ref[...] = jnp.broadcast_to(r, (r.shape[0], LANES))


def _tc_final_kernel(a0_ref, a1_ref, s0_ref, s1_ref, o_ref):
    s = s0_ref[0, :, 0:1] + s1_ref[0, :, 0:1]
    v = jnp.concatenate([a0_ref[0], a1_ref[0]], axis=1) / s
    o_ref[...] = jnp.where(v > 0, v, jnp.exp(jnp.minimum(v, 0.0)) - 1.0)


def _make_sc_spmm(n_pad, h, c_per_tile, e_total):
    seg = n_pad // NS
    mesh = plsc.VectorSubcoreMesh(
        core_axis_name="c", subcore_axis_name="s",
        num_cores=NC, num_subcores=NS)
    f32 = jnp.float32

    @functools.partial(
        pl.kernel,
        out_type=[
            jax.ShapeDtypeStruct((NC, n_pad, h), f32),
            jax.ShapeDtypeStruct((NC, n_pad, LANES), f32),
            jax.ShapeDtypeStruct((NC, n_pad, h), f32),
            jax.ShapeDtypeStruct((NC, n_pad, h), f32),
        ],
        mesh=mesh,
        scratch_types=[
            pltpu.VMEM_SHARED((n_pad, h), f32),
            pltpu.VMEM_SHARED((n_pad, LANES), f32),
            pltpu.VMEM((c_per_tile, K), jnp.int32),
            pltpu.VMEM((c_per_tile, K), jnp.int32),
            pltpu.VMEM((3, K, h), f32),
            pltpu.VMEM((2, K, LANES), f32),
            pltpu.VMEM((ZR, h), f32),
            pltpu.VMEM((ZR, LANES), f32),
            pltpu.SemaphoreType.DMA,
            pltpu.SemaphoreType.DMA,
        ],
        compiler_params=pltpu.CompilerParams(use_tc_tiling_on_sc=False),
    )
    def sc_spmm(y2_hbm, r16_hbm, eim_hbm, tail_hbm,
                a2_hbm, s2_hbm, t1_hbm, t2_hbm,
                Q, S16, colv, rowv, gbuf, g16, zb, zb16,
                semg, sems):
        c = lax.axis_index("c")
        s = lax.axis_index("s")
        base = s * seg

        def stream_phase(src, dst, bufs, depth, sd, lo, n_chunks):
            def fire_g(j):
                pltpu.async_copy(src.at[colv.at[lo + j]],
                                 bufs.at[j % depth], semg)

            def drain_g(j):
                pltpu.make_async_copy(src.at[colv.at[lo + j]],
                                      bufs.at[j % depth], semg).wait()

            def fire_s(j):
                pltpu.async_copy(bufs.at[j % depth],
                                 dst.at[rowv.at[lo + j]], sems, add=True)

            def drain_s(j):
                pltpu.make_async_copy(bufs.at[j % depth],
                                      dst.at[rowv.at[lo + j]], sems).wait()

            for j in range(depth - sd):
                fire_g(j)

            def body(g, carry):
                @pl.when(g >= sd)
                def _():
                    drain_s(g - sd)

                @pl.when(g + (depth - sd) < n_chunks)
                def _():
                    fire_g(g + (depth - sd))

                drain_g(g)
                fire_s(g)
                return carry

            lax.fori_loop(0, n_chunks, body, 0)
            for j in range(n_chunks - sd, n_chunks):
                drain_s(j)

        def zero_rows(dst, zsrc):
            nfull = seg // ZR
            rem = seg - nfull * ZR
            for t in range(nfull):
                pltpu.sync_copy(zsrc, dst.at[pl.ds(base + t * ZR, ZR)])
            if rem:
                pltpu.sync_copy(zsrc.at[pl.ds(0, rem)],
                                dst.at[pl.ds(base + nfull * ZR, rem)])

        def flush_rows(dst2):
            pltpu.sync_copy(Q.at[pl.ds(base, seg)],
                            dst2.at[c].at[pl.ds(base, seg)])

        zv = jnp.zeros((LANES,), f32)
        for i in range(ZR):
            for q in range(h // LANES):
                zb[i, pl.ds(q * LANES, LANES)] = zv
            zb16[i, pl.ds(0, LANES)] = zv

        @pl.when(s < NS - 1)
        def _():
            pltpu.sync_copy(eim_hbm.at[1].at[pl.ds(s * c_per_tile,
                                                   c_per_tile)], colv)
            pltpu.sync_copy(eim_hbm.at[0].at[pl.ds(s * c_per_tile,
                                                   c_per_tile)], rowv)

        @pl.when(s == NS - 1)
        def _():
            pltpu.sync_copy(tail_hbm.at[1], colv)
            pltpu.sync_copy(tail_hbm.at[0], rowv)

        zero_rows(Q, zb)
        zero_rows(S16, zb16)
        plsc.subcore_barrier()

        half_c = c_per_tile // 2
        stream_phase(r16_hbm, S16, g16, 2, 1, c * half_c, half_c)
        stream_phase(y2_hbm.at[c], Q, gbuf, 3, 2, 0, c_per_tile)
        plsc.subcore_barrier()

        flush_rows(t1_hbm)
        pltpu.sync_copy(S16.at[pl.ds(base, seg)],
                        s2_hbm.at[c].at[pl.ds(base, seg)])
        zero_rows(Q, zb)
        plsc.subcore_barrier()

        stream_phase(t1_hbm.at[c], Q, gbuf, 3, 2, 0, c_per_tile)
        plsc.subcore_barrier()
        flush_rows(t2_hbm)
        zero_rows(Q, zb)
        plsc.subcore_barrier()

        stream_phase(t2_hbm.at[c], Q, gbuf, 3, 2, 0, c_per_tile)
        plsc.subcore_barrier()
        flush_rows(a2_hbm)

    return sc_spmm


def kernel(x, edge_index, W, a1, a2):
    del a1
    n, d_in = x.shape
    d_out = W.shape[1]
    h = d_out // 2
    e = edge_index.shape[1]
    f32 = jnp.float32

    n_pad = -(-n // (NS * 8)) * (NS * 8)
    if n_pad == n:
        n_pad += NS * 8
    ept = -(-e // NS)
    ept = -(-ept // (8 * K)) * (8 * K)
    c_per_tile = ept // K
    e_pad = ept * NS - e

    pr = n + (np.arange(e_pad, dtype=np.int32) % (n_pad - n))
    pc = (np.arange(e_pad, dtype=np.int32) * 131) % n
    pad_pairs = jnp.asarray(np.stack([pr, pc]), dtype=jnp.int32)
    eim = edge_index.reshape(2, e // K, K)
    ept = c_per_tile * K
    tail = jnp.concatenate(
        [edge_index[:, (NS - 1) * ept:], pad_pairs], axis=1
    ).reshape(2, c_per_tile, K)

    bn = 1000
    grid = n // bn
    y0, y1, r16 = pl.pallas_call(
        _tc_gate_kernel,
        grid=(grid,),
        in_specs=[
            pl.BlockSpec((bn, d_in), lambda i: (i, 0)),
            pl.BlockSpec((d_in, d_out), lambda i: (0, 0)),
            pl.BlockSpec((1, d_out), lambda i: (0, 0)),
        ],
        out_specs=[
            pl.BlockSpec((bn, h), lambda i: (i, 0)),
            pl.BlockSpec((bn, h), lambda i: (i, 0)),
            pl.BlockSpec((bn, LANES), lambda i: (i, 0)),
        ],
        out_shape=[
            jax.ShapeDtypeStruct((n_pad, h), f32),
            jax.ShapeDtypeStruct((n_pad, h), f32),
            jax.ShapeDtypeStruct((n_pad, LANES), f32),
        ],
    )(x, W, a2.reshape(1, d_out))
    y2 = jnp.stack([y0, y1])
    sc_spmm = _make_sc_spmm(n_pad, h, c_per_tile, e)
    a2h, s2, _, _ = sc_spmm(y2, r16, eim, tail)

    out = pl.pallas_call(
        _tc_final_kernel,
        grid=(grid,),
        in_specs=[
            pl.BlockSpec((1, bn, h), lambda i: (0, i, 0)),
            pl.BlockSpec((1, bn, h), lambda i: (1, i, 0)),
            pl.BlockSpec((1, bn, LANES), lambda i: (0, i, 0)),
            pl.BlockSpec((1, bn, LANES), lambda i: (1, i, 0)),
        ],
        out_specs=pl.BlockSpec((bn, d_out), lambda i: (i, 0)),
        out_shape=jax.ShapeDtypeStruct((n, d_out), f32),
    )(a2h, a2h, s2, s2)
    return out

# --- scband reference (transcript-rebuilt; emitter-appended) ---
"""Pipeline reference for scband-dgraph-convolution-19954418057624 (READ-ONLY COPY).

The authoritative reference and input builder live on the scoring server;
editing this copy changes nothing except your own understanding.
"""

import jax, jax.numpy as jnp
import numpy as np

N = 10000
E = 320000
D_IN = 128
D_OUT = 128


def setup_inputs(seed: int = 0) -> dict:
    key = jax.random.key(seed)
    k1, k2, k3, k4, k5 = jax.random.split(key, 5)
    x = jax.random.normal(k1, (N, D_IN), dtype=jnp.float32)
    edge_index = jax.random.randint(k2, (2, E), 0, N, dtype=jnp.int32)
    # xavier_uniform with gain=1.414
    limit_W = 1.414 * np.sqrt(6.0 / (D_IN + D_OUT))
    W = jax.random.uniform(k3, (D_IN, D_OUT), dtype=jnp.float32, minval=-limit_W, maxval=limit_W)
    limit_a = 1.414 * np.sqrt(6.0 / (D_OUT + 1))
    a1 = jax.random.uniform(k4, (D_OUT, 1), dtype=jnp.float32, minval=-limit_a, maxval=limit_a)
    a2 = jax.random.uniform(k5, (D_OUT, 1), dtype=jnp.float32, minval=-limit_a, maxval=limit_a)
    return {"x": x, "edge_index": edge_index, "W": W, "a1": a1, "a2": a2}


def reference(x, edge_index, W, a1, a2):
    n = x.shape[0]
    support = x @ W  # [N, D_OUT]
    lrelu = lambda v: jnp.where(v >= 0, v, 0.1 * v)
    l_D = jax.nn.sigmoid(lrelu(jnp.squeeze(support @ a1, -1)))  # [N]
    r_D = jax.nn.sigmoid(lrelu(jnp.squeeze(support @ a2, -1)))  # [N]
    row = edge_index[0]
    col = edge_index[1]

    def spmm(X):
        # torch.spmm(adj, X) with adj COO (row, col), values=1
        return jax.ops.segment_sum(X[col], row, num_segments=n)

    # output = diag(r_D) @ support (SpecialSpmm with diagonal indices)
    out = support * r_D[:, None]
    out = spmm(out)
    out = spmm(out)
    out = spmm(out)
    out = out * l_D[:, None]  # diag(l_D) @ out
    # sumnorm = diag(l_D) @ adj @ diag(r_D) @ ones
    sumnorm = r_D[:, None] * jnp.ones((n, 1), dtype=x.dtype)
    sumnorm = spmm(sumnorm)
    sumnorm = sumnorm * l_D[:, None]
    out = out / sumnorm
    # concat=True -> elu, bias=False
    out = jax.nn.elu(out)
    return out

if __name__ == "__main__":
    import jax
    _d = setup_inputs()
    print(jax.jit(kernel)(*tuple(_d.values())))

</pallas_src>

<mosaic_0001>
#map = affine_map<(d0, d1) -> (0, 0, 0)>
#map1 = affine_map<(d0, d1) -> (0, 0)>
module attributes {stable_mosaic.version = 14 : i64} {
  func.func @sc_spmm(%arg0: i32, %arg1: i32, %arg2: memref<2x10112x64xf32, #tpu.memory_space<hbm>>, %arg3: memref<10112x16xf32, #tpu.memory_space<hbm>>, %arg4: memref<2x2500x128xi32, #tpu.memory_space<hbm>>, %arg5: memref<2x160x128xi32, #tpu.memory_space<hbm>>, %arg6: memref<2x10112x64xf32, #tpu.memory_space<hbm>>, %arg7: memref<2x10112x16xf32, #tpu.memory_space<hbm>>, %arg8: memref<2x10112x64xf32, #tpu.memory_space<hbm>>, %arg9: memref<2x10112x64xf32, #tpu.memory_space<hbm>>, %arg10: memref<10112x64xf32, #tpu.memory_space<vmem_shared>>, %arg11: memref<10112x16xf32, #tpu.memory_space<vmem_shared>>, %arg12: memref<160x128xi32, #tpu.memory_space<vmem>>, %arg13: memref<160x128xi32, #tpu.memory_space<vmem>>, %arg14: memref<3x128x64xf32, #tpu.memory_space<vmem>>, %arg15: memref<2x128x16xf32, #tpu.memory_space<vmem>>, %arg16: memref<64x64xf32, #tpu.memory_space<vmem>>, %arg17: memref<64x16xf32, #tpu.memory_space<vmem>>, %arg18: memref<!tpu.dma_semaphore, #tpu.memory_space<semaphore_mem>>, %arg19: memref<!tpu.dma_semaphore, #tpu.memory_space<semaphore_mem>>) attributes {dimension_semantics = [#tpu.dimension_semantics<core_parallel>, #tpu.dimension_semantics<subcore_parallel>], iteration_bounds = array<i64: 2, 16>, scalar_prefetch = 0 : i64, scratch_operands = 10 : i64, tpu.core_type = #tpu.core_type<sc_vector_subcore>, window_params = [{transform_indices = #map}, {transform_indices = #map1}, {transform_indices = #map}, {transform_indices = #map}, {transform_indices = #map}, {transform_indices = #map}, {transform_indices = #map}, {transform_indices = #map}]} {
    %mul3A = arith.constant 632 : i32
    %mul3A_0 = arith.muli %arg1, %mul3A : i32
    %broadcast_in_dim3A = arith.constant 0.000000e+00 : f32
    %broadcast_in_dim3A_1 = vector.broadcast %broadcast_in_dim3A : f32 to vector<16xf32>
    %swap3A = arith.constant 0 : i32
    %swap3A_2 = arith.index_cast %swap3A : i32 to index
    %swap3A_3 = arith.constant 0 : index
    %swap3A_4 = tpu.vector_load %arg16[%swap3A_2, %swap3A_3] {strides = array<i32>} : memref<64x64xf32, #tpu.memory_space<vmem>>, vector<1x16xf32>,
    %swap3A_5 = vector.shape_cast %swap3A_4 : vector<1x16xf32> to vector<16xf32>
    %swap3A_6 = vector.shape_cast %broadcast_in_dim3A_1 : vector<16xf32> to vector<1x16xf32>
    tpu.vector_store %arg16[%swap3A_2, %swap3A_3], %swap3A_6 {strides = array<i32>} : memref<64x64xf32, #tpu.memory_space<vmem>>, vector<1x16xf32>,
    %swap3A_7 = arith.constant 0 : i32
    %swap3A_8 = arith.index_cast %swap3A_7 : i32 to index
    %swap3A_9 = arith.constant 16 : index
    %swap3A_10 = tpu.vector_load %arg16[%swap3A_8, %swap3A_9] {strides = array<i32>} : memref<64x64xf32, #tpu.memory_space<vmem>>, vector<1x16xf32>,
    %swap3A_11 = vector.shape_cast %swap3A_10 : vector<1x16xf32> to vector<16xf32>
    %swap3A_12 = vector.shape_cast %broadcast_in_dim3A_1 : vector<16xf32> to vector<1x16xf32>
    tpu.vector_store %arg16[%swap3A_8, %swap3A_9], %swap3A_12 {strides = array<i32>} : memref<64x64xf32, #tpu.memory_space<vmem>>, vector<1x16xf32>,
    %swap3A_13 = arith.constant 0 : i32
    %swap3A_14 = arith.index_cast %swap3A_13 : i32 to index
    %swap3A_15 = arith.constant 32 : index
    %swap3A_16 = tpu.vector_load %arg16[%swap3A_14, %swap3A_15] {strides = array<i32>} : memref<64x64xf32, #tpu.memory_space<vmem>>, vector<1x16xf32>,
    %swap3A_17 = vector.shape_cast %swap3A_16 : vector<1x16xf32> to vector<16xf32>
    %swap3A_18 = vector.shape_cast %broadcast_in_dim3A_1 : vector<16xf32> to vector<1x16xf32>
    tpu.vector_store %arg16[%swap3A_14, %swap3A_15], %swap3A_18 {strides = array<i32>} : memref<64x64xf32, #tpu.memory_space<vmem>>, vector<1x16xf32>,
    %swap3A_19 = arith.constant 0 : i32
    %swap3A_20 = arith.index_cast %swap3A_19 : i32 to index
    %swap3A_21 = arith.constant 48 : index
    %swap3A_22 = tpu.vector_load %arg16[%swap3A_20, %swap3A_21] {strides = array<i32>} : memref<64x64xf32, #tpu.memory_space<vmem>>, vector<1x16xf32>,
    %swap3A_23 = vector.shape_cast %swap3A_22 : vector<1x16xf32> to vector<16xf32>
    %swap3A_24 = vector.shape_cast %broadcast_in_dim3A_1 : vector<16xf32> to vector<1x16xf32>
    tpu.vector_store %arg16[%swap3A_20, %swap3A_21], %swap3A_24 {strides = array<i32>} : memref<64x64xf32, #tpu.memory_space<vmem>>, vector<1x16xf32>,
    %swap3A_25 = arith.constant 0 : i32
    %swap3A_26 = arith.index_cast %swap3A_25 : i32 to index
    %swap3A_27 = arith.constant 0 : index
    %swap3A_28 = tpu.vector_load %arg17[%swap3A_26, %swap3A_27] {strides = array<i32>} : memref<64x16xf32, #tpu.memory_space<vmem>>, vector<1x16xf32>,
    %swap3A_29 = vector.shape_cast %swap3A_28 : vector<1x16xf32> to vector<16xf32>
    %swap3A_30 = vector.shape_cast %broadcast_in_dim3A_1 : vector<16xf32> to vector<1x16xf32>
    tpu.vector_store %arg17[%swap3A_26, %swap3A_27], %swap3A_30 {strides = array<i32>} : memref<64x16xf32, #tpu.memory_space<vmem>>, vector<1x16xf32>,
    %swap3A_31 = arith.constant 1 : i32
    %swap3A_32 = arith.index_cast %swap3A_31 : i32 to index
    %swap3A_33 = arith.constant 0 : index
    %swap3A_34 = tpu.vector_load %arg16[%swap3A_32, %swap3A_33] {strides = array<i32>} : memref<64x64xf32, #tpu.memory_space<vmem>>, vector<1x16xf32>,
    %swap3A_35 = vector.shape_cast %swap3A_34 : vector<1x16xf32> to vector<16xf32>
    %swap3A_36 = vector.shape_cast %broadcast_in_dim3A_1 : vector<16xf32> to vector<1x16xf32>
    tpu.vector_store %arg16[%swap3A_32, %swap3A_33], %swap3A_36 {strides = array<i32>} : memref<64x64xf32, #tpu.memory_space<vmem>>, vector<1x16xf32>,
    %swap3A_37 = arith.constant 1 : i32
    %swap3A_38 = arith.index_cast %swap3A_37 : i32 to index
    %swap3A_39 = arith.constant 16 : index
    %swap3A_40 = tpu.vector_load %arg16[%swap3A_38, %swap3A_39] {strides = array<i32>} : memref<64x64xf32, #tpu.memory_space<vmem>>, vector<1x16xf32>,
    %swap3A_41 = vector.shape_cast %swap3A_40 : vector<1x16xf32> to vector<16xf32>
    %swap3A_42 = vector.shape_cast %broadcast_in_dim3A_1 : vector<16xf32> to vector<1x16xf32>
    tpu.vector_store %arg16[%swap3A_38, %swap3A_39], %swap3A_42 {strides = array<i32>} : memref<64x64xf32, #tpu.memory_space<vmem>>, vector<1x16xf32>,
    %swap3A_43 = arith.constant 1 : i32
    %swap3A_44 = arith.index_cast %swap3A_43 : i32 to index
    %swap3A_45 = arith.constant 32 : index
    %swap3A_46 = tpu.vector_load %arg16[%swap3A_44, %swap3A_45] {strides = array<i32>} : memref<64x64xf32, #tpu.memory_space<vmem>>, vector<1x16xf32>,
    %swap3A_47 = vector.shape_cast %swap3A_46 : vector<1x16xf32> to vector<16xf32>
    %swap3A_48 = vector.shape_cast %broadcast_in_dim3A_1 : vector<16xf32> to vector<1x16xf32>
    tpu.vector_store %arg16[%swap3A_44, %swap3A_45], %swap3A_48 {strides = array<i32>} : memref<64x64xf32, #tpu.memory_space<vmem>>, vector<1x16xf32>,
    %swap3A_49 = arith.constant 1 : i32
    %swap3A_50 = arith.index_cast %swap3A_49 : i32 to index
    %swap3A_51 = arith.constant 48 : index
    %swap3A_52 = tpu.vector_load %arg16[%swap3A_50, %swap3A_51] {strides = array<i32>} : memref<64x64xf32, #tpu.memory_space<vmem>>, vector<1x16xf32>,
    %swap3A_53 = vector.shape_cast %swap3A_52 : vector<1x16xf32> to vector<16xf32>
    %swap3A_54 = vector.shape_cast %broadcast_in_dim3A_1 : vector<16xf32> to vector<1x16xf32>
    tpu.vector_store %arg16[%swap3A_50, %swap3A_51], %swap3A_54 {strides = array<i32>} : memref<64x64xf32, #tpu.memory_space<vmem>>, vector<1x16xf32>,
    %swap3A_55 = arith.constant 1 : i32
    %swap3A_56 = arith.index_cast %swap3A_55 : i32 to index
    %swap3A_57 = arith.constant 0 : index
    %swap3A_58 = tpu.vector_load %arg17[%swap3A_56, %swap3A_57] {strides = array<i32>} : memref<64x16xf32, #tpu.memory_space<vmem>>, vector<1x16xf32>,
    %swap3A_59 = vector.shape_cast %swap3A_58 : vector<1x16xf32> to vector<16xf32>
    %swap3A_60 = vector.shape_cast %broadcast_in_dim3A_1 : vector<16xf32> to vector<1x16xf32>
    tpu.vector_store %arg17[%swap3A_56, %swap3A_57], %swap3A_60 {strides = array<i32>} : memref<64x16xf32, #tpu.memory_space<vmem>>, vector<1x16xf32>,
    %swap3A_61 = arith.constant 2 : i32
    %swap3A_62 = arith.index_cast %swap3A_61 : i32 to index
    %swap3A_63 = arith.constant 0 : index
    %swap3A_64 = tpu.vector_load %arg16[%swap3A_62, %swap3A_63] {strides = array<i32>} : memref<64x64xf32, #tpu.memory_space<vmem>>, vector<1x16xf32>,
    %swap3A_65 = vector.shape_cast %swap3A_64 : vector<1x16xf32> to vector<16xf32>
    %swap3A_66 = vector.shape_cast %broadcast_in_dim3A_1 : vector<16xf32> to vector<1x16xf32>
    tpu.vector_store %arg16[%swap3A_62, %swap3A_63], %swap3A_66 {strides = array<i32>} : memref<64x64xf32, #tpu.memory_space<vmem>>, vector<1x16xf32>,
    %swap3A_67 = arith.constant 2 : i32
    %swap3A_68 = arith.index_cast %swap3A_67 : i32 to index
    %swap3A_69 = arith.constant 16 : index
    %swap3A_70 = tpu.vector_load %arg16[%swap3A_68, %swap3A_69] {strides = array<i32>} : memref<64x64xf32, #tpu.memory_space<vmem>>, vector<1x16xf32>,
    %swap3A_71 = vector.shape_cast %swap3A_70 : vector<1x16xf32> to vector<16xf32>
    %swap3A_72 = vector.shape_cast %broadcast_in_dim3A_1 : vector<16xf32> to vector<1x16xf32>
    tpu.vector_store %arg16[%swap3A_68, %swap3A_69], %swap3A_72 {strides = array<i32>} : memref<64x64xf32, #tpu.memory_space<vmem>>, vector<1x16xf32>,
    %swap3A_73 = arith.constant 2 : i32
    %swap3A_74 = arith.index_cast %swap3A_73 : i32 to index
    %swap3A_75 = arith.constant 32 : index
    %swap3A_76 = tpu.vector_load %arg16[%swap3A_74, %swap3A_75] {strides = array<i32>} : memref<64x64xf32, #tpu.memory_space<vmem>>, vector<1x16xf32>,
    %swap3A_77 = vector.shape_cast %swap3A_76 : vector<1x16xf32> to vector<16xf32>
    %swap3A_78 = vector.shape_cast %broadcast_in_dim3A_1 : vector<16xf32> to vector<1x16xf32>
    tpu.vector_store %arg16[%swap3A_74, %swap3A_75], %swap3A_78 {strides = array<i32>} : memref<64x64xf32, #tpu.memory_space<vmem>>, vector<1x16xf32>,
    %swap3A_79 = arith.constant 2 : i32
    %swap3A_80 = arith.index_cast %swap3A_79 : i32 to index
    %swap3A_81 = arith.constant 48 : index
    %swap3A_82 = tpu.vector_load %arg16[%swap3A_80, %swap3A_81] {strides = array<i32>} : memref<64x64xf32, #tpu.memory_space<vmem>>, vector<1x16xf32>,
    %swap3A_83 = vector.shape_cast %swap3A_82 : vector<1x16xf32> to vector<16xf32>
    %swap3A_84 = vector.shape_cast %broadcast_in_dim3A_1 : vector<16xf32> to vector<1x16xf32>
    tpu.vector_store %arg16[%swap3A_80, %swap3A_81], %swap3A_84 {strides = array<i32>} : memref<64x64xf32, #tpu.memory_space<vmem>>, vector<1x16xf32>,
    %swap3A_85 = arith.constant 2 : i32
    %swap3A_86 = arith.index_cast %swap3A_85 : i32 to index
    %swap3A_87 = arith.constant 0 : index
    %swap3A_88 = tpu.vector_load %arg17[%swap3A_86, %swap3A_87] {strides = array<i32>} : memref<64x16xf32, #tpu.memory_space<vmem>>, vector<1x16xf32>,
    %swap3A_89 = vector.shape_cast %swap3A_88 : vector<1x16xf32> to vector<16xf32>
    %swap3A_90 = vector.shape_cast %broadcast_in_dim3A_1 : vector<16xf32> to vector<1x16xf32>
    tpu.vector_store %arg17[%swap3A_86, %swap3A_87], %swap3A_90 {strides = array<i32>} : memref<64x16xf32, #tpu.memory_space<vmem>>, vector<1x16xf32>,
    %swap3A_91 = arith.constant 3 : i32
    %swap3A_92 = arith.index_cast %swap3A_91 : i32 to index
    %swap3A_93 = arith.constant 0 : index
    %swap3A_94 = tpu.vector_load %arg16[%swap3A_92, %swap3A_93] {strides = array<i32>} : memref<64x64xf32, #tpu.memory_space<vmem>>, vector<1x16xf32>,
    %swap3A_95 = vector.shape_cast %swap3A_94 : vector<1x16xf32> to vector<16xf32>
    %swap3A_96 = vector.shape_cast %broadcast_in_dim3A_1 : vector<16xf32> to vector<1x16xf32>
    tpu.vector_store %arg16[%swap3A_92, %swap3A_93], %swap3A_96 {strides = array<i32>} : memref<64x64xf32, #tpu.memory_space<vmem>>, vector<1x16xf32>,
    %swap3A_97 = arith.constant 3 : i32
    %swap3A_98 = arith.index_cast %swap3A_97 : i32 to index
    %swap3A_99 = arith.constant 16 : index
    %swap3A_100 = tpu.vector_load %arg16[%swap3A_98, %swap3A_99] {strides = array<i32>} : memref<64x64xf32, #tpu.memory_space<vmem>>, vector<1x16xf32>,
    %swap3A_101 = vector.shape_cast %swap3A_100 : vector<1x16xf32> to vector<16xf32>
    %swap3A_102 = vector.shape_cast %broadcast_in_dim3A_1 : vector<16xf32> to vector<1x16xf32>
    tpu.vector_store %arg16[%swap3A_98, %swap3A_99], %swap3A_102 {strides = array<i32>} : memref<64x64xf32, #tpu.memory_space<vmem>>, vector<1x16xf32>,
    %swap3A_103 = arith.constant 3 : i32
    %swap3A_104 = arith.index_cast %swap3A_103 : i32 to index
    %swap3A_105 = arith.constant 32 : index
    %swap3A_106 = tpu.vector_load %arg16[%swap3A_104, %swap3A_105] {strides = array<i32>} : memref<64x64xf32, #tpu.memory_space<vmem>>, vector<1x16xf32>,
    %swap3A_107 = vector.shape_cast %swap3A_106 : vector<1x16xf32> to vector<16xf32>
    %swap3A_108 = vector.shape_cast %broadcast_in_dim3A_1 : vector<16xf32> to vector<1x16xf32>
    tpu.vector_store %arg16[%swap3A_104, %swap3A_105], %swap3A_108 {strides = array<i32>} : memref<64x64xf32, #tpu.memory_space<vmem>>, vector<1x16xf32>,
    %swap3A_109 = arith.constant 3 : i32
    %swap3A_110 = arith.index_cast %swap3A_109 : i32 to index
    %swap3A_111 = arith.constant 48 : index
    %swap3A_112 = tpu.vector_load %arg16[%swap3A_110, %swap3A_111] {strides = array<i32>} : memref<64x64xf32, #tpu.memory_space<vmem>>, vector<1x16xf32>,
    %swap3A_113 = vector.shape_cast %swap3A_112 : vector<1x16xf32> to vector<16xf32>
    %swap3A_114 = vector.shape_cast %broadcast_in_dim3A_1 : vector<16xf32> to vector<1x16xf32>
    tpu.vector_store %arg16[%swap3A_110, %swap3A_111], %swap3A_114 {strides = array<i32>} : memref<64x64xf32, #tpu.memory_space<vmem>>, vector<1x16xf32>,
    %swap3A_115 = arith.constant 3 : i32
    %swap3A_116 = arith.index_cast %swap3A_115 : i32 to index
    %swap3A_117 = arith.constant 0 : index
    %swap3A_118 = tpu.vector_load %arg17[%swap3A_116, %swap3A_117] {strides = array<i32>} : memref<64x16xf32, #tpu.memory_space<vmem>>, vector<1x16xf32>,
    %swap3A_119 = vector.shape_cast %swap3A_118 : vector<1x16xf32> to vector<16xf32>
    %swap3A_120 = vector.shape_cast %broadcast_in_dim3A_1 : vector<16xf32> to vector<1x16xf32>
    tpu.vector_store %arg17[%swap3A_116, %swap3A_117], %swap3A_120 {strides = array<i32>} : memref<64x16xf32, #tpu.memory_space<vmem>>, vector<1x16xf32>,
    %swap3A_121 = arith.constant 4 : i32
    %swap3A_122 = arith.index_cast %swap3A_121 : i32 to index
    %swap3A_123 = arith.constant 0 : index
    %swap3A_124 = tpu.vector_load %arg16[%swap3A_122, %swap3A_123] {strides = array<i32>} : memref<64x64xf32, #tpu.memory_space<vmem>>, vector<1x16xf32>,
    %swap3A_125 = vector.shape_cast %swap3A_124 : vector<1x16xf32> to vector<16xf32>
    %swap3A_126 = vector.shape_cast %broadcast_in_dim3A_1 : vector<16xf32> to vector<1x16xf32>
    tpu.vector_store %arg16[%swap3A_122, %swap3A_123], %swap3A_126 {strides = array<i32>} : memref<64x64xf32, #tpu.memory_space<vmem>>, vector<1x16xf32>,
    %swap3A_127 = arith.constant 4 : i32
    %swap3A_128 = arith.index_cast %swap3A_127 : i32 to index
    %swap3A_129 = arith.constant 16 : index
    %swap3A_130 = tpu.vector_load %arg16[%swap3A_128, %swap3A_129] {strides = array<i32>} : memref<64x64xf32, #tpu.memory_space<vmem>>, vector<1x16xf32>,
    %swap3A_131 = vector.shape_cast %swap3A_130 : vector<1x16xf32> to vector<16xf32>
    %swap3A_132 = vector.shape_cast %broadcast_in_dim3A_1 : vector<16xf32> to vector<1x16xf32>
    tpu.vector_store %arg16[%swap3A_128, %swap3A_129], %swap3A_132 {strides = array<i32>} : memref<64x64xf32, #tpu.memory_space<vmem>>, vector<1x16xf32>,
    %swap3A_133 = arith.constant 4 : i32
    %swap3A_134 = arith.index_cast %swap3A_133 : i32 to index
    %swap3A_135 = arith.constant 32 : index
    %swap3A_136 = tpu.vector_load %arg16[%swap3A_134, %swap3A_135] {strides = array<i32>} : memref<64x64xf32, #tpu.memory_space<vmem>>, vector<1x16xf32>,
    %swap3A_137 = vector.shape_cast %swap3A_136 : vector<1x16xf32> to vector<16xf32>
    %swap3A_138 = vector.shape_cast %broadcast_in_dim3A_1 : vector<16xf32> to vector<1x16xf32>
    tpu.vector_store %arg16[%swap3A_134, %swap3A_135], %swap3A_138 {strides = array<i32>} : memref<64x64xf32, #tpu.memory_space<vmem>>, vector<1x16xf32>,
    %swap3A_139 = arith.constant 4 : i32
    %swap3A_140 = arith.index_cast %swap3A_139 : i32 to index
    %swap3A_141 = arith.constant 48 : index
    %swap3A_142 = tpu.vector_load %arg16[%swap3A_140, %swap3A_141] {strides = array<i32>} : memref<64x64xf32, #tpu.memory_space<vmem>>, vector<1x16xf32>,
    %swap3A_143 = vector.shape_cast %swap3A_142 : vector<1x16xf32> to vector<16xf32>
    %swap3A_144 = vector.shape_cast %broadcast_in_dim3A_1 : vector<16xf32> to vector<1x16xf32>
    tpu.vector_store %arg16[%swap3A_140, %swap3A_141], %swap3A_144 {strides = array<i32>} : memref<64x64xf32, #tpu.memory_space<vmem>>, vector<1x16xf32>,
    %swap3A_145 = arith.constant 4 : i32
    %swap3A_146 = arith.index_cast %swap3A_145 : i32 to index
    %swap3A_147 = arith.constant 0 : index
    %swap3A_148 = tpu.vector_load %arg17[%swap3A_146, %swap3A_147] {strides = array<i32>} : memref<64x16xf32, #tpu.memory_space<vmem>>, vector<1x16xf32>,
    %swap3A_149 = vector.shape_cast %swap3A_148 : vector<1x16xf32> to vector<16xf32>
    %swap3A_150 = vector.shape_cast %broadcast_in_dim3A_1 : vector<16xf32> to vector<1x16xf32>
    tpu.vector_store %arg17[%swap3A_146, %swap3A_147], %swap3A_150 {strides = array<i32>} : memref<64x16xf32, #tpu.memory_space<vmem>>, vector<1x16xf32>,
    %swap3A_151 = arith.constant 5 : i32
    %swap3A_152 = arith.index_cast %swap3A_151 : i32 to index
    %swap3A_153 = arith.constant 0 : index
    %swap3A_154 = tpu.vector_load %arg16[%swap3A_152, %swap3A_153] {strides = array<i32>} : memref<64x64xf32, #tpu.memory_space<vmem>>, vector<1x16xf32>,
    %swap3A_155 = vector.shape_cast %swap3A_154 : vector<1x16xf32> to vector<16xf32>
    %swap3A_156 = vector.shape_cast %broadcast_in_dim3A_1 : vector<16xf32> to vector<1x16xf32>
    tpu.vector_store %arg16[%swap3A_152, %swap3A_153], %swap3A_156 {strides = array<i32>} : memref<64x64xf32, #tpu.memory_space<vmem>>, vector<1x16xf32>,
    %swap3A_157 = arith.constant 5 : i32
    %swap3A_158 = arith.index_cast %swap3A_157 : i32 to index
    %swap3A_159 = arith.constant 16 : index
    %swap3A_160 = tpu.vector_load %arg16[%swap3A_158, %swap3A_159] {strides = array<i32>} : memref<64x64xf32, #tpu.memory_space<vmem>>, vector<1x16xf32>,
    %swap3A_161 = vector.shape_cast %swap3A_160 : vector<1x16xf32> to vector<16xf32>
    %swap3A_162 = vector.shape_cast %broadcast_in_dim3A_1 : vector<16xf32> to vector<1x16xf32>
    tpu.vector_store %arg16[%swap3A_158, %swap3A_159], %swap3A_162 {strides = array<i32>} : memref<64x64xf32, #tpu.memory_space<vmem>>, vector<1x16xf32>,
    %swap3A_163 = arith.constant 5 : i32
    %swap3A_164 = arith.index_cast %swap3A_163 : i32 to index
    %swap3A_165 = arith.constant 32 : index
    %swap3A_166 = tpu.vector_load %arg16[%swap3A_164, %swap3A_165] {strides = array<i32>} : memref<64x64xf32, #tpu.memory_space<vmem>>, vector<1x16xf32>,
    %swap3A_167 = vector.shape_cast %swap3A_166 : vector<1x16xf32> to vector<16xf32>
    %swap3A_168 = vector.shape_cast %broadcast_in_dim3A_1 : vector<16xf32> to vector<1x16xf32>
    tpu.vector_store %arg16[%swap3A_164, %swap3A_165], %swap3A_168 {strides = array<i32>} : memref<64x64xf32, #tpu.memory_space<vmem>>, vector<1x16xf32>,
    %swap3A_169 = arith.constant 5 : i32
    %swap3A_170 = arith.index_cast %swap3A_169 : i32 to index
    %swap3A_171 = arith.constant 48 : index
    %swap3A_172 = tpu.vector_load %arg16[%swap3A_170, %swap3A_171] {strides = array<i32>} : memref<64x64xf32, #tpu.memory_space<vmem>>, vector<1x16xf32>,
    %swap3A_173 = vector.shape_cast %swap3A_172 : vector<1x16xf32> to vector<16xf32>
    %swap3A_174 = vector.shape_cast %broadcast_in_dim3A_1 : vector<16xf32> to vector<1x16xf32>
    tpu.vector_store %arg16[%swap3A_170, %swap3A_171], %swap3A_174 {strides = array<i32>} : memref<64x64xf32, #tpu.memory_space<vmem>>, vector<1x16xf32>,
    %swap3A_175 = arith.constant 5 : i32
    %swap3A_176 = arith.index_cast %swap3A_175 : i32 to index
    %swap3A_177 = arith.constant 0 : index
    %swap3A_178 = tpu.vector_load %arg17[%swap3A_176, %swap3A_177] {strides = array<i32>} : memref<64x16xf32, #tpu.memory_space<vmem>>, vector<1x16xf32>,
    %swap3A_179 = vector.shape_cast %swap3A_178 : vector<1x16xf32> to vector<16xf32>
    %swap3A_180 = vector.shape_cast %broadcast_in_dim3A_1 : vector<16xf32> to vector<1x16xf32>
    tpu.vector_store %arg17[%swap3A_176, %swap3A_177], %swap3A_180 {strides = array<i32>} : memref<64x16xf32, #tpu.memory_space<vmem>>, vector<1x16xf32>,
    %swap3A_181 = arith.constant 6 : i32
    %swap3A_182 = arith.index_cast %swap3A_181 : i32 to index
    %swap3A_183 = arith.constant 0 : index
    %swap3A_184 = tpu.vector_load %arg16[%swap3A_182, %swap3A_183] {strides = array<i32>} : memref<64x64xf32, #tpu.memory_space<vmem>>, vector<1x16xf32>,
    %swap3A_185 = vector.shape_cast %swap3A_184 : vector<1x16xf32> to vector<16xf32>
    %swap3A_186 = vector.shape_cast %broadcast_in_dim3A_1 : vector<16xf32> to vector<1x16xf32>
    tpu.vector_store %arg16[%swap3A_182, %swap3A_183], %swap3A_186 {strides = array<i32>} : memref<64x64xf32, #tpu.memory_space<vmem>>, vector<1x16xf32>,
    %swap3A_187 = arith.constant 6 : i32
    %swap3A_188 = arith.index_cast %swap3A_187 : i32 to index
    %swap3A_189 = arith.constant 16 : index
    %swap3A_190 = tpu.vector_load %arg16[%swap3A_188, %swap3A_189] {strides = array<i32>} : memref<64x64xf32, #tpu.memory_space<vmem>>, vector<1x16xf32>,
    %swap3A_191 = vector.shape_cast %swap3A_190 : vector<1x16xf32> to vector<16xf32>
    %swap3A_192 = vector.shape_cast %broadcast_in_dim3A_1 : vector<16xf32> to vector<1x16xf32>
    tpu.vector_store %arg16[%swap3A_188, %swap3A_189], %swap3A_192 {strides = array<i32>} : memref<64x64xf32, #tpu.memory_space<vmem>>, vector<1x16xf32>,
    %swap3A_193 = arith.constant 6 : i32
    %swap3A_194 = arith.index_cast %swap3A_193 : i32 to index
    %swap3A_195 = arith.constant 32 : index
    %swap3A_196 = tpu.vector_load %arg16[%swap3A_194, %swap3A_195] {strides = array<i32>} : memref<64x64xf32, #tpu.memory_space<vmem>>, vector<1x16xf32>,
    %swap3A_197 = vector.shape_cast %swap3A_196 : vector<1x16xf32> to vector<16xf32>
    %swap3A_198 = vector.shape_cast %broadcast_in_dim3A_1 : vector<16xf32> to vector<1x16xf32>
    tpu.vector_store %arg16[%swap3A_194, %swap3A_195], %swap3A_198 {strides = array<i32>} : memref<64x64xf32, #tpu.memory_space<vmem>>, vector<1x16xf32>,
    %swap3A_199 = arith.constant 6 : i32
    %swap3A_200 = arith.index_cast %swap3A_199 : i32 to index
    %swap3A_201 = arith.constant 48 : index
    %swap3A_202 = tpu.vector_load %arg16[%swap3A_200, %swap3A_201] {strides = array<i32>} : memref<64x64xf32, #tpu.memory_space<vmem>>, vector<1x16xf32>,
    %swap3A_203 = vector.shape_cast %swap3A_202 : vector<1x16xf32> to vector<16xf32>
    %swap3A_204 = vector.shape_cast %broadcast_in_dim3A_1 : vector<16xf32> to vector<1x16xf32>
    tpu.vector_store %arg16[%swap3A_200, %swap3A_201], %swap3A_204 {strides = array<i32>} : memref<64x64xf32, #tpu.memory_space<vmem>>, vector<1x16xf32>,
    %swap3A_205 = arith.constant 6 : i32
    %swap3A_206 = arith.index_cast %swap3A_205 : i32 to index
    %swap3A_207 = arith.constant 0 : index
    %swap3A_208 = tpu.vector_load %arg17[%swap3A_206, %swap3A_207] {strides = array<i32>} : memref<64x16xf32, #tpu.memory_space<vmem>>, vector<1x16xf32>,
    %swap3A_209 = vector.shape_cast %swap3A_208 : vector<1x16xf32> to vector<16xf32>
    %swap3A_210 = vector.shape_cast %broadcast_in_dim3A_1 : vector<16xf32> to vector<1x16xf32>
    tpu.vector_store %arg17[%swap3A_206, %swap3A_207], %swap3A_210 {strides = array<i32>} : memref<64x16xf32, #tpu.memory_space<vmem>>, vector<1x16xf32>,
    %swap3A_211 = arith.constant 7 : i32
    %swap3A_212 = arith.index_cast %swap3A_211 : i32 to index
    %swap3A_213 = arith.constant 0 : index
    %swap3A_214 = tpu.vector_load %arg16[%swap3A_212, %swap3A_213] {strides = array<i32>} : memref<64x64xf32, #tpu.memory_space<vmem>>, vector<1x16xf32>,
    %swap3A_215 = vector.shape_cast %swap3A_214 : vector<1x16xf32> to vector<16xf32>
    %swap3A_216 = vector.shape_cast %broadcast_in_dim3A_1 : vector<16xf32> to vector<1x16xf32>
    tpu.vector_store %arg16[%swap3A_212, %swap3A_213], %swap3A_216 {strides = array<i32>} : memref<64x64xf32, #tpu.memory_space<vmem>>, vector<1x16xf32>,
    %swap3A_217 = arith.constant 7 : i32
    %swap3A_218 = arith.index_cast %swap3A_217 : i32 to index
    %swap3A_219 = arith.constant 16 : index
    %swap3A_220 = tpu.vector_load %arg16[%swap3A_218, %swap3A_219] {strides = array<i32>} : memref<64x64xf32, #tpu.memory_space<vmem>>, vector<1x16xf32>,
    %swap3A_221 = vector.shape_cast %swap3A_220 : vector<1x16xf32> to vector<16xf32>
    %swap3A_222 = vector.shape_cast %broadcast_in_dim3A_1 : vector<16xf32> to vector<1x16xf32>
    tpu.vector_store %arg16[%swap3A_218, %swap3A_219], %swap3A_222 {strides = array<i32>} : memref<64x64xf32, #tpu.memory_space<vmem>>, vector<1x16xf32>,
    %swap3A_223 = arith.constant 7 : i32
    %swap3A_224 = arith.index_cast %swap3A_223 : i32 to index
    %swap3A_225 = arith.constant 32 : index
    %swap3A_226 = tpu.vector_load %arg16[%swap3A_224, %swap3A_225] {strides = array<i32>} : memref<64x64xf32, #tpu.memory_space<vmem>>, vector<1x16xf32>,
    %swap3A_227 = vector.shape_cast %swap3A_226 : vector<1x16xf32> to vector<16xf32>
    %swap3A_228 = vector.shape_cast %broadcast_in_dim3A_1 : vector<16xf32> to vector<1x16xf32>
    tpu.vector_store %arg16[%swap3A_224, %swap3A_225], %swap3A_228 {strides = array<i32>} : memref<64x64xf32, #tpu.memory_space<vmem>>, vector<1x16xf32>,
    %swap3A_229 = arith.constant 7 : i32
    %swap3A_230 = arith.index_cast %swap3A_229 : i32 to index
    %swap3A_231 = arith.constant 48 : index
    %swap3A_232 = tpu.vector_load %arg16[%swap3A_230, %swap3A_231] {strides = array<i32>} : memref<64x64xf32, #tpu.memory_space<vmem>>, vector<1x16xf32>,
    %swap3A_233 = vector.shape_cast %swap3A_232 : vector<1x16xf32> to vector<16xf32>
    %swap3A_234 = vector.shape_cast %broadcast_in_dim3A_1 : vector<16xf32> to vector<1x16xf32>
    tpu.vector_store %arg16[%swap3A_230, %swap3A_231], %swap3A_234 {strides = array<i32>} : memref<64x64xf32, #tpu.memory_space<vmem>>, vector<1x16xf32>,
    %swap3A_235 = arith.constant 7 : i32
    %swap3A_236 = arith.index_cast %swap3A_235 : i32 to index
    %swap3A_237 = arith.constant 0 : index
    %swap3A_238 = tpu.vector_load %arg17[%swap3A_236, %swap3A_237] {strides = array<i32>} : memref<64x16xf32, #tpu.memory_space<vmem>>, vector<1x16xf32>,
    %swap3A_239 = vector.shape_cast %swap3A_238 : vector<1x16xf32> to vector<16xf32>
    %swap3A_240 = vector.shape_cast %broadcast_in_dim3A_1 : vector<16xf32> to vector<1x16xf32>
    tpu.vector_store %arg17[%swap3A_236, %swap3A_237], %swap3A_240 {strides = array<i32>} : memref<64x16xf32, #tpu.memory_space<vmem>>, vector<1x16xf32>,
    %swap3A_241 = arith.constant 8 : i32
    %swap3A_242 = arith.index_cast %swap3A_241 : i32 to index
    %swap3A_243 = arith.constant 0 : index
    %swap3A_244 = tpu.vector_load %arg16[%swap3A_242, %swap3A_243] {strides = array<i32>} : memref<64x64xf32, #tpu.memory_space<vmem>>, vector<1x16xf32>,
    %swap3A_245 = vector.shape_cast %swap3A_244 : vector<1x16xf32> to vector<16xf32>
    %swap3A_246 = vector.shape_cast %broadcast_in_dim3A_1 : vector<16xf32> to vector<1x16xf32>
    tpu.vector_store %arg16[%swap3A_242, %swap3A_243], %swap3A_246 {strides = array<i32>} : memref<64x64xf32, #tpu.memory_space<vmem>>, vector<1x16xf32>,
    %swap3A_247 = arith.constant 8 : i32
    %swap3A_248 = arith.index_cast %swap3A_247 : i32 to index
    %swap3A_249 = arith.constant 16 : index
    %swap3A_250 = tpu.vector_load %arg16[%swap3A_248, %swap3A_249] {strides = array<i32>} : memref<64x64xf32, #tpu.memory_space<vmem>>, vector<1x16xf32>,
    %swap3A_251 = vector.shape_cast %swap3A_250 : vector<1x16xf32> to vector<16xf32>
    %swap3A_252 = vector.shape_cast %broadcast_in_dim3A_1 : vector<16xf32> to vector<1x16xf32>
    tpu.vector_store %arg16[%swap3A_248, %swap3A_249], %swap3A_252 {strides = array<i32>} : memref<64x64xf32, #tpu.memory_space<vmem>>, vector<1x16xf32>,
    %swap3A_253 = arith.constant 8 : i32
    %swap3A_254 = arith.index_cast %swap3A_253 : i32 to index
    %swap3A_255 = arith.constant 32 : index
    %swap3A_256 = tpu.vector_load %arg16[%swap3A_254, %swap3A_255] {strides = array<i32>} : memref<64x64xf32, #tpu.memory_space<vmem>>, vector<1x16xf32>,
    %swap3A_257 = vector.shape_cast %swap3A_256 : vector<1x16xf32> to vector<16xf32>
    %swap3A_258 = vector.shape_cast %broadcast_in_dim3A_1 : vector<16xf32> to vector<1x16xf32>
    tpu.vector_store %arg16[%swap3A_254, %swap3A_255], %swap3A_258 {strides = array<i32>} : memref<64x64xf32, #tpu.memory_space<vmem>>, vector<1x16xf32>,
    %swap3A_259 = arith.constant 8 : i32
    %swap3A_260 = arith.index_cast %swap3A_259 : i32 to index
    %swap3A_261 = arith.constant 48 : index
    %swap3A_262 = tpu.vector_load %arg16[%swap3A_260, %swap3A_261] {strides = array<i32>} : memref<64x64xf32, #tpu.memory_space<vmem>>, vector<1x16xf32>,
    %swap3A_263 = vector.shape_cast %swap3A_262 : vector<1x16xf32> to vector<16xf32>
    %swap3A_264 = vector.shape_cast %broadcast_in_dim3A_1 : vector<16xf32> to vector<1x16xf32>
    tpu.vector_store %arg16[%swap3A_260, %swap3A_261], %swap3A_264 {strides = array<i32>} : memref<64x64xf32, #tpu.memory_space<vmem>>, vector<1x16xf32>,
    %swap3A_265 = arith.constant 8 : i32
    %swap3A_266 = arith.index_cast %swap3A_265 : i32 to index
    %swap3A_267 = arith.constant 0 : index
    %swap3A_268 = tpu.vector_load %arg17[%swap3A_266, %swap3A_267] {strides = array<i32>} : memref<64x16xf32, #tpu.memory_space<vmem>>, vector<1x16xf32>,
    %swap3A_269 = vector.shape_cast %swap3A_268 : vector<1x16xf32> to vector<16xf32>
    %swap3A_270 = vector.shape_cast %broadcast_in_dim3A_1 : vector<16xf32> to vector<1x16xf32>
    tpu.vector_store %arg17[%swap3A_266, %swap3A_267], %swap3A_270 {strides = array<i32>} : memref<64x16xf32, #tpu.memory_space<vmem>>, vector<1x16xf32>,
    %swap3A_271 = arith.constant 9 : i32
    %swap3A_272 = arith.index_cast %swap3A_271 : i32 to index
    %swap3A_273 = arith.constant 0 : index
    %swap3A_274 = tpu.vector_load %arg16[%swap3A_272, %swap3A_273] {strides = array<i32>} : memref<64x64xf32, #tpu.memory_space<vmem>>, vector<1x16xf32>,
    %swap3A_275 = vector.shape_cast %swap3A_274 : vector<1x16xf32> to vector<16xf32>
    %swap3A_276 = vector.shape_cast %broadcast_in_dim3A_1 : vector<16xf32> to vector<1x16xf32>
    tpu.vector_store %arg16[%swap3A_272, %swap3A_273], %swap3A_276 {strides = array<i32>} : memref<64x64xf32, #tpu.memory_space<vmem>>, vector<1x16xf32>,
    %swap3A_277 = arith.constant 9 : i32
    %swap3A_278 = arith.index_cast %swap3A_277 : i32 to index
    %swap3A_279 = arith.constant 16 : index
    %swap3A_280 = tpu.vector_load %arg16[%swap3A_278, %swap3A_279] {strides = array<i32>} : memref<64x64xf32, #tpu.memory_space<vmem>>, vector<1x16xf32>,
    %swap3A_281 = vector.shape_cast %swap3A_280 : vector<1x16xf32> to vector<16xf32>
    %swap3A_282 = vector.shape_cast %broadcast_in_dim3A_1 : vector<16xf32> to vector<1x16xf32>
    tpu.vector_store %arg16[%swap3A_278, %swap3A_279], %swap3A_282 {strides = array<i32>} : memref<64x64xf32, #tpu.memory_space<vmem>>, vector<1x16xf32>,
    %swap3A_283 = arith.constant 9 : i32
    %swap3A_284 = arith.index_cast %swap3A_283 : i32 to index
    %swap3A_285 = arith.constant 32 : index
    %swap3A_286 = tpu.vector_load %arg16[%swap3A_284, %swap3A_285] {strides = array<i32>} : memref<64x64xf32, #tpu.memory_space<vmem>>, vector<1x16xf32>,
    %swap3A_287 = vector.shape_cast %swap3A_286 : vector<1x16xf32> to vector<16xf32>
    %swap3A_288 = vector.shape_cast %broadcast_in_dim3A_1 : vector<16xf32> to vector<1x16xf32>
    tpu.vector_store %arg16[%swap3A_284, %swap3A_285], %swap3A_288 {strides = array<i32>} : memref<64x64xf32, #tpu.memory_space<vmem>>, vector<1x16xf32>,
    %swap3A_289 = arith.constant 9 : i32
    %swap3A_290 = arith.index_cast %swap3A_289 : i32 to index
    %swap3A_291 = arith.constant 48 : index
    %swap3A_292 = tpu.vector_load %arg16[%swap3A_290, %swap3A_291] {strides = array<i32>} : memref<64x64xf32, #tpu.memory_space<vmem>>, vector<1x16xf32>,
    %swap3A_293 = vector.shape_cast %swap3A_292 : vector<1x16xf32> to vector<16xf32>
    %swap3A_294 = vector.shape_cast %broadcast_in_dim3A_1 : vector<16xf32> to vector<1x16xf32>
    tpu.vector_store %arg16[%swap3A_290, %swap3A_291], %swap3A_294 {strides = array<i32>} : memref<64x64xf32, #tpu.memory_space<vmem>>, vector<1x16xf32>,
    %swap3A_295 = arith.constant 9 : i32
    %swap3A_296 = arith.index_cast %swap3A_295 : i32 to index
    %swap3A_297 = arith.constant 0 : index
    %swap3A_298 = tpu.vector_load %arg17[%swap3A_296, %swap3A_297] {strides = array<i32>} : memref<64x16xf32, #tpu.memory_space<vmem>>, vector<1x16xf32>,
    %swap3A_299 = vector.shape_cast %swap3A_298 : vector<1x16xf32> to vector<16xf32>
    %swap3A_300 = vector.shape_cast %broadcast_in_dim3A_1 : vector<16xf32> to vector<1x16xf32>
    tpu.vector_store %arg17[%swap3A_296, %swap3A_297], %swap3A_300 {strides = array<i32>} : memref<64x16xf32, #tpu.memory_space<vmem>>, vector<1x16xf32>,
    %swap3A_301 = arith.constant 10 : i32
    %swap3A_302 = arith.index_cast %swap3A_301 : i32 to index
    %swap3A_303 = arith.constant 0 : index
    %swap3A_304 = tpu.vector_load %arg16[%swap3A_302, %swap3A_303] {strides = array<i32>} : memref<64x64xf32, #tpu.memory_space<vmem>>, vector<1x16xf32>,
    %swap3A_305 = vector.shape_cast %swap3A_304 : vector<1x16xf32> to vector<16xf32>
    %swap3A_306 = vector.shape_cast %broadcast_in_dim3A_1 : vector<16xf32> to vector<1x16xf32>
    tpu.vector_store %arg16[%swap3A_302, %swap3A_303], %swap3A_306 {strides = array<i32>} : memref<64x64xf32, #tpu.memory_space<vmem>>, vector<1x16xf32>,
    %swap3A_307 = arith.constant 10 : i32
    %swap3A_308 = arith.index_cast %swap3A_307 : i32 to index
    %swap3A_309 = arith.constant 16 : index
    %swap3A_310 = tpu.vector_load %arg16[%swap3A_308, %swap3A_309] {strides = array<i32>} : memref<64x64xf32, #tpu.memory_space<vmem>>, vector<1x16xf32>,
    %swap3A_311 = vector.shape_cast %swap3A_310 : vector<1x16xf32> to vector<16xf32>
    %swap3A_312 = vector.shape_cast %broadcast_in_dim3A_1 : vector<16xf32> to vector<1x16xf32>
    tpu.vector_store %arg16[%swap3A_308, %swap3A_309], %swap3A_312 {strides = array<i32>} : memref<64x64xf32, #tpu.memory_space<vmem>>, vector<1x16xf32>,
    %swap3A_313 = arith.constant 10 : i32
    %swap3A_314 = arith.index_cast %swap3A_313 : i32 to index
    %swap3A_315 = arith.constant 32 : index
    %swap3A_316 = tpu.vector_load %arg16[%swap3A_314, %swap3A_315] {strides = array<i32>} : memref<64x64xf32, #tpu.memory_space<vmem>>, vector<1x16xf32>,
    %swap3A_317 = vector.shape_cast %swap3A_316 : vector<1x16xf32> to vector<16xf32>
    %swap3A_318 = vector.shape_cast %broadcast_in_dim3A_1 : vector<16xf32> to vector<1x16xf32>
    tpu.vector_store %arg16[%swap3A_314, %swap3A_315], %swap3A_318 {strides = array<i32>} : memref<64x64xf32, #tpu.memory_space<vmem>>, vector<1x16xf32>,
    %swap3A_319 = arith.constant 10 : i32
    %swap3A_320 = arith.index_cast %swap3A_319 : i32 to index
    %swap3A_321 = arith.constant 48 : index
    %swap3A_322 = tpu.vector_load %arg16[%swap3A_320, %swap3A_321] {strides = array<i32>} : memref<64x64xf32, #tpu.memory_space<vmem>>, vector<1x16xf32>,
    %swap3A_323 = vector.shape_cast %swap3A_322 : vector<1x16xf32> to vector<16xf32>
    %swap3A_324 = vector.shape_cast %broadcast_in_dim3A_1 : vector<16xf32> to vector<1x16xf32>
    tpu.vector_store %arg16[%swap3A_320, %swap3A_321], %swap3A_324 {strides = array<i32>} : memref<64x64xf32, #tpu.memory_space<vmem>>, vector<1x16xf32>,
    %swap3A_325 = arith.constant 10 : i32
    %swap3A_326 = arith.index_cast %swap3A_325 : i32 to index
    %swap3A_327 = arith.constant 0 : index
    %swap3A_328 = tpu.vector_load %arg17[%swap3A_326, %swap3A_327] {strides = array<i32>} : memref<64x16xf32, #tpu.memory_space<vmem>>, vector<1x16xf32>,
    %swap3A_329 = vector.shape_cast %swap3A_328 : vector<1x16xf32> to vector<16xf32>
    %swap3A_330 = vector.shape_cast %broadcast_in_dim3A_1 : vector<16xf32> to vector<1x16xf32>
    tpu.vector_store %arg17[%swap3A_326, %swap3A_327], %swap3A_330 {strides = array<i32>} : memref<64x16xf32, #tpu.memory_space<vmem>>, vector<1x16xf32>,
    %swap3A_331 = arith.constant 11 : i32
    %swap3A_332 = arith.index_cast %swap3A_331 : i32 to index
    %swap3A_333 = arith.constant 0 : index
    %swap3A_334 = tpu.vector_load %arg16[%swap3A_332, %swap3A_333] {strides = array<i32>} : memref<64x64xf32, #tpu.memory_space<vmem>>, vector<1x16xf32>,
    %swap3A_335 = vector.shape_cast %swap3A_334 : vector<1x16xf32> to vector<16xf32>
    %swap3A_336 = vector.shape_cast %broadcast_in_dim3A_1 : vector<16xf32> to vector<1x16xf32>
    tpu.vector_store %arg16[%swap3A_332, %swap3A_333], %swap3A_336 {strides = array<i32>} : memref<64x64xf32, #tpu.memory_space<vmem>>, vector<1x16xf32>,
    %swap3A_337 = arith.constant 11 : i32
    %swap3A_338 = arith.index_cast %swap3A_337 : i32 to index
    %swap3A_339 = arith.constant 16 : index
    %swap3A_340 = tpu.vector_load %arg16[%swap3A_338, %swap3A_339] {strides = array<i32>} : memref<64x64xf32, #tpu.memory_space<vmem>>, vector<1x16xf32>,
    %swap3A_341 = vector.shape_cast %swap3A_340 : vector<1x16xf32> to vector<16xf32>
    %swap3A_342 = vector.shape_cast %broadcast_in_dim3A_1 : vector<16xf32> to vector<1x16xf32>
    tpu.vector_store %arg16[%swap3A_338, %swap3A_339], %swap3A_342 {strides = array<i32>} : memref<64x64xf32, #tpu.memory_space<vmem>>, vector<1x16xf32>,
    %swap3A_343 = arith.constant 11 : i32
    %swap3A_344 = arith.index_cast %swap3A_343 : i32 to index
    %swap3A_345 = arith.constant 32 : index
    %swap3A_346 = tpu.vector_load %arg16[%swap3A_344, %swap3A_345] {strides = array<i32>} : memref<64x64xf32, #tpu.memory_space<vmem>>, vector<1x16xf32>,
    %swap3A_347 = vector.shape_cast %swap3A_346 : vector<1x16xf32> to vector<16xf32>
    %swap3A_348 = vector.shape_cast %broadcast_in_dim3A_1 : vector<16xf32> to vector<1x16xf32>
    tpu.vector_store %arg16[%swap3A_344, %swap3A_345], %swap3A_348 {strides = array<i32>} : memref<64x64xf32, #tpu.memory_space<vmem>>, vector<1x16xf32>,
    %swap3A_349 = arith.constant 11 : i32
    %swap3A_350 = arith.index_cast %swap3A_349 : i32 to index
    %swap3A_351 = arith.constant 48 : index
    %swap3A_352 = tpu.vector_load %arg16[%swap3A_350, %swap3A_351] {strides = array<i32>} : memref<64x64xf32, #tpu.memory_space<vmem>>, vector<1x16xf32>,
    %swap3A_353 = vector.shape_cast %swap3A_352 : vector<1x16xf32> to vector<16xf32>
    %swap3A_354 = vector.shape_cast %broadcast_in_dim3A_1 : vector<16xf32> to vector<1x16xf32>
    tpu.vector_store %arg16[%swap3A_350, %swap3A_351], %swap3A_354 {strides = array<i32>} : memref<64x64xf32, #tpu.memory_space<vmem>>, vector<1x16xf32>,
    %swap3A_355 = arith.constant 11 : i32
    %swap3A_356 = arith.index_cast %swap3A_355 : i32 to index
    %swap3A_357 = arith.constant 0 : index
    %swap3A_358 = tpu.vector_load %arg17[%swap3A_356, %swap3A_357] {strides = array<i32>} : memref<64x16xf32, #tpu.memory_space<vmem>>, vector<1x16xf32>,
    %swap3A_359 = vector.shape_cast %swap3A_358 : vector<1x16xf32> to vector<16xf32>
    %swap3A_360 = vector.shape_cast %broadcast_in_dim3A_1 : vector<16xf32> to vector<1x16xf32>
    tpu.vector_store %arg17[%swap3A_356, %swap3A_357], %swap3A_360 {strides = array<i32>} : memref<64x16xf32, #tpu.memory_space<vmem>>, vector<1x16xf32>,
    %swap3A_361 = arith.constant 12 : i32
    %swap3A_362 = arith.index_cast %swap3A_361 : i32 to index
    %swap3A_363 = arith.constant 0 : index
    %swap3A_364 = tpu.vector_load %arg16[%swap3A_362, %swap3A_363] {strides = array<i32>} : memref<64x64xf32, #tpu.memory_space<vmem>>, vector<1x16xf32>,
    %swap3A_365 = vector.shape_cast %swap3A_364 : vector<1x16xf32> to vector<16xf32>
    %swap3A_366 = vector.shape_cast %broadcast_in_dim3A_1 : vector<16xf32> to vector<1x16xf32>
    tpu.vector_store %arg16[%swap3A_362, %swap3A_363], %swap3A_366 {strides = array<i32>} : memref<64x64xf32, #tpu.memory_space<vmem>>, vector<1x16xf32>,
    %swap3A_367 = arith.constant 12 : i32
    %swap3A_368 = arith.index_cast %swap3A_367 : i32 to index
    %swap3A_369 = arith.constant 16 : index
    %swap3A_370 = tpu.vector_load %arg16[%swap3A_368, %swap3A_369] {strides = array<i32>} : memref<64x64xf32, #tpu.memory_space<vmem>>, vector<1x16xf32>,
    %swap3A_371 = vector.shape_cast %swap3A_370 : vector<1x16xf32> to vector<16xf32>
    %swap3A_372 = vector.shape_cast %broadcast_in_dim3A_1 : vector<16xf32> to vector<1x16xf32>
    tpu.vector_store %arg16[%swap3A_368, %swap3A_369], %swap3A_372 {strides = array<i32>} : memref<64x64xf32, #tpu.memory_space<vmem>>, vector<1x16xf32>,
    %swap3A_373 = arith.constant 12 : i32
    %swap3A_374 = arith.index_cast %swap3A_373 : i32 to index
    %swap3A_375 = arith.constant 32 : index
    %swap3A_376 = tpu.vector_load %arg16[%swap3A_374, %swap3A_375] {strides = array<i32>} : memref<64x64xf32, #tpu.memory_space<vmem>>, vector<1x16xf32>,
    %swap3A_377 = vector.shape_cast %swap3A_376 : vector<1x16xf32> to vector<16xf32>
    %swap3A_378 = vector.shape_cast %broadcast_in_dim3A_1 : vector<16xf32> to vector<1x16xf32>
    tpu.vector_store %arg16[%swap3A_374, %swap3A_375], %swap3A_378 {strides = array<i32>} : memref<64x64xf32, #tpu.memory_space<vmem>>, vector<1x16xf32>,
    %swap3A_379 = arith.constant 12 : i32
    %swap3A_380 = arith.index_cast %swap3A_379 : i32 to index
    %swap3A_381 = arith.constant 48 : index
    %swap3A_382 = tpu.vector_load %arg16[%swap3A_380, %swap3A_381] {strides = array<i32>} : memref<64x64xf32, #tpu.memory_space<vmem>>, vector<1x16xf32>,
    %swap3A_383 = vector.shape_cast %swap3A_382 : vector<1x16xf32> to vector<16xf32>
    %swap3A_384 = vector.shape_cast %broadcast_in_dim3A_1 : vector<16xf32> to vector<1x16xf32>
    tpu.vector_store %arg16[%swap3A_380, %swap3A_381], %swap3A_384 {strides = array<i32>} : memref<64x64xf32, #tpu.memory_space<vmem>>, vector<1x16xf32>,
    %swap3A_385 = arith.constant 12 : i32
    %swap3A_386 = arith.index_cast %swap3A_385 : i32 to index
    %swap3A_387 = arith.constant 0 : index
    %swap3A_388 = tpu.vector_load %arg17[%swap3A_386, %swap3A_387] {strides = array<i32>} : memref<64x16xf32, #tpu.memory_space<vmem>>, vector<1x16xf32>,
    %swap3A_389 = vector.shape_cast %swap3A_388 : vector<1x16xf32> to vector<16xf32>
    %swap3A_390 = vector.shape_cast %broadcast_in_dim3A_1 : vector<16xf32> to vector<1x16xf32>
    tpu.vector_store %arg17[%swap3A_386, %swap3A_387], %swap3A_390 {strides = array<i32>} : memref<64x16xf32, #tpu.memory_space<vmem>>, vector<1x16xf32>,
    %swap3A_391 = arith.constant 13 : i32
    %swap3A_392 = arith.index_cast %swap3A_391 : i32 to index
    %swap3A_393 = arith.constant 0 : index
    %swap3A_394 = tpu.vector_load %arg16[%swap3A_392, %swap3A_393] {strides = array<i32>} : memref<64x64xf32, #tpu.memory_space<vmem>>, vector<1x16xf32>,
    %swap3A_395 = vector.shape_cast %swap3A_394 : vector<1x16xf32> to vector<16xf32>
    %swap3A_396 = vector.shape_cast %broadcast_in_dim3A_1 : vector<16xf32> to vector<1x16xf32>
    tpu.vector_store %arg16[%swap3A_392, %swap3A_393], %swap3A_396 {strides = array<i32>} : memref<64x64xf32, #tpu.memory_space<vmem>>, vector<1x16xf32>,
    %swap3A_397 = arith.constant 13 : i32
    %swap3A_398 = arith.index_cast %swap3A_397 : i32 to index
    %swap3A_399 = arith.constant 16 : index
    %swap3A_400 = tpu.vector_load %arg16[%swap3A_398, %swap3A_399] {strides = array<i32>} : memref<64x64xf32, #tpu.memory_space<vmem>>, vector<1x16xf32>,
    %swap3A_401 = vector.shape_cast %swap3A_400 : vector<1x16xf32> to vector<16xf32>
    %swap3A_402 = vector.shape_cast %broadcast_in_dim3A_1 : vector<16xf32> to vector<1x16xf32>
    tpu.vector_store %arg16[%swap3A_398, %swap3A_399], %swap3A_402 {strides = array<i32>} : memref<64x64xf32, #tpu.memory_space<vmem>>, vector<1x16xf32>,
    %swap3A_403 = arith.constant 13 : i32
    %swap3A_404 = arith.index_cast %swap3A_403 : i32 to index
    %swap3A_405 = arith.constant 32 : index
    %swap3A_406 = tpu.vector_load %arg16[%swap3A_404, %swap3A_405] {strides = array<i32>} : memref<64x64xf32, #tpu.memory_space<vmem>>, vector<1x16xf32>,
    %swap3A_407 = vector.shape_cast %swap3A_406 : vector<1x16xf32> to vector<16xf32>
    %swap3A_408 = vector.shape_cast %broadcast_in_dim3A_1 : vector<16xf32> to vector<1x16xf32>
    tpu.vector_store %arg16[%swap3A_404, %swap3A_405], %swap3A_408 {strides = array<i32>} : memref<64x64xf32, #tpu.memory_space<vmem>>, vector<1x16xf32>,
    %swap3A_409 = arith.constant 13 : i32
    %swap3A_410 = arith.index_cast %swap3A_409 : i32 to index
    %swap3A_411 = arith.constant 48 : index
    %swap3A_412 = tpu.vector_load %arg16[%swap3A_410, %swap3A_411] {strides = array<i32>} : memref<64x64xf32, #tpu.memory_space<vmem>>, vector<1x16xf32>,
    %swap3A_413 = vector.shape_cast %swap3A_412 : vector<1x16xf32> to vector<16xf32>
    %swap3A_414 = vector.shape_cast %broadcast_in_dim3A_1 : vector<16xf32> to vector<1x16xf32>
    tpu.vector_store %arg16[%swap3A_410, %swap3A_411], %swap3A_414 {strides = array<i32>} : memref<64x64xf32, #tpu.memory_space<vmem>>, vector<1x16xf32>,
    %swap3A_415 = arith.constant 13 : i32
    %swap3A_416 = arith.index_cast %swap3A_415 : i32 to index
    %swap3A_417 = arith.constant 0 : index
    %swap3A_418 = tpu.vector_load %arg17[%swap3A_416, %swap3A_417] {strides = array<i32>} : memref<64x16xf32, #tpu.memory_space<vmem>>, vector<1x16xf32>,
    %swap3A_419 = vector.shape_cast %swap3A_418 : vector<1x16xf32> to vector<16xf32>
    %swap3A_420 = vector.shape_cast %broadcast_in_dim3A_1 : vector<16xf32> to vector<1x16xf32>
    tpu.vector_store %arg17[%swap3A_416, %swap3A_417], %swap3A_420 {strides = array<i32>} : memref<64x16xf32, #tpu.memory_space<vmem>>, vector<1x16xf32>,
    %swap3A_421 = arith.constant 14 : i32
    %swap3A_422 = arith.index_cast %swap3A_421 : i32 to index
    %swap3A_423 = arith.constant 0 : index
    %swap3A_424 = tpu.vector_load %arg16[%swap3A_422, %swap3A_423] {strides = array<i32>} : memref<64x64xf32, #tpu.memory_space<vmem>>, vector<1x16xf32>,
    %swap3A_425 = vector.shape_cast %swap3A_424 : vector<1x16xf32> to vector<16xf32>
    %swap3A_426 = vector.shape_cast %broadcast_in_dim3A_1 : vector<16xf32> to vector<1x16xf32>
    tpu.vector_store %arg16[%swap3A_422, %swap3A_423], %swap3A_426 {strides = array<i32>} : memref<64x64xf32, #tpu.memory_space<vmem>>, vector<1x16xf32>,
    %swap3A_427 = arith.constant 14 : i32
    %swap3A_428 = arith.index_cast %swap3A_427 : i32 to index
    %swap3A_429 = arith.constant 16 : index
    %swap3A_430 = tpu.vector_load %arg16[%swap3A_428, %swap3A_429] {strides = array<i32>} : memref<64x64xf32, #tpu.memory_space<vmem>>, vector<1x16xf32>,
    %swap3A_431 = vector.shape_cast %swap3A_430 : vector<1x16xf32> to vector<16xf32>
    %swap3A_432 = vector.shape_cast %broadcast_in_dim3A_1 : vector<16xf32> to vector<1x16xf32>
    tpu.vector_store %arg16[%swap3A_428, %swap3A_429], %swap3A_432 {strides = array<i32>} : memref<64x64xf32, #tpu.memory_space<vmem>>, vector<1x16xf32>,
    %swap3A_433 = arith.constant 14 : i32
    %swap3A_434 = arith.index_cast %swap3A_433 : i32 to index
    %swap3A_435 = arith.constant 32 : index
    %swap3A_436 = tpu.vector_load %arg16[%swap3A_434, %swap3A_435] {strides = array<i32>} : memref<64x64xf32, #tpu.memory_space<vmem>>, vector<1x16xf32>,
    %swap3A_437 = vector.shape_cast %swap3A_436 : vector<1x16xf32> to vector<16xf32>
    %swap3A_438 = vector.shape_cast %broadcast_in_dim3A_1 : vector<16xf32> to vector<1x16xf32>
    tpu.vector_store %arg16[%swap3A_434, %swap3A_435], %swap3A_438 {strides = array<i32>} : memref<64x64xf32, #tpu.memory_space<vmem>>, vector<1x16xf32>,
    %swap3A_439 = arith.constant 14 : i32
    %swap3A_440 = arith.index_cast %swap3A_439 : i32 to index
    %swap3A_441 = arith.constant 48 : index
    %swap3A_442 = tpu.vector_load %arg16[%swap3A_440, %swap3A_441] {strides = array<i32>} : memref<64x64xf32, #tpu.memory_space<vmem>>, vector<1x16xf32>,
    %swap3A_443 = vector.shape_cast %swap3A_442 : vector<1x16xf32> to vector<16xf32>
    %swap3A_444 = vector.shape_cast %broadcast_in_dim3A_1 : vector<16xf32> to vector<1x16xf32>
    tpu.vector_store %arg16[%swap3A_440, %swap3A_441], %swap3A_444 {strides = array<i32>} : memref<64x64xf32, #tpu.memory_space<vmem>>, vector<1x16xf32>,
    %swap3A_445 = arith.constant 14 : i32
    %swap3A_446 = arith.index_cast %swap3A_445 : i32 to index
    %swap3A_447 = arith.constant 0 : index
    %swap3A_448 = tpu.vector_load %arg17[%swap3A_446, %swap3A_447] {strides = array<i32>} : memref<64x16xf32, #tpu.memory_space<vmem>>, vector<1x16xf32>,
    %swap3A_449 = vector.shape_cast %swap3A_448 : vector<1x16xf32> to vector<16xf32>
    %swap3A_450 = vector.shape_cast %broadcast_in_dim3A_1 : vector<16xf32> to vector<1x16xf32>
    tpu.vector_store %arg17[%swap3A_446, %swap3A_447], %swap3A_450 {strides = array<i32>} : memref<64x16xf32, #tpu.memory_space<vmem>>, vector<1x16xf32>,
    %swap3A_451 = arith.constant 15 : i32
    %swap3A_452 = arith.index_cast %swap3A_451 : i32 to index
    %swap3A_453 = arith.constant 0 : index
    %swap3A_454 = tpu.vector_load %arg16[%swap3A_452, %swap3A_453] {strides = array<i32>} : memref<64x64xf32, #tpu.memory_space<vmem>>, vector<1x16xf32>,
    %swap3A_455 = vector.shape_cast %swap3A_454 : vector<1x16xf32> to vector<16xf32>
    %swap3A_456 = vector.shape_cast %broadcast_in_dim3A_1 : vector<16xf32> to vector<1x16xf32>
    tpu.vector_store %arg16[%swap3A_452, %swap3A_453], %swap3A_456 {strides = array<i32>} : memref<64x64xf32, #tpu.memory_space<vmem>>, vector<1x16xf32>,
    %swap3A_457 = arith.constant 15 : i32
    %swap3A_458 = arith.index_cast %swap3A_457 : i32 to index
    %swap3A_459 = arith.constant 16 : index
    %swap3A_460 = tpu.vector_load %arg16[%swap3A_458, %swap3A_459] {strides = array<i32>} : memref<64x64xf32, #tpu.memory_space<vmem>>, vector<1x16xf32>,
    %swap3A_461 = vector.shape_cast %swap3A_460 : vector<1x16xf32> to vector<16xf32>
    %swap3A_462 = vector.shape_cast %broadcast_in_dim3A_1 : vector<16xf32> to vector<1x16xf32>
    tpu.vector_store %arg16[%swap3A_458, %swap3A_459], %swap3A_462 {strides = array<i32>} : memref<64x64xf32, #tpu.memory_space<vmem>>, vector<1x16xf32>,
    %swap3A_463 = arith.constant 15 : i32
    %swap3A_464 = arith.index_cast %swap3A_463 : i32 to index
    %swap3A_465 = arith.constant 32 : index
    %swap3A_466 = tpu.vector_load %arg16[%swap3A_464, %swap3A_465] {strides = array<i32>} : memref<64x64xf32, #tpu.memory_space<vmem>>, vector<1x16xf32>,
    %swap3A_467 = vector.shape_cast %swap3A_466 : vector<1x16xf32> to vector<16xf32>
    %swap3A_468 = vector.shape_cast %broadcast_in_dim3A_1 : vector<16xf32> to vector<1x16xf32>
    tpu.vector_store %arg16[%swap3A_464, %swap3A_465], %swap3A_468 {strides = array<i32>} : memref<64x64xf32, #tpu.memory_space<vmem>>, vector<1x16xf32>,
    %swap3A_469 = arith.constant 15 : i32
    %swap3A_470 = arith.index_cast %swap3A_469 : i32 to index
    %swap3A_471 = arith.constant 48 : index
    %swap3A_472 = tpu.vector_load %arg16[%swap3A_470, %swap3A_471] {strides = array<i32>} : memref<64x64xf32, #tpu.memory_space<vmem>>, vector<1x16xf32>,
    %swap3A_473 = vector.shape_cast %swap3A_472 : vector<1x16xf32> to vector<16xf32>
    %swap3A_474 = vector.shape_cast %broadcast_in_dim3A_1 : vector<16xf32> to vector<1x16xf32>
    tpu.vector_store %arg16[%swap3A_470, %swap3A_471], %swap3A_474 {strides = array<i32>} : memref<64x64xf32, #tpu.memory_space<vmem>>, vector<1x16xf32>,
    %swap3A_475 = arith.constant 15 : i32
    %swap3A_476 = arith.index_cast %swap3A_475 : i32 to index
    %swap3A_477 = arith.constant 0 : index
    %swap3A_478 = tpu.vector_load %arg17[%swap3A_476, %swap3A_477] {strides = array<i32>} : memref<64x16xf32, #tpu.memory_space<vmem>>, vector<1x16xf32>,
    %swap3A_479 = vector.shape_cast %swap3A_478 : vector<1x16xf32> to vector<16xf32>
    %swap3A_480 = vector.shape_cast %broadcast_in_dim3A_1 : vector<16xf32> to vector<1x16xf32>
    tpu.vector_store %arg17[%swap3A_476, %swap3A_477], %swap3A_480 {strides = array<i32>} : memref<64x16xf32, #tpu.memory_space<vmem>>, vector<1x16xf32>,
    %swap3A_481 = arith.constant 16 : i32
    %swap3A_482 = arith.index_cast %swap3A_481 : i32 to index
    %swap3A_483 = arith.constant 0 : index
    %swap3A_484 = tpu.vector_load %arg16[%swap3A_482, %swap3A_483] {strides = array<i32>} : memref<64x64xf32, #tpu.memory_space<vmem>>, vector<1x16xf32>,
    %swap3A_485 = vector.shape_cast %swap3A_484 : vector<1x16xf32> to vector<16xf32>
    %swap3A_486 = vector.shape_cast %broadcast_in_dim3A_1 : vector<16xf32> to vector<1x16xf32>
    tpu.vector_store %arg16[%swap3A_482, %swap3A_483], %swap3A_486 {strides = array<i32>} : memref<64x64xf32, #tpu.memory_space<vmem>>, vector<1x16xf32>,
    %swap3A_487 = arith.constant 16 : i32
    %swap3A_488 = arith.index_cast %swap3A_487 : i32 to index
    %swap3A_489 = arith.constant 16 : index
    %swap3A_490 = tpu.vector_load %arg16[%swap3A_488, %swap3A_489] {strides = array<i32>} : memref<64x64xf32, #tpu.memory_space<vmem>>, vector<1x16xf32>,
    %swap3A_491 = vector.shape_cast %swap3A_490 : vector<1x16xf32> to vector<16xf32>
    %swap3A_492 = vector.shape_cast %broadcast_in_dim3A_1 : vector<16xf32> to vector<1x16xf32>
    tpu.vector_store %arg16[%swap3A_488, %swap3A_489], %swap3A_492 {strides = array<i32>} : memref<64x64xf32, #tpu.memory_space<vmem>>, vector<1x16xf32>,
    %swap3A_493 = arith.constant 16 : i32
    %swap3A_494 = arith.index_cast %swap3A_493 : i32 to index
    %swap3A_495 = arith.constant 32 : index
    %swap3A_496 = tpu.vector_load %arg16[%swap3A_494, %swap3A_495] {strides = array<i32>} : memref<64x64xf32, #tpu.memory_space<vmem>>, vector<1x16xf32>,
    %swap3A_497 = vector.shape_cast %swap3A_496 : vector<1x16xf32> to vector<16xf32>
    %swap3A_498 = vector.shape_cast %broadcast_in_dim3A_1 : vector<16xf32> to vector<1x16xf32>
    tpu.vector_store %arg16[%swap3A_494, %swap3A_495], %swap3A_498 {strides = array<i32>} : memref<64x64xf32, #tpu.memory_space<vmem>>, vector<1x16xf32>,
    %swap3A_499 = arith.constant 16 : i32
    %swap3A_500 = arith.index_cast %swap3A_499 : i32 to index
    %swap3A_501 = arith.constant 48 : index
    %swap3A_502 = tpu.vector_load %arg16[%swap3A_500, %swap3A_501] {strides = array<i32>} : memref<64x64xf32, #tpu.memory_space<vmem>>, vector<1x16xf32>,
    %swap3A_503 = vector.shape_cast %swap3A_502 : vector<1x16xf32> to vector<16xf32>
    %swap3A_504 = vector.shape_cast %broadcast_in_dim3A_1 : vector<16xf32> to vector<1x16xf32>
    tpu.vector_store %arg16[%swap3A_500, %swap3A_501], %swap3A_504 {strides = array<i32>} : memref<64x64xf32, #tpu.memory_space<vmem>>, vector<1x16xf32>,
    %swap3A_505 = arith.constant 16 : i32
    %swap3A_506 = arith.index_cast %swap3A_505 : i32 to index
    %swap3A_507 = arith.constant 0 : index
    %swap3A_508 = tpu.vector_load %arg17[%swap3A_506, %swap3A_507] {strides = array<i32>} : memref<64x16xf32, #tpu.memory_space<vmem>>, vector<1x16xf32>,
    %swap3A_509 = vector.shape_cast %swap3A_508 : vector<1x16xf32> to vector<16xf32>
    %swap3A_510 = vector.shape_cast %broadcast_in_dim3A_1 : vector<16xf32> to vector<1x16xf32>
    tpu.vector_store %arg17[%swap3A_506, %swap3A_507], %swap3A_510 {strides = array<i32>} : memref<64x16xf32, #tpu.memory_space<vmem>>, vector<1x16xf32>,
    %swap3A_511 = arith.constant 17 : i32
    %swap3A_512 = arith.index_cast %swap3A_511 : i32 to index
    %swap3A_513 = arith.constant 0 : index
    %swap3A_514 = tpu.vector_load %arg16[%swap3A_512, %swap3A_513] {strides = array<i32>} : memref<64x64xf32, #tpu.memory_space<vmem>>, vector<1x16xf32>,
    %swap3A_515 = vector.shape_cast %swap3A_514 : vector<1x16xf32> to vector<16xf32>
    %swap3A_516 = vector.shape_cast %broadcast_in_dim3A_1 : vector<16xf32> to vector<1x16xf32>
    tpu.vector_store %arg16[%swap3A_512, %swap3A_513], %swap3A_516 {strides = array<i32>} : memref<64x64xf32, #tpu.memory_space<vmem>>, vector<1x16xf32>,
    %swap3A_517 = arith.constant 17 : i32
    %swap3A_518 = arith.index_cast %swap3A_517 : i32 to index
    %swap3A_519 = arith.constant 16 : index
    %swap3A_520 = tpu.vector_load %arg16[%swap3A_518, %swap3A_519] {strides = array<i32>} : memref<64x64xf32, #tpu.memory_space<vmem>>, vector<1x16xf32>,
    %swap3A_521 = vector.shape_cast %swap3A_520 : vector<1x16xf32> to vector<16xf32>
    %swap3A_522 = vector.shape_cast %broadcast_in_dim3A_1 : vector<16xf32> to vector<1x16xf32>
    tpu.vector_store %arg16[%swap3A_518, %swap3A_519], %swap3A_522 {strides = array<i32>} : memref<64x64xf32, #tpu.memory_space<vmem>>, vector<1x16xf32>,
    %swap3A_523 = arith.constant 17 : i32
    %swap3A_524 = arith.index_cast %swap3A_523 : i32 to index
    %swap3A_525 = arith.constant 32 : index
    %swap3A_526 = tpu.vector_load %arg16[%swap3A_524, %swap3A_525] {strides = array<i32>} : memref<64x64xf32, #tpu.memory_space<vmem>>, vector<1x16xf32>,
    %swap3A_527 = vector.shape_cast %swap3A_526 : vector<1x16xf32> to vector<16xf32>
    %swap3A_528 = vector.shape_cast %broadcast_in_dim3A_1 : vector<16xf32> to vector<1x16xf32>
    tpu.vector_store %arg16[%swap3A_524, %swap3A_525], %swap3A_528 {strides = array<i32>} : memref<64x64xf32, #tpu.memory_space<vmem>>, vector<1x16xf32>,
    %swap3A_529 = arith.constant 17 : i32
    %swap3A_530 = arith.index_cast %swap3A_529 : i32 to index
    %swap3A_531 = arith.constant 48 : index
    %swap3A_532 = tpu.vector_load %arg16[%swap3A_530, %swap3A_531] {strides = array<i32>} : memref<64x64xf32, #tpu.memory_space<vmem>>, vector<1x16xf32>,
    %swap3A_533 = vector.shape_cast %swap3A_532 : vector<1x16xf32> to vector<16xf32>
    %swap3A_534 = vector.shape_cast %broadcast_in_dim3A_1 : vector<16xf32> to vector<1x16xf32>
    tpu.vector_store %arg16[%swap3A_530, %swap3A_531], %swap3A_534 {strides = array<i32>} : memref<64x64xf32, #tpu.memory_space<vmem>>, vector<1x16xf32>,
    %swap3A_535 = arith.constant 17 : i32
    %swap3A_536 = arith.index_cast %swap3A_535 : i32 to index
    %swap3A_537 = arith.constant 0 : index
    %swap3A_538 = tpu.vector_load %arg17[%swap3A_536, %swap3A_537] {strides = array<i32>} : memref<64x16xf32, #tpu.memory_space<vmem>>, vector<1x16xf32>,
    %swap3A_539 = vector.shape_cast %swap3A_538 : vector<1x16xf32> to vector<16xf32>
    %swap3A_540 = vector.shape_cast %broadcast_in_dim3A_1 : vector<16xf32> to vector<1x16xf32>
    tpu.vector_store %arg17[%swap3A_536, %swap3A_537], %swap3A_540 {strides = array<i32>} : memref<64x16xf32, #tpu.memory_space<vmem>>, vector<1x16xf32>,
    %swap3A_541 = arith.constant 18 : i32
    %swap3A_542 = arith.index_cast %swap3A_541 : i32 to index
    %swap3A_543 = arith.constant 0 : index
    %swap3A_544 = tpu.vector_load %arg16[%swap3A_542, %swap3A_543] {strides = array<i32>} : memref<64x64xf32, #tpu.memory_space<vmem>>, vector<1x16xf32>,
    %swap3A_545 = vector.shape_cast %swap3A_544 : vector<1x16xf32> to vector<16xf32>
    %swap3A_546 = vector.shape_cast %broadcast_in_dim3A_1 : vector<16xf32> to vector<1x16xf32>
    tpu.vector_store %arg16[%swap3A_542, %swap3A_543], %swap3A_546 {strides = array<i32>} : memref<64x64xf32, #tpu.memory_space<vmem>>, vector<1x16xf32>,
    %swap3A_547 = arith.constant 18 : i32
    %swap3A_548 = arith.index_cast %swap3A_547 : i32 to index
    %swap3A_549 = arith.constant 16 : index
    %swap3A_550 = tpu.vector_load %arg16[%swap3A_548, %swap3A_549] {strides = array<i32>} : memref<64x64xf32, #tpu.memory_space<vmem>>, vector<1x16xf32>,
    %swap3A_551 = vector.shape_cast %swap3A_550 : vector<1x16xf32> to vector<16xf32>
    %swap3A_552 = vector.shape_cast %broadcast_in_dim3A_1 : vector<16xf32> to vector<1x16xf32>
    tpu.vector_store %arg16[%swap3A_548, %swap3A_549], %swap3A_552 {strides = array<i32>} : memref<64x64xf32, #tpu.memory_space<vmem>>, vector<1x16xf32>,
    %swap3A_553 = arith.constant 18 : i32
    %swap3A_554 = arith.index_cast %swap3A_553 : i32 to index
    %swap3A_555 = arith.constant 32 : index
    %swap3A_556 = tpu.vector_load %arg16[%swap3A_554, %swap3A_555] {strides = array<i32>} : memref<64x64xf32, #tpu.memory_space<vmem>>, vector<1x16xf32>,
    %swap3A_557 = vector.shape_cast %swap3A_556 : vector<1x16xf32> to vector<16xf32>
    %swap3A_558 = vector.shape_cast %broadcast_in_dim3A_1 : vector<16xf32> to vector<1x16xf32>
    tpu.vector_store %arg16[%swap3A_554, %swap3A_555], %swap3A_558 {strides = array<i32>} : memref<64x64xf32, #tpu.memory_space<vmem>>, vector<1x16xf32>,
    %swap3A_559 = arith.constant 18 : i32
    %swap3A_560 = arith.index_cast %swap3A_559 : i32 to index
    %swap3A_561 = arith.constant 48 : index
    %swap3A_562 = tpu.vector_load %arg16[%swap3A_560, %swap3A_561] {strides = array<i32>} : memref<64x64xf32, #tpu.memory_space<vmem>>, vector<1x16xf32>,
    %swap3A_563 = vector.shape_cast %swap3A_562 : vector<1x16xf32> to vector<16xf32>
    %swap3A_564 = vector.shape_cast %broadcast_in_dim3A_1 : vector<16xf32> to vector<1x16xf32>
    tpu.vector_store %arg16[%swap3A_560, %swap3A_561], %swap3A_564 {strides = array<i32>} : memref<64x64xf32, #tpu.memory_space<vmem>>, vector<1x16xf32>,
    %swap3A_565 = arith.constant 18 : i32
    %swap3A_566 = arith.index_cast %swap3A_565 : i32 to index
    %swap3A_567 = arith.constant 0 : index
    %swap3A_568 = tpu.vector_load %arg17[%swap3A_566, %swap3A_567] {strides = array<i32>} : memref<64x16xf32, #tpu.memory_space<vmem>>, vector<1x16xf32>,
    %swap3A_569 = vector.shape_cast %swap3A_568 : vector<1x16xf32> to vector<16xf32>
    %swap3A_570 = vector.shape_cast %broadcast_in_dim3A_1 : vector<16xf32> to vector<1x16xf32>
    tpu.vector_store %arg17[%swap3A_566, %swap3A_567], %swap3A_570 {strides = array<i32>} : memref<64x16xf32, #tpu.memory_space<vmem>>, vector<1x16xf32>,
    %swap3A_571 = arith.constant 19 : i32
    %swap3A_572 = arith.index_cast %swap3A_571 : i32 to index
    %swap3A_573 = arith.constant 0 : index
    %swap3A_574 = tpu.vector_load %arg16[%swap3A_572, %swap3A_573] {strides = array<i32>} : memref<64x64xf32, #tpu.memory_space<vmem>>, vector<1x16xf32>,
    %swap3A_575 = vector.shape_cast %swap3A_574 : vector<1x16xf32> to vector<16xf32>
    %swap3A_576 = vector.shape_cast %broadcast_in_dim3A_1 : vector<16xf32> to vector<1x16xf32>
    tpu.vector_store %arg16[%swap3A_572, %swap3A_573], %swap3A_576 {strides = array<i32>} : memref<64x64xf32, #tpu.memory_space<vmem>>, vector<1x16xf32>,
    %swap3A_577 = arith.constant 19 : i32
    %swap3A_578 = arith.index_cast %swap3A_577 : i32 to index
    %swap3A_579 = arith.constant 16 : index
    %swap3A_580 = tpu.vector_load %arg16[%swap3A_578, %swap3A_579] {strides = array<i32>} : memref<64x64xf32, #tpu.memory_space<vmem>>, vector<1x16xf32>,
    %swap3A_581 = vector.shape_cast %swap3A_580 : vector<1x16xf32> to vector<16xf32>
    %swap3A_582 = vector.shape_cast %broadcast_in_dim3A_1 : vector<16xf32> to vector<1x16xf32>
    tpu.vector_store %arg16[%swap3A_578, %swap3A_579], %swap3A_582 {strides = array<i32>} : memref<64x64xf32, #tpu.memory_space<vmem>>, vector<1x16xf32>,
    %swap3A_583 = arith.constant 19 : i32
    %swap3A_584 = arith.index_cast %swap3A_583 : i32 to index
    %swap3A_585 = arith.constant 32 : index
    %swap3A_586 = tpu.vector_load %arg16[%swap3A_584, %swap3A_585] {strides = array<i32>} : memref<64x64xf32, #tpu.memory_space<vmem>>, vector<1x16xf32>,
    %swap3A_587 = vector.shape_cast %swap3A_586 : vector<1x16xf32> to vector<16xf32>
    %swap3A_588 = vector.shape_cast %broadcast_in_dim3A_1 : vector<16xf32> to vector<1x16xf32>
    tpu.vector_store %arg16[%swap3A_584, %swap3A_585], %swap3A_588 {strides = array<i32>} : memref<64x64xf32, #tpu.memory_space<vmem>>, vector<1x16xf32>,
    %swap3A_589 = arith.constant 19 : i32
    %swap3A_590 = arith.index_cast %swap3A_589 : i32 to index
    %swap3A_591 = arith.constant 48 : index
    %swap3A_592 = tpu.vector_load %arg16[%swap3A_590, %swap3A_591] {strides = array<i32>} : memref<64x64xf32, #tpu.memory_space<vmem>>, vector<1x16xf32>,
    %swap3A_593 = vector.shape_cast %swap3A_592 : vector<1x16xf32> to vector<16xf32>
    %swap3A_594 = vector.shape_cast %broadcast_in_dim3A_1 : vector<16xf32> to vector<1x16xf32>
    tpu.vector_store %arg16[%swap3A_590, %swap3A_591], %swap3A_594 {strides = array<i32>} : memref<64x64xf32, #tpu.memory_space<vmem>>, vector<1x16xf32>,
    %swap3A_595 = arith.constant 19 : i32
    %swap3A_596 = arith.index_cast %swap3A_595 : i32 to index
    %swap3A_597 = arith.constant 0 : index
    %swap3A_598 = tpu.vector_load %arg17[%swap3A_596, %swap3A_597] {strides = array<i32>} : memref<64x16xf32, #tpu.memory_space<vmem>>, vector<1x16xf32>,
    %swap3A_599 = vector.shape_cast %swap3A_598 : vector<1x16xf32> to vector<16xf32>
    %swap3A_600 = vector.shape_cast %broadcast_in_dim3A_1 : vector<16xf32> to vector<1x16xf32>
    tpu.vector_store %arg17[%swap3A_596, %swap3A_597], %swap3A_600 {strides = array<i32>} : memref<64x16xf32, #tpu.memory_space<vmem>>, vector<1x16xf32>,
    %swap3A_601 = arith.constant 20 : i32
    %swap3A_602 = arith.index_cast %swap3A_601 : i32 to index
    %swap3A_603 = arith.constant 0 : index
    %swap3A_604 = tpu.vector_load %arg16[%swap3A_602, %swap3A_603] {strides = array<i32>} : memref<64x64xf32, #tpu.memory_space<vmem>>, vector<1x16xf32>,
    %swap3A_605 = vector.shape_cast %swap3A_604 : vector<1x16xf32> to vector<16xf32>
    %swap3A_606 = vector.shape_cast %broadcast_in_dim3A_1 : vector<16xf32> to vector<1x16xf32>
    tpu.vector_store %arg16[%swap3A_602, %swap3A_603], %swap3A_606 {strides = array<i32>} : memref<64x64xf32, #tpu.memory_space<vmem>>, vector<1x16xf32>,
    %swap3A_607 = arith.constant 20 : i32
    %swap3A_608 = arith.index_cast %swap3A_607 : i32 to index
    %swap3A_609 = arith.constant 16 : index
    %swap3A_610 = tpu.vector_load %arg16[%swap3A_608, %swap3A_609] {strides = array<i32>} : memref<64x64xf32, #tpu.memory_space<vmem>>, vector<1x16xf32>,
    %swap3A_611 = vector.shape_cast %swap3A_610 : vector<1x16xf32> to vector<16xf32>
    %swap3A_612 = vector.shape_cast %broadcast_in_dim3A_1 : vector<16xf32> to vector<1x16xf32>
    tpu.vector_store %arg16[%swap3A_608, %swap3A_609], %swap3A_612 {strides = array<i32>} : memref<64x64xf32, #tpu.memory_space<vmem>>, vector<1x16xf32>,
    %swap3A_613 = arith.constant 20 : i32
    %swap3A_614 = arith.index_cast %swap3A_613 : i32 to index
    %swap3A_615 = arith.constant 32 : index
    %swap3A_616 = tpu.vector_load %arg16[%swap3A_614, %swap3A_615] {strides = array<i32>} : memref<64x64xf32, #tpu.memory_space<vmem>>, vector<1x16xf32>,
    %swap3A_617 = vector.shape_cast %swap3A_616 : vector<1x16xf32> to vector<16xf32>
    %swap3A_618 = vector.shape_cast %broadcast_in_dim3A_1 : vector<16xf32> to vector<1x16xf32>
    tpu.vector_store %arg16[%swap3A_614, %swap3A_615], %swap3A_618 {strides = array<i32>} : memref<64x64xf32, #tpu.memory_space<vmem>>, vector<1x16xf32>,
    %swap3A_619 = arith.constant 20 : i32
    %swap3A_620 = arith.index_cast %swap3A_619 : i32 to index
    %swap3A_621 = arith.constant 48 : index
    %swap3A_622 = tpu.vector_load %arg16[%swap3A_620, %swap3A_621] {strides = array<i32>} : memref<64x64xf32, #tpu.memory_space<vmem>>, vector<1x16xf32>,
    %swap3A_623 = vector.shape_cast %swap3A_622 : vector<1x16xf32> to vector<16xf32>
    %swap3A_624 = vector.shape_cast %broadcast_in_dim3A_1 : vector<16xf32> to vector<1x16xf32>
    tpu.vector_store %arg16[%swap3A_620, %swap3A_621], %swap3A_624 {strides = array<i32>} : memref<64x64xf32, #tpu.memory_space<vmem>>, vector<1x16xf32>,
    %swap3A_625 = arith.constant 20 : i32
    %swap3A_626 = arith.index_cast %swap3A_625 : i32 to index
    %swap3A_627 = arith.constant 0 : index
    %swap3A_628 = tpu.vector_load %arg17[%swap3A_626, %swap3A_627] {strides = array<i32>} : memref<64x16xf32, #tpu.memory_space<vmem>>, vector<1x16xf32>,
    %swap3A_629 = vector.shape_cast %swap3A_628 : vector<1x16xf32> to vector<16xf32>
    %swap3A_630 = vector.shape_cast %broadcast_in_dim3A_1 : vector<16xf32> to vector<1x16xf32>
    tpu.vector_store %arg17[%swap3A_626, %swap3A_627], %swap3A_630 {strides = array<i32>} : memref<64x16xf32, #tpu.memory_space<vmem>>, vector<1x16xf32>,
    %swap3A_631 = arith.constant 21 : i32
    %swap3A_632 = arith.index_cast %swap3A_631 : i32 to index
    %swap3A_633 = arith.constant 0 : index
    %swap3A_634 = tpu.vector_load %arg16[%swap3A_632, %swap3A_633] {strides = array<i32>} : memref<64x64xf32, #tpu.memory_space<vmem>>, vector<1x16xf32>,
    %swap3A_635 = vector.shape_cast %swap3A_634 : vector<1x16xf32> to vector<16xf32>
    %swap3A_636 = vector.shape_cast %broadcast_in_dim3A_1 : vector<16xf32> to vector<1x16xf32>
    tpu.vector_store %arg16[%swap3A_632, %swap3A_633], %swap3A_636 {strides = array<i32>} : memref<64x64xf32, #tpu.memory_space<vmem>>, vector<1x16xf32>,
    %swap3A_637 = arith.constant 21 : i32
    %swap3A_638 = arith.index_cast %swap3A_637 : i32 to index
    %swap3A_639 = arith.constant 16 : index
    %swap3A_640 = tpu.vector_load %arg16[%swap3A_638, %swap3A_639] {strides = array<i32>} : memref<64x64xf32, #tpu.memory_space<vmem>>, vector<1x16xf32>,
    %swap3A_641 = vector.shape_cast %swap3A_640 : vector<1x16xf32> to vector<16xf32>
    %swap3A_642 = vector.shape_cast %broadcast_in_dim3A_1 : vector<16xf32> to vector<1x16xf32>
    tpu.vector_store %arg16[%swap3A_638, %swap3A_639], %swap3A_642 {strides = array<i32>} : memref<64x64xf32, #tpu.memory_space<vmem>>, vector<1x16xf32>,
    %swap3A_643 = arith.constant 21 : i32
    %swap3A_644 = arith.index_cast %swap3A_643 : i32 to index
    %swap3A_645 = arith.constant 32 : index
    %swap3A_646 = tpu.vector_load %arg16[%swap3A_644, %swap3A_645] {strides = array<i32>} : memref<64x64xf32, #tpu.memory_space<vmem>>, vector<1x16xf32>,
    %swap3A_647 = vector.shape_cast %swap3A_646 : vector<1x16xf32> to vector<16xf32>
    %swap3A_648 = vector.shape_cast %broadcast_in_dim3A_1 : vector<16xf32> to vector<1x16xf32>
    tpu.vector_store %arg16[%swap3A_644, %swap3A_645], %swap3A_648 {strides = array<i32>} : memref<64x64xf32, #tpu.memory_space<vmem>>, vector<1x16xf32>,
    %swap3A_649 = arith.constant 21 : i32
    %swap3A_650 = arith.index_cast %swap3A_649 : i32 to index
    %swap3A_651 = arith.constant 48 : index
    %swap3A_652 = tpu.vector_load %arg16[%swap3A_650, %swap3A_651] {strides = array<i32>} : memref<64x64xf32, #tpu.memory_space<vmem>>, vector<1x16xf32>,
    %swap3A_653 = vector.shape_cast %swap3A_652 : vector<1x16xf32> to vector<16xf32>
    %swap3A_654 = vector.shape_cast %broadcast_in_dim3A_1 : vector<16xf32> to vector<1x16xf32>
    tpu.vector_store %arg16[%swap3A_650, %swap3A_651], %swap3A_654 {strides = array<i32>} : memref<64x64xf32, #tpu.memory_space<vmem>>, vector<1x16xf32>,
    %swap3A_655 = arith.constant 21 : i32
    %swap3A_656 = arith.index_cast %swap3A_655 : i32 to index
    %swap3A_657 = arith.constant 0 : index
    %swap3A_658 = tpu.vector_load %arg17[%swap3A_656, %swap3A_657] {strides = array<i32>} : memref<64x16xf32, #tpu.memory_space<vmem>>, vector<1x16xf32>,
    %swap3A_659 = vector.shape_cast %swap3A_658 : vector<1x16xf32> to vector<16xf32>
    %swap3A_660 = vector.shape_cast %broadcast_in_dim3A_1 : vector<16xf32> to vector<1x16xf32>
    tpu.vector_store %arg17[%swap3A_656, %swap3A_657], %swap3A_660 {strides = array<i32>} : memref<64x16xf32, #tpu.memory_space<vmem>>, vector<1x16xf32>,
    %swap3A_661 = arith.constant 22 : i32
    %swap3A_662 = arith.index_cast %swap3A_661 : i32 to index
    %swap3A_663 = arith.constant 0 : index
    %swap3A_664 = tpu.vector_load %arg16[%swap3A_662, %swap3A_663] {strides = array<i32>} : memref<64x64xf32, #tpu.memory_space<vmem>>, vector<1x16xf32>,
    %swap3A_665 = vector.shape_cast %swap3A_664 : vector<1x16xf32> to vector<16xf32>
    %swap3A_666 = vector.shape_cast %broadcast_in_dim3A_1 : vector<16xf32> to vector<1x16xf32>
    tpu.vector_store %arg16[%swap3A_662, %swap3A_663], %swap3A_666 {strides = array<i32>} : memref<64x64xf32, #tpu.memory_space<vmem>>, vector<1x16xf32>,
    %swap3A_667 = arith.constant 22 : i32
    %swap3A_668 = arith.index_cast %swap3A_667 : i32 to index
    %swap3A_669 = arith.constant 16 : index
    %swap3A_670 = tpu.vector_load %arg16[%swap3A_668, %swap3A_669] {strides = array<i32>} : memref<64x64xf32, #tpu.memory_space<vmem>>, vector<1x16xf32>,
    %swap3A_671 = vector.shape_cast %swap3A_670 : vector<1x16xf32> to vector<16xf32>
    %swap3A_672 = vector.shape_cast %broadcast_in_dim3A_1 : vector<16xf32> to vector<1x16xf32>
    tpu.vector_store %arg16[%swap3A_668, %swap3A_669], %swap3A_672 {strides = array<i32>} : memref<64x64xf32, #tpu.memory_space<vmem>>, vector<1x16xf32>,
    %swap3A_673 = arith.constant 22 : i32
    %swap3A_674 = arith.index_cast %swap3A_673 : i32 to index
    %swap3A_675 = arith.constant 32 : index
    %swap3A_676 = tpu.vector_load %arg16[%swap3A_674, %swap3A_675] {strides = array<i32>} : memref<64x64xf32, #tpu.memory_space<vmem>>, vector<1x16xf32>,
    %swap3A_677 = vector.shape_cast %swap3A_676 : vector<1x16xf32> to vector<16xf32>
    %swap3A_678 = vector.shape_cast %broadcast_in_dim3A_1 : vector<16xf32> to vector<1x16xf32>
    tpu.vector_store %arg16[%swap3A_674, %swap3A_675], %swap3A_678 {strides = array<i32>} : memref<64x64xf32, #tpu.memory_space<vmem>>, vector<1x16xf32>,
    %swap3A_679 = arith.constant 22 : i32
    %swap3A_680 = arith.index_cast %swap3A_679 : i32 to index
    %swap3A_681 = arith.constant 48 : index
    %swap3A_682 = tpu.vector_load %arg16[%swap3A_680, %swap3A_681] {strides = array<i32>} : memref<64x64xf32, #tpu.memory_space<vmem>>, vector<1x16xf32>,
    %swap3A_683 = vector.shape_cast %swap3A_682 : vector<1x16xf32> to vector<16xf32>
    %swap3A_684 = vector.shape_cast %broadcast_in_dim3A_1 : vector<16xf32> to vector<1x16xf32>
    tpu.vector_store %arg16[%swap3A_680, %swap3A_681], %swap3A_684 {strides = array<i32>} : memref<64x64xf32, #tpu.memory_space<vmem>>, vector<1x16xf32>,
    %swap3A_685 = arith.constant 22 : i32
    %swap3A_686 = arith.index_cast %swap3A_685 : i32 to index
    %swap3A_687 = arith.constant 0 : index
    %swap3A_688 = tpu.vector_load %arg17[%swap3A_686, %swap3A_687] {strides = array<i32>} : memref<64x16xf32, #tpu.memory_space<vmem>>, vector<1x16xf32>,
    %swap3A_689 = vector.shape_cast %swap3A_688 : vector<1x16xf32> to vector<16xf32>
    %swap3A_690 = vector.shape_cast %broadcast_in_dim3A_1 : vector<16xf32> to vector<1x16xf32>
    tpu.vector_store %arg17[%swap3A_686, %swap3A_687], %swap3A_690 {strides = array<i32>} : memref<64x16xf32, #tpu.memory_space<vmem>>, vector<1x16xf32>,
    %swap3A_691 = arith.constant 23 : i32
    %swap3A_692 = arith.index_cast %swap3A_691 : i32 to index
    %swap3A_693 = arith.constant 0 : index
    %swap3A_694 = tpu.vector_load %arg16[%swap3A_692, %swap3A_693] {strides = array<i32>} : memref<64x64xf32, #tpu.memory_space<vmem>>, vector<1x16xf32>,
    %swap3A_695 = vector.shape_cast %swap3A_694 : vector<1x16xf32> to vector<16xf32>
    %swap3A_696 = vector.shape_cast %broadcast_in_dim3A_1 : vector<16xf32> to vector<1x16xf32>
    tpu.vector_store %arg16[%swap3A_692, %swap3A_693], %swap3A_696 {strides = array<i32>} : memref<64x64xf32, #tpu.memory_space<vmem>>, vector<1x16xf32>,
    %swap3A_697 = arith.constant 23 : i32
    %swap3A_698 = arith.index_cast %swap3A_697 : i32 to index
    %swap3A_699 = arith.constant 16 : index
    %swap3A_700 = tpu.vector_load %arg16[%swap3A_698, %swap3A_699] {strides = array<i32>} : memref<64x64xf32, #tpu.memory_space<vmem>>, vector<1x16xf32>,
    %swap3A_701 = vector.shape_cast %swap3A_700 : vector<1x16xf32> to vector<16xf32>
    %swap3A_702 = vector.shape_cast %broadcast_in_dim3A_1 : vector<16xf32> to vector<1x16xf32>
    tpu.vector_store %arg16[%swap3A_698, %swap3A_699], %swap3A_702 {strides = array<i32>} : memref<64x64xf32, #tpu.memory_space<vmem>>, vector<1x16xf32>,
    %swap3A_703 = arith.constant 23 : i32
    %swap3A_704 = arith.index_cast %swap3A_703 : i32 to index
    %swap3A_705 = arith.constant 32 : index
    %swap3A_706 = tpu.vector_load %arg16[%swap3A_704, %swap3A_705] {strides = array<i32>} : memref<64x64xf32, #tpu.memory_space<vmem>>, vector<1x16xf32>,
    %swap3A_707 = vector.shape_cast %swap3A_706 : vector<1x16xf32> to vector<16xf32>
    %swap3A_708 = vector.shape_cast %broadcast_in_dim3A_1 : vector<16xf32> to vector<1x16xf32>
    tpu.vector_store %arg16[%swap3A_704, %swap3A_705], %swap3A_708 {strides = array<i32>} : memref<64x64xf32, #tpu.memory_space<vmem>>, vector<1x16xf32>,
    %swap3A_709 = arith.constant 23 : i32
    %swap3A_710 = arith.index_cast %swap3A_709 : i32 to index
    %swap3A_711 = arith.constant 48 : index
    %swap3A_712 = tpu.vector_load %arg16[%swap3A_710, %swap3A_711] {strides = array<i32>} : memref<64x64xf32, #tpu.memory_space<vmem>>, vector<1x16xf32>,
    %swap3A_713 = vector.shape_cast %swap3A_712 : vector<1x16xf32> to vector<16xf32>
    %swap3A_714 = vector.shape_cast %broadcast_in_dim3A_1 : vector<16xf32> to vector<1x16xf32>
    tpu.vector_store %arg16[%swap3A_710, %swap3A_711], %swap3A_714 {strides = array<i32>} : memref<64x64xf32, #tpu.memory_space<vmem>>, vector<1x16xf32>,
    %swap3A_715 = arith.constant 23 : i32
    %swap3A_716 = arith.index_cast %swap3A_715 : i32 to index
    %swap3A_717 = arith.constant 0 : index
    %swap3A_718 = tpu.vector_load %arg17[%swap3A_716, %swap3A_717] {strides = array<i32>} : memref<64x16xf32, #tpu.memory_space<vmem>>, vector<1x16xf32>,
    %swap3A_719 = vector.shape_cast %swap3A_718 : vector<1x16xf32> to vector<16xf32>
    %swap3A_720 = vector.shape_cast %broadcast_in_dim3A_1 : vector<16xf32> to vector<1x16xf32>
    tpu.vector_store %arg17[%swap3A_716, %swap3A_717], %swap3A_720 {strides = array<i32>} : memref<64x16xf32, #tpu.memory_space<vmem>>, vector<1x16xf32>,
    %swap3A_721 = arith.constant 24 : i32
    %swap3A_722 = arith.index_cast %swap3A_721 : i32 to index
    %swap3A_723 = arith.constant 0 : index
    %swap3A_724 = tpu.vector_load %arg16[%swap3A_722, %swap3A_723] {strides = array<i32>} : memref<64x64xf32, #tpu.memory_space<vmem>>, vector<1x16xf32>,
    %swap3A_725 = vector.shape_cast %swap3A_724 : vector<1x16xf32> to vector<16xf32>
    %swap3A_726 = vector.shape_cast %broadcast_in_dim3A_1 : vector<16xf32> to vector<1x16xf32>
    tpu.vector_store %arg16[%swap3A_722, %swap3A_723], %swap3A_726 {strides = array<i32>} : memref<64x64xf32, #tpu.memory_space<vmem>>, vector<1x16xf32>,
    %swap3A_727 = arith.constant 24 : i32
    %swap3A_728 = arith.index_cast %swap3A_727 : i32 to index
    %swap3A_729 = arith.constant 16 : index
    %swap3A_730 = tpu.vector_load %arg16[%swap3A_728, %swap3A_729] {strides = array<i32>} : memref<64x64xf32, #tpu.memory_space<vmem>>, vector<1x16xf32>,
    %swap3A_731 = vector.shape_cast %swap3A_730 : vector<1x16xf32> to vector<16xf32>
    %swap3A_732 = vector.shape_cast %broadcast_in_dim3A_1 : vector<16xf32> to vector<1x16xf32>
    tpu.vector_store %arg16[%swap3A_728, %swap3A_729], %swap3A_732 {strides = array<i32>} : memref<64x64xf32, #tpu.memory_space<vmem>>, vector<1x16xf32>,
    %swap3A_733 = arith.constant 24 : i32
    %swap3A_734 = arith.index_cast %swap3A_733 : i32 to index
    %swap3A_735 = arith.constant 32 : index
    %swap3A_736 = tpu.vector_load %arg16[%swap3A_734, %swap3A_735] {strides = array<i32>} : memref<64x64xf32, #tpu.memory_space<vmem>>, vector<1x16xf32>,
    %swap3A_737 = vector.shape_cast %swap3A_736 : vector<1x16xf32> to vector<16xf32>
    %swap3A_738 = vector.shape_cast %broadcast_in_dim3A_1 : vector<16xf32> to vector<1x16xf32>
    tpu.vector_store %arg16[%swap3A_734, %swap3A_735], %swap3A_738 {strides = array<i32>} : memref<64x64xf32, #tpu.memory_space<vmem>>, vector<1x16xf32>,
    %swap3A_739 = arith.constant 24 : i32
    %swap3A_740 = arith.index_cast %swap3A_739 : i32 to index
    %swap3A_741 = arith.constant 48 : index
    %swap3A_742 = tpu.vector_load %arg16[%swap3A_740, %swap3A_741] {strides = array<i32>} : memref<64x64xf32, #tpu.memory_space<vmem>>, vector<1x16xf32>,
    %swap3A_743 = vector.shape_cast %swap3A_742 : vector<1x16xf32> to vector<16xf32>
    %swap3A_744 = vector.shape_cast %broadcast_in_dim3A_1 : vector<16xf32> to vector<1x16xf32>
    tpu.vector_store %arg16[%swap3A_740, %swap3A_741], %swap3A_744 {strides = array<i32>} : memref<64x64xf32, #tpu.memory_space<vmem>>, vector<1x16xf32>,
    %swap3A_745 = arith.constant 24 : i32
    %swap3A_746 = arith.index_cast %swap3A_745 : i32 to index
    %swap3A_747 = arith.constant 0 : index
    %swap3A_748 = tpu.vector_load %arg17[%swap3A_746, %swap3A_747] {strides = array<i32>} : memref<64x16xf32, #tpu.memory_space<vmem>>, vector<1x16xf32>,
    %swap3A_749 = vector.shape_cast %swap3A_748 : vector<1x16xf32> to vector<16xf32>
    %swap3A_750 = vector.shape_cast %broadcast_in_dim3A_1 : vector<16xf32> to vector<1x16xf32>
    tpu.vector_store %arg17[%swap3A_746, %swap3A_747], %swap3A_750 {strides = array<i32>} : memref<64x16xf32, #tpu.memory_space<vmem>>, vector<1x16xf32>,
    %swap3A_751 = arith.constant 25 : i32
    %swap3A_752 = arith.index_cast %swap3A_751 : i32 to index
    %swap3A_753 = arith.constant 0 : index
    %swap3A_754 = tpu.vector_load %arg16[%swap3A_752, %swap3A_753] {strides = array<i32>} : memref<64x64xf32, #tpu.memory_space<vmem>>, vector<1x16xf32>,
    %swap3A_755 = vector.shape_cast %swap3A_754 : vector<1x16xf32> to vector<16xf32>
    %swap3A_756 = vector.shape_cast %broadcast_in_dim3A_1 : vector<16xf32> to vector<1x16xf32>
    tpu.vector_store %arg16[%swap3A_752, %swap3A_753], %swap3A_756 {strides = array<i32>} : memref<64x64xf32, #tpu.memory_space<vmem>>, vector<1x16xf32>,
    %swap3A_757 = arith.constant 25 : i32
    %swap3A_758 = arith.index_cast %swap3A_757 : i32 to index
    %swap3A_759 = arith.constant 16 : index
    %swap3A_760 = tpu.vector_load %arg16[%swap3A_758, %swap3A_759] {strides = array<i32>} : memref<64x64xf32, #tpu.memory_space<vmem>>, vector<1x16xf32>,
    %swap3A_761 = vector.shape_cast %swap3A_760 : vector<1x16xf32> to vector<16xf32>
    %swap3A_762 = vector.shape_cast %broadcast_in_dim3A_1 : vector<16xf32> to vector<1x16xf32>
    tpu.vector_store %arg16[%swap3A_758, %swap3A_759], %swap3A_762 {strides = array<i32>} : memref<64x64xf32, #tpu.memory_space<vmem>>, vector<1x16xf32>,
    %swap3A_763 = arith.constant 25 : i32
    %swap3A_764 = arith.index_cast %swap3A_763 : i32 to index
    %swap3A_765 = arith.constant 32 : index
    %swap3A_766 = tpu.vector_load %arg16[%swap3A_764, %swap3A_765] {strides = array<i32>} : memref<64x64xf32, #tpu.memory_space<vmem>>, vector<1x16xf32>,
    %swap3A_767 = vector.shape_cast %swap3A_766 : vector<1x16xf32> to vector<16xf32>
    %swap3A_768 = vector.shape_cast %broadcast_in_dim3A_1 : vector<16xf32> to vector<1x16xf32>
    tpu.vector_store %arg16[%swap3A_764, %swap3A_765], %swap3A_768 {strides = array<i32>} : memref<64x64xf32, #tpu.memory_space<vmem>>, vector<1x16xf32>,
    %swap3A_769 = arith.constant 25 : i32
    %swap3A_770 = arith.index_cast %swap3A_769 : i32 to index
    %swap3A_771 = arith.constant 48 : index
    %swap3A_772 = tpu.vector_load %arg16[%swap3A_770, %swap3A_771] {strides = array<i32>} : memref<64x64xf32, #tpu.memory_space<vmem>>, vector<1x16xf32>,
    %swap3A_773 = vector.shape_cast %swap3A_772 : vector<1x16xf32> to vector<16xf32>
    %swap3A_774 = vector.shape_cast %broadcast_in_dim3A_1 : vector<16xf32> to vector<1x16xf32>
    tpu.vector_store %arg16[%swap3A_770, %swap3A_771], %swap3A_774 {strides = array<i32>} : memref<64x64xf32, #tpu.memory_space<vmem>>, vector<1x16xf32>,
    %swap3A_775 = arith.constant 25 : i32
    %swap3A_776 = arith.index_cast %swap3A_775 : i32 to index
    %swap3A_777 = arith.constant 0 : index
    %swap3A_778 = tpu.vector_load %arg17[%swap3A_776, %swap3A_777] {strides = array<i32>} : memref<64x16xf32, #tpu.memory_space<vmem>>, vector<1x16xf32>,
    %swap3A_779 = vector.shape_cast %swap3A_778 : vector<1x16xf32> to vector<16xf32>
    %swap3A_780 = vector.shape_cast %broadcast_in_dim3A_1 : vector<16xf32> to vector<1x16xf32>
    tpu.vector_store %arg17[%swap3A_776, %swap3A_777], %swap3A_780 {strides = array<i32>} : memref<64x16xf32, #tpu.memory_space<vmem>>, vector<1x16xf32>,
    %swap3A_781 = arith.constant 26 : i32
    %swap3A_782 = arith.index_cast %swap3A_781 : i32 to index
    %swap3A_783 = arith.constant 0 : index
    %swap3A_784 = tpu.vector_load %arg16[%swap3A_782, %swap3A_783] {strides = array<i32>} : memref<64x64xf32, #tpu.memory_space<vmem>>, vector<1x16xf32>,
    %swap3A_785 = vector.shape_cast %swap3A_784 : vector<1x16xf32> to vector<16xf32>
    %swap3A_786 = vector.shape_cast %broadcast_in_dim3A_1 : vector<16xf32> to vector<1x16xf32>
    tpu.vector_store %arg16[%swap3A_782, %swap3A_783], %swap3A_786 {strides = array<i32>} : memref<64x64xf32, #tpu.memory_space<vmem>>, vector<1x16xf32>,
    %swap3A_787 = arith.constant 26 : i32
    %swap3A_788 = arith.index_cast %swap3A_787 : i32 to index
    %swap3A_789 = arith.constant 16 : index
    %swap3A_790 = tpu.vector_load %arg16[%swap3A_788, %swap3A_789] {strides = array<i32>} : memref<64x64xf32, #tpu.memory_space<vmem>>, vector<1x16xf32>,
    %swap3A_791 = vector.shape_cast %swap3A_790 : vector<1x16xf32> to vector<16xf32>
    %swap3A_792 = vector.shape_cast %broadcast_in_dim3A_1 : vector<16xf32> to vector<1x16xf32>
    tpu.vector_store %arg16[%swap3A_788, %swap3A_789], %swap3A_792 {strides = array<i32>} : memref<64x64xf32, #tpu.memory_space<vmem>>, vector<1x16xf32>,
    %swap3A_793 = arith.constant 26 : i32
    %swap3A_794 = arith.index_cast %swap3A_793 : i32 to index
    %swap3A_795 = arith.constant 32 : index
    %swap3A_796 = tpu.vector_load %arg16[%swap3A_794, %swap3A_795] {strides = array<i32>} : memref<64x64xf32, #tpu.memory_space<vmem>>, vector<1x16xf32>,
    %swap3A_797 = vector.shape_cast %swap3A_796 : vector<1x16xf32> to vector<16xf32>
    %swap3A_798 = vector.shape_cast %broadcast_in_dim3A_1 : vector<16xf32> to vector<1x16xf32>
    tpu.vector_store %arg16[%swap3A_794, %swap3A_795], %swap3A_798 {strides = array<i32>} : memref<64x64xf32, #tpu.memory_space<vmem>>, vector<1x16xf32>,
    %swap3A_799 = arith.constant 26 : i32
    %swap3A_800 = arith.index_cast %swap3A_799 : i32 to index
    %swap3A_801 = arith.constant 48 : index
    %swap3A_802 = tpu.vector_load %arg16[%swap3A_800, %swap3A_801] {strides = array<i32>} : memref<64x64xf32, #tpu.memory_space<vmem>>, vector<1x16xf32>,
    %swap3A_803 = vector.shape_cast %swap3A_802 : vector<1x16xf32> to vector<16xf32>
    %swap3A_804 = vector.shape_cast %broadcast_in_dim3A_1 : vector<16xf32> to vector<1x16xf32>
    tpu.vector_store %arg16[%swap3A_800, %swap3A_801], %swap3A_804 {strides = array<i32>} : memref<64x64xf32, #tpu.memory_space<vmem>>, vector<1x16xf32>,
    %swap3A_805 = arith.constant 26 : i32
    %swap3A_806 = arith.index_cast %swap3A_805 : i32 to index
    %swap3A_807 = arith.constant 0 : index
    %swap3A_808 = tpu.vector_load %arg17[%swap3A_806, %swap3A_807] {strides = array<i32>} : memref<64x16xf32, #tpu.memory_space<vmem>>, vector<1x16xf32>,
    %swap3A_809 = vector.shape_cast %swap3A_808 : vector<1x16xf32> to vector<16xf32>
    %swap3A_810 = vector.shape_cast %broadcast_in_dim3A_1 : vector<16xf32> to vector<1x16xf32>
    tpu.vector_store %arg17[%swap3A_806, %swap3A_807], %swap3A_810 {strides = array<i32>} : memref<64x16xf32, #tpu.memory_space<vmem>>, vector<1x16xf32>,
    %swap3A_811 = arith.constant 27 : i32
    %swap3A_812 = arith.index_cast %swap3A_811 : i32 to index
    %swap3A_813 = arith.constant 0 : index
    %swap3A_814 = tpu.vector_load %arg16[%swap3A_812, %swap3A_813] {strides = array<i32>} : memref<64x64xf32, #tpu.memory_space<vmem>>, vector<1x16xf32>,
    %swap3A_815 = vector.shape_cast %swap3A_814 : vector<1x16xf32> to vector<16xf32>
    %swap3A_816 = vector.shape_cast %broadcast_in_dim3A_1 : vector<16xf32> to vector<1x16xf32>
    tpu.vector_store %arg16[%swap3A_812, %swap3A_813], %swap3A_816 {strides = array<i32>} : memref<64x64xf32, #tpu.memory_space<vmem>>, vector<1x16xf32>,
    %swap3A_817 = arith.constant 27 : i32
    %swap3A_818 = arith.index_cast %swap3A_817 : i32 to index
    %swap3A_819 = arith.constant 16 : index
    %swap3A_820 = tpu.vector_load %arg16[%swap3A_818, %swap3A_819] {strides = array<i32>} : memref<64x64xf32, #tpu.memory_space<vmem>>, vector<1x16xf32>,
    %swap3A_821 = vector.shape_cast %swap3A_820 : vector<1x16xf32> to vector<16xf32>
    %swap3A_822 = vector.shape_cast %broadcast_in_dim3A_1 : vector<16xf32> to vector<1x16xf32>
    tpu.vector_store %arg16[%swap3A_818, %swap3A_819], %swap3A_822 {strides = array<i32>} : memref<64x64xf32, #tpu.memory_space<vmem>>, vector<1x16xf32>,
    %swap3A_823 = arith.constant 27 : i32
    %swap3A_824 = arith.index_cast %swap3A_823 : i32 to index
    %swap3A_825 = arith.constant 32 : index
    %swap3A_826 = tpu.vector_load %arg16[%swap3A_824, %swap3A_825] {strides = array<i32>} : memref<64x64xf32, #tpu.memory_space<vmem>>, vector<1x16xf32>,
    %swap3A_827 = vector.shape_cast %swap3A_826 : vector<1x16xf32> to vector<16xf32>
    %swap3A_828 = vector.shape_cast %broadcast_in_dim3A_1 : vector<16xf32> to vector<1x16xf32>
    tpu.vector_store %arg16[%swap3A_824, %swap3A_825], %swap3A_828 {strides = array<i32>} : memref<64x64xf32, #tpu.memory_space<vmem>>, vector<1x16xf32>,
    %swap3A_829 = arith.constant 27 : i32
    %swap3A_830 = arith.index_cast %swap3A_829 : i32 to index
    %swap3A_831 = arith.constant 48 : index
    %swap3A_832 = tpu.vector_load %arg16[%swap3A_830, %swap3A_831] {strides = array<i32>} : memref<64x64xf32, #tpu.memory_space<vmem>>, vector<1x16xf32>,
    %swap3A_833 = vector.shape_cast %swap3A_832 : vector<1x16xf32> to vector<16xf32>
    %swap3A_834 = vector.shape_cast %broadcast_in_dim3A_1 : vector<16xf32> to vector<1x16xf32>
    tpu.vector_store %arg16[%swap3A_830, %swap3A_831], %swap3A_834 {strides = array<i32>} : memref<64x64xf32, #tpu.memory_space<vmem>>, vector<1x16xf32>,
    %swap3A_835 = arith.constant 27 : i32
    %swap3A_836 = arith.index_cast %swap3A_835 : i32 to index
    %swap3A_837 = arith.constant 0 : index
    %swap3A_838 = tpu.vector_load %arg17[%swap3A_836, %swap3A_837] {strides = array<i32>} : memref<64x16xf32, #tpu.memory_space<vmem>>, vector<1x16xf32>,
    %swap3A_839 = vector.shape_cast %swap3A_838 : vector<1x16xf32> to vector<16xf32>
    %swap3A_840 = vector.shape_cast %broadcast_in_dim3A_1 : vector<16xf32> to vector<1x16xf32>
    tpu.vector_store %arg17[%swap3A_836, %swap3A_837], %swap3A_840 {strides = array<i32>} : memref<64x16xf32, #tpu.memory_space<vmem>>, vector<1x16xf32>,
    %swap3A_841 = arith.constant 28 : i32
    %swap3A_842 = arith.index_cast %swap3A_841 : i32 to index
    %swap3A_843 = arith.constant 0 : index
    %swap3A_844 = tpu.vector_load %arg16[%swap3A_842, %swap3A_843] {strides = array<i32>} : memref<64x64xf32, #tpu.memory_space<vmem>>, vector<1x16xf32>,
    %swap3A_845 = vector.shape_cast %swap3A_844 : vector<1x16xf32> to vector<16xf32>
    %swap3A_846 = vector.shape_cast %broadcast_in_dim3A_1 : vector<16xf32> to vector<1x16xf32>
    tpu.vector_store %arg16[%swap3A_842, %swap3A_843], %swap3A_846 {strides = array<i32>} : memref<64x64xf32, #tpu.memory_space<vmem>>, vector<1x16xf32>,
    %swap3A_847 = arith.constant 28 : i32
    %swap3A_848 = arith.index_cast %swap3A_847 : i32 to index
    %swap3A_849 = arith.constant 16 : index
    %swap3A_850 = tpu.vector_load %arg16[%swap3A_848, %swap3A_849] {strides = array<i32>} : memref<64x64xf32, #tpu.memory_space<vmem>>, vector<1x16xf32>,
    %swap3A_851 = vector.shape_cast %swap3A_850 : vector<1x16xf32> to vector<16xf32>
    %swap3A_852 = vector.shape_cast %broadcast_in_dim3A_1 : vector<16xf32> to vector<1x16xf32>
    tpu.vector_store %arg16[%swap3A_848, %swap3A_849], %swap3A_852 {strides = array<i32>} : memref<64x64xf32, #tpu.memory_space<vmem>>, vector<1x16xf32>,
    %swap3A_853 = arith.constant 28 : i32
    %swap3A_854 = arith.index_cast %swap3A_853 : i32 to index
    %swap3A_855 = arith.constant 32 : index
    %swap3A_856 = tpu.vector_load %arg16[%swap3A_854, %swap3A_855] {strides = array<i32>} : memref<64x64xf32, #tpu.memory_space<vmem>>, vector<1x16xf32>,
    %swap3A_857 = vector.shape_cast %swap3A_856 : vector<1x16xf32> to vector<16xf32>
    %swap3A_858 = vector.shape_cast %broadcast_in_dim3A_1 : vector<16xf32> to vector<1x16xf32>
    tpu.vector_store %arg16[%swap3A_854, %swap3A_855], %swap3A_858 {strides = array<i32>} : memref<64x64xf32, #tpu.memory_space<vmem>>, vector<1x16xf32>,
    %swap3A_859 = arith.constant 28 : i32
    %swap3A_860 = arith.index_cast %swap3A_859 : i32 to index
    %swap3A_861 = arith.constant 48 : index
    %swap3A_862 = tpu.vector_load %arg16[%swap3A_860, %swap3A_861] {strides = array<i32>} : memref<64x64xf32, #tpu.memory_space<vmem>>, vector<1x16xf32>,
    %swap3A_863 = vector.shape_cast %swap3A_862 : vector<1x16xf32> to vector<16xf32>
    %swap3A_864 = vector.shape_cast %broadcast_in_dim3A_1 : vector<16xf32> to vector<1x16xf32>
    tpu.vector_store %arg16[%swap3A_860, %swap3A_861], %swap3A_864 {strides = array<i32>} : memref<64x64xf32, #tpu.memory_space<vmem>>, vector<1x16xf32>,
    %swap3A_865 = arith.constant 28 : i32
    %swap3A_866 = arith.index_cast %swap3A_865 : i32 to index
    %swap3A_867 = arith.constant 0 : index
    %swap3A_868 = tpu.vector_load %arg17[%swap3A_866, %swap3A_867] {strides = array<i32>} : memref<64x16xf32, #tpu.memory_space<vmem>>, vector<1x16xf32>,
    %swap3A_869 = vector.shape_cast %swap3A_868 : vector<1x16xf32> to vector<16xf32>
    %swap3A_870 = vector.shape_cast %broadcast_in_dim3A_1 : vector<16xf32> to vector<1x16xf32>
    tpu.vector_store %arg17[%swap3A_866, %swap3A_867], %swap3A_870 {strides = array<i32>} : memref<64x16xf32, #tpu.memory_space<vmem>>, vector<1x16xf32>,
    %swap3A_871 = arith.constant 29 : i32
    %swap3A_872 = arith.index_cast %swap3A_871 : i32 to index
    %swap3A_873 = arith.constant 0 : index
    %swap3A_874 = tpu.vector_load %arg16[%swap3A_872, %swap3A_873] {strides = array<i32>} : memref<64x64xf32, #tpu.memory_space<vmem>>, vector<1x16xf32>,
    %swap3A_875 = vector.shape_cast %swap3A_874 : vector<1x16xf32> to vector<16xf32>
    %swap3A_876 = vector.shape_cast %broadcast_in_dim3A_1 : vector<16xf32> to vector<1x16xf32>
    tpu.vector_store %arg16[%swap3A_872, %swap3A_873], %swap3A_876 {strides = array<i32>} : memref<64x64xf32, #tpu.memory_space<vmem>>, vector<1x16xf32>,
    %swap3A_877 = arith.constant 29 : i32
    %swap3A_878 = arith.index_cast %swap3A_877 : i32 to index
    %swap3A_879 = arith.constant 16 : index
    %swap3A_880 = tpu.vector_load %arg16[%swap3A_878, %swap3A_879] {strides = array<i32>} : memref<64x64xf32, #tpu.memory_space<vmem>>, vector<1x16xf32>,
    %swap3A_881 = vector.shape_cast %swap3A_880 : vector<1x16xf32> to vector<16xf32>
    %swap3A_882 = vector.shape_cast %broadcast_in_dim3A_1 : vector<16xf32> to vector<1x16xf32>
    tpu.vector_store %arg16[%swap3A_878, %swap3A_879], %swap3A_882 {strides = array<i32>} : memref<64x64xf32, #tpu.memory_space<vmem>>, vector<1x16xf32>,
    %swap3A_883 = arith.constant 29 : i32
    %swap3A_884 = arith.index_cast %swap3A_883 : i32 to index
    %swap3A_885 = arith.constant 32 : index
    %swap3A_886 = tpu.vector_load %arg16[%swap3A_884, %swap3A_885] {strides = array<i32>} : memref<64x64xf32, #tpu.memory_space<vmem>>, vector<1x16xf32>,
    %swap3A_887 = vector.shape_cast %swap3A_886 : vector<1x16xf32> to vector<16xf32>
    %swap3A_888 = vector.shape_cast %broadcast_in_dim3A_1 : vector<16xf32> to vector<1x16xf32>
    tpu.vector_store %arg16[%swap3A_884, %swap3A_885], %swap3A_888 {strides = array<i32>} : memref<64x64xf32, #tpu.memory_space<vmem>>, vector<1x16xf32>,
    %swap3A_889 = arith.constant 29 : i32
    %swap3A_890 = arith.index_cast %swap3A_889 : i32 to index
    %swap3A_891 = arith.constant 48 : index
    %swap3A_892 = tpu.vector_load %arg16[%swap3A_890, %swap3A_891] {strides = array<i32>} : memref<64x64xf32, #tpu.memory_space<vmem>>, vector<1x16xf32>,
    %swap3A_893 = vector.shape_cast %swap3A_892 : vector<1x16xf32> to vector<16xf32>
    %swap3A_894 = vector.shape_cast %broadcast_in_dim3A_1 : vector<16xf32> to vector<1x16xf32>
    tpu.vector_store %arg16[%swap3A_890, %swap3A_891], %swap3A_894 {strides = array<i32>} : memref<64x64xf32, #tpu.memory_space<vmem>>, vector<1x16xf32>,
    %swap3A_895 = arith.constant 29 : i32
    %swap3A_896 = arith.index_cast %swap3A_895 : i32 to index
    %swap3A_897 = arith.constant 0 : index
    %swap3A_898 = tpu.vector_load %arg17[%swap3A_896, %swap3A_897] {strides = array<i32>} : memref<64x16xf32, #tpu.memory_space<vmem>>, vector<1x16xf32>,
    %swap3A_899 = vector.shape_cast %swap3A_898 : vector<1x16xf32> to vector<16xf32>
    %swap3A_900 = vector.shape_cast %broadcast_in_dim3A_1 : vector<16xf32> to vector<1x16xf32>
    tpu.vector_store %arg17[%swap3A_896, %swap3A_897], %swap3A_900 {strides = array<i32>} : memref<64x16xf32, #tpu.memory_space<vmem>>, vector<1x16xf32>,
    %swap3A_901 = arith.constant 30 : i32
    %swap3A_902 = arith.index_cast %swap3A_901 : i32 to index
    %swap3A_903 = arith.constant 0 : index
    %swap3A_904 = tpu.vector_load %arg16[%swap3A_902, %swap3A_903] {strides = array<i32>} : memref<64x64xf32, #tpu.memory_space<vmem>>, vector<1x16xf32>,
    %swap3A_905 = vector.shape_cast %swap3A_904 : vector<1x16xf32> to vector<16xf32>
    %swap3A_906 = vector.shape_cast %broadcast_in_dim3A_1 : vector<16xf32> to vector<1x16xf32>
    tpu.vector_store %arg16[%swap3A_902, %swap3A_903], %swap3A_906 {strides = array<i32>} : memref<64x64xf32, #tpu.memory_space<vmem>>, vector<1x16xf32>,
    %swap3A_907 = arith.constant 30 : i32
    %swap3A_908 = arith.index_cast %swap3A_907 : i32 to index
    %swap3A_909 = arith.constant 16 : index
    %swap3A_910 = tpu.vector_load %arg16[%swap3A_908, %swap3A_909] {strides = array<i32>} : memref<64x64xf32, #tpu.memory_space<vmem>>, vector<1x16xf32>,
    %swap3A_911 = vector.shape_cast %swap3A_910 : vector<1x16xf32> to vector<16xf32>
    %swap3A_912 = vector.shape_cast %broadcast_in_dim3A_1 : vector<16xf32> to vector<1x16xf32>
    tpu.vector_store %arg16[%swap3A_908, %swap3A_909], %swap3A_912 {strides = array<i32>} : memref<64x64xf32, #tpu.memory_space<vmem>>, vector<1x16xf32>,
    %swap3A_913 = arith.constant 30 : i32
    %swap3A_914 = arith.index_cast %swap3A_913 : i32 to index
    %swap3A_915 = arith.constant 32 : index
    %swap3A_916 = tpu.vector_load %arg16[%swap3A_914, %swap3A_915] {strides = array<i32>} : memref<64x64xf32, #tpu.memory_space<vmem>>, vector<1x16xf32>,
    %swap3A_917 = vector.shape_cast %swap3A_916 : vector<1x16xf32> to vector<16xf32>
    %swap3A_918 = vector.shape_cast %broadcast_in_dim3A_1 : vector<16xf32> to vector<1x16xf32>
    tpu.vector_store %arg16[%swap3A_914, %swap3A_915], %swap3A_918 {strides = array<i32>} : memref<64x64xf32, #tpu.memory_space<vmem>>, vector<1x16xf32>,
    %swap3A_919 = arith.constant 30 : i32
    %swap3A_920 = arith.index_cast %swap3A_919 : i32 to index
    %swap3A_921 = arith.constant 48 : index
    %swap3A_922 = tpu.vector_load %arg16[%swap3A_920, %swap3A_921] {strides = array<i32>} : memref<64x64xf32, #tpu.memory_space<vmem>>, vector<1x16xf32>,
    %swap3A_923 = vector.shape_cast %swap3A_922 : vector<1x16xf32> to vector<16xf32>
    %swap3A_924 = vector.shape_cast %broadcast_in_dim3A_1 : vector<16xf32> to vector<1x16xf32>
    tpu.vector_store %arg16[%swap3A_920, %swap3A_921], %swap3A_924 {strides = array<i32>} : memref<64x64xf32, #tpu.memory_space<vmem>>, vector<1x16xf32>,
    %swap3A_925 = arith.constant 30 : i32
    %swap3A_926 = arith.index_cast %swap3A_925 : i32 to index
    %swap3A_927 = arith.constant 0 : index
    %swap3A_928 = tpu.vector_load %arg17[%swap3A_926, %swap3A_927] {strides = array<i32>} : memref<64x16xf32, #tpu.memory_space<vmem>>, vector<1x16xf32>,
    %swap3A_929 = vector.shape_cast %swap3A_928 : vector<1x16xf32> to vector<16xf32>
    %swap3A_930 = vector.shape_cast %broadcast_in_dim3A_1 : vector<16xf32> to vector<1x16xf32>
    tpu.vector_store %arg17[%swap3A_926, %swap3A_927], %swap3A_930 {strides = array<i32>} : memref<64x16xf32, #tpu.memory_space<vmem>>, vector<1x16xf32>,
    %swap3A_931 = arith.constant 31 : i32
    %swap3A_932 = arith.index_cast %swap3A_931 : i32 to index
    %swap3A_933 = arith.constant 0 : index
    %swap3A_934 = tpu.vector_load %arg16[%swap3A_932, %swap3A_933] {strides = array<i32>} : memref<64x64xf32, #tpu.memory_space<vmem>>, vector<1x16xf32>,
    %swap3A_935 = vector.shape_cast %swap3A_934 : vector<1x16xf32> to vector<16xf32>
    %swap3A_936 = vector.shape_cast %broadcast_in_dim3A_1 : vector<16xf32> to vector<1x16xf32>
    tpu.vector_store %arg16[%swap3A_932, %swap3A_933], %swap3A_936 {strides = array<i32>} : memref<64x64xf32, #tpu.memory_space<vmem>>, vector<1x16xf32>,
    %swap3A_937 = arith.constant 31 : i32
    %swap3A_938 = arith.index_cast %swap3A_937 : i32 to index
    %swap3A_939 = arith.constant 16 : index
    %swap3A_940 = tpu.vector_load %arg16[%swap3A_938, %swap3A_939] {strides = array<i32>} : memref<64x64xf32, #tpu.memory_space<vmem>>, vector<1x16xf32>,
    %swap3A_941 = vector.shape_cast %swap3A_940 : vector<1x16xf32> to vector<16xf32>
    %swap3A_942 = vector.shape_cast %broadcast_in_dim3A_1 : vector<16xf32> to vector<1x16xf32>
    tpu.vector_store %arg16[%swap3A_938, %swap3A_939], %swap3A_942 {strides = array<i32>} : memref<64x64xf32, #tpu.memory_space<vmem>>, vector<1x16xf32>,
    %swap3A_943 = arith.constant 31 : i32
    %swap3A_944 = arith.index_cast %swap3A_943 : i32 to index
    %swap3A_945 = arith.constant 32 : index
    %swap3A_946 = tpu.vector_load %arg16[%swap3A_944, %swap3A_945] {strides = array<i32>} : memref<64x64xf32, #tpu.memory_space<vmem>>, vector<1x16xf32>,
    %swap3A_947 = vector.shape_cast %swap3A_946 : vector<1x16xf32> to vector<16xf32>
    %swap3A_948 = vector.shape_cast %broadcast_in_dim3A_1 : vector<16xf32> to vector<1x16xf32>
    tpu.vector_store %arg16[%swap3A_944, %swap3A_945], %swap3A_948 {strides = array<i32>} : memref<64x64xf32, #tpu.memory_space<vmem>>, vector<1x16xf32>,
    %swap3A_949 = arith.constant 31 : i32
    %swap3A_950 = arith.index_cast %swap3A_949 : i32 to index
    %swap3A_951 = arith.constant 48 : index
    %swap3A_952 = tpu.vector_load %arg16[%swap3A_950, %swap3A_951] {strides = array<i32>} : memref<64x64xf32, #tpu.memory_space<vmem>>, vector<1x16xf32>,
    %swap3A_953 = vector.shape_cast %swap3A_952 : vector<1x16xf32> to vector<16xf32>
    %swap3A_954 = vector.shape_cast %broadcast_in_dim3A_1 : vector<16xf32> to vector<1x16xf32>
    tpu.vector_store %arg16[%swap3A_950, %swap3A_951], %swap3A_954 {strides = array<i32>} : memref<64x64xf32, #tpu.memory_space<vmem>>, vector<1x16xf32>,
    %swap3A_955 = arith.constant 31 : i32
    %swap3A_956 = arith.index_cast %swap3A_955 : i32 to index
    %swap3A_957 = arith.constant 0 : index
    %swap3A_958 = tpu.vector_load %arg17[%swap3A_956, %swap3A_957] {strides = array<i32>} : memref<64x16xf32, #tpu.memory_space<vmem>>, vector<1x16xf32>,
    %swap3A_959 = vector.shape_cast %swap3A_958 : vector<1x16xf32> to vector<16xf32>
    %swap3A_960 = vector.shape_cast %broadcast_in_dim3A_1 : vector<16xf32> to vector<1x16xf32>
    tpu.vector_store %arg17[%swap3A_956, %swap3A_957], %swap3A_960 {strides = array<i32>} : memref<64x16xf32, #tpu.memory_space<vmem>>, vector<1x16xf32>,
    %swap3A_961 = arith.constant 32 : i32
    %swap3A_962 = arith.index_cast %swap3A_961 : i32 to index
    %swap3A_963 = arith.constant 0 : index
    %swap3A_964 = tpu.vector_load %arg16[%swap3A_962, %swap3A_963] {strides = array<i32>} : memref<64x64xf32, #tpu.memory_space<vmem>>, vector<1x16xf32>,
    %swap3A_965 = vector.shape_cast %swap3A_964 : vector<1x16xf32> to vector<16xf32>
    %swap3A_966 = vector.shape_cast %broadcast_in_dim3A_1 : vector<16xf32> to vector<1x16xf32>
    tpu.vector_store %arg16[%swap3A_962, %swap3A_963], %swap3A_966 {strides = array<i32>} : memref<64x64xf32, #tpu.memory_space<vmem>>, vector<1x16xf32>,
    %swap3A_967 = arith.constant 32 : i32
    %swap3A_968 = arith.index_cast %swap3A_967 : i32 to index
    %swap3A_969 = arith.constant 16 : index
    %swap3A_970 = tpu.vector_load %arg16[%swap3A_968, %swap3A_969] {strides = array<i32>} : memref<64x64xf32, #tpu.memory_space<vmem>>, vector<1x16xf32>,
    %swap3A_971 = vector.shape_cast %swap3A_970 : vector<1x16xf32> to vector<16xf32>
    %swap3A_972 = vector.shape_cast %broadcast_in_dim3A_1 : vector<16xf32> to vector<1x16xf32>
    tpu.vector_store %arg16[%swap3A_968, %swap3A_969], %swap3A_972 {strides = array<i32>} : memref<64x64xf32, #tpu.memory_space<vmem>>, vector<1x16xf32>,
    %swap3A_973 = arith.constant 32 : i32
    %swap3A_974 = arith.index_cast %swap3A_973 : i32 to index
    %swap3A_975 = arith.constant 32 : index
    %swap3A_976 = tpu.vector_load %arg16[%swap3A_974, %swap3A_975] {strides = array<i32>} : memref<64x64xf32, #tpu.memory_space<vmem>>, vector<1x16xf32>,
    %swap3A_977 = vector.shape_cast %swap3A_976 : vector<1x16xf32> to vector<16xf32>
    %swap3A_978 = vector.shape_cast %broadcast_in_dim3A_1 : vector<16xf32> to vector<1x16xf32>
    tpu.vector_store %arg16[%swap3A_974, %swap3A_975], %swap3A_978 {strides = array<i32>} : memref<64x64xf32, #tpu.memory_space<vmem>>, vector<1x16xf32>,
    %swap3A_979 = arith.constant 32 : i32
    %swap3A_980 = arith.index_cast %swap3A_979 : i32 to index
    %swap3A_981 = arith.constant 48 : index
    %swap3A_982 = tpu.vector_load %arg16[%swap3A_980, %swap3A_981] {strides = array<i32>} : memref<64x64xf32, #tpu.memory_space<vmem>>, vector<1x16xf32>,
    %swap3A_983 = vector.shape_cast %swap3A_982 : vector<1x16xf32> to vector<16xf32>
    %swap3A_984 = vector.shape_cast %broadcast_in_dim3A_1 : vector<16xf32> to vector<1x16xf32>
    tpu.vector_store %arg16[%swap3A_980, %swap3A_981], %swap3A_984 {strides = array<i32>} : memref<64x64xf32, #tpu.memory_space<vmem>>, vector<1x16xf32>,
    %swap3A_985 = arith.constant 32 : i32
    %swap3A_986 = arith.index_cast %swap3A_985 : i32 to index
    %swap3A_987 = arith.constant 0 : index
    %swap3A_988 = tpu.vector_load %arg17[%swap3A_986, %swap3A_987] {strides = array<i32>} : memref<64x16xf32, #tpu.memory_space<vmem>>, vector<1x16xf32>,
    %swap3A_989 = vector.shape_cast %swap3A_988 : vector<1x16xf32> to vector<16xf32>
    %swap3A_990 = vector.shape_cast %broadcast_in_dim3A_1 : vector<16xf32> to vector<1x16xf32>
    tpu.vector_store %arg17[%swap3A_986, %swap3A_987], %swap3A_990 {strides = array<i32>} : memref<64x16xf32, #tpu.memory_space<vmem>>, vector<1x16xf32>,
    %swap3A_991 = arith.constant 33 : i32
    %swap3A_992 = arith.index_cast %swap3A_991 : i32 to index
    %swap3A_993 = arith.constant 0 : index
    %swap3A_994 = tpu.vector_load %arg16[%swap3A_992, %swap3A_993] {strides = array<i32>} : memref<64x64xf32, #tpu.memory_space<vmem>>, vector<1x16xf32>,
    %swap3A_995 = vector.shape_cast %swap3A_994 : vector<1x16xf32> to vector<16xf32>
    %swap3A_996 = vector.shape_cast %broadcast_in_dim3A_1 : vector<16xf32> to vector<1x16xf32>
    tpu.vector_store %arg16[%swap3A_992, %swap3A_993], %swap3A_996 {strides = array<i32>} : memref<64x64xf32, #tpu.memory_space<vmem>>, vector<1x16xf32>,
    %swap3A_997 = arith.constant 33 : i32
    %swap3A_998 = arith.index_cast %swap3A_997 : i32 to index
    %swap3A_999 = arith.constant 16 : index
    %swap3A_1000 = tpu.vector_load %arg16[%swap3A_998, %swap3A_999] {strides = array<i32>} : memref<64x64xf32, #tpu.memory_space<vmem>>, vector<1x16xf32>,
    %swap3A_1001 = vector.shape_cast %swap3A_1000 : vector<1x16xf32> to vector<16xf32>
    %swap3A_1002 = vector.shape_cast %broadcast_in_dim3A_1 : vector<16xf32> to vector<1x16xf32>
    tpu.vector_store %arg16[%swap3A_998, %swap3A_999], %swap3A_1002 {strides = array<i32>} : memref<64x64xf32, #tpu.memory_space<vmem>>, vector<1x16xf32>,
    %swap3A_1003 = arith.constant 33 : i32
    %swap3A_1004 = arith.index_cast %swap3A_1003 : i32 to index
    %swap3A_1005 = arith.constant 32 : index
    %swap3A_1006 = tpu.vector_load %arg16[%swap3A_1004, %swap3A_1005] {strides = array<i32>} : memref<64x64xf32, #tpu.memory_space<vmem>>, vector<1x16xf32>,
    %swap3A_1007 = vector.shape_cast %swap3A_1006 : vector<1x16xf32> to vector<16xf32>
    %swap3A_1008 = vector.shape_cast %broadcast_in_dim3A_1 : vector<16xf32> to vector<1x16xf32>
    tpu.vector_store %arg16[%swap3A_1004, %swap3A_1005], %swap3A_1008 {strides = array<i32>} : memref<64x64xf32, #tpu.memory_space<vmem>>, vector<1x16xf32>,
    %swap3A_1009 = arith.constant 33 : i32
    %swap3A_1010 = arith.index_cast %swap3A_1009 : i32 to index
    %swap3A_1011 = arith.constant 48 : index
    %swap3A_1012 = tpu.vector_load %arg16[%swap3A_1010, %swap3A_1011] {strides = array<i32>} : memref<64x64xf32, #tpu.memory_space<vmem>>, vector<1x16xf32>,
    %swap3A_1013 = vector.shape_cast %swap3A_1012 : vector<1x16xf32> to vector<16xf32>
    %swap3A_1014 = vector.shape_cast %broadcast_in_dim3A_1 : vector<16xf32> to vector<1x16xf32>
    tpu.vector_store %arg16[%swap3A_1010, %swap3A_1011], %swap3A_1014 {strides = array<i32>} : memref<64x64xf32, #tpu.memory_space<vmem>>, vector<1x16xf32>,
    %swap3A_1015 = arith.constant 33 : i32
    %swap3A_1016 = arith.index_cast %swap3A_1015 : i32 to index
    %swap3A_1017 = arith.constant 0 : index
    %swap3A_1018 = tpu.vector_load %arg17[%swap3A_1016, %swap3A_1017] {strides = array<i32>} : memref<64x16xf32, #tpu.memory_space<vmem>>, vector<1x16xf32>,
    %swap3A_1019 = vector.shape_cast %swap3A_1018 : vector<1x16xf32> to vector<16xf32>
    %swap3A_1020 = vector.shape_cast %broadcast_in_dim3A_1 : vector<16xf32> to vector<1x16xf32>
    tpu.vector_store %arg17[%swap3A_1016, %swap3A_1017], %swap3A_1020 {strides = array<i32>} : memref<64x16xf32, #tpu.memory_space<vmem>>, vector<1x16xf32>,
    %swap3A_1021 = arith.constant 34 : i32
    %swap3A_1022 = arith.index_cast %swap3A_1021 : i32 to index
    %swap3A_1023 = arith.constant 0 : index
    %swap3A_1024 = tpu.vector_load %arg16[%swap3A_1022, %swap3A_1023] {strides = array<i32>} : memref<64x64xf32, #tpu.memory_space<vmem>>, vector<1x16xf32>,
    %swap3A_1025 = vector.shape_cast %swap3A_1024 : vector<1x16xf32> to vector<16xf32>
    %swap3A_1026 = vector.shape_cast %broadcast_in_dim3A_1 : vector<16xf32> to vector<1x16xf32>
    tpu.vector_store %arg16[%swap3A_1022, %swap3A_1023], %swap3A_1026 {strides = array<i32>} : memref<64x64xf32, #tpu.memory_space<vmem>>, vector<1x16xf32>,
    %swap3A_1027 = arith.constant 34 : i32
    %swap3A_1028 = arith.index_cast %swap3A_1027 : i32 to index
    %swap3A_1029 = arith.constant 16 : index
    %swap3A_1030 = tpu.vector_load %arg16[%swap3A_1028, %swap3A_1029] {strides = array<i32>} : memref<64x64xf32, #tpu.memory_space<vmem>>, vector<1x16xf32>,
    %swap3A_1031 = vector.shape_cast %swap3A_1030 : vector<1x16xf32> to vector<16xf32>
    %swap3A_1032 = vector.shape_cast %broadcast_in_dim3A_1 : vector<16xf32> to vector<1x16xf32>
    tpu.vector_store %arg16[%swap3A_1028, %swap3A_1029], %swap3A_1032 {strides = array<i32>} : memref<64x64xf32, #tpu.memory_space<vmem>>, vector<1x16xf32>,
    %swap3A_1033 = arith.constant 34 : i32
    %swap3A_1034 = arith.index_cast %swap3A_1033 : i32 to index
    %swap3A_1035 = arith.constant 32 : index
    %swap3A_1036 = tpu.vector_load %arg16[%swap3A_1034, %swap3A_1035] {strides = array<i32>} : memref<64x64xf32, #tpu.memory_space<vmem>>, vector<1x16xf32>,
    %swap3A_1037 = vector.shape_cast %swap3A_1036 : vector<1x16xf32> to vector<16xf32>
    %swap3A_1038 = vector.shape_cast %broadcast_in_dim3A_1 : vector<16xf32> to vector<1x16xf32>
    tpu.vector_store %arg16[%swap3A_1034, %swap3A_1035], %swap3A_1038 {strides = array<i32>} : memref<64x64xf32, #tpu.memory_space<vmem>>, vector<1x16xf32>,
    %swap3A_1039 = arith.constant 34 : i32
    %swap3A_1040 = arith.index_cast %swap3A_1039 : i32 to index
    %swap3A_1041 = arith.constant 48 : index
    %swap3A_1042 = tpu.vector_load %arg16[%swap3A_1040, %swap3A_1041] {strides = array<i32>} : memref<64x64xf32, #tpu.memory_space<vmem>>, vector<1x16xf32>,
    %swap3A_1043 = vector.shape_cast %swap3A_1042 : vector<1x16xf32> to vector<16xf32>
    %swap3A_1044 = vector.shape_cast %broadcast_in_dim3A_1 : vector<16xf32> to vector<1x16xf32>
    tpu.vector_store %arg16[%swap3A_1040, %swap3A_1041], %swap3A_1044 {strides = array<i32>} : memref<64x64xf32, #tpu.memory_space<vmem>>, vector<1x16xf32>,
    %swap3A_1045 = arith.constant 34 : i32
    %swap3A_1046 = arith.index_cast %swap3A_1045 : i32 to index
    %swap3A_1047 = arith.constant 0 : index
    %swap3A_1048 = tpu.vector_load %arg17[%swap3A_1046, %swap3A_1047] {strides = array<i32>} : memref<64x16xf32, #tpu.memory_space<vmem>>, vector<1x16xf32>,
    %swap3A_1049 = vector.shape_cast %swap3A_1048 : vector<1x16xf32> to vector<16xf32>
    %swap3A_1050 = vector.shape_cast %broadcast_in_dim3A_1 : vector<16xf32> to vector<1x16xf32>
    tpu.vector_store %arg17[%swap3A_1046, %swap3A_1047], %swap3A_1050 {strides = array<i32>} : memref<64x16xf32, #tpu.memory_space<vmem>>, vector<1x16xf32>,
    %swap3A_1051 = arith.constant 35 : i32
    %swap3A_1052 = arith.index_cast %swap3A_1051 : i32 to index
    %swap3A_1053 = arith.constant 0 : index
    %swap3A_1054 = tpu.vector_load %arg16[%swap3A_1052, %swap3A_1053] {strides = array<i32>} : memref<64x64xf32, #tpu.memory_space<vmem>>, vector<1x16xf32>,
    %swap3A_1055 = vector.shape_cast %swap3A_1054 : vector<1x16xf32> to vector<16xf32>
    %swap3A_1056 = vector.shape_cast %broadcast_in_dim3A_1 : vector<16xf32> to vector<1x16xf32>
    tpu.vector_store %arg16[%swap3A_1052, %swap3A_1053], %swap3A_1056 {strides = array<i32>} : memref<64x64xf32, #tpu.memory_space<vmem>>, vector<1x16xf32>,
    %swap3A_1057 = arith.constant 35 : i32
    %swap3A_1058 = arith.index_cast %swap3A_1057 : i32 to index
    %swap3A_1059 = arith.constant 16 : index
    %swap3A_1060 = tpu.vector_load %arg16[%swap3A_1058, %swap3A_1059] {strides = array<i32>} : memref<64x64xf32, #tpu.memory_space<vmem>>, vector<1x16xf32>,
    %swap3A_1061 = vector.shape_cast %swap3A_1060 : vector<1x16xf32> to vector<16xf32>
    %swap3A_1062 = vector.shape_cast %broadcast_in_dim3A_1 : vector<16xf32> to vector<1x16xf32>
    tpu.vector_store %arg16[%swap3A_1058, %swap3A_1059], %swap3A_1062 {strides = array<i32>} : memref<64x64xf32, #tpu.memory_space<vmem>>, vector<1x16xf32>,
    %swap3A_1063 = arith.constant 35 : i32
    %swap3A_1064 = arith.index_cast %swap3A_1063 : i32 to index
    %swap3A_1065 = arith.constant 32 : index
    %swap3A_1066 = tpu.vector_load %arg16[%swap3A_1064, %swap3A_1065] {strides = array<i32>} : memref<64x64xf32, #tpu.memory_space<vmem>>, vector<1x16xf32>,
    %swap3A_1067 = vector.shape_cast %swap3A_1066 : vector<1x16xf32> to vector<16xf32>
    %swap3A_1068 = vector.shape_cast %broadcast_in_dim3A_1 : vector<16xf32> to vector<1x16xf32>
    tpu.vector_store %arg16[%swap3A_1064, %swap3A_1065], %swap3A_1068 {strides = array<i32>} : memref<64x64xf32, #tpu.memory_space<vmem>>, vector<1x16xf32>,
    %swap3A_1069 = arith.constant 35 : i32
    %swap3A_1070 = arith.index_cast %swap3A_1069 : i32 to index
    %swap3A_1071 = arith.constant 48 : index
    %swap3A_1072 = tpu.vector_load %arg16[%swap3A_1070, %swap3A_1071] {strides = array<i32>} : memref<64x64xf32, #tpu.memory_space<vmem>>, vector<1x16xf32>,
    %swap3A_1073 = vector.shape_cast %swap3A_1072 : vector<1x16xf32> to vector<16xf32>
    %swap3A_1074 = vector.shape_cast %broadcast_in_dim3A_1 : vector<16xf32> to vector<1x16xf32>
    tpu.vector_store %arg16[%swap3A_1070, %swap3A_1071], %swap3A_1074 {strides = array<i32>} : memref<64x64xf32, #tpu.memory_space<vmem>>, vector<1x16xf32>,
    %swap3A_1075 = arith.constant 35 : i32
    %swap3A_1076 = arith.index_cast %swap3A_1075 : i32 to index
    %swap3A_1077 = arith.constant 0 : index
    %swap3A_1078 = tpu.vector_load %arg17[%swap3A_1076, %swap3A_1077] {strides = array<i32>} : memref<64x16xf32, #tpu.memory_space<vmem>>, vector<1x16xf32>,
    %swap3A_1079 = vector.shape_cast %swap3A_1078 : vector<1x16xf32> to vector<16xf32>
    %swap3A_1080 = vector.shape_cast %broadcast_in_dim3A_1 : vector<16xf32> to vector<1x16xf32>
    tpu.vector_store %arg17[%swap3A_1076, %swap3A_1077], %swap3A_1080 {strides = array<i32>} : memref<64x16xf32, #tpu.memory_space<vmem>>, vector<1x16xf32>,
    %swap3A_1081 = arith.constant 36 : i32
    %swap3A_1082 = arith.index_cast %swap3A_1081 : i32 to index
    %swap3A_1083 = arith.constant 0 : index
    %swap3A_1084 = tpu.vector_load %arg16[%swap3A_1082, %swap3A_1083] {strides = array<i32>} : memref<64x64xf32, #tpu.memory_space<vmem>>, vector<1x16xf32>,
    %swap3A_1085 = vector.shape_cast %swap3A_1084 : vector<1x16xf32> to vector<16xf32>
    %swap3A_1086 = vector.shape_cast %broadcast_in_dim3A_1 : vector<16xf32> to vector<1x16xf32>
    tpu.vector_store %arg16[%swap3A_1082, %swap3A_1083], %swap3A_1086 {strides = array<i32>} : memref<64x64xf32, #tpu.memory_space<vmem>>, vector<1x16xf32>,
    %swap3A_1087 = arith.constant 36 : i32
    %swap3A_1088 = arith.index_cast %swap3A_1087 : i32 to index
    %swap3A_1089 = arith.constant 16 : index
    %swap3A_1090 = tpu.vector_load %arg16[%swap3A_1088, %swap3A_1089] {strides = array<i32>} : memref<64x64xf32, #tpu.memory_space<vmem>>, vector<1x16xf32>,
    %swap3A_1091 = vector.shape_cast %swap3A_1090 : vector<1x16xf32> to vector<16xf32>
    %swap3A_1092 = vector.shape_cast %broadcast_in_dim3A_1 : vector<16xf32> to vector<1x16xf32>
    tpu.vector_store %arg16[%swap3A_1088, %swap3A_1089], %swap3A_1092 {strides = array<i32>} : memref<64x64xf32, #tpu.memory_space<vmem>>, vector<1x16xf32>,
    %swap3A_1093 = arith.constant 36 : i32
    %swap3A_1094 = arith.index_cast %swap3A_1093 : i32 to index
    %swap3A_1095 = arith.constant 32 : index
    %swap3A_1096 = tpu.vector_load %arg16[%swap3A_1094, %swap3A_1095] {strides = array<i32>} : memref<64x64xf32, #tpu.memory_space<vmem>>, vector<1x16xf32>,
    %swap3A_1097 = vector.shape_cast %swap3A_1096 : vector<1x16xf32> to vector<16xf32>
    %swap3A_1098 = vector.shape_cast %broadcast_in_dim3A_1 : vector<16xf32> to vector<1x16xf32>
    tpu.vector_store %arg16[%swap3A_1094, %swap3A_1095], %swap3A_1098 {strides = array<i32>} : memref<64x64xf32, #tpu.memory_space<vmem>>, vector<1x16xf32>,
    %swap3A_1099 = arith.constant 36 : i32
    %swap3A_1100 = arith.index_cast %swap3A_1099 : i32 to index
    %swap3A_1101 = arith.constant 48 : index
    %swap3A_1102 = tpu.vector_load %arg16[%swap3A_1100, %swap3A_1101] {strides = array<i32>} : memref<64x64xf32, #tpu.memory_space<vmem>>, vector<1x16xf32>,
    %swap3A_1103 = vector.shape_cast %swap3A_1102 : vector<1x16xf32> to vector<16xf32>
    %swap3A_1104 = vector.shape_cast %broadcast_in_dim3A_1 : vector<16xf32> to vector<1x16xf32>
    tpu.vector_store %arg16[%swap3A_1100, %swap3A_1101], %swap3A_1104 {strides = array<i32>} : memref<64x64xf32, #tpu.memory_space<vmem>>, vector<1x16xf32>,
    %swap3A_1105 = arith.constant 36 : i32
    %swap3A_1106 = arith.index_cast %swap3A_1105 : i32 to index
    %swap3A_1107 = arith.constant 0 : index
    %swap3A_1108 = tpu.vector_load %arg17[%swap3A_1106, %swap3A_1107] {strides = array<i32>} : memref<64x16xf32, #tpu.memory_space<vmem>>, vector<1x16xf32>,
    %swap3A_1109 = vector.shape_cast %swap3A_1108 : vector<1x16xf32> to vector<16xf32>
    %swap3A_1110 = vector.shape_cast %broadcast_in_dim3A_1 : vector<16xf32> to vector<1x16xf32>
    tpu.vector_store %arg17[%swap3A_1106, %swap3A_1107], %swap3A_1110 {strides = array<i32>} : memref<64x16xf32, #tpu.memory_space<vmem>>, vector<1x16xf32>,
    %swap3A_1111 = arith.constant 37 : i32
    %swap3A_1112 = arith.index_cast %swap3A_1111 : i32 to index
    %swap3A_1113 = arith.constant 0 : index
    %swap3A_1114 = tpu.vector_load %arg16[%swap3A_1112, %swap3A_1113] {strides = array<i32>} : memref<64x64xf32, #tpu.memory_space<vmem>>, vector<1x16xf32>,
    %swap3A_1115 = vector.shape_cast %swap3A_1114 : vector<1x16xf32> to vector<16xf32>
    %swap3A_1116 = vector.shape_cast %broadcast_in_dim3A_1 : vector<16xf32> to vector<1x16xf32>
    tpu.vector_store %arg16[%swap3A_1112, %swap3A_1113], %swap3A_1116 {strides = array<i32>} : memref<64x64xf32, #tpu.memory_space<vmem>>, vector<1x16xf32>,
    %swap3A_1117 = arith.constant 37 : i32
    %swap3A_1118 = arith.index_cast %swap3A_1117 : i32 to index
    %swap3A_1119 = arith.constant 16 : index
    %swap3A_1120 = tpu.vector_load %arg16[%swap3A_1118, %swap3A_1119] {strides = array<i32>} : memref<64x64xf32, #tpu.memory_space<vmem>>, vector<1x16xf32>,
    %swap3A_1121 = vector.shape_cast %swap3A_1120 : vector<1x16xf32> to vector<16xf32>
    %swap3A_1122 = vector.shape_cast %broadcast_in_dim3A_1 : vector<16xf32> to vector<1x16xf32>
    tpu.vector_store %arg16[%swap3A_1118, %swap3A_1119], %swap3A_1122 {strides = array<i32>} : memref<64x64xf32, #tpu.memory_space<vmem>>, vector<1x16xf32>,
    %swap3A_1123 = arith.constant 37 : i32
    %swap3A_1124 = arith.index_cast %swap3A_1123 : i32 to index
    %swap3A_1125 = arith.constant 32 : index
    %swap3A_1126 = tpu.vector_load %arg16[%swap3A_1124, %swap3A_1125] {strides = array<i32>} : memref<64x64xf32, #tpu.memory_space<vmem>>, vector<1x16xf32>,
    %swap3A_1127 = vector.shape_cast %swap3A_1126 : vector<1x16xf32> to vector<16xf32>
    %swap3A_1128 = vector.shape_cast %broadcast_in_dim3A_1 : vector<16xf32> to vector<1x16xf32>
    tpu.vector_store %arg16[%swap3A_1124, %swap3A_1125], %swap3A_1128 {strides = array<i32>} : memref<64x64xf32, #tpu.memory_space<vmem>>, vector<1x16xf32>,
    %swap3A_1129 = arith.constant 37 : i32
    %swap3A_1130 = arith.index_cast %swap3A_1129 : i32 to index
    %swap3A_1131 = arith.constant 48 : index
    %swap3A_1132 = tpu.vector_load %arg16[%swap3A_1130, %swap3A_1131] {strides = array<i32>} : memref<64x64xf32, #tpu.memory_space<vmem>>, vector<1x16xf32>,
    %swap3A_1133 = vector.shape_cast %swap3A_1132 : vector<1x16xf32> to vector<16xf32>
    %swap3A_1134 = vector.shape_cast %broadcast_in_dim3A_1 : vector<16xf32> to vector<1x16xf32>
    tpu.vector_store %arg16[%swap3A_1130, %swap3A_1131], %swap3A_1134 {strides = array<i32>} : memref<64x64xf32, #tpu.memory_space<vmem>>, vector<1x16xf32>,
    %swap3A_1135 = arith.constant 37 : i32
    %swap3A_1136 = arith.index_cast %swap3A_1135 : i32 to index
    %swap3A_1137 = arith.constant 0 : index
    %swap3A_1138 = tpu.vector_load %arg17[%swap3A_1136, %swap3A_1137] {strides = array<i32>} : memref<64x16xf32, #tpu.memory_space<vmem>>, vector<1x16xf32>,
    %swap3A_1139 = vector.shape_cast %swap3A_1138 : vector<1x16xf32> to vector<16xf32>
    %swap3A_1140 = vector.shape_cast %broadcast_in_dim3A_1 : vector<16xf32> to vector<1x16xf32>
    tpu.vector_store %arg17[%swap3A_1136, %swap3A_1137], %swap3A_1140 {strides = array<i32>} : memref<64x16xf32, #tpu.memory_space<vmem>>, vector<1x16xf32>,
    %swap3A_1141 = arith.constant 38 : i32
    %swap3A_1142 = arith.index_cast %swap3A_1141 : i32 to index
    %swap3A_1143 = arith.constant 0 : index
    %swap3A_1144 = tpu.vector_load %arg16[%swap3A_1142, %swap3A_1143] {strides = array<i32>} : memref<64x64xf32, #tpu.memory_space<vmem>>, vector<1x16xf32>,
    %swap3A_1145 = vector.shape_cast %swap3A_1144 : vector<1x16xf32> to vector<16xf32>
    %swap3A_1146 = vector.shape_cast %broadcast_in_dim3A_1 : vector<16xf32> to vector<1x16xf32>
    tpu.vector_store %arg16[%swap3A_1142, %swap3A_1143], %swap3A_1146 {strides = array<i32>} : memref<64x64xf32, #tpu.memory_space<vmem>>, vector<1x16xf32>,
    %swap3A_1147 = arith.constant 38 : i32
    %swap3A_1148 = arith.index_cast %swap3A_1147 : i32 to index
    %swap3A_1149 = arith.constant 16 : index
    %swap3A_1150 = tpu.vector_load %arg16[%swap3A_1148, %swap3A_1149] {strides = array<i32>} : memref<64x64xf32, #tpu.memory_space<vmem>>, vector<1x16xf32>,
    %swap3A_1151 = vector.shape_cast %swap3A_1150 : vector<1x16xf32> to vector<16xf32>
    %swap3A_1152 = vector.shape_cast %broadcast_in_dim3A_1 : vector<16xf32> to vector<1x16xf32>
    tpu.vector_store %arg16[%swap3A_1148, %swap3A_1149], %swap3A_1152 {strides = array<i32>} : memref<64x64xf32, #tpu.memory_space<vmem>>, vector<1x16xf32>,
    %swap3A_1153 = arith.constant 38 : i32
    %swap3A_1154 = arith.index_cast %swap3A_1153 : i32 to index
    %swap3A_1155 = arith.constant 32 : index
    %swap3A_1156 = tpu.vector_load %arg16[%swap3A_1154, %swap3A_1155] {strides = array<i32>} : memref<64x64xf32, #tpu.memory_space<vmem>>, vector<1x16xf32>,
    %swap3A_1157 = vector.shape_cast %swap3A_1156 : vector<1x16xf32> to vector<16xf32>
    %swap3A_1158 = vector.shape_cast %broadcast_in_dim3A_1 : vector<16xf32> to vector<1x16xf32>
    tpu.vector_store %arg16[%swap3A_1154, %swap3A_1155], %swap3A_1158 {strides = array<i32>} : memref<64x64xf32, #tpu.memory_space<vmem>>, vector<1x16xf32>,
    %swap3A_1159 = arith.constant 38 : i32
    %swap3A_1160 = arith.index_cast %swap3A_1159 : i32 to index
    %swap3A_1161 = arith.constant 48 : index
    %swap3A_1162 = tpu.vector_load %arg16[%swap3A_1160, %swap3A_1161] {strides = array<i32>} : memref<64x64xf32, #tpu.memory_space<vmem>>, vector<1x16xf32>,
    %swap3A_1163 = vector.shape_cast %swap3A_1162 : vector<1x16xf32> to vector<16xf32>
    %swap3A_1164 = vector.shape_cast %broadcast_in_dim3A_1 : vector<16xf32> to vector<1x16xf32>
    tpu.vector_store %arg16[%swap3A_1160, %swap3A_1161], %swap3A_1164 {strides = array<i32>} : memref<64x64xf32, #tpu.memory_space<vmem>>, vector<1x16xf32>,
    %swap3A_1165 = arith.constant 38 : i32
    %swap3A_1166 = arith.index_cast %swap3A_1165 : i32 to index
    %swap3A_1167 = arith.constant 0 : index
    %swap3A_1168 = tpu.vector_load %arg17[%swap3A_1166, %swap3A_1167] {strides = array<i32>} : memref<64x16xf32, #tpu.memory_space<vmem>>, vector<1x16xf32>,
    %swap3A_1169 = vector.shape_cast %swap3A_1168 : vector<1x16xf32> to vector<16xf32>
    %swap3A_1170 = vector.shape_cast %broadcast_in_dim3A_1 : vector<16xf32> to vector<1x16xf32>
    tpu.vector_store %arg17[%swap3A_1166, %swap3A_1167], %swap3A_1170 {strides = array<i32>} : memref<64x16xf32, #tpu.memory_space<vmem>>, vector<1x16xf32>,
    %swap3A_1171 = arith.constant 39 : i32
    %swap3A_1172 = arith.index_cast %swap3A_1171 : i32 to index
    %swap3A_1173 = arith.constant 0 : index
    %swap3A_1174 = tpu.vector_load %arg16[%swap3A_1172, %swap3A_1173] {strides = array<i32>} : memref<64x64xf32, #tpu.memory_space<vmem>>, vector<1x16xf32>,
    %swap3A_1175 = vector.shape_cast %swap3A_1174 : vector<1x16xf32> to vector<16xf32>
    %swap3A_1176 = vector.shape_cast %broadcast_in_dim3A_1 : vector<16xf32> to vector<1x16xf32>
    tpu.vector_store %arg16[%swap3A_1172, %swap3A_1173], %swap3A_1176 {strides = array<i32>} : memref<64x64xf32, #tpu.memory_space<vmem>>, vector<1x16xf32>,
    %swap3A_1177 = arith.constant 39 : i32
    %swap3A_1178 = arith.index_cast %swap3A_1177 : i32 to index
    %swap3A_1179 = arith.constant 16 : index
    %swap3A_1180 = tpu.vector_load %arg16[%swap3A_1178, %swap3A_1179] {strides = array<i32>} : memref<64x64xf32, #tpu.memory_space<vmem>>, vector<1x16xf32>,
    %swap3A_1181 = vector.shape_cast %swap3A_1180 : vector<1x16xf32> to vector<16xf32>
    %swap3A_1182 = vector.shape_cast %broadcast_in_dim3A_1 : vector<16xf32> to vector<1x16xf32>
    tpu.vector_store %arg16[%swap3A_1178, %swap3A_1179], %swap3A_1182 {strides = array<i32>} : memref<64x64xf32, #tpu.memory_space<vmem>>, vector<1x16xf32>,
    %swap3A_1183 = arith.constant 39 : i32
    %swap3A_1184 = arith.index_cast %swap3A_1183 : i32 to index
    %swap3A_1185 = arith.constant 32 : index
    %swap3A_1186 = tpu.vector_load %arg16[%swap3A_1184, %swap3A_1185] {strides = array<i32>} : memref<64x64xf32, #tpu.memory_space<vmem>>, vector<1x16xf32>,
    %swap3A_1187 = vector.shape_cast %swap3A_1186 : vector<1x16xf32> to vector<16xf32>
    %swap3A_1188 = vector.shape_cast %broadcast_in_dim3A_1 : vector<16xf32> to vector<1x16xf32>
    tpu.vector_store %arg16[%swap3A_1184, %swap3A_1185], %swap3A_1188 {strides = array<i32>} : memref<64x64xf32, #tpu.memory_space<vmem>>, vector<1x16xf32>,
    %swap3A_1189 = arith.constant 39 : i32
    %swap3A_1190 = arith.index_cast %swap3A_1189 : i32 to index
    %swap3A_1191 = arith.constant 48 : index
    %swap3A_1192 = tpu.vector_load %arg16[%swap3A_1190, %swap3A_1191] {strides = array<i32>} : memref<64x64xf32, #tpu.memory_space<vmem>>, vector<1x16xf32>,
    %swap3A_1193 = vector.shape_cast %swap3A_1192 : vector<1x16xf32> to vector<16xf32>
    %swap3A_1194 = vector.shape_cast %broadcast_in_dim3A_1 : vector<16xf32> to vector<1x16xf32>
    tpu.vector_store %arg16[%swap3A_1190, %swap3A_1191], %swap3A_1194 {strides = array<i32>} : memref<64x64xf32, #tpu.memory_space<vmem>>, vector<1x16xf32>,
    %swap3A_1195 = arith.constant 39 : i32
    %swap3A_1196 = arith.index_cast %swap3A_1195 : i32 to index
    %swap3A_1197 = arith.constant 0 : index
    %swap3A_1198 = tpu.vector_load %arg17[%swap3A_1196, %swap3A_1197] {strides = array<i32>} : memref<64x16xf32, #tpu.memory_space<vmem>>, vector<1x16xf32>,
    %swap3A_1199 = vector.shape_cast %swap3A_1198 : vector<1x16xf32> to vector<16xf32>
    %swap3A_1200 = vector.shape_cast %broadcast_in_dim3A_1 : vector<16xf32> to vector<1x16xf32>
    tpu.vector_store %arg17[%swap3A_1196, %swap3A_1197], %swap3A_1200 {strides = array<i32>} : memref<64x16xf32, #tpu.memory_space<vmem>>, vector<1x16xf32>,
    %swap3A_1201 = arith.constant 40 : i32
    %swap3A_1202 = arith.index_cast %swap3A_1201 : i32 to index
    %swap3A_1203 = arith.constant 0 : index
    %swap3A_1204 = tpu.vector_load %arg16[%swap3A_1202, %swap3A_1203] {strides = array<i32>} : memref<64x64xf32, #tpu.memory_space<vmem>>, vector<1x16xf32>,
    %swap3A_1205 = vector.shape_cast %swap3A_1204 : vector<1x16xf32> to vector<16xf32>
    %swap3A_1206 = vector.shape_cast %broadcast_in_dim3A_1 : vector<16xf32> to vector<1x16xf32>
    tpu.vector_store %arg16[%swap3A_1202, %swap3A_1203], %swap3A_1206 {strides = array<i32>} : memref<64x64xf32, #tpu.memory_space<vmem>>, vector<1x16xf32>,
    %swap3A_1207 = arith.constant 40 : i32
    %swap3A_1208 = arith.index_cast %swap3A_1207 : i32 to index
    %swap3A_1209 = arith.constant 16 : index
    %swap3A_1210 = tpu.vector_load %arg16[%swap3A_1208, %swap3A_1209] {strides = array<i32>} : memref<64x64xf32, #tpu.memory_space<vmem>>, vector<1x16xf32>,
    %swap3A_1211 = vector.shape_cast %swap3A_1210 : vector<1x16xf32> to vector<16xf32>
    %swap3A_1212 = vector.shape_cast %broadcast_in_dim3A_1 : vector<16xf32> to vector<1x16xf32>
    tpu.vector_store %arg16[%swap3A_1208, %swap3A_1209], %swap3A_1212 {strides = array<i32>} : memref<64x64xf32, #tpu.memory_space<vmem>>, vector<1x16xf32>,
    %swap3A_1213 = arith.constant 40 : i32
    %swap3A_1214 = arith.index_cast %swap3A_1213 : i32 to index
    %swap3A_1215 = arith.constant 32 : index
    %swap3A_1216 = tpu.vector_load %arg16[%swap3A_1214, %swap3A_1215] {strides = array<i32>} : memref<64x64xf32, #tpu.memory_space<vmem>>, vector<1x16xf32>,
    %swap3A_1217 = vector.shape_cast %swap3A_1216 : vector<1x16xf32> to vector<16xf32>
    %swap3A_1218 = vector.shape_cast %broadcast_in_dim3A_1 : vector<16xf32> to vector<1x16xf32>
    tpu.vector_store %arg16[%swap3A_1214, %swap3A_1215], %swap3A_1218 {strides = array<i32>} : memref<64x64xf32, #tpu.memory_space<vmem>>, vector<1x16xf32>,
    %swap3A_1219 = arith.constant 40 : i32
    %swap3A_1220 = arith.index_cast %swap3A_1219 : i32 to index
    %swap3A_1221 = arith.constant 48 : index
    %swap3A_1222 = tpu.vector_load %arg16[%swap3A_1220, %swap3A_1221] {strides = array<i32>} : memref<64x64xf32, #tpu.memory_space<vmem>>, vector<1x16xf32>,
    %swap3A_1223 = vector.shape_cast %swap3A_1222 : vector<1x16xf32> to vector<16xf32>
    %swap3A_1224 = vector.shape_cast %broadcast_in_dim3A_1 : vector<16xf32> to vector<1x16xf32>
    tpu.vector_store %arg16[%swap3A_1220, %swap3A_1221], %swap3A_1224 {strides = array<i32>} : memref<64x64xf32, #tpu.memory_space<vmem>>, vector<1x16xf32>,
    %swap3A_1225 = arith.constant 40 : i32
    %swap3A_1226 = arith.index_cast %swap3A_1225 : i32 to index
    %swap3A_1227 = arith.constant 0 : index
    %swap3A_1228 = tpu.vector_load %arg17[%swap3A_1226, %swap3A_1227] {strides = array<i32>} : memref<64x16xf32, #tpu.memory_space<vmem>>, vector<1x16xf32>,
    %swap3A_1229 = vector.shape_cast %swap3A_1228 : vector<1x16xf32> to vector<16xf32>
    %swap3A_1230 = vector.shape_cast %broadcast_in_dim3A_1 : vector<16xf32> to vector<1x16xf32>
    tpu.vector_store %arg17[%swap3A_1226, %swap3A_1227], %swap3A_1230 {strides = array<i32>} : memref<64x16xf32, #tpu.memory_space<vmem>>, vector<1x16xf32>,
    %swap3A_1231 = arith.constant 41 : i32
    %swap3A_1232 = arith.index_cast %swap3A_1231 : i32 to index
    %swap3A_1233 = arith.constant 0 : index
    %swap3A_1234 = tpu.vector_load %arg16[%swap3A_1232, %swap3A_1233] {strides = array<i32>} : memref<64x64xf32, #tpu.memory_space<vmem>>, vector<1x16xf32>,
    %swap3A_1235 = vector.shape_cast %swap3A_1234 : vector<1x16xf32> to vector<16xf32>
    %swap3A_1236 = vector.shape_cast %broadcast_in_dim3A_1 : vector<16xf32> to vector<1x16xf32>
    tpu.vector_store %arg16[%swap3A_1232, %swap3A_1233], %swap3A_1236 {strides = array<i32>} : memref<64x64xf32, #tpu.memory_space<vmem>>, vector<1x16xf32>,
    %swap3A_1237 = arith.constant 41 : i32
    %swap3A_1238 = arith.index_cast %swap3A_1237 : i32 to index
    %swap3A_1239 = arith.constant 16 : index
    %swap3A_1240 = tpu.vector_load %arg16[%swap3A_1238, %swap3A_1239] {strides = array<i32>} : memref<64x64xf32, #tpu.memory_space<vmem>>, vector<1x16xf32>,
    %swap3A_1241 = vector.shape_cast %swap3A_1240 : vector<1x16xf32> to vector<16xf32>
    %swap3A_1242 = vector.shape_cast %broadcast_in_dim3A_1 : vector<16xf32> to vector<1x16xf32>
    tpu.vector_store %arg16[%swap3A_1238, %swap3A_1239], %swap3A_1242 {strides = array<i32>} : memref<64x64xf32, #tpu.memory_space<vmem>>, vector<1x16xf32>,
    %swap3A_1243 = arith.constant 41 : i32
    %swap3A_1244 = arith.index_cast %swap3A_1243 : i32 to index
    %swap3A_1245 = arith.constant 32 : index
    %swap3A_1246 = tpu.vector_load %arg16[%swap3A_1244, %swap3A_1245] {strides = array<i32>} : memref<64x64xf32, #tpu.memory_space<vmem>>, vector<1x16xf32>,
    %swap3A_1247 = vector.shape_cast %swap3A_1246 : vector<1x16xf32> to vector<16xf32>
    %swap3A_1248 = vector.shape_cast %broadcast_in_dim3A_1 : vector<16xf32> to vector<1x16xf32>
    tpu.vector_store %arg16[%swap3A_1244, %swap3A_1245], %swap3A_1248 {strides = array<i32>} : memref<64x64xf32, #tpu.memory_space<vmem>>, vector<1x16xf32>,
    %swap3A_1249 = arith.constant 41 : i32
    %swap3A_1250 = arith.index_cast %swap3A_1249 : i32 to index
    %swap3A_1251 = arith.constant 48 : index
    %swap3A_1252 = tpu.vector_load %arg16[%swap3A_1250, %swap3A_1251] {strides = array<i32>} : memref<64x64xf32, #tpu.memory_space<vmem>>, vector<1x16xf32>,
    %swap3A_1253 = vector.shape_cast %swap3A_1252 : vector<1x16xf32> to vector<16xf32>
    %swap3A_1254 = vector.shape_cast %broadcast_in_dim3A_1 : vector<16xf32> to vector<1x16xf32>
    tpu.vector_store %arg16[%swap3A_1250, %swap3A_1251], %swap3A_1254 {strides = array<i32>} : memref<64x64xf32, #tpu.memory_space<vmem>>, vector<1x16xf32>,
    %swap3A_1255 = arith.constant 41 : i32
    %swap3A_1256 = arith.index_cast %swap3A_1255 : i32 to index
    %swap3A_1257 = arith.constant 0 : index
    %swap3A_1258 = tpu.vector_load %arg17[%swap3A_1256, %swap3A_1257] {strides = array<i32>} : memref<64x16xf32, #tpu.memory_space<vmem>>, vector<1x16xf32>,
    %swap3A_1259 = vector.shape_cast %swap3A_1258 : vector<1x16xf32> to vector<16xf32>
    %swap3A_1260 = vector.shape_cast %broadcast_in_dim3A_1 : vector<16xf32> to vector<1x16xf32>
    tpu.vector_store %arg17[%swap3A_1256, %swap3A_1257], %swap3A_1260 {strides = array<i32>} : memref<64x16xf32, #tpu.memory_space<vmem>>, vector<1x16xf32>,
    %swap3A_1261 = arith.constant 42 : i32
    %swap3A_1262 = arith.index_cast %swap3A_1261 : i32 to index
    %swap3A_1263 = arith.constant 0 : index
    %swap3A_1264 = tpu.vector_load %arg16[%swap3A_1262, %swap3A_1263] {strides = array<i32>} : memref<64x64xf32, #tpu.memory_space<vmem>>, vector<1x16xf32>,
    %swap3A_1265 = vector.shape_cast %swap3A_1264 : vector<1x16xf32> to vector<16xf32>
    %swap3A_1266 = vector.shape_cast %broadcast_in_dim3A_1 : vector<16xf32> to vector<1x16xf32>
    tpu.vector_store %arg16[%swap3A_1262, %swap3A_1263], %swap3A_1266 {strides = array<i32>} : memref<64x64xf32, #tpu.memory_space<vmem>>, vector<1x16xf32>,
    %swap3A_1267 = arith.constant 42 : i32
    %swap3A_1268 = arith.index_cast %swap3A_1267 : i32 to index
    %swap3A_1269 = arith.constant 16 : index
    %swap3A_1270 = tpu.vector_load %arg16[%swap3A_1268, %swap3A_1269] {strides = array<i32>} : memref<64x64xf32, #tpu.memory_space<vmem>>, vector<1x16xf32>,
    %swap3A_1271 = vector.shape_cast %swap3A_1270 : vector<1x16xf32> to vector<16xf32>
    %swap3A_1272 = vector.shape_cast %broadcast_in_dim3A_1 : vector<16xf32> to vector<1x16xf32>
    tpu.vector_store %arg16[%swap3A_1268, %swap3A_1269], %swap3A_1272 {strides = array<i32>} : memref<64x64xf32, #tpu.memory_space<vmem>>, vector<1x16xf32>,
    %swap3A_1273 = arith.constant 42 : i32
    %swap3A_1274 = arith.index_cast %swap3A_1273 : i32 to index
    %swap3A_1275 = arith.constant 32 : index
    %swap3A_1276 = tpu.vector_load %arg16[%swap3A_1274, %swap3A_1275] {strides = array<i32>} : memref<64x64xf32, #tpu.memory_space<vmem>>, vector<1x16xf32>,
    %swap3A_1277 = vector.shape_cast %swap3A_1276 : vector<1x16xf32> to vector<16xf32>
    %swap3A_1278 = vector.shape_cast %broadcast_in_dim3A_1 : vector<16xf32> to vector<1x16xf32>
    tpu.vector_store %arg16[%swap3A_1274, %swap3A_1275], %swap3A_1278 {strides = array<i32>} : memref<64x64xf32, #tpu.memory_space<vmem>>, vector<1x16xf32>,
    %swap3A_1279 = arith.constant 42 : i32
    %swap3A_1280 = arith.index_cast %swap3A_1279 : i32 to index
    %swap3A_1281 = arith.constant 48 : index
    %swap3A_1282 = tpu.vector_load %arg16[%swap3A_1280, %swap3A_1281] {strides = array<i32>} : memref<64x64xf32, #tpu.memory_space<vmem>>, vector<1x16xf32>,
    %swap3A_1283 = vector.shape_cast %swap3A_1282 : vector<1x16xf32> to vector<16xf32>
    %swap3A_1284 = vector.shape_cast %broadcast_in_dim3A_1 : vector<16xf32> to vector<1x16xf32>
    tpu.vector_store %arg16[%swap3A_1280, %swap3A_1281], %swap3A_1284 {strides = array<i32>} : memref<64x64xf32, #tpu.memory_space<vmem>>, vector<1x16xf32>,
    %swap3A_1285 = arith.constant 42 : i32
    %swap3A_1286 = arith.index_cast %swap3A_1285 : i32 to index
    %swap3A_1287 = arith.constant 0 : index
    %swap3A_1288 = tpu.vector_load %arg17[%swap3A_1286, %swap3A_1287] {strides = array<i32>} : memref<64x16xf32, #tpu.memory_space<vmem>>, vector<1x16xf32>,
    %swap3A_1289 = vector.shape_cast %swap3A_1288 : vector<1x16xf32> to vector<16xf32>
    %swap3A_1290 = vector.shape_cast %broadcast_in_dim3A_1 : vector<16xf32> to vector<1x16xf32>
    tpu.vector_store %arg17[%swap3A_1286, %swap3A_1287], %swap3A_1290 {strides = array<i32>} : memref<64x16xf32, #tpu.memory_space<vmem>>, vector<1x16xf32>,
    %swap3A_1291 = arith.constant 43 : i32
    %swap3A_1292 = arith.index_cast %swap3A_1291 : i32 to index
    %swap3A_1293 = arith.constant 0 : index
    %swap3A_1294 = tpu.vector_load %arg16[%swap3A_1292, %swap3A_1293] {strides = array<i32>} : memref<64x64xf32, #tpu.memory_space<vmem>>, vector<1x16xf32>,
    %swap3A_1295 = vector.shape_cast %swap3A_1294 : vector<1x16xf32> to vector<16xf32>
    %swap3A_1296 = vector.shape_cast %broadcast_in_dim3A_1 : vector<16xf32> to vector<1x16xf32>
    tpu.vector_store %arg16[%swap3A_1292, %swap3A_1293], %swap3A_1296 {strides = array<i32>} : memref<64x64xf32, #tpu.memory_space<vmem>>, vector<1x16xf32>,
    %swap3A_1297 = arith.constant 43 : i32
    %swap3A_1298 = arith.index_cast %swap3A_1297 : i32 to index
    %swap3A_1299 = arith.constant 16 : index
    %swap3A_1300 = tpu.vector_load %arg16[%swap3A_1298, %swap3A_1299] {strides = array<i32>} : memref<64x64xf32, #tpu.memory_space<vmem>>, vector<1x16xf32>,
    %swap3A_1301 = vector.shape_cast %swap3A_1300 : vector<1x16xf32> to vector<16xf32>
    %swap3A_1302 = vector.shape_cast %broadcast_in_dim3A_1 : vector<16xf32> to vector<1x16xf32>
    tpu.vector_store %arg16[%swap3A_1298, %swap3A_1299], %swap3A_1302 {strides = array<i32>} : memref<64x64xf32, #tpu.memory_space<vmem>>, vector<1x16xf32>,
    %swap3A_1303 = arith.constant 43 : i32
    %swap3A_1304 = arith.index_cast %swap3A_1303 : i32 to index
    %swap3A_1305 = arith.constant 32 : index
    %swap3A_1306 = tpu.vector_load %arg16[%swap3A_1304, %swap3A_1305] {strides = array<i32>} : memref<64x64xf32, #tpu.memory_space<vmem>>, vector<1x16xf32>,
    %swap3A_1307 = vector.shape_cast %swap3A_1306 : vector<1x16xf32> to vector<16xf32>
    %swap3A_1308 = vector.shape_cast %broadcast_in_dim3A_1 : vector<16xf32> to vector<1x16xf32>
    tpu.vector_store %arg16[%swap3A_1304, %swap3A_1305], %swap3A_1308 {strides = array<i32>} : memref<64x64xf32, #tpu.memory_space<vmem>>, vector<1x16xf32>,
    %swap3A_1309 = arith.constant 43 : i32
    %swap3A_1310 = arith.index_cast %swap3A_1309 : i32 to index
    %swap3A_1311 = arith.constant 48 : index
    %swap3A_1312 = tpu.vector_load %arg16[%swap3A_1310, %swap3A_1311] {strides = array<i32>} : memref<64x64xf32, #tpu.memory_space<vmem>>, vector<1x16xf32>,
    %swap3A_1313 = vector.shape_cast %swap3A_1312 : vector<1x16xf32> to vector<16xf32>
    %swap3A_1314 = vector.shape_cast %broadcast_in_dim3A_1 : vector<16xf32> to vector<1x16xf32>
    tpu.vector_store %arg16[%swap3A_1310, %swap3A_1311], %swap3A_1314 {strides = array<i32>} : memref<64x64xf32, #tpu.memory_space<vmem>>, vector<1x16xf32>,
    %swap3A_1315 = arith.constant 43 : i32
    %swap3A_1316 = arith.index_cast %swap3A_1315 : i32 to index
    %swap3A_1317 = arith.constant 0 : index
    %swap3A_1318 = tpu.vector_load %arg17[%swap3A_1316, %swap3A_1317] {strides = array<i32>} : memref<64x16xf32, #tpu.memory_space<vmem>>, vector<1x16xf32>,
    %swap3A_1319 = vector.shape_cast %swap3A_1318 : vector<1x16xf32> to vector<16xf32>
    %swap3A_1320 = vector.shape_cast %broadcast_in_dim3A_1 : vector<16xf32> to vector<1x16xf32>
    tpu.vector_store %arg17[%swap3A_1316, %swap3A_1317], %swap3A_1320 {strides = array<i32>} : memref<64x16xf32, #tpu.memory_space<vmem>>, vector<1x16xf32>,
    %swap3A_1321 = arith.constant 44 : i32
    %swap3A_1322 = arith.index_cast %swap3A_1321 : i32 to index
    %swap3A_1323 = arith.constant 0 : index
    %swap3A_1324 = tpu.vector_load %arg16[%swap3A_1322, %swap3A_1323] {strides = array<i32>} : memref<64x64xf32, #tpu.memory_space<vmem>>, vector<1x16xf32>,
    %swap3A_1325 = vector.shape_cast %swap3A_1324 : vector<1x16xf32> to vector<16xf32>
    %swap3A_1326 = vector.shape_cast %broadcast_in_dim3A_1 : vector<16xf32> to vector<1x16xf32>
    tpu.vector_store %arg16[%swap3A_1322, %swap3A_1323], %swap3A_1326 {strides = array<i32>} : memref<64x64xf32, #tpu.memory_space<vmem>>, vector<1x16xf32>,
    %swap3A_1327 = arith.constant 44 : i32
    %swap3A_1328 = arith.index_cast %swap3A_1327 : i32 to index
    %swap3A_1329 = arith.constant 16 : index
    %swap3A_1330 = tpu.vector_load %arg16[%swap3A_1328, %swap3A_1329] {strides = array<i32>} : memref<64x64xf32, #tpu.memory_space<vmem>>, vector<1x16xf32>,
    %swap3A_1331 = vector.shape_cast %swap3A_1330 : vector<1x16xf32> to vector<16xf32>
    %swap3A_1332 = vector.shape_cast %broadcast_in_dim3A_1 : vector<16xf32> to vector<1x16xf32>
    tpu.vector_store %arg16[%swap3A_1328, %swap3A_1329], %swap3A_1332 {strides = array<i32>} : memref<64x64xf32, #tpu.memory_space<vmem>>, vector<1x16xf32>,
    %swap3A_1333 = arith.constant 44 : i32
    %swap3A_1334 = arith.index_cast %swap3A_1333 : i32 to index
    %swap3A_1335 = arith.constant 32 : index
    %swap3A_1336 = tpu.vector_load %arg16[%swap3A_1334, %swap3A_1335] {strides = array<i32>} : memref<64x64xf32, #tpu.memory_space<vmem>>, vector<1x16xf32>,
    %swap3A_1337 = vector.shape_cast %swap3A_1336 : vector<1x16xf32> to vector<16xf32>
    %swap3A_1338 = vector.shape_cast %broadcast_in_dim3A_1 : vector<16xf32> to vector<1x16xf32>
    tpu.vector_store %arg16[%swap3A_1334, %swap3A_1335], %swap3A_1338 {strides = array<i32>} : memref<64x64xf32, #tpu.memory_space<vmem>>, vector<1x16xf32>,
    %swap3A_1339 = arith.constant 44 : i32
    %swap3A_1340 = arith.index_cast %swap3A_1339 : i32 to index
    %swap3A_1341 = arith.constant 48 : index
    %swap3A_1342 = tpu.vector_load %arg16[%swap3A_1340, %swap3A_1341] {strides = array<i32>} : memref<64x64xf32, #tpu.memory_space<vmem>>, vector<1x16xf32>,
    %swap3A_1343 = vector.shape_cast %swap3A_1342 : vector<1x16xf32> to vector<16xf32>
    %swap3A_1344 = vector.shape_cast %broadcast_in_dim3A_1 : vector<16xf32> to vector<1x16xf32>
    tpu.vector_store %arg16[%swap3A_1340, %swap3A_1341], %swap3A_1344 {strides = array<i32>} : memref<64x64xf32, #tpu.memory_space<vmem>>, vector<1x16xf32>,
    %swap3A_1345 = arith.constant 44 : i32
    %swap3A_1346 = arith.index_cast %swap3A_1345 : i32 to index
    %swap3A_1347 = arith.constant 0 : index
    %swap3A_1348 = tpu.vector_load %arg17[%swap3A_1346, %swap3A_1347] {strides = array<i32>} : memref<64x16xf32, #tpu.memory_space<vmem>>, vector<1x16xf32>,
    %swap3A_1349 = vector.shape_cast %swap3A_1348 : vector<1x16xf32> to vector<16xf32>
    %swap3A_1350 = vector.shape_cast %broadcast_in_dim3A_1 : vector<16xf32> to vector<1x16xf32>
    tpu.vector_store %arg17[%swap3A_1346, %swap3A_1347], %swap3A_1350 {strides = array<i32>} : memref<64x16xf32, #tpu.memory_space<vmem>>, vector<1x16xf32>,
    %swap3A_1351 = arith.constant 45 : i32
    %swap3A_1352 = arith.index_cast %swap3A_1351 : i32 to index
    %swap3A_1353 = arith.constant 0 : index
    %swap3A_1354 = tpu.vector_load %arg16[%swap3A_1352, %swap3A_1353] {strides = array<i32>} : memref<64x64xf32, #tpu.memory_space<vmem>>, vector<1x16xf32>,
    %swap3A_1355 = vector.shape_cast %swap3A_1354 : vector<1x16xf32> to vector<16xf32>
    %swap3A_1356 = vector.shape_cast %broadcast_in_dim3A_1 : vector<16xf32> to vector<1x16xf32>
    tpu.vector_store %arg16[%swap3A_1352, %swap3A_1353], %swap3A_1356 {strides = array<i32>} : memref<64x64xf32, #tpu.memory_space<vmem>>, vector<1x16xf32>,
    %swap3A_1357 = arith.constant 45 : i32
    %swap3A_1358 = arith.index_cast %swap3A_1357 : i32 to index
    %swap3A_1359 = arith.constant 16 : index
    %swap3A_1360 = tpu.vector_load %arg16[%swap3A_1358, %swap3A_1359] {strides = array<i32>} : memref<64x64xf32, #tpu.memory_space<vmem>>, vector<1x16xf32>,
    %swap3A_1361 = vector.shape_cast %swap3A_1360 : vector<1x16xf32> to vector<16xf32>
    %swap3A_1362 = vector.shape_cast %broadcast_in_dim3A_1 : vector<16xf32> to vector<1x16xf32>
    tpu.vector_store %arg16[%swap3A_1358, %swap3A_1359], %swap3A_1362 {strides = array<i32>} : memref<64x64xf32, #tpu.memory_space<vmem>>, vector<1x16xf32>,
    %swap3A_1363 = arith.constant 45 : i32
    %swap3A_1364 = arith.index_cast %swap3A_1363 : i32 to index
    %swap3A_1365 = arith.constant 32 : index
    %swap3A_1366 = tpu.vector_load %arg16[%swap3A_1364, %swap3A_1365] {strides = array<i32>} : memref<64x64xf32, #tpu.memory_space<vmem>>, vector<1x16xf32>,
    %swap3A_1367 = vector.shape_cast %swap3A_1366 : vector<1x16xf32> to vector<16xf32>
    %swap3A_1368 = vector.shape_cast %broadcast_in_dim3A_1 : vector<16xf32> to vector<1x16xf32>
    tpu.vector_store %arg16[%swap3A_1364, %swap3A_1365], %swap3A_1368 {strides = array<i32>} : memref<64x64xf32, #tpu.memory_space<vmem>>, vector<1x16xf32>,
    %swap3A_1369 = arith.constant 45 : i32
    %swap3A_1370 = arith.index_cast %swap3A_1369 : i32 to index
    %swap3A_1371 = arith.constant 48 : index
    %swap3A_1372 = tpu.vector_load %arg16[%swap3A_1370, %swap3A_1371] {strides = array<i32>} : memref<64x64xf32, #tpu.memory_space<vmem>>, vector<1x16xf32>,
    %swap3A_1373 = vector.shape_cast %swap3A_1372 : vector<1x16xf32> to vector<16xf32>
    %swap3A_1374 = vector.shape_cast %broadcast_in_dim3A_1 : vector<16xf32> to vector<1x16xf32>
    tpu.vector_store %arg16[%swap3A_1370, %swap3A_1371], %swap3A_1374 {strides = array<i32>} : memref<64x64xf32, #tpu.memory_space<vmem>>, vector<1x16xf32>,
    %swap3A_1375 = arith.constant 45 : i32
    %swap3A_1376 = arith.index_cast %swap3A_1375 : i32 to index
    %swap3A_1377 = arith.constant 0 : index
    %swap3A_1378 = tpu.vector_load %arg17[%swap3A_1376, %swap3A_1377] {strides = array<i32>} : memref<64x16xf32, #tpu.memory_space<vmem>>, vector<1x16xf32>,
    %swap3A_1379 = vector.shape_cast %swap3A_1378 : vector<1x16xf32> to vector<16xf32>
    %swap3A_1380 = vector.shape_cast %broadcast_in_dim3A_1 : vector<16xf32> to vector<1x16xf32>
    tpu.vector_store %arg17[%swap3A_1376, %swap3A_1377], %swap3A_1380 {strides = array<i32>} : memref<64x16xf32, #tpu.memory_space<vmem>>, vector<1x16xf32>,
    %swap3A_1381 = arith.constant 46 : i32
    %swap3A_1382 = arith.index_cast %swap3A_1381 : i32 to index
    %swap3A_1383 = arith.constant 0 : index
    %swap3A_1384 = tpu.vector_load %arg16[%swap3A_1382, %swap3A_1383] {strides = array<i32>} : memref<64x64xf32, #tpu.memory_space<vmem>>, vector<1x16xf32>,
    %swap3A_1385 = vector.shape_cast %swap3A_1384 : vector<1x16xf32> to vector<16xf32>
    %swap3A_1386 = vector.shape_cast %broadcast_in_dim3A_1 : vector<16xf32> to vector<1x16xf32>
    tpu.vector_store %arg16[%swap3A_1382, %swap3A_1383], %swap3A_1386 {strides = array<i32>} : memref<64x64xf32, #tpu.memory_space<vmem>>, vector<1x16xf32>,
    %swap3A_1387 = arith.constant 46 : i32
    %swap3A_1388 = arith.index_cast %swap3A_1387 : i32 to index
    %swap3A_1389 = arith.constant 16 : index
    %swap3A_1390 = tpu.vector_load %arg16[%swap3A_1388, %swap3A_1389] {strides = array<i32>} : memref<64x64xf32, #tpu.memory_space<vmem>>, vector<1x16xf32>,
    %swap3A_1391 = vector.shape_cast %swap3A_1390 : vector<1x16xf32> to vector<16xf32>
    %swap3A_1392 = vector.shape_cast %broadcast_in_dim3A_1 : vector<16xf32> to vector<1x16xf32>
    tpu.vector_store %arg16[%swap3A_1388, %swap3A_1389], %swap3A_1392 {strides = array<i32>} : memref<64x64xf32, #tpu.memory_space<vmem>>, vector<1x16xf32>,
    %swap3A_1393 = arith.constant 46 : i32
    %swap3A_1394 = arith.index_cast %swap3A_1393 : i32 to index
    %swap3A_1395 = arith.constant 32 : index
    %swap3A_1396 = tpu.vector_load %arg16[%swap3A_1394, %swap3A_1395] {strides = array<i32>} : memref<64x64xf32, #tpu.memory_space<vmem>>, vector<1x16xf32>,
    %swap3A_1397 = vector.shape_cast %swap3A_1396 : vector<1x16xf32> to vector<16xf32>
    %swap3A_1398 = vector.shape_cast %broadcast_in_dim3A_1 : vector<16xf32> to vector<1x16xf32>
    tpu.vector_store %arg16[%swap3A_1394, %swap3A_1395], %swap3A_1398 {strides = array<i32>} : memref<64x64xf32, #tpu.memory_space<vmem>>, vector<1x16xf32>,
    %swap3A_1399 = arith.constant 46 : i32
    %swap3A_1400 = arith.index_cast %swap3A_1399 : i32 to index
    %swap3A_1401 = arith.constant 48 : index
    %swap3A_1402 = tpu.vector_load %arg16[%swap3A_1400, %swap3A_1401] {strides = array<i32>} : memref<64x64xf32, #tpu.memory_space<vmem>>, vector<1x16xf32>,
    %swap3A_1403 = vector.shape_cast %swap3A_1402 : vector<1x16xf32> to vector<16xf32>
    %swap3A_1404 = vector.shape_cast %broadcast_in_dim3A_1 : vector<16xf32> to vector<1x16xf32>
    tpu.vector_store %arg16[%swap3A_1400, %swap3A_1401], %swap3A_1404 {strides = array<i32>} : memref<64x64xf32, #tpu.memory_space<vmem>>, vector<1x16xf32>,
    %swap3A_1405 = arith.constant 46 : i32
    %swap3A_1406 = arith.index_cast %swap3A_1405 : i32 to index
    %swap3A_1407 = arith.constant 0 : index
    %swap3A_1408 = tpu.vector_load %arg17[%swap3A_1406, %swap3A_1407] {strides = array<i32>} : memref<64x16xf32, #tpu.memory_space<vmem>>, vector<1x16xf32>,
    %swap3A_1409 = vector.shape_cast %swap3A_1408 : vector<1x16xf32> to vector<16xf32>
    %swap3A_1410 = vector.shape_cast %broadcast_in_dim3A_1 : vector<16xf32> to vector<1x16xf32>
    tpu.vector_store %arg17[%swap3A_1406, %swap3A_1407], %swap3A_1410 {strides = array<i32>} : memref<64x16xf32, #tpu.memory_space<vmem>>, vector<1x16xf32>,
    %swap3A_1411 = arith.constant 47 : i32
    %swap3A_1412 = arith.index_cast %swap3A_1411 : i32 to index
    %swap3A_1413 = arith.constant 0 : index
    %swap3A_1414 = tpu.vector_load %arg16[%swap3A_1412, %swap3A_1413] {strides = array<i32>} : memref<64x64xf32, #tpu.memory_space<vmem>>, vector<1x16xf32>,
    %swap3A_1415 = vector.shape_cast %swap3A_1414 : vector<1x16xf32> to vector<16xf32>
    %swap3A_1416 = vector.shape_cast %broadcast_in_dim3A_1 : vector<16xf32> to vector<1x16xf32>
    tpu.vector_store %arg16[%swap3A_1412, %swap3A_1413], %swap3A_1416 {strides = array<i32>} : memref<64x64xf32, #tpu.memory_space<vmem>>, vector<1x16xf32>,
    %swap3A_1417 = arith.constant 47 : i32
    %swap3A_1418 = arith.index_cast %swap3A_1417 : i32 to index
    %swap3A_1419 = arith.constant 16 : index
    %swap3A_1420 = tpu.vector_load %arg16[%swap3A_1418, %swap3A_1419] {strides = array<i32>} : memref<64x64xf32, #tpu.memory_space<vmem>>, vector<1x16xf32>,
    %swap3A_1421 = vector.shape_cast %swap3A_1420 : vector<1x16xf32> to vector<16xf32>
    %swap3A_1422 = vector.shape_cast %broadcast_in_dim3A_1 : vector<16xf32> to vector<1x16xf32>
    tpu.vector_store %arg16[%swap3A_1418, %swap3A_1419], %swap3A_1422 {strides = array<i32>} : memref<64x64xf32, #tpu.memory_space<vmem>>, vector<1x16xf32>,
    %swap3A_1423 = arith.constant 47 : i32
    %swap3A_1424 = arith.index_cast %swap3A_1423 : i32 to index
    %swap3A_1425 = arith.constant 32 : index
    %swap3A_1426 = tpu.vector_load %arg16[%swap3A_1424, %swap3A_1425] {strides = array<i32>} : memref<64x64xf32, #tpu.memory_space<vmem>>, vector<1x16xf32>,
    %swap3A_1427 = vector.shape_cast %swap3A_1426 : vector<1x16xf32> to vector<16xf32>
    %swap3A_1428 = vector.shape_cast %broadcast_in_dim3A_1 : vector<16xf32> to vector<1x16xf32>
    tpu.vector_store %arg16[%swap3A_1424, %swap3A_1425], %swap3A_1428 {strides = array<i32>} : memref<64x64xf32, #tpu.memory_space<vmem>>, vector<1x16xf32>,
    %swap3A_1429 = arith.constant 47 : i32
    %swap3A_1430 = arith.index_cast %swap3A_1429 : i32 to index
    %swap3A_1431 = arith.constant 48 : index
    %swap3A_1432 = tpu.vector_load %arg16[%swap3A_1430, %swap3A_1431] {strides = array<i32>} : memref<64x64xf32, #tpu.memory_space<vmem>>, vector<1x16xf32>,
    %swap3A_1433 = vector.shape_cast %swap3A_1432 : vector<1x16xf32> to vector<16xf32>
    %swap3A_1434 = vector.shape_cast %broadcast_in_dim3A_1 : vector<16xf32> to vector<1x16xf32>
    tpu.vector_store %arg16[%swap3A_1430, %swap3A_1431], %swap3A_1434 {strides = array<i32>} : memref<64x64xf32, #tpu.memory_space<vmem>>, vector<1x16xf32>,
    %swap3A_1435 = arith.constant 47 : i32
    %swap3A_1436 = arith.index_cast %swap3A_1435 : i32 to index
    %swap3A_1437 = arith.constant 0 : index
    %swap3A_1438 = tpu.vector_load %arg17[%swap3A_1436, %swap3A_1437] {strides = array<i32>} : memref<64x16xf32, #tpu.memory_space<vmem>>, vector<1x16xf32>,
    %swap3A_1439 = vector.shape_cast %swap3A_1438 : vector<1x16xf32> to vector<16xf32>
    %swap3A_1440 = vector.shape_cast %broadcast_in_dim3A_1 : vector<16xf32> to vector<1x16xf32>
    tpu.vector_store %arg17[%swap3A_1436, %swap3A_1437], %swap3A_1440 {strides = array<i32>} : memref<64x16xf32, #tpu.memory_space<vmem>>, vector<1x16xf32>,
    %swap3A_1441 = arith.constant 48 : i32
    %swap3A_1442 = arith.index_cast %swap3A_1441 : i32 to index
    %swap3A_1443 = arith.constant 0 : index
    %swap3A_1444 = tpu.vector_load %arg16[%swap3A_1442, %swap3A_1443] {strides = array<i32>} : memref<64x64xf32, #tpu.memory_space<vmem>>, vector<1x16xf32>,
    %swap3A_1445 = vector.shape_cast %swap3A_1444 : vector<1x16xf32> to vector<16xf32>
    %swap3A_1446 = vector.shape_cast %broadcast_in_dim3A_1 : vector<16xf32> to vector<1x16xf32>
    tpu.vector_store %arg16[%swap3A_1442, %swap3A_1443], %swap3A_1446 {strides = array<i32>} : memref<64x64xf32, #tpu.memory_space<vmem>>, vector<1x16xf32>,
    %swap3A_1447 = arith.constant 48 : i32
    %swap3A_1448 = arith.index_cast %swap3A_1447 : i32 to index
    %swap3A_1449 = arith.constant 16 : index
    %swap3A_1450 = tpu.vector_load %arg16[%swap3A_1448, %swap3A_1449] {strides = array<i32>} : memref<64x64xf32, #tpu.memory_space<vmem>>, vector<1x16xf32>,
    %swap3A_1451 = vector.shape_cast %swap3A_1450 : vector<1x16xf32> to vector<16xf32>
    %swap3A_1452 = vector.shape_cast %broadcast_in_dim3A_1 : vector<16xf32> to vector<1x16xf32>
    tpu.vector_store %arg16[%swap3A_1448, %swap3A_1449], %swap3A_1452 {strides = array<i32>} : memref<64x64xf32, #tpu.memory_space<vmem>>, vector<1x16xf32>,
    %swap3A_1453 = arith.constant 48 : i32
    %swap3A_1454 = arith.index_cast %swap3A_1453 : i32 to index
    %swap3A_1455 = arith.constant 32 : index
    %swap3A_1456 = tpu.vector_load %arg16[%swap3A_1454, %swap3A_1455] {strides = array<i32>} : memref<64x64xf32, #tpu.memory_space<vmem>>, vector<1x16xf32>,
    %swap3A_1457 = vector.shape_cast %swap3A_1456 : vector<1x16xf32> to vector<16xf32>
    %swap3A_1458 = vector.shape_cast %broadcast_in_dim3A_1 : vector<16xf32> to vector<1x16xf32>
    tpu.vector_store %arg16[%swap3A_1454, %swap3A_1455], %swap3A_1458 {strides = array<i32>} : memref<64x64xf32, #tpu.memory_space<vmem>>, vector<1x16xf32>,
    %swap3A_1459 = arith.constant 48 : i32
    %swap3A_1460 = arith.index_cast %swap3A_1459 : i32 to index
    %swap3A_1461 = arith.constant 48 : index
    %swap3A_1462 = tpu.vector_load %arg16[%swap3A_1460, %swap3A_1461] {strides = array<i32>} : memref<64x64xf32, #tpu.memory_space<vmem>>, vector<1x16xf32>,
    %swap3A_1463 = vector.shape_cast %swap3A_1462 : vector<1x16xf32> to vector<16xf32>
    %swap3A_1464 = vector.shape_cast %broadcast_in_dim3A_1 : vector<16xf32> to vector<1x16xf32>
    tpu.vector_store %arg16[%swap3A_1460, %swap3A_1461], %swap3A_1464 {strides = array<i32>} : memref<64x64xf32, #tpu.memory_space<vmem>>, vector<1x16xf32>,
    %swap3A_1465 = arith.constant 48 : i32
    %swap3A_1466 = arith.index_cast %swap3A_1465 : i32 to index
    %swap3A_1467 = arith.constant 0 : index
    %swap3A_1468 = tpu.vector_load %arg17[%swap3A_1466, %swap3A_1467] {strides = array<i32>} : memref<64x16xf32, #tpu.memory_space<vmem>>, vector<1x16xf32>,
    %swap3A_1469 = vector.shape_cast %swap3A_1468 : vector<1x16xf32> to vector<16xf32>
    %swap3A_1470 = vector.shape_cast %broadcast_in_dim3A_1 : vector<16xf32> to vector<1x16xf32>
    tpu.vector_store %arg17[%swap3A_1466, %swap3A_1467], %swap3A_1470 {strides = array<i32>} : memref<64x16xf32, #tpu.memory_space<vmem>>, vector<1x16xf32>,
    %swap3A_1471 = arith.constant 49 : i32
    %swap3A_1472 = arith.index_cast %swap3A_1471 : i32 to index
    %swap3A_1473 = arith.constant 0 : index
    %swap3A_1474 = tpu.vector_load %arg16[%swap3A_1472, %swap3A_1473] {strides = array<i32>} : memref<64x64xf32, #tpu.memory_space<vmem>>, vector<1x16xf32>,
    %swap3A_1475 = vector.shape_cast %swap3A_1474 : vector<1x16xf32> to vector<16xf32>
    %swap3A_1476 = vector.shape_cast %broadcast_in_dim3A_1 : vector<16xf32> to vector<1x16xf32>
    tpu.vector_store %arg16[%swap3A_1472, %swap3A_1473], %swap3A_1476 {strides = array<i32>} : memref<64x64xf32, #tpu.memory_space<vmem>>, vector<1x16xf32>,
    %swap3A_1477 = arith.constant 49 : i32
    %swap3A_1478 = arith.index_cast %swap3A_1477 : i32 to index
    %swap3A_1479 = arith.constant 16 : index
    %swap3A_1480 = tpu.vector_load %arg16[%swap3A_1478, %swap3A_1479] {strides = array<i32>} : memref<64x64xf32, #tpu.memory_space<vmem>>, vector<1x16xf32>,
    %swap3A_1481 = vector.shape_cast %swap3A_1480 : vector<1x16xf32> to vector<16xf32>
    %swap3A_1482 = vector.shape_cast %broadcast_in_dim3A_1 : vector<16xf32> to vector<1x16xf32>
    tpu.vector_store %arg16[%swap3A_1478, %swap3A_1479], %swap3A_1482 {strides = array<i32>} : memref<64x64xf32, #tpu.memory_space<vmem>>, vector<1x16xf32>,
    %swap3A_1483 = arith.constant 49 : i32
    %swap3A_1484 = arith.index_cast %swap3A_1483 : i32 to index
    %swap3A_1485 = arith.constant 32 : index
    %swap3A_1486 = tpu.vector_load %arg16[%swap3A_1484, %swap3A_1485] {strides = array<i32>} : memref<64x64xf32, #tpu.memory_space<vmem>>, vector<1x16xf32>,
    %swap3A_1487 = vector.shape_cast %swap3A_1486 : vector<1x16xf32> to vector<16xf32>
    %swap3A_1488 = vector.shape_cast %broadcast_in_dim3A_1 : vector<16xf32> to vector<1x16xf32>
    tpu.vector_store %arg16[%swap3A_1484, %swap3A_1485], %swap3A_1488 {strides = array<i32>} : memref<64x64xf32, #tpu.memory_space<vmem>>, vector<1x16xf32>,
    %swap3A_1489 = arith.constant 49 : i32
    %swap3A_1490 = arith.index_cast %swap3A_1489 : i32 to index
    %swap3A_1491 = arith.constant 48 : index
    %swap3A_1492 = tpu.vector_load %arg16[%swap3A_1490, %swap3A_1491] {strides = array<i32>} : memref<64x64xf32, #tpu.memory_space<vmem>>, vector<1x16xf32>,
    %swap3A_1493 = vector.shape_cast %swap3A_1492 : vector<1x16xf32> to vector<16xf32>
    %swap3A_1494 = vector.shape_cast %broadcast_in_dim3A_1 : vector<16xf32> to vector<1x16xf32>
    tpu.vector_store %arg16[%swap3A_1490, %swap3A_1491], %swap3A_1494 {strides = array<i32>} : memref<64x64xf32, #tpu.memory_space<vmem>>, vector<1x16xf32>,
    %swap3A_1495 = arith.constant 49 : i32
    %swap3A_1496 = arith.index_cast %swap3A_1495 : i32 to index
    %swap3A_1497 = arith.constant 0 : index
    %swap3A_1498 = tpu.vector_load %arg17[%swap3A_1496, %swap3A_1497] {strides = array<i32>} : memref<64x16xf32, #tpu.memory_space<vmem>>, vector<1x16xf32>,
    %swap3A_1499 = vector.shape_cast %swap3A_1498 : vector<1x16xf32> to vector<16xf32>
    %swap3A_1500 = vector.shape_cast %broadcast_in_dim3A_1 : vector<16xf32> to vector<1x16xf32>
    tpu.vector_store %arg17[%swap3A_1496, %swap3A_1497], %swap3A_1500 {strides = array<i32>} : memref<64x16xf32, #tpu.memory_space<vmem>>, vector<1x16xf32>,
    %swap3A_1501 = arith.constant 50 : i32
    %swap3A_1502 = arith.index_cast %swap3A_1501 : i32 to index
    %swap3A_1503 = arith.constant 0 : index
    %swap3A_1504 = tpu.vector_load %arg16[%swap3A_1502, %swap3A_1503] {strides = array<i32>} : memref<64x64xf32, #tpu.memory_space<vmem>>, vector<1x16xf32>,
    %swap3A_1505 = vector.shape_cast %swap3A_1504 : vector<1x16xf32> to vector<16xf32>
    %swap3A_1506 = vector.shape_cast %broadcast_in_dim3A_1 : vector<16xf32> to vector<1x16xf32>
    tpu.vector_store %arg16[%swap3A_1502, %swap3A_1503], %swap3A_1506 {strides = array<i32>} : memref<64x64xf32, #tpu.memory_space<vmem>>, vector<1x16xf32>,
    %swap3A_1507 = arith.constant 50 : i32
    %swap3A_1508 = arith.index_cast %swap3A_1507 : i32 to index
    %swap3A_1509 = arith.constant 16 : index
    %swap3A_1510 = tpu.vector_load %arg16[%swap3A_1508, %swap3A_1509] {strides = array<i32>} : memref<64x64xf32, #tpu.memory_space<vmem>>, vector<1x16xf32>,
    %swap3A_1511 = vector.shape_cast %swap3A_1510 : vector<1x16xf32> to vector<16xf32>
    %swap3A_1512 = vector.shape_cast %broadcast_in_dim3A_1 : vector<16xf32> to vector<1x16xf32>
    tpu.vector_store %arg16[%swap3A_1508, %swap3A_1509], %swap3A_1512 {strides = array<i32>} : memref<64x64xf32, #tpu.memory_space<vmem>>, vector<1x16xf32>,
    %swap3A_1513 = arith.constant 50 : i32
    %swap3A_1514 = arith.index_cast %swap3A_1513 : i32 to index
    %swap3A_1515 = arith.constant 32 : index
    %swap3A_1516 = tpu.vector_load %arg16[%swap3A_1514, %swap3A_1515] {strides = array<i32>} : memref<64x64xf32, #tpu.memory_space<vmem>>, vector<1x16xf32>,
    %swap3A_1517 = vector.shape_cast %swap3A_1516 : vector<1x16xf32> to vector<16xf32>
    %swap3A_1518 = vector.shape_cast %broadcast_in_dim3A_1 : vector<16xf32> to vector<1x16xf32>
    tpu.vector_store %arg16[%swap3A_1514, %swap3A_1515], %swap3A_1518 {strides = array<i32>} : memref<64x64xf32, #tpu.memory_space<vmem>>, vector<1x16xf32>,
    %swap3A_1519 = arith.constant 50 : i32
    %swap3A_1520 = arith.index_cast %swap3A_1519 : i32 to index
    %swap3A_1521 = arith.constant 48 : index
    %swap3A_1522 = tpu.vector_load %arg16[%swap3A_1520, %swap3A_1521] {strides = array<i32>} : memref<64x64xf32, #tpu.memory_space<vmem>>, vector<1x16xf32>,
    %swap3A_1523 = vector.shape_cast %swap3A_1522 : vector<1x16xf32> to vector<16xf32>
    %swap3A_1524 = vector.shape_cast %broadcast_in_dim3A_1 : vector<16xf32> to vector<1x16xf32>
    tpu.vector_store %arg16[%swap3A_1520, %swap3A_1521], %swap3A_1524 {strides = array<i32>} : memref<64x64xf32, #tpu.memory_space<vmem>>, vector<1x16xf32>,
    %swap3A_1525 = arith.constant 50 : i32
    %swap3A_1526 = arith.index_cast %swap3A_1525 : i32 to index
    %swap3A_1527 = arith.constant 0 : index
    %swap3A_1528 = tpu.vector_load %arg17[%swap3A_1526, %swap3A_1527] {strides = array<i32>} : memref<64x16xf32, #tpu.memory_space<vmem>>, vector<1x16xf32>,
    %swap3A_1529 = vector.shape_cast %swap3A_1528 : vector<1x16xf32> to vector<16xf32>
    %swap3A_1530 = vector.shape_cast %broadcast_in_dim3A_1 : vector<16xf32> to vector<1x16xf32>
    tpu.vector_store %arg17[%swap3A_1526, %swap3A_1527], %swap3A_1530 {strides = array<i32>} : memref<64x16xf32, #tpu.memory_space<vmem>>, vector<1x16xf32>,
    %swap3A_1531 = arith.constant 51 : i32
    %swap3A_1532 = arith.index_cast %swap3A_1531 : i32 to index
    %swap3A_1533 = arith.constant 0 : index
    %swap3A_1534 = tpu.vector_load %arg16[%swap3A_1532, %swap3A_1533] {strides = array<i32>} : memref<64x64xf32, #tpu.memory_space<vmem>>, vector<1x16xf32>,
    %swap3A_1535 = vector.shape_cast %swap3A_1534 : vector<1x16xf32> to vector<16xf32>
    %swap3A_1536 = vector.shape_cast %broadcast_in_dim3A_1 : vector<16xf32> to vector<1x16xf32>
    tpu.vector_store %arg16[%swap3A_1532, %swap3A_1533], %swap3A_1536 {strides = array<i32>} : memref<64x64xf32, #tpu.memory_space<vmem>>, vector<1x16xf32>,
    %swap3A_1537 = arith.constant 51 : i32
    %swap3A_1538 = arith.index_cast %swap3A_1537 : i32 to index
    %swap3A_1539 = arith.constant 16 : index
    %swap3A_1540 = tpu.vector_load %arg16[%swap3A_1538, %swap3A_1539] {strides = array<i32>} : memref<64x64xf32, #tpu.memory_space<vmem>>, vector<1x16xf32>,
    %swap3A_1541 = vector.shape_cast %swap3A_1540 : vector<1x16xf32> to vector<16xf32>
    %swap3A_1542 = vector.shape_cast %broadcast_in_dim3A_1 : vector<16xf32> to vector<1x16xf32>
    tpu.vector_store %arg16[%swap3A_1538, %swap3A_1539], %swap3A_1542 {strides = array<i32>} : memref<64x64xf32, #tpu.memory_space<vmem>>, vector<1x16xf32>,
    %swap3A_1543 = arith.constant 51 : i32
    %swap3A_1544 = arith.index_cast %swap3A_1543 : i32 to index
    %swap3A_1545 = arith.constant 32 : index
    %swap3A_1546 = tpu.vector_load %arg16[%swap3A_1544, %swap3A_1545] {strides = array<i32>} : memref<64x64xf32, #tpu.memory_space<vmem>>, vector<1x16xf32>,
    %swap3A_1547 = vector.shape_cast %swap3A_1546 : vector<1x16xf32> to vector<16xf32>
    %swap3A_1548 = vector.shape_cast %broadcast_in_dim3A_1 : vector<16xf32> to vector<1x16xf32>
    tpu.vector_store %arg16[%swap3A_1544, %swap3A_1545], %swap3A_1548 {strides = array<i32>} : memref<64x64xf32, #tpu.memory_space<vmem>>, vector<1x16xf32>,
    %swap3A_1549 = arith.constant 51 : i32
    %swap3A_1550 = arith.index_cast %swap3A_1549 : i32 to index
    %swap3A_1551 = arith.constant 48 : index
    %swap3A_1552 = tpu.vector_load %arg16[%swap3A_1550, %swap3A_1551] {strides = array<i32>} : memref<64x64xf32, #tpu.memory_space<vmem>>, vector<1x16xf32>,
    %swap3A_1553 = vector.shape_cast %swap3A_1552 : vector<1x16xf32> to vector<16xf32>
    %swap3A_1554 = vector.shape_cast %broadcast_in_dim3A_1 : vector<16xf32> to vector<1x16xf32>
    tpu.vector_store %arg16[%swap3A_1550, %swap3A_1551], %swap3A_1554 {strides = array<i32>} : memref<64x64xf32, #tpu.memory_space<vmem>>, vector<1x16xf32>,
    %swap3A_1555 = arith.constant 51 : i32
    %swap3A_1556 = arith.index_cast %swap3A_1555 : i32 to index
    %swap3A_1557 = arith.constant 0 : index
    %swap3A_1558 = tpu.vector_load %arg17[%swap3A_1556, %swap3A_1557] {strides = array<i32>} : memref<64x16xf32, #tpu.memory_space<vmem>>, vector<1x16xf32>,
    %swap3A_1559 = vector.shape_cast %swap3A_1558 : vector<1x16xf32> to vector<16xf32>
    %swap3A_1560 = vector.shape_cast %broadcast_in_dim3A_1 : vector<16xf32> to vector<1x16xf32>
    tpu.vector_store %arg17[%swap3A_1556, %swap3A_1557], %swap3A_1560 {strides = array<i32>} : memref<64x16xf32, #tpu.memory_space<vmem>>, vector<1x16xf32>,
    %swap3A_1561 = arith.constant 52 : i32
    %swap3A_1562 = arith.index_cast %swap3A_1561 : i32 to index
    %swap3A_1563 = arith.constant 0 : index
    %swap3A_1564 = tpu.vector_load %arg16[%swap3A_1562, %swap3A_1563] {strides = array<i32>} : memref<64x64xf32, #tpu.memory_space<vmem>>, vector<1x16xf32>,
    %swap3A_1565 = vector.shape_cast %swap3A_1564 : vector<1x16xf32> to vector<16xf32>
    %swap3A_1566 = vector.shape_cast %broadcast_in_dim3A_1 : vector<16xf32> to vector<1x16xf32>
    tpu.vector_store %arg16[%swap3A_1562, %swap3A_1563], %swap3A_1566 {strides = array<i32>} : memref<64x64xf32, #tpu.memory_space<vmem>>, vector<1x16xf32>,
    %swap3A_1567 = arith.constant 52 : i32
    %swap3A_1568 = arith.index_cast %swap3A_1567 : i32 to index
    %swap3A_1569 = arith.constant 16 : index
    %swap3A_1570 = tpu.vector_load %arg16[%swap3A_1568, %swap3A_1569] {strides = array<i32>} : memref<64x64xf32, #tpu.memory_space<vmem>>, vector<1x16xf32>,
    %swap3A_1571 = vector.shape_cast %swap3A_1570 : vector<1x16xf32> to vector<16xf32>
    %swap3A_1572 = vector.shape_cast %broadcast_in_dim3A_1 : vector<16xf32> to vector<1x16xf32>
    tpu.vector_store %arg16[%swap3A_1568, %swap3A_1569], %swap3A_1572 {strides = array<i32>} : memref<64x64xf32, #tpu.memory_space<vmem>>, vector<1x16xf32>,
    %swap3A_1573 = arith.constant 52 : i32
    %swap3A_1574 = arith.index_cast %swap3A_1573 : i32 to index
    %swap3A_1575 = arith.constant 32 : index
    %swap3A_1576 = tpu.vector_load %arg16[%swap3A_1574, %swap3A_1575] {strides = array<i32>} : memref<64x64xf32, #tpu.memory_space<vmem>>, vector<1x16xf32>,
    %swap3A_1577 = vector.shape_cast %swap3A_1576 : vector<1x16xf32> to vector<16xf32>
    %swap3A_1578 = vector.shape_cast %broadcast_in_dim3A_1 : vector<16xf32> to vector<1x16xf32>
    tpu.vector_store %arg16[%swap3A_1574, %swap3A_1575], %swap3A_1578 {strides = array<i32>} : memref<64x64xf32, #tpu.memory_space<vmem>>, vector<1x16xf32>,
    %swap3A_1579 = arith.constant 52 : i32
    %swap3A_1580 = arith.index_cast %swap3A_1579 : i32 to index
    %swap3A_1581 = arith.constant 48 : index
    %swap3A_1582 = tpu.vector_load %arg16[%swap3A_1580, %swap3A_1581] {strides = array<i32>} : memref<64x64xf32, #tpu.memory_space<vmem>>, vector<1x16xf32>,
    %swap3A_1583 = vector.shape_cast %swap3A_1582 : vector<1x16xf32> to vector<16xf32>
    %swap3A_1584 = vector.shape_cast %broadcast_in_dim3A_1 : vector<16xf32> to vector<1x16xf32>
    tpu.vector_store %arg16[%swap3A_1580, %swap3A_1581], %swap3A_1584 {strides = array<i32>} : memref<64x64xf32, #tpu.memory_space<vmem>>, vector<1x16xf32>,
    %swap3A_1585 = arith.constant 52 : i32
    %swap3A_1586 = arith.index_cast %swap3A_1585 : i32 to index
    %swap3A_1587 = arith.constant 0 : index
    %swap3A_1588 = tpu.vector_load %arg17[%swap3A_1586, %swap3A_1587] {strides = array<i32>} : memref<64x16xf32, #tpu.memory_space<vmem>>, vector<1x16xf32>,
    %swap3A_1589 = vector.shape_cast %swap3A_1588 : vector<1x16xf32> to vector<16xf32>
    %swap3A_1590 = vector.shape_cast %broadcast_in_dim3A_1 : vector<16xf32> to vector<1x16xf32>
    tpu.vector_store %arg17[%swap3A_1586, %swap3A_1587], %swap3A_1590 {strides = array<i32>} : memref<64x16xf32, #tpu.memory_space<vmem>>, vector<1x16xf32>,
    %swap3A_1591 = arith.constant 53 : i32
    %swap3A_1592 = arith.index_cast %swap3A_1591 : i32 to index
    %swap3A_1593 = arith.constant 0 : index
    %swap3A_1594 = tpu.vector_load %arg16[%swap3A_1592, %swap3A_1593] {strides = array<i32>} : memref<64x64xf32, #tpu.memory_space<vmem>>, vector<1x16xf32>,
    %swap3A_1595 = vector.shape_cast %swap3A_1594 : vector<1x16xf32> to vector<16xf32>
    %swap3A_1596 = vector.shape_cast %broadcast_in_dim3A_1 : vector<16xf32> to vector<1x16xf32>
    tpu.vector_store %arg16[%swap3A_1592, %swap3A_1593], %swap3A_1596 {strides = array<i32>} : memref<64x64xf32, #tpu.memory_space<vmem>>, vector<1x16xf32>,
    %swap3A_1597 = arith.constant 53 : i32
    %swap3A_1598 = arith.index_cast %swap3A_1597 : i32 to index
    %swap3A_1599 = arith.constant 16 : index
    %swap3A_1600 = tpu.vector_load %arg16[%swap3A_1598, %swap3A_1599] {strides = array<i32>} : memref<64x64xf32, #tpu.memory_space<vmem>>, vector<1x16xf32>,
    %swap3A_1601 = vector.shape_cast %swap3A_1600 : vector<1x16xf32> to vector<16xf32>
    %swap3A_1602 = vector.shape_cast %broadcast_in_dim3A_1 : vector<16xf32> to vector<1x16xf32>
    tpu.vector_store %arg16[%swap3A_1598, %swap3A_1599], %swap3A_1602 {strides = array<i32>} : memref<64x64xf32, #tpu.memory_space<vmem>>, vector<1x16xf32>,
    %swap3A_1603 = arith.constant 53 : i32
    %swap3A_1604 = arith.index_cast %swap3A_1603 : i32 to index
    %swap3A_1605 = arith.constant 32 : index
    %swap3A_1606 = tpu.vector_load %arg16[%swap3A_1604, %swap3A_1605] {strides = array<i32>} : memref<64x64xf32, #tpu.memory_space<vmem>>, vector<1x16xf32>,
    %swap3A_1607 = vector.shape_cast %swap3A_1606 : vector<1x16xf32> to vector<16xf32>
    %swap3A_1608 = vector.shape_cast %broadcast_in_dim3A_1 : vector<16xf32> to vector<1x16xf32>
    tpu.vector_store %arg16[%swap3A_1604, %swap3A_1605], %swap3A_1608 {strides = array<i32>} : memref<64x64xf32, #tpu.memory_space<vmem>>, vector<1x16xf32>,
    %swap3A_1609 = arith.constant 53 : i32
    %swap3A_1610 = arith.index_cast %swap3A_1609 : i32 to index
    %swap3A_1611 = arith.constant 48 : index
    %swap3A_1612 = tpu.vector_load %arg16[%swap3A_1610, %swap3A_1611] {strides = array<i32>} : memref<64x64xf32, #tpu.memory_space<vmem>>, vector<1x16xf32>,
    %swap3A_1613 = vector.shape_cast %swap3A_1612 : vector<1x16xf32> to vector<16xf32>
    %swap3A_1614 = vector.shape_cast %broadcast_in_dim3A_1 : vector<16xf32> to vector<1x16xf32>
    tpu.vector_store %arg16[%swap3A_1610, %swap3A_1611], %swap3A_1614 {strides = array<i32>} : memref<64x64xf32, #tpu.memory_space<vmem>>, vector<1x16xf32>,
    %swap3A_1615 = arith.constant 53 : i32
    %swap3A_1616 = arith.index_cast %swap3A_1615 : i32 to index
    %swap3A_1617 = arith.constant 0 : index
    %swap3A_1618 = tpu.vector_load %arg17[%swap3A_1616, %swap3A_1617] {strides = array<i32>} : memref<64x16xf32, #tpu.memory_space<vmem>>, vector<1x16xf32>,
    %swap3A_1619 = vector.shape_cast %swap3A_1618 : vector<1x16xf32> to vector<16xf32>
    %swap3A_1620 = vector.shape_cast %broadcast_in_dim3A_1 : vector<16xf32> to vector<1x16xf32>
    tpu.vector_store %arg17[%swap3A_1616, %swap3A_1617], %swap3A_1620 {strides = array<i32>} : memref<64x16xf32, #tpu.memory_space<vmem>>, vector<1x16xf32>,
    %swap3A_1621 = arith.constant 54 : i32
    %swap3A_1622 = arith.index_cast %swap3A_1621 : i32 to index
    %swap3A_1623 = arith.constant 0 : index
    %swap3A_1624 = tpu.vector_load %arg16[%swap3A_1622, %swap3A_1623] {strides = array<i32>} : memref<64x64xf32, #tpu.memory_space<vmem>>, vector<1x16xf32>,
    %swap3A_1625 = vector.shape_cast %swap3A_1624 : vector<1x16xf32> to vector<16xf32>
    %swap3A_1626 = vector.shape_cast %broadcast_in_dim3A_1 : vector<16xf32> to vector<1x16xf32>
    tpu.vector_store %arg16[%swap3A_1622, %swap3A_1623], %swap3A_1626 {strides = array<i32>} : memref<64x64xf32, #tpu.memory_space<vmem>>, vector<1x16xf32>,
    %swap3A_1627 = arith.constant 54 : i32
    %swap3A_1628 = arith.index_cast %swap3A_1627 : i32 to index
    %swap3A_1629 = arith.constant 16 : index
    %swap3A_1630 = tpu.vector_load %arg16[%swap3A_1628, %swap3A_1629] {strides = array<i32>} : memref<64x64xf32, #tpu.memory_space<vmem>>, vector<1x16xf32>,
    %swap3A_1631 = vector.shape_cast %swap3A_1630 : vector<1x16xf32> to vector<16xf32>
    %swap3A_1632 = vector.shape_cast %broadcast_in_dim3A_1 : vector<16xf32> to vector<1x16xf32>
    tpu.vector_store %arg16[%swap3A_1628, %swap3A_1629], %swap3A_1632 {strides = array<i32>} : memref<64x64xf32, #tpu.memory_space<vmem>>, vector<1x16xf32>,
    %swap3A_1633 = arith.constant 54 : i32
    %swap3A_1634 = arith.index_cast %swap3A_1633 : i32 to index
    %swap3A_1635 = arith.constant 32 : index
    %swap3A_1636 = tpu.vector_load %arg16[%swap3A_1634, %swap3A_1635] {strides = array<i32>} : memref<64x64xf32, #tpu.memory_space<vmem>>, vector<1x16xf32>,
    %swap3A_1637 = vector.shape_cast %swap3A_1636 : vector<1x16xf32> to vector<16xf32>
    %swap3A_1638 = vector.shape_cast %broadcast_in_dim3A_1 : vector<16xf32> to vector<1x16xf32>
    tpu.vector_store %arg16[%swap3A_1634, %swap3A_1635], %swap3A_1638 {strides = array<i32>} : memref<64x64xf32, #tpu.memory_space<vmem>>, vector<1x16xf32>,
    %swap3A_1639 = arith.constant 54 : i32
    %swap3A_1640 = arith.index_cast %swap3A_1639 : i32 to index
    %swap3A_1641 = arith.constant 48 : index
    %swap3A_1642 = tpu.vector_load %arg16[%swap3A_1640, %swap3A_1641] {strides = array<i32>} : memref<64x64xf32, #tpu.memory_space<vmem>>, vector<1x16xf32>,
    %swap3A_1643 = vector.shape_cast %swap3A_1642 : vector<1x16xf32> to vector<16xf32>
    %swap3A_1644 = vector.shape_cast %broadcast_in_dim3A_1 : vector<16xf32> to vector<1x16xf32>
    tpu.vector_store %arg16[%swap3A_1640, %swap3A_1641], %swap3A_1644 {strides = array<i32>} : memref<64x64xf32, #tpu.memory_space<vmem>>, vector<1x16xf32>,
    %swap3A_1645 = arith.constant 54 : i32
    %swap3A_1646 = arith.index_cast %swap3A_1645 : i32 to index
    %swap3A_1647 = arith.constant 0 : index
    %swap3A_1648 = tpu.vector_load %arg17[%swap3A_1646, %swap3A_1647] {strides = array<i32>} : memref<64x16xf32, #tpu.memory_space<vmem>>, vector<1x16xf32>,
    %swap3A_1649 = vector.shape_cast %swap3A_1648 : vector<1x16xf32> to vector<16xf32>
    %swap3A_1650 = vector.shape_cast %broadcast_in_dim3A_1 : vector<16xf32> to vector<1x16xf32>
    tpu.vector_store %arg17[%swap3A_1646, %swap3A_1647], %swap3A_1650 {strides = array<i32>} : memref<64x16xf32, #tpu.memory_space<vmem>>, vector<1x16xf32>,
    %swap3A_1651 = arith.constant 55 : i32
    %swap3A_1652 = arith.index_cast %swap3A_1651 : i32 to index
    %swap3A_1653 = arith.constant 0 : index
    %swap3A_1654 = tpu.vector_load %arg16[%swap3A_1652, %swap3A_1653] {strides = array<i32>} : memref<64x64xf32, #tpu.memory_space<vmem>>, vector<1x16xf32>,
    %swap3A_1655 = vector.shape_cast %swap3A_1654 : vector<1x16xf32> to vector<16xf32>
    %swap3A_1656 = vector.shape_cast %broadcast_in_dim3A_1 : vector<16xf32> to vector<1x16xf32>
    tpu.vector_store %arg16[%swap3A_1652, %swap3A_1653], %swap3A_1656 {strides = array<i32>} : memref<64x64xf32, #tpu.memory_space<vmem>>, vector<1x16xf32>,
    %swap3A_1657 = arith.constant 55 : i32
    %swap3A_1658 = arith.index_cast %swap3A_1657 : i32 to index
    %swap3A_1659 = arith.constant 16 : index
    %swap3A_1660 = tpu.vector_load %arg16[%swap3A_1658, %swap3A_1659] {strides = array<i32>} : memref<64x64xf32, #tpu.memory_space<vmem>>, vector<1x16xf32>,
    %swap3A_1661 = vector.shape_cast %swap3A_1660 : vector<1x16xf32> to vector<16xf32>
    %swap3A_1662 = vector.shape_cast %broadcast_in_dim3A_1 : vector<16xf32> to vector<1x16xf32>
    tpu.vector_store %arg16[%swap3A_1658, %swap3A_1659], %swap3A_1662 {strides = array<i32>} : memref<64x64xf32, #tpu.memory_space<vmem>>, vector<1x16xf32>,
    %swap3A_1663 = arith.constant 55 : i32
    %swap3A_1664 = arith.index_cast %swap3A_1663 : i32 to index
    %swap3A_1665 = arith.constant 32 : index
    %swap3A_1666 = tpu.vector_load %arg16[%swap3A_1664, %swap3A_1665] {strides = array<i32>} : memref<64x64xf32, #tpu.memory_space<vmem>>, vector<1x16xf32>,
    %swap3A_1667 = vector.shape_cast %swap3A_1666 : vector<1x16xf32> to vector<16xf32>
    %swap3A_1668 = vector.shape_cast %broadcast_in_dim3A_1 : vector<16xf32> to vector<1x16xf32>
    tpu.vector_store %arg16[%swap3A_1664, %swap3A_1665], %swap3A_1668 {strides = array<i32>} : memref<64x64xf32, #tpu.memory_space<vmem>>, vector<1x16xf32>,
    %swap3A_1669 = arith.constant 55 : i32
    %swap3A_1670 = arith.index_cast %swap3A_1669 : i32 to index
    %swap3A_1671 = arith.constant 48 : index
    %swap3A_1672 = tpu.vector_load %arg16[%swap3A_1670, %swap3A_1671] {strides = array<i32>} : memref<64x64xf32, #tpu.memory_space<vmem>>, vector<1x16xf32>,
    %swap3A_1673 = vector.shape_cast %swap3A_1672 : vector<1x16xf32> to vector<16xf32>
    %swap3A_1674 = vector.shape_cast %broadcast_in_dim3A_1 : vector<16xf32> to vector<1x16xf32>
    tpu.vector_store %arg16[%swap3A_1670, %swap3A_1671], %swap3A_1674 {strides = array<i32>} : memref<64x64xf32, #tpu.memory_space<vmem>>, vector<1x16xf32>,
    %swap3A_1675 = arith.constant 55 : i32
    %swap3A_1676 = arith.index_cast %swap3A_1675 : i32 to index
    %swap3A_1677 = arith.constant 0 : index
    %swap3A_1678 = tpu.vector_load %arg17[%swap3A_1676, %swap3A_1677] {strides = array<i32>} : memref<64x16xf32, #tpu.memory_space<vmem>>, vector<1x16xf32>,
    %swap3A_1679 = vector.shape_cast %swap3A_1678 : vector<1x16xf32> to vector<16xf32>
    %swap3A_1680 = vector.shape_cast %broadcast_in_dim3A_1 : vector<16xf32> to vector<1x16xf32>
    tpu.vector_store %arg17[%swap3A_1676, %swap3A_1677], %swap3A_1680 {strides = array<i32>} : memref<64x16xf32, #tpu.memory_space<vmem>>, vector<1x16xf32>,
    %swap3A_1681 = arith.constant 56 : i32
    %swap3A_1682 = arith.index_cast %swap3A_1681 : i32 to index
    %swap3A_1683 = arith.constant 0 : index
    %swap3A_1684 = tpu.vector_load %arg16[%swap3A_1682, %swap3A_1683] {strides = array<i32>} : memref<64x64xf32, #tpu.memory_space<vmem>>, vector<1x16xf32>,
    %swap3A_1685 = vector.shape_cast %swap3A_1684 : vector<1x16xf32> to vector<16xf32>
    %swap3A_1686 = vector.shape_cast %broadcast_in_dim3A_1 : vector<16xf32> to vector<1x16xf32>
    tpu.vector_store %arg16[%swap3A_1682, %swap3A_1683], %swap3A_1686 {strides = array<i32>} : memref<64x64xf32, #tpu.memory_space<vmem>>, vector<1x16xf32>,
    %swap3A_1687 = arith.constant 56 : i32
    %swap3A_1688 = arith.index_cast %swap3A_1687 : i32 to index
    %swap3A_1689 = arith.constant 16 : index
    %swap3A_1690 = tpu.vector_load %arg16[%swap3A_1688, %swap3A_1689] {strides = array<i32>} : memref<64x64xf32, #tpu.memory_space<vmem>>, vector<1x16xf32>,
    %swap3A_1691 = vector.shape_cast %swap3A_1690 : vector<1x16xf32> to vector<16xf32>
    %swap3A_1692 = vector.shape_cast %broadcast_in_dim3A_1 : vector<16xf32> to vector<1x16xf32>
    tpu.vector_store %arg16[%swap3A_1688, %swap3A_1689], %swap3A_1692 {strides = array<i32>} : memref<64x64xf32, #tpu.memory_space<vmem>>, vector<1x16xf32>,
    %swap3A_1693 = arith.constant 56 : i32
    %swap3A_1694 = arith.index_cast %swap3A_1693 : i32 to index
    %swap3A_1695 = arith.constant 32 : index
    %swap3A_1696 = tpu.vector_load %arg16[%swap3A_1694, %swap3A_1695] {strides = array<i32>} : memref<64x64xf32, #tpu.memory_space<vmem>>, vector<1x16xf32>,
    %swap3A_1697 = vector.shape_cast %swap3A_1696 : vector<1x16xf32> to vector<16xf32>
    %swap3A_1698 = vector.shape_cast %broadcast_in_dim3A_1 : vector<16xf32> to vector<1x16xf32>
    tpu.vector_store %arg16[%swap3A_1694, %swap3A_1695], %swap3A_1698 {strides = array<i32>} : memref<64x64xf32, #tpu.memory_space<vmem>>, vector<1x16xf32>,
    %swap3A_1699 = arith.constant 56 : i32
    %swap3A_1700 = arith.index_cast %swap3A_1699 : i32 to index
    %swap3A_1701 = arith.constant 48 : index
    %swap3A_1702 = tpu.vector_load %arg16[%swap3A_1700, %swap3A_1701] {strides = array<i32>} : memref<64x64xf32, #tpu.memory_space<vmem>>, vector<1x16xf32>,
    %swap3A_1703 = vector.shape_cast %swap3A_1702 : vector<1x16xf32> to vector<16xf32>
    %swap3A_1704 = vector.shape_cast %broadcast_in_dim3A_1 : vector<16xf32> to vector<1x16xf32>
    tpu.vector_store %arg16[%swap3A_1700, %swap3A_1701], %swap3A_1704 {strides = array<i32>} : memref<64x64xf32, #tpu.memory_space<vmem>>, vector<1x16xf32>,
    %swap3A_1705 = arith.constant 56 : i32
    %swap3A_1706 = arith.index_cast %swap3A_1705 : i32 to index
    %swap3A_1707 = arith.constant 0 : index
    %swap3A_1708 = tpu.vector_load %arg17[%swap3A_1706, %swap3A_1707] {strides = array<i32>} : memref<64x16xf32, #tpu.memory_space<vmem>>, vector<1x16xf32>,
    %swap3A_1709 = vector.shape_cast %swap3A_1708 : vector<1x16xf32> to vector<16xf32>
    %swap3A_1710 = vector.shape_cast %broadcast_in_dim3A_1 : vector<16xf32> to vector<1x16xf32>
    tpu.vector_store %arg17[%swap3A_1706, %swap3A_1707], %swap3A_1710 {strides = array<i32>} : memref<64x16xf32, #tpu.memory_space<vmem>>, vector<1x16xf32>,
    %swap3A_1711 = arith.constant 57 : i32
    %swap3A_1712 = arith.index_cast %swap3A_1711 : i32 to index
    %swap3A_1713 = arith.constant 0 : index
    %swap3A_1714 = tpu.vector_load %arg16[%swap3A_1712, %swap3A_1713] {strides = array<i32>} : memref<64x64xf32, #tpu.memory_space<vmem>>, vector<1x16xf32>,
    %swap3A_1715 = vector.shape_cast %swap3A_1714 : vector<1x16xf32> to vector<16xf32>
    %swap3A_1716 = vector.shape_cast %broadcast_in_dim3A_1 : vector<16xf32> to vector<1x16xf32>
    tpu.vector_store %arg16[%swap3A_1712, %swap3A_1713], %swap3A_1716 {strides = array<i32>} : memref<64x64xf32, #tpu.memory_space<vmem>>, vector<1x16xf32>,
    %swap3A_1717 = arith.constant 57 : i32
    %swap3A_1718 = arith.index_cast %swap3A_1717 : i32 to index
    %swap3A_1719 = arith.constant 16 : index
    %swap3A_1720 = tpu.vector_load %arg16[%swap3A_1718, %swap3A_1719] {strides = array<i32>} : memref<64x64xf32, #tpu.memory_space<vmem>>, vector<1x16xf32>,
    %swap3A_1721 = vector.shape_cast %swap3A_1720 : vector<1x16xf32> to vector<16xf32>
    %swap3A_1722 = vector.shape_cast %broadcast_in_dim3A_1 : vector<16xf32> to vector<1x16xf32>
    tpu.vector_store %arg16[%swap3A_1718, %swap3A_1719], %swap3A_1722 {strides = array<i32>} : memref<64x64xf32, #tpu.memory_space<vmem>>, vector<1x16xf32>,
    %swap3A_1723 = arith.constant 57 : i32
    %swap3A_1724 = arith.index_cast %swap3A_1723 : i32 to index
    %swap3A_1725 = arith.constant 32 : index
    %swap3A_1726 = tpu.vector_load %arg16[%swap3A_1724, %swap3A_1725] {strides = array<i32>} : memref<64x64xf32, #tpu.memory_space<vmem>>, vector<1x16xf32>,
    %swap3A_1727 = vector.shape_cast %swap3A_1726 : vector<1x16xf32> to vector<16xf32>
    %swap3A_1728 = vector.shape_cast %broadcast_in_dim3A_1 : vector<16xf32> to vector<1x16xf32>
    tpu.vector_store %arg16[%swap3A_1724, %swap3A_1725], %swap3A_1728 {strides = array<i32>} : memref<64x64xf32, #tpu.memory_space<vmem>>, vector<1x16xf32>,
    %swap3A_1729 = arith.constant 57 : i32
    %swap3A_1730 = arith.index_cast %swap3A_1729 : i32 to index
    %swap3A_1731 = arith.constant 48 : index
    %swap3A_1732 = tpu.vector_load %arg16[%swap3A_1730, %swap3A_1731] {strides = array<i32>} : memref<64x64xf32, #tpu.memory_space<vmem>>, vector<1x16xf32>,
    %swap3A_1733 = vector.shape_cast %swap3A_1732 : vector<1x16xf32> to vector<16xf32>
    %swap3A_1734 = vector.shape_cast %broadcast_in_dim3A_1 : vector<16xf32> to vector<1x16xf32>
    tpu.vector_store %arg16[%swap3A_1730, %swap3A_1731], %swap3A_1734 {strides = array<i32>} : memref<64x64xf32, #tpu.memory_space<vmem>>, vector<1x16xf32>,
    %swap3A_1735 = arith.constant 57 : i32
    %swap3A_1736 = arith.index_cast %swap3A_1735 : i32 to index
    %swap3A_1737 = arith.constant 0 : index
    %swap3A_1738 = tpu.vector_load %arg17[%swap3A_1736, %swap3A_1737] {strides = array<i32>} : memref<64x16xf32, #tpu.memory_space<vmem>>, vector<1x16xf32>,
    %swap3A_1739 = vector.shape_cast %swap3A_1738 : vector<1x16xf32> to vector<16xf32>
    %swap3A_1740 = vector.shape_cast %broadcast_in_dim3A_1 : vector<16xf32> to vector<1x16xf32>
    tpu.vector_store %arg17[%swap3A_1736, %swap3A_1737], %swap3A_1740 {strides = array<i32>} : memref<64x16xf32, #tpu.memory_space<vmem>>, vector<1x16xf32>,
    %swap3A_1741 = arith.constant 58 : i32
    %swap3A_1742 = arith.index_cast %swap3A_1741 : i32 to index
    %swap3A_1743 = arith.constant 0 : index
    %swap3A_1744 = tpu.vector_load %arg16[%swap3A_1742, %swap3A_1743] {strides = array<i32>} : memref<64x64xf32, #tpu.memory_space<vmem>>, vector<1x16xf32>,
    %swap3A_1745 = vector.shape_cast %swap3A_1744 : vector<1x16xf32> to vector<16xf32>
    %swap3A_1746 = vector.shape_cast %broadcast_in_dim3A_1 : vector<16xf32> to vector<1x16xf32>
    tpu.vector_store %arg16[%swap3A_1742, %swap3A_1743], %swap3A_1746 {strides = array<i32>} : memref<64x64xf32, #tpu.memory_space<vmem>>, vector<1x16xf32>,
    %swap3A_1747 = arith.constant 58 : i32
    %swap3A_1748 = arith.index_cast %swap3A_1747 : i32 to index
    %swap3A_1749 = arith.constant 16 : index
    %swap3A_1750 = tpu.vector_load %arg16[%swap3A_1748, %swap3A_1749] {strides = array<i32>} : memref<64x64xf32, #tpu.memory_space<vmem>>, vector<1x16xf32>,
    %swap3A_1751 = vector.shape_cast %swap3A_1750 : vector<1x16xf32> to vector<16xf32>
    %swap3A_1752 = vector.shape_cast %broadcast_in_dim3A_1 : vector<16xf32> to vector<1x16xf32>
    tpu.vector_store %arg16[%swap3A_1748, %swap3A_1749], %swap3A_1752 {strides = array<i32>} : memref<64x64xf32, #tpu.memory_space<vmem>>, vector<1x16xf32>,
    %swap3A_1753 = arith.constant 58 : i32
    %swap3A_1754 = arith.index_cast %swap3A_1753 : i32 to index
    %swap3A_1755 = arith.constant 32 : index
    %swap3A_1756 = tpu.vector_load %arg16[%swap3A_1754, %swap3A_1755] {strides = array<i32>} : memref<64x64xf32, #tpu.memory_space<vmem>>, vector<1x16xf32>,
    %swap3A_1757 = vector.shape_cast %swap3A_1756 : vector<1x16xf32> to vector<16xf32>
    %swap3A_1758 = vector.shape_cast %broadcast_in_dim3A_1 : vector<16xf32> to vector<1x16xf32>
    tpu.vector_store %arg16[%swap3A_1754, %swap3A_1755], %swap3A_1758 {strides = array<i32>} : memref<64x64xf32, #tpu.memory_space<vmem>>, vector<1x16xf32>,
    %swap3A_1759 = arith.constant 58 : i32
    %swap3A_1760 = arith.index_cast %swap3A_1759 : i32 to index
    %swap3A_1761 = arith.constant 48 : index
    %swap3A_1762 = tpu.vector_load %arg16[%swap3A_1760, %swap3A_1761] {strides = array<i32>} : memref<64x64xf32, #tpu.memory_space<vmem>>, vector<1x16xf32>,
    %swap3A_1763 = vector.shape_cast %swap3A_1762 : vector<1x16xf32> to vector<16xf32>
    %swap3A_1764 = vector.shape_cast %broadcast_in_dim3A_1 : vector<16xf32> to vector<1x16xf32>
    tpu.vector_store %arg16[%swap3A_1760, %swap3A_1761], %swap3A_1764 {strides = array<i32>} : memref<64x64xf32, #tpu.memory_space<vmem>>, vector<1x16xf32>,
    %swap3A_1765 = arith.constant 58 : i32
    %swap3A_1766 = arith.index_cast %swap3A_1765 : i32 to index
    %swap3A_1767 = arith.constant 0 : index
    %swap3A_1768 = tpu.vector_load %arg17[%swap3A_1766, %swap3A_1767] {strides = array<i32>} : memref<64x16xf32, #tpu.memory_space<vmem>>, vector<1x16xf32>,
    %swap3A_1769 = vector.shape_cast %swap3A_1768 : vector<1x16xf32> to vector<16xf32>
    %swap3A_1770 = vector.shape_cast %broadcast_in_dim3A_1 : vector<16xf32> to vector<1x16xf32>
    tpu.vector_store %arg17[%swap3A_1766, %swap3A_1767], %swap3A_1770 {strides = array<i32>} : memref<64x16xf32, #tpu.memory_space<vmem>>, vector<1x16xf32>,
    %swap3A_1771 = arith.constant 59 : i32
    %swap3A_1772 = arith.index_cast %swap3A_1771 : i32 to index
    %swap3A_1773 = arith.constant 0 : index
    %swap3A_1774 = tpu.vector_load %arg16[%swap3A_1772, %swap3A_1773] {strides = array<i32>} : memref<64x64xf32, #tpu.memory_space<vmem>>, vector<1x16xf32>,
    %swap3A_1775 = vector.shape_cast %swap3A_1774 : vector<1x16xf32> to vector<16xf32>
    %swap3A_1776 = vector.shape_cast %broadcast_in_dim3A_1 : vector<16xf32> to vector<1x16xf32>
    tpu.vector_store %arg16[%swap3A_1772, %swap3A_1773], %swap3A_1776 {strides = array<i32>} : memref<64x64xf32, #tpu.memory_space<vmem>>, vector<1x16xf32>,
    %swap3A_1777 = arith.constant 59 : i32
    %swap3A_1778 = arith.index_cast %swap3A_1777 : i32 to index
    %swap3A_1779 = arith.constant 16 : index
    %swap3A_1780 = tpu.vector_load %arg16[%swap3A_1778, %swap3A_1779] {strides = array<i32>} : memref<64x64xf32, #tpu.memory_space<vmem>>, vector<1x16xf32>,
    %swap3A_1781 = vector.shape_cast %swap3A_1780 : vector<1x16xf32> to vector<16xf32>
    %swap3A_1782 = vector.shape_cast %broadcast_in_dim3A_1 : vector<16xf32> to vector<1x16xf32>
    tpu.vector_store %arg16[%swap3A_1778, %swap3A_1779], %swap3A_1782 {strides = array<i32>} : memref<64x64xf32, #tpu.memory_space<vmem>>, vector<1x16xf32>,
    %swap3A_1783 = arith.constant 59 : i32
    %swap3A_1784 = arith.index_cast %swap3A_1783 : i32 to index
    %swap3A_1785 = arith.constant 32 : index
    %swap3A_1786 = tpu.vector_load %arg16[%swap3A_1784, %swap3A_1785] {strides = array<i32>} : memref<64x64xf32, #tpu.memory_space<vmem>>, vector<1x16xf32>,
    %swap3A_1787 = vector.shape_cast %swap3A_1786 : vector<1x16xf32> to vector<16xf32>
    %swap3A_1788 = vector.shape_cast %broadcast_in_dim3A_1 : vector<16xf32> to vector<1x16xf32>
    tpu.vector_store %arg16[%swap3A_1784, %swap3A_1785], %swap3A_1788 {strides = array<i32>} : memref<64x64xf32, #tpu.memory_space<vmem>>, vector<1x16xf32>,
    %swap3A_1789 = arith.constant 59 : i32
    %swap3A_1790 = arith.index_cast %swap3A_1789 : i32 to index
    %swap3A_1791 = arith.constant 48 : index
    %swap3A_1792 = tpu.vector_load %arg16[%swap3A_1790, %swap3A_1791] {strides = array<i32>} : memref<64x64xf32, #tpu.memory_space<vmem>>, vector<1x16xf32>,
    %swap3A_1793 = vector.shape_cast %swap3A_1792 : vector<1x16xf32> to vector<16xf32>
    %swap3A_1794 = vector.shape_cast %broadcast_in_dim3A_1 : vector<16xf32> to vector<1x16xf32>
    tpu.vector_store %arg16[%swap3A_1790, %swap3A_1791], %swap3A_1794 {strides = array<i32>} : memref<64x64xf32, #tpu.memory_space<vmem>>, vector<1x16xf32>,
    %swap3A_1795 = arith.constant 59 : i32
    %swap3A_1796 = arith.index_cast %swap3A_1795 : i32 to index
    %swap3A_1797 = arith.constant 0 : index
    %swap3A_1798 = tpu.vector_load %arg17[%swap3A_1796, %swap3A_1797] {strides = array<i32>} : memref<64x16xf32, #tpu.memory_space<vmem>>, vector<1x16xf32>,
    %swap3A_1799 = vector.shape_cast %swap3A_1798 : vector<1x16xf32> to vector<16xf32>
    %swap3A_1800 = vector.shape_cast %broadcast_in_dim3A_1 : vector<16xf32> to vector<1x16xf32>
    tpu.vector_store %arg17[%swap3A_1796, %swap3A_1797], %swap3A_1800 {strides = array<i32>} : memref<64x16xf32, #tpu.memory_space<vmem>>, vector<1x16xf32>,
    %swap3A_1801 = arith.constant 60 : i32
    %swap3A_1802 = arith.index_cast %swap3A_1801 : i32 to index
    %swap3A_1803 = arith.constant 0 : index
    %swap3A_1804 = tpu.vector_load %arg16[%swap3A_1802, %swap3A_1803] {strides = array<i32>} : memref<64x64xf32, #tpu.memory_space<vmem>>, vector<1x16xf32>,
    %swap3A_1805 = vector.shape_cast %swap3A_1804 : vector<1x16xf32> to vector<16xf32>
    %swap3A_1806 = vector.shape_cast %broadcast_in_dim3A_1 : vector<16xf32> to vector<1x16xf32>
    tpu.vector_store %arg16[%swap3A_1802, %swap3A_1803], %swap3A_1806 {strides = array<i32>} : memref<64x64xf32, #tpu.memory_space<vmem>>, vector<1x16xf32>,
    %swap3A_1807 = arith.constant 60 : i32
    %swap3A_1808 = arith.index_cast %swap3A_1807 : i32 to index
    %swap3A_1809 = arith.constant 16 : index
    %swap3A_1810 = tpu.vector_load %arg16[%swap3A_1808, %swap3A_1809] {strides = array<i32>} : memref<64x64xf32, #tpu.memory_space<vmem>>, vector<1x16xf32>,
    %swap3A_1811 = vector.shape_cast %swap3A_1810 : vector<1x16xf32> to vector<16xf32>
    %swap3A_1812 = vector.shape_cast %broadcast_in_dim3A_1 : vector<16xf32> to vector<1x16xf32>
    tpu.vector_store %arg16[%swap3A_1808, %swap3A_1809], %swap3A_1812 {strides = array<i32>} : memref<64x64xf32, #tpu.memory_space<vmem>>, vector<1x16xf32>,
    %swap3A_1813 = arith.constant 60 : i32
    %swap3A_1814 = arith.index_cast %swap3A_1813 : i32 to index
    %swap3A_1815 = arith.constant 32 : index
    %swap3A_1816 = tpu.vector_load %arg16[%swap3A_1814, %swap3A_1815] {strides = array<i32>} : memref<64x64xf32, #tpu.memory_space<vmem>>, vector<1x16xf32>,
    %swap3A_1817 = vector.shape_cast %swap3A_1816 : vector<1x16xf32> to vector<16xf32>
    %swap3A_1818 = vector.shape_cast %broadcast_in_dim3A_1 : vector<16xf32> to vector<1x16xf32>
    tpu.vector_store %arg16[%swap3A_1814, %swap3A_1815], %swap3A_1818 {strides = array<i32>} : memref<64x64xf32, #tpu.memory_space<vmem>>, vector<1x16xf32>,
    %swap3A_1819 = arith.constant 60 : i32
    %swap3A_1820 = arith.index_cast %swap3A_1819 : i32 to index
    %swap3A_1821 = arith.constant 48 : index
    %swap3A_1822 = tpu.vector_load %arg16[%swap3A_1820, %swap3A_1821] {strides = array<i32>} : memref<64x64xf32, #tpu.memory_space<vmem>>, vector<1x16xf32>,
    %swap3A_1823 = vector.shape_cast %swap3A_1822 : vector<1x16xf32> to vector<16xf32>
    %swap3A_1824 = vector.shape_cast %broadcast_in_dim3A_1 : vector<16xf32> to vector<1x16xf32>
    tpu.vector_store %arg16[%swap3A_1820, %swap3A_1821], %swap3A_1824 {strides = array<i32>} : memref<64x64xf32, #tpu.memory_space<vmem>>, vector<1x16xf32>,
    %swap3A_1825 = arith.constant 60 : i32
    %swap3A_1826 = arith.index_cast %swap3A_1825 : i32 to index
    %swap3A_1827 = arith.constant 0 : index
    %swap3A_1828 = tpu.vector_load %arg17[%swap3A_1826, %swap3A_1827] {strides = array<i32>} : memref<64x16xf32, #tpu.memory_space<vmem>>, vector<1x16xf32>,
    %swap3A_1829 = vector.shape_cast %swap3A_1828 : vector<1x16xf32> to vector<16xf32>
    %swap3A_1830 = vector.shape_cast %broadcast_in_dim3A_1 : vector<16xf32> to vector<1x16xf32>
    tpu.vector_store %arg17[%swap3A_1826, %swap3A_1827], %swap3A_1830 {strides = array<i32>} : memref<64x16xf32, #tpu.memory_space<vmem>>, vector<1x16xf32>,
    %swap3A_1831 = arith.constant 61 : i32
    %swap3A_1832 = arith.index_cast %swap3A_1831 : i32 to index
    %swap3A_1833 = arith.constant 0 : index
    %swap3A_1834 = tpu.vector_load %arg16[%swap3A_1832, %swap3A_1833] {strides = array<i32>} : memref<64x64xf32, #tpu.memory_space<vmem>>, vector<1x16xf32>,
    %swap3A_1835 = vector.shape_cast %swap3A_1834 : vector<1x16xf32> to vector<16xf32>
    %swap3A_1836 = vector.shape_cast %broadcast_in_dim3A_1 : vector<16xf32> to vector<1x16xf32>
    tpu.vector_store %arg16[%swap3A_1832, %swap3A_1833], %swap3A_1836 {strides = array<i32>} : memref<64x64xf32, #tpu.memory_space<vmem>>, vector<1x16xf32>,
    %swap3A_1837 = arith.constant 61 : i32
    %swap3A_1838 = arith.index_cast %swap3A_1837 : i32 to index
    %swap3A_1839 = arith.constant 16 : index
    %swap3A_1840 = tpu.vector_load %arg16[%swap3A_1838, %swap3A_1839] {strides = array<i32>} : memref<64x64xf32, #tpu.memory_space<vmem>>, vector<1x16xf32>,
    %swap3A_1841 = vector.shape_cast %swap3A_1840 : vector<1x16xf32> to vector<16xf32>
    %swap3A_1842 = vector.shape_cast %broadcast_in_dim3A_1 : vector<16xf32> to vector<1x16xf32>
    tpu.vector_store %arg16[%swap3A_1838, %swap3A_1839], %swap3A_1842 {strides = array<i32>} : memref<64x64xf32, #tpu.memory_space<vmem>>, vector<1x16xf32>,
    %swap3A_1843 = arith.constant 61 : i32
    %swap3A_1844 = arith.index_cast %swap3A_1843 : i32 to index
    %swap3A_1845 = arith.constant 32 : index
    %swap3A_1846 = tpu.vector_load %arg16[%swap3A_1844, %swap3A_1845] {strides = array<i32>} : memref<64x64xf32, #tpu.memory_space<vmem>>, vector<1x16xf32>,
    %swap3A_1847 = vector.shape_cast %swap3A_1846 : vector<1x16xf32> to vector<16xf32>
    %swap3A_1848 = vector.shape_cast %broadcast_in_dim3A_1 : vector<16xf32> to vector<1x16xf32>
    tpu.vector_store %arg16[%swap3A_1844, %swap3A_1845], %swap3A_1848 {strides = array<i32>} : memref<64x64xf32, #tpu.memory_space<vmem>>, vector<1x16xf32>,
    %swap3A_1849 = arith.constant 61 : i32
    %swap3A_1850 = arith.index_cast %swap3A_1849 : i32 to index
    %swap3A_1851 = arith.constant 48 : index
    %swap3A_1852 = tpu.vector_load %arg16[%swap3A_1850, %swap3A_1851] {strides = array<i32>} : memref<64x64xf32, #tpu.memory_space<vmem>>, vector<1x16xf32>,
    %swap3A_1853 = vector.shape_cast %swap3A_1852 : vector<1x16xf32> to vector<16xf32>
    %swap3A_1854 = vector.shape_cast %broadcast_in_dim3A_1 : vector<16xf32> to vector<1x16xf32>
    tpu.vector_store %arg16[%swap3A_1850, %swap3A_1851], %swap3A_1854 {strides = array<i32>} : memref<64x64xf32, #tpu.memory_space<vmem>>, vector<1x16xf32>,
    %swap3A_1855 = arith.constant 61 : i32
    %swap3A_1856 = arith.index_cast %swap3A_1855 : i32 to index
    %swap3A_1857 = arith.constant 0 : index
    %swap3A_1858 = tpu.vector_load %arg17[%swap3A_1856, %swap3A_1857] {strides = array<i32>} : memref<64x16xf32, #tpu.memory_space<vmem>>, vector<1x16xf32>,
    %swap3A_1859 = vector.shape_cast %swap3A_1858 : vector<1x16xf32> to vector<16xf32>
    %swap3A_1860 = vector.shape_cast %broadcast_in_dim3A_1 : vector<16xf32> to vector<1x16xf32>
    tpu.vector_store %arg17[%swap3A_1856, %swap3A_1857], %swap3A_1860 {strides = array<i32>} : memref<64x16xf32, #tpu.memory_space<vmem>>, vector<1x16xf32>,
    %swap3A_1861 = arith.constant 62 : i32
    %swap3A_1862 = arith.index_cast %swap3A_1861 : i32 to index
    %swap3A_1863 = arith.constant 0 : index
    %swap3A_1864 = tpu.vector_load %arg16[%swap3A_1862, %swap3A_1863] {strides = array<i32>} : memref<64x64xf32, #tpu.memory_space<vmem>>, vector<1x16xf32>,
    %swap3A_1865 = vector.shape_cast %swap3A_1864 : vector<1x16xf32> to vector<16xf32>
    %swap3A_1866 = vector.shape_cast %broadcast_in_dim3A_1 : vector<16xf32> to vector<1x16xf32>
    tpu.vector_store %arg16[%swap3A_1862, %swap3A_1863], %swap3A_1866 {strides = array<i32>} : memref<64x64xf32, #tpu.memory_space<vmem>>, vector<1x16xf32>,
    %swap3A_1867 = arith.constant 62 : i32
    %swap3A_1868 = arith.index_cast %swap3A_1867 : i32 to index
    %swap3A_1869 = arith.constant 16 : index
    %swap3A_1870 = tpu.vector_load %arg16[%swap3A_1868, %swap3A_1869] {strides = array<i32>} : memref<64x64xf32, #tpu.memory_space<vmem>>, vector<1x16xf32>,
    %swap3A_1871 = vector.shape_cast %swap3A_1870 : vector<1x16xf32> to vector<16xf32>
    %swap3A_1872 = vector.shape_cast %broadcast_in_dim3A_1 : vector<16xf32> to vector<1x16xf32>
    tpu.vector_store %arg16[%swap3A_1868, %swap3A_1869], %swap3A_1872 {strides = array<i32>} : memref<64x64xf32, #tpu.memory_space<vmem>>, vector<1x16xf32>,
    %swap3A_1873 = arith.constant 62 : i32
    %swap3A_1874 = arith.index_cast %swap3A_1873 : i32 to index
    %swap3A_1875 = arith.constant 32 : index
    %swap3A_1876 = tpu.vector_load %arg16[%swap3A_1874, %swap3A_1875] {strides = array<i32>} : memref<64x64xf32, #tpu.memory_space<vmem>>, vector<1x16xf32>,
    %swap3A_1877 = vector.shape_cast %swap3A_1876 : vector<1x16xf32> to vector<16xf32>
    %swap3A_1878 = vector.shape_cast %broadcast_in_dim3A_1 : vector<16xf32> to vector<1x16xf32>
    tpu.vector_store %arg16[%swap3A_1874, %swap3A_1875], %swap3A_1878 {strides = array<i32>} : memref<64x64xf32, #tpu.memory_space<vmem>>, vector<1x16xf32>,
    %swap3A_1879 = arith.constant 62 : i32
    %swap3A_1880 = arith.index_cast %swap3A_1879 : i32 to index
    %swap3A_1881 = arith.constant 48 : index
    %swap3A_1882 = tpu.vector_load %arg16[%swap3A_1880, %swap3A_1881] {strides = array<i32>} : memref<64x64xf32, #tpu.memory_space<vmem>>, vector<1x16xf32>,
    %swap3A_1883 = vector.shape_cast %swap3A_1882 : vector<1x16xf32> to vector<16xf32>
    %swap3A_1884 = vector.shape_cast %broadcast_in_dim3A_1 : vector<16xf32> to vector<1x16xf32>
    tpu.vector_store %arg16[%swap3A_1880, %swap3A_1881], %swap3A_1884 {strides = array<i32>} : memref<64x64xf32, #tpu.memory_space<vmem>>, vector<1x16xf32>,
    %swap3A_1885 = arith.constant 62 : i32
    %swap3A_1886 = arith.index_cast %swap3A_1885 : i32 to index
    %swap3A_1887 = arith.constant 0 : index
    %swap3A_1888 = tpu.vector_load %arg17[%swap3A_1886, %swap3A_1887] {strides = array<i32>} : memref<64x16xf32, #tpu.memory_space<vmem>>, vector<1x16xf32>,
    %swap3A_1889 = vector.shape_cast %swap3A_1888 : vector<1x16xf32> to vector<16xf32>
    %swap3A_1890 = vector.shape_cast %broadcast_in_dim3A_1 : vector<16xf32> to vector<1x16xf32>
    tpu.vector_store %arg17[%swap3A_1886, %swap3A_1887], %swap3A_1890 {strides = array<i32>} : memref<64x16xf32, #tpu.memory_space<vmem>>, vector<1x16xf32>,
    %swap3A_1891 = arith.constant 63 : i32
    %swap3A_1892 = arith.index_cast %swap3A_1891 : i32 to index
    %swap3A_1893 = arith.constant 0 : index
    %swap3A_1894 = tpu.vector_load %arg16[%swap3A_1892, %swap3A_1893] {strides = array<i32>} : memref<64x64xf32, #tpu.memory_space<vmem>>, vector<1x16xf32>,
    %swap3A_1895 = vector.shape_cast %swap3A_1894 : vector<1x16xf32> to vector<16xf32>
    %swap3A_1896 = vector.shape_cast %broadcast_in_dim3A_1 : vector<16xf32> to vector<1x16xf32>
    tpu.vector_store %arg16[%swap3A_1892, %swap3A_1893], %swap3A_1896 {strides = array<i32>} : memref<64x64xf32, #tpu.memory_space<vmem>>, vector<1x16xf32>,
    %swap3A_1897 = arith.constant 63 : i32
    %swap3A_1898 = arith.index_cast %swap3A_1897 : i32 to index
    %swap3A_1899 = arith.constant 16 : index
    %swap3A_1900 = tpu.vector_load %arg16[%swap3A_1898, %swap3A_1899] {strides = array<i32>} : memref<64x64xf32, #tpu.memory_space<vmem>>, vector<1x16xf32>,
    %swap3A_1901 = vector.shape_cast %swap3A_1900 : vector<1x16xf32> to vector<16xf32>
    %swap3A_1902 = vector.shape_cast %broadcast_in_dim3A_1 : vector<16xf32> to vector<1x16xf32>
    tpu.vector_store %arg16[%swap3A_1898, %swap3A_1899], %swap3A_1902 {strides = array<i32>} : memref<64x64xf32, #tpu.memory_space<vmem>>, vector<1x16xf32>,
    %swap3A_1903 = arith.constant 63 : i32
    %swap3A_1904 = arith.index_cast %swap3A_1903 : i32 to index
    %swap3A_1905 = arith.constant 32 : index
    %swap3A_1906 = tpu.vector_load %arg16[%swap3A_1904, %swap3A_1905] {strides = array<i32>} : memref<64x64xf32, #tpu.memory_space<vmem>>, vector<1x16xf32>,
    %swap3A_1907 = vector.shape_cast %swap3A_1906 : vector<1x16xf32> to vector<16xf32>
    %swap3A_1908 = vector.shape_cast %broadcast_in_dim3A_1 : vector<16xf32> to vector<1x16xf32>
    tpu.vector_store %arg16[%swap3A_1904, %swap3A_1905], %swap3A_1908 {strides = array<i32>} : memref<64x64xf32, #tpu.memory_space<vmem>>, vector<1x16xf32>,
    %swap3A_1909 = arith.constant 63 : i32
    %swap3A_1910 = arith.index_cast %swap3A_1909 : i32 to index
    %swap3A_1911 = arith.constant 48 : index
    %swap3A_1912 = tpu.vector_load %arg16[%swap3A_1910, %swap3A_1911] {strides = array<i32>} : memref<64x64xf32, #tpu.memory_space<vmem>>, vector<1x16xf32>,
    %swap3A_1913 = vector.shape_cast %swap3A_1912 : vector<1x16xf32> to vector<16xf32>
    %swap3A_1914 = vector.shape_cast %broadcast_in_dim3A_1 : vector<16xf32> to vector<1x16xf32>
    tpu.vector_store %arg16[%swap3A_1910, %swap3A_1911], %swap3A_1914 {strides = array<i32>} : memref<64x64xf32, #tpu.memory_space<vmem>>, vector<1x16xf32>,
    %swap3A_1915 = arith.constant 63 : i32
    %swap3A_1916 = arith.index_cast %swap3A_1915 : i32 to index
    %swap3A_1917 = arith.constant 0 : index
    %swap3A_1918 = tpu.vector_load %arg17[%swap3A_1916, %swap3A_1917] {strides = array<i32>} : memref<64x16xf32, #tpu.memory_space<vmem>>, vector<1x16xf32>,
    %swap3A_1919 = vector.shape_cast %swap3A_1918 : vector<1x16xf32> to vector<16xf32>
    %swap3A_1920 = vector.shape_cast %broadcast_in_dim3A_1 : vector<16xf32> to vector<1x16xf32>
    tpu.vector_store %arg17[%swap3A_1916, %swap3A_1917], %swap3A_1920 {strides = array<i32>} : memref<64x16xf32, #tpu.memory_space<vmem>>, vector<1x16xf32>,
    %lt3A = arith.constant 15 : i32
    %lt3A_1921 = arith.cmpi slt, %arg1, %lt3A : i32
    %convert_element_type3A = arith.extui %lt3A_1921 : i1 to i32
    %cond3A = arith.constant 0 : i32
    %cond3A_1922 = arith.cmpi ne, %convert_element_type3A, %cond3A : i32
    scf.if %cond3A_1922 {
      %mul3A_2180 = arith.constant 160 : i32
      %mul3A_2181 = arith.muli %arg1, %mul3A_2180 : i32
      %run_scoped3A = arith.constant 1 : i32
      "tpu.region"() ({
        %run_scoped3A_2185 = tpu.sem_alloc : memref<!tpu.dma_semaphore, #tpu.memory_space<semaphore_mem>>
        %dma_start3A_2186 = arith.constant 0 : i32
        %dma_start3A_2187 = arith.constant 0 : i32
        %dma_start3A_2188 = tpu.memref_slice %arg4[%run_scoped3A, %dma_start3A_2186, %dma_start3A_2187] : memref<2x2500x128xi32, #tpu.memory_space<hbm>> -> memref<1x2500x128xi32, #tpu.memory_space<hbm>>
        %dma_start3A_2189 = tpu.memref_squeeze %dma_start3A_2188 : memref<1x2500x128xi32, #tpu.memory_space<hbm>> -> memref<2500x128xi32, #tpu.memory_space<hbm>>
        %dma_start3A_2190 = arith.constant 0 : i32
        %dma_start3A_2191 = tpu.memref_slice %dma_start3A_2189[%mul3A_2181, %dma_start3A_2190] : memref<2500x128xi32, #tpu.memory_space<hbm>> -> memref<160x128xi32, #tpu.memory_space<hbm>>
        %dma_start3A_2192 = arith.constant 0 : i32
        %dma_start3A_2193 = arith.constant 0 : i32
        %dma_start3A_2194 = tpu.memref_slice %arg4[%run_scoped3A, %dma_start3A_2192, %dma_start3A_2193] : memref<2x2500x128xi32, #tpu.memory_space<hbm>> -> memref<1x2500x128xi32, #tpu.memory_space<hbm>>
        %dma_start3A_2195 = tpu.memref_squeeze %dma_start3A_2194 : memref<1x2500x128xi32, #tpu.memory_space<hbm>> -> memref<2500x128xi32, #tpu.memory_space<hbm>>
        %dma_start3A_2196 = arith.constant 0 : i32
        %dma_start3A_2197 = tpu.memref_slice %dma_start3A_2195[%mul3A_2181, %dma_start3A_2196] : memref<2500x128xi32, #tpu.memory_space<hbm>> -> memref<160x128xi32, #tpu.memory_space<hbm>>
        tpu.enqueue_dma source(%dma_start3A_2197 : memref<160x128xi32, #tpu.memory_space<hbm>>) target(%arg12 : memref<160x128xi32, #tpu.memory_space<vmem>>) target_semaphore(%run_scoped3A_2185 : memref<!tpu.dma_semaphore, #tpu.memory_space<semaphore_mem>>)
        %dma_wait3A_2198 = arith.constant 0 : i32
        %dma_wait3A_2199 = arith.constant 0 : i32
        %dma_wait3A_2200 = tpu.memref_slice %arg4[%run_scoped3A, %dma_wait3A_2198, %dma_wait3A_2199] : memref<2x2500x128xi32, #tpu.memory_space<hbm>> -> memref<1x2500x128xi32, #tpu.memory_space<hbm>>
        %dma_wait3A_2201 = tpu.memref_squeeze %dma_wait3A_2200 : memref<1x2500x128xi32, #tpu.memory_space<hbm>> -> memref<2500x128xi32, #tpu.memory_space<hbm>>
        %dma_wait3A_2202 = arith.constant 0 : i32
        %dma_wait3A_2203 = tpu.memref_slice %dma_wait3A_2201[%mul3A_2181, %dma_wait3A_2202] : memref<2500x128xi32, #tpu.memory_space<hbm>> -> memref<160x128xi32, #tpu.memory_space<hbm>>
        %dma_wait3A_2204 = arith.constant 0 : i32
        %dma_wait3A_2205 = arith.constant 0 : i32
        %dma_wait3A_2206 = tpu.memref_slice %arg4[%run_scoped3A, %dma_wait3A_2204, %dma_wait3A_2205] : memref<2x2500x128xi32, #tpu.memory_space<hbm>> -> memref<1x2500x128xi32, #tpu.memory_space<hbm>>
        %dma_wait3A_2207 = tpu.memref_squeeze %dma_wait3A_2206 : memref<1x2500x128xi32, #tpu.memory_space<hbm>> -> memref<2500x128xi32, #tpu.memory_space<hbm>>
        %dma_wait3A_2208 = arith.constant 0 : i32
        %dma_wait3A_2209 = tpu.memref_slice %dma_wait3A_2207[%mul3A_2181, %dma_wait3A_2208] : memref<2500x128xi32, #tpu.memory_space<hbm>> -> memref<160x128xi32, #tpu.memory_space<hbm>>
        tpu.wait_dma2 semaphore(%run_scoped3A_2185 : memref<!tpu.dma_semaphore, #tpu.memory_space<semaphore_mem>>) src(%dma_wait3A_2209 : memref<160x128xi32, #tpu.memory_space<hbm>>) dst(%arg12 : memref<160x128xi32, #tpu.memory_space<vmem>>)
        tpu.yield
      }) : () -> ()
      %mul3A_2182 = arith.constant 160 : i32
      %mul3A_2183 = arith.muli %arg1, %mul3A_2182 : i32
      %run_scoped3A_2184 = arith.constant 0 : i32
      "tpu.region"() ({
        %run_scoped3A_2185 = tpu.sem_alloc : memref<!tpu.dma_semaphore, #tpu.memory_space<semaphore_mem>>
        %dma_start3A_2186 = arith.constant 0 : i32
        %dma_start3A_2187 = arith.constant 0 : i32
        %dma_start3A_2188 = tpu.memref_slice %arg4[%run_scoped3A_2184, %dma_start3A_2186, %dma_start3A_2187] : memref<2x2500x128xi32, #tpu.memory_space<hbm>> -> memref<1x2500x128xi32, #tpu.memory_space<hbm>>
        %dma_start3A_2189 = tpu.memref_squeeze %dma_start3A_2188 : memref<1x2500x128xi32, #tpu.memory_space<hbm>> -> memref<2500x128xi32, #tpu.memory_space<hbm>>
        %dma_start3A_2190 = arith.constant 0 : i32
        %dma_start3A_2191 = tpu.memref_slice %dma_start3A_2189[%mul3A_2183, %dma_start3A_2190] : memref<2500x128xi32, #tpu.memory_space<hbm>> -> memref<160x128xi32, #tpu.memory_space<hbm>>
        %dma_start3A_2192 = arith.constant 0 : i32
        %dma_start3A_2193 = arith.constant 0 : i32
        %dma_start3A_2194 = tpu.memref_slice %arg4[%run_scoped3A_2184, %dma_start3A_2192, %dma_start3A_2193] : memref<2x2500x128xi32, #tpu.memory_space<hbm>> -> memref<1x2500x128xi32, #tpu.memory_space<hbm>>
        %dma_start3A_2195 = tpu.memref_squeeze %dma_start3A_2194 : memref<1x2500x128xi32, #tpu.memory_space<hbm>> -> memref<2500x128xi32, #tpu.memory_space<hbm>>
        %dma_start3A_2196 = arith.constant 0 : i32
        %dma_start3A_2197 = tpu.memref_slice %dma_start3A_2195[%mul3A_2183, %dma_start3A_2196] : memref<2500x128xi32, #tpu.memory_space<hbm>> -> memref<160x128xi32, #tpu.memory_space<hbm>>
        tpu.enqueue_dma source(%dma_start3A_2197 : memref<160x128xi32, #tpu.memory_space<hbm>>) target(%arg13 : memref<160x128xi32, #tpu.memory_space<vmem>>) target_semaphore(%run_scoped3A_2185 : memref<!tpu.dma_semaphore, #tpu.memory_space<semaphore_mem>>)
        %dma_wait3A_2198 = arith.constant 0 : i32
        %dma_wait3A_2199 = arith.constant 0 : i32
        %dma_wait3A_2200 = tpu.memref_slice %arg4[%run_scoped3A_2184, %dma_wait3A_2198, %dma_wait3A_2199] : memref<2x2500x128xi32, #tpu.memory_space<hbm>> -> memref<1x2500x128xi32, #tpu.memory_space<hbm>>
        %dma_wait3A_2201 = tpu.memref_squeeze %dma_wait3A_2200 : memref<1x2500x128xi32, #tpu.memory_space<hbm>> -> memref<2500x128xi32, #tpu.memory_space<hbm>>
        %dma_wait3A_2202 = arith.constant 0 : i32
        %dma_wait3A_2203 = tpu.memref_slice %dma_wait3A_2201[%mul3A_2183, %dma_wait3A_2202] : memref<2500x128xi32, #tpu.memory_space<hbm>> -> memref<160x128xi32, #tpu.memory_space<hbm>>
        %dma_wait3A_2204 = arith.constant 0 : i32
        %dma_wait3A_2205 = arith.constant 0 : i32
        %dma_wait3A_2206 = tpu.memref_slice %arg4[%run_scoped3A_2184, %dma_wait3A_2204, %dma_wait3A_2205] : memref<2x2500x128xi32, #tpu.memory_space<hbm>> -> memref<1x2500x128xi32, #tpu.memory_space<hbm>>
        %dma_wait3A_2207 = tpu.memref_squeeze %dma_wait3A_2206 : memref<1x2500x128xi32, #tpu.memory_space<hbm>> -> memref<2500x128xi32, #tpu.memory_space<hbm>>
        %dma_wait3A_2208 = arith.constant 0 : i32
        %dma_wait3A_2209 = tpu.memref_slice %dma_wait3A_2207[%mul3A_2183, %dma_wait3A_2208] : memref<2500x128xi32, #tpu.memory_space<hbm>> -> memref<160x128xi32, #tpu.memory_space<hbm>>
        tpu.wait_dma2 semaphore(%run_scoped3A_2185 : memref<!tpu.dma_semaphore, #tpu.memory_space<semaphore_mem>>) src(%dma_wait3A_2209 : memref<160x128xi32, #tpu.memory_space<hbm>>) dst(%arg13 : memref<160x128xi32, #tpu.memory_space<vmem>>)
        tpu.yield
      }) : () -> ()
    } else {
    }
    %eq3A = arith.constant 15 : i32
    %eq3A_1923 = arith.cmpi eq, %arg1, %eq3A : i32
    %convert_element_type3A_1924 = arith.extui %eq3A_1923 : i1 to i32
    %cond3A_1925 = arith.constant 0 : i32
    %cond3A_1926 = arith.cmpi ne, %convert_element_type3A_1924, %cond3A_1925 : i32
    scf.if %cond3A_1926 {
      %run_scoped3A = arith.constant 1 : i32
      "tpu.region"() ({
        %run_scoped3A_2181 = tpu.sem_alloc : memref<!tpu.dma_semaphore, #tpu.memory_space<semaphore_mem>>
        %dma_start3A_2182 = arith.constant 0 : i32
        %dma_start3A_2183 = arith.constant 0 : i32
        %dma_start3A_2184 = tpu.memref_slice %arg5[%run_scoped3A, %dma_start3A_2182, %dma_start3A_2183] : memref<2x160x128xi32, #tpu.memory_space<hbm>> -> memref<1x160x128xi32, #tpu.memory_space<hbm>>
        %dma_start3A_2185 = tpu.memref_squeeze %dma_start3A_2184 : memref<1x160x128xi32, #tpu.memory_space<hbm>> -> memref<160x128xi32, #tpu.memory_space<hbm>>
        %dma_start3A_2186 = arith.constant 0 : i32
        %dma_start3A_2187 = arith.constant 0 : i32
        %dma_start3A_2188 = tpu.memref_slice %arg5[%run_scoped3A, %dma_start3A_2186, %dma_start3A_2187] : memref<2x160x128xi32, #tpu.memory_space<hbm>> -> memref<1x160x128xi32, #tpu.memory_space<hbm>>
        %dma_start3A_2189 = tpu.memref_squeeze %dma_start3A_2188 : memref<1x160x128xi32, #tpu.memory_space<hbm>> -> memref<160x128xi32, #tpu.memory_space<hbm>>
        tpu.enqueue_dma source(%dma_start3A_2189 : memref<160x128xi32, #tpu.memory_space<hbm>>) target(%arg12 : memref<160x128xi32, #tpu.memory_space<vmem>>) target_semaphore(%run_scoped3A_2181 : memref<!tpu.dma_semaphore, #tpu.memory_space<semaphore_mem>>)
        %dma_wait3A_2190 = arith.constant 0 : i32
        %dma_wait3A_2191 = arith.constant 0 : i32
        %dma_wait3A_2192 = tpu.memref_slice %arg5[%run_scoped3A, %dma_wait3A_2190, %dma_wait3A_2191] : memref<2x160x128xi32, #tpu.memory_space<hbm>> -> memref<1x160x128xi32, #tpu.memory_space<hbm>>
        %dma_wait3A_2193 = tpu.memref_squeeze %dma_wait3A_2192 : memref<1x160x128xi32, #tpu.memory_space<hbm>> -> memref<160x128xi32, #tpu.memory_space<hbm>>
        %dma_wait3A_2194 = arith.constant 0 : i32
        %dma_wait3A_2195 = arith.constant 0 : i32
        %dma_wait3A_2196 = tpu.memref_slice %arg5[%run_scoped3A, %dma_wait3A_2194, %dma_wait3A_2195] : memref<2x160x128xi32, #tpu.memory_space<hbm>> -> memref<1x160x128xi32, #tpu.memory_space<hbm>>
        %dma_wait3A_2197 = tpu.memref_squeeze %dma_wait3A_2196 : memref<1x160x128xi32, #tpu.memory_space<hbm>> -> memref<160x128xi32, #tpu.memory_space<hbm>>
        tpu.wait_dma2 semaphore(%run_scoped3A_2181 : memref<!tpu.dma_semaphore, #tpu.memory_space<semaphore_mem>>) src(%dma_wait3A_2197 : memref<160x128xi32, #tpu.memory_space<hbm>>) dst(%arg12 : memref<160x128xi32, #tpu.memory_space<vmem>>)
        tpu.yield
      }) : () -> ()
      %run_scoped3A_2180 = arith.constant 0 : i32
      "tpu.region"() ({
        %run_scoped3A_2181 = tpu.sem_alloc : memref<!tpu.dma_semaphore, #tpu.memory_space<semaphore_mem>>
        %dma_start3A_2182 = arith.constant 0 : i32
        %dma_start3A_2183 = arith.constant 0 : i32
        %dma_start3A_2184 = tpu.memref_slice %arg5[%run_scoped3A_2180, %dma_start3A_2182, %dma_start3A_2183] : memref<2x160x128xi32, #tpu.memory_space<hbm>> -> memref<1x160x128xi32, #tpu.memory_space<hbm>>
        %dma_start3A_2185 = tpu.memref_squeeze %dma_start3A_2184 : memref<1x160x128xi32, #tpu.memory_space<hbm>> -> memref<160x128xi32, #tpu.memory_space<hbm>>
        %dma_start3A_2186 = arith.constant 0 : i32
        %dma_start3A_2187 = arith.constant 0 : i32
        %dma_start3A_2188 = tpu.memref_slice %arg5[%run_scoped3A_2180, %dma_start3A_2186, %dma_start3A_2187] : memref<2x160x128xi32, #tpu.memory_space<hbm>> -> memref<1x160x128xi32, #tpu.memory_space<hbm>>
        %dma_start3A_2189 = tpu.memref_squeeze %dma_start3A_2188 : memref<1x160x128xi32, #tpu.memory_space<hbm>> -> memref<160x128xi32, #tpu.memory_space<hbm>>
        tpu.enqueue_dma source(%dma_start3A_2189 : memref<160x128xi32, #tpu.memory_space<hbm>>) target(%arg13 : memref<160x128xi32, #tpu.memory_space<vmem>>) target_semaphore(%run_scoped3A_2181 : memref<!tpu.dma_semaphore, #tpu.memory_space<semaphore_mem>>)
        %dma_wait3A_2190 = arith.constant 0 : i32
        %dma_wait3A_2191 = arith.constant 0 : i32
        %dma_wait3A_2192 = tpu.memref_slice %arg5[%run_scoped3A_2180, %dma_wait3A_2190, %dma_wait3A_2191] : memref<2x160x128xi32, #tpu.memory_space<hbm>> -> memref<1x160x128xi32, #tpu.memory_space<hbm>>
        %dma_wait3A_2193 = tpu.memref_squeeze %dma_wait3A_2192 : memref<1x160x128xi32, #tpu.memory_space<hbm>> -> memref<160x128xi32, #tpu.memory_space<hbm>>
        %dma_wait3A_2194 = arith.constant 0 : i32
        %dma_wait3A_2195 = arith.constant 0 : i32
        %dma_wait3A_2196 = tpu.memref_slice %arg5[%run_scoped3A_2180, %dma_wait3A_2194, %dma_wait3A_2195] : memref<2x160x128xi32, #tpu.memory_space<hbm>> -> memref<1x160x128xi32, #tpu.memory_space<hbm>>
        %dma_wait3A_2197 = tpu.memref_squeeze %dma_wait3A_2196 : memref<1x160x128xi32, #tpu.memory_space<hbm>> -> memref<160x128xi32, #tpu.memory_space<hbm>>
        tpu.wait_dma2 semaphore(%run_scoped3A_2181 : memref<!tpu.dma_semaphore, #tpu.memory_space<semaphore_mem>>) src(%dma_wait3A_2197 : memref<160x128xi32, #tpu.memory_space<hbm>>) dst(%arg13 : memref<160x128xi32, #tpu.memory_space<vmem>>)
        tpu.yield
      }) : () -> ()
    } else {
    }
    %add3A = arith.constant 0 : i32
    %add3A_1927 = arith.addi %mul3A_0, %add3A : i32
    "tpu.region"() ({
      %run_scoped3A = tpu.sem_alloc : memref<!tpu.dma_semaphore, #tpu.memory_space<semaphore_mem>>
      %dma_start3A_2180 = arith.constant 0 : i32
      %dma_start3A_2181 = tpu.memref_slice %arg10[%add3A_1927, %dma_start3A_2180] : memref<10112x64xf32, #tpu.memory_space<vmem_shared>> -> memref<64x64xf32, #tpu.memory_space<vmem_shared>>
      %dma_start3A_2182 = arith.constant 0 : i32
      %dma_start3A_2183 = tpu.memref_slice %arg10[%add3A_1927, %dma_start3A_2182] : memref<10112x64xf32, #tpu.memory_space<vmem_shared>> -> memref<64x64xf32, #tpu.memory_space<vmem_shared>>
      tpu.enqueue_dma source(%arg16 : memref<64x64xf32, #tpu.memory_space<vmem>>) target(%dma_start3A_2183 : memref<64x64xf32, #tpu.memory_space<vmem_shared>>) target_semaphore(%run_scoped3A : memref<!tpu.dma_semaphore, #tpu.memory_space<semaphore_mem>>)
      %dma_wait3A_2184 = arith.constant 0 : i32
      %dma_wait3A_2185 = tpu.memref_slice %arg10[%add3A_1927, %dma_wait3A_2184] : memref<10112x64xf32, #tpu.memory_space<vmem_shared>> -> memref<64x64xf32, #tpu.memory_space<vmem_shared>>
      %dma_wait3A_2186 = arith.constant 0 : i32
      %dma_wait3A_2187 = tpu.memref_slice %arg10[%add3A_1927, %dma_wait3A_2186] : memref<10112x64xf32, #tpu.memory_space<vmem_shared>> -> memref<64x64xf32, #tpu.memory_space<vmem_shared>>
      tpu.wait_dma2 semaphore(%run_scoped3A : memref<!tpu.dma_semaphore, #tpu.memory_space<semaphore_mem>>) src(%arg16 : memref<64x64xf32, #tpu.memory_space<vmem>>) dst(%dma_wait3A_2187 : memref<64x64xf32, #tpu.memory_space<vmem_shared>>)
      tpu.yield
    }) : () -> ()
    %add3A_1928 = arith.constant 64 : i32
    %add3A_1929 = arith.addi %mul3A_0, %add3A_1928 : i32
    "tpu.region"() ({
      %run_scoped3A = tpu.sem_alloc : memref<!tpu.dma_semaphore, #tpu.memory_space<semaphore_mem>>
      %dma_start3A_2180 = arith.constant 0 : i32
      %dma_start3A_2181 = tpu.memref_slice %arg10[%add3A_1929, %dma_start3A_2180] : memref<10112x64xf32, #tpu.memory_space<vmem_shared>> -> memref<64x64xf32, #tpu.memory_space<vmem_shared>>
      %dma_start3A_2182 = arith.constant 0 : i32
      %dma_start3A_2183 = tpu.memref_slice %arg10[%add3A_1929, %dma_start3A_2182] : memref<10112x64xf32, #tpu.memory_space<vmem_shared>> -> memref<64x64xf32, #tpu.memory_space<vmem_shared>>
      tpu.enqueue_dma source(%arg16 : memref<64x64xf32, #tpu.memory_space<vmem>>) target(%dma_start3A_2183 : memref<64x64xf32, #tpu.memory_space<vmem_shared>>) target_semaphore(%run_scoped3A : memref<!tpu.dma_semaphore, #tpu.memory_space<semaphore_mem>>)
      %dma_wait3A_2184 = arith.constant 0 : i32
      %dma_wait3A_2185 = tpu.memref_slice %arg10[%add3A_1929, %dma_wait3A_2184] : memref<10112x64xf32, #tpu.memory_space<vmem_shared>> -> memref<64x64xf32, #tpu.memory_space<vmem_shared>>
      %dma_wait3A_2186 = arith.constant 0 : i32
      %dma_wait3A_2187 = tpu.memref_slice %arg10[%add3A_1929, %dma_wait3A_2186] : memref<10112x64xf32, #tpu.memory_space<vmem_shared>> -> memref<64x64xf32, #tpu.memory_space<vmem_shared>>
      tpu.wait_dma2 semaphore(%run_scoped3A : memref<!tpu.dma_semaphore, #tpu.memory_space<semaphore_mem>>) src(%arg16 : memref<64x64xf32, #tpu.memory_space<vmem>>) dst(%dma_wait3A_2187 : memref<64x64xf32, #tpu.memory_space<vmem_shared>>)
      tpu.yield
    }) : () -> ()
    %add3A_1930 = arith.constant 128 : i32
    %add3A_1931 = arith.addi %mul3A_0, %add3A_1930 : i32
    "tpu.region"() ({
      %run_scoped3A = tpu.sem_alloc : memref<!tpu.dma_semaphore, #tpu.memory_space<semaphore_mem>>
      %dma_start3A_2180 = arith.constant 0 : i32
      %dma_start3A_2181 = tpu.memref_slice %arg10[%add3A_1931, %dma_start3A_2180] : memref<10112x64xf32, #tpu.memory_space<vmem_shared>> -> memref<64x64xf32, #tpu.memory_space<vmem_shared>>
      %dma_start3A_2182 = arith.constant 0 : i32
      %dma_start3A_2183 = tpu.memref_slice %arg10[%add3A_1931, %dma_start3A_2182] : memref<10112x64xf32, #tpu.memory_space<vmem_shared>> -> memref<64x64xf32, #tpu.memory_space<vmem_shared>>
      tpu.enqueue_dma source(%arg16 : memref<64x64xf32, #tpu.memory_space<vmem>>) target(%dma_start3A_2183 : memref<64x64xf32, #tpu.memory_space<vmem_shared>>) target_semaphore(%run_scoped3A : memref<!tpu.dma_semaphore, #tpu.memory_space<semaphore_mem>>)
      %dma_wait3A_2184 = arith.constant 0 : i32
      %dma_wait3A_2185 = tpu.memref_slice %arg10[%add3A_1931, %dma_wait3A_2184] : memref<10112x64xf32, #tpu.memory_space<vmem_shared>> -> memref<64x64xf32, #tpu.memory_space<vmem_shared>>
      %dma_wait3A_2186 = arith.constant 0 : i32
      %dma_wait3A_2187 = tpu.memref_slice %arg10[%add3A_1931, %dma_wait3A_2186] : memref<10112x64xf32, #tpu.memory_space<vmem_shared>> -> memref<64x64xf32, #tpu.memory_space<vmem_shared>>
      tpu.wait_dma2 semaphore(%run_scoped3A : memref<!tpu.dma_semaphore, #tpu.memory_space<semaphore_mem>>) src(%arg16 : memref<64x64xf32, #tpu.memory_space<vmem>>) dst(%dma_wait3A_2187 : memref<64x64xf32, #tpu.memory_space<vmem_shared>>)
      tpu.yield
    }) : () -> ()
    %add3A_1932 = arith.constant 192 : i32
    %add3A_1933 = arith.addi %mul3A_0, %add3A_1932 : i32
    "tpu.region"() ({
      %run_scoped3A = tpu.sem_alloc : memref<!tpu.dma_semaphore, #tpu.memory_space<semaphore_mem>>
      %dma_start3A_2180 = arith.constant 0 : i32
      %dma_start3A_2181 = tpu.memref_slice %arg10[%add3A_1933, %dma_start3A_2180] : memref<10112x64xf32, #tpu.memory_space<vmem_shared>> -> memref<64x64xf32, #tpu.memory_space<vmem_shared>>
      %dma_start3A_2182 = arith.constant 0 : i32
      %dma_start3A_2183 = tpu.memref_slice %arg10[%add3A_1933, %dma_start3A_2182] : memref<10112x64xf32, #tpu.memory_space<vmem_shared>> -> memref<64x64xf32, #tpu.memory_space<vmem_shared>>
      tpu.enqueue_dma source(%arg16 : memref<64x64xf32, #tpu.memory_space<vmem>>) target(%dma_start3A_2183 : memref<64x64xf32, #tpu.memory_space<vmem_shared>>) target_semaphore(%run_scoped3A : memref<!tpu.dma_semaphore, #tpu.memory_space<semaphore_mem>>)
      %dma_wait3A_2184 = arith.constant 0 : i32
      %dma_wait3A_2185 = tpu.memref_slice %arg10[%add3A_1933, %dma_wait3A_2184] : memref<10112x64xf32, #tpu.memory_space<vmem_shared>> -> memref<64x64xf32, #tpu.memory_space<vmem_shared>>
      %dma_wait3A_2186 = arith.constant 0 : i32
      %dma_wait3A_2187 = tpu.memref_slice %arg10[%add3A_1933, %dma_wait3A_2186] : memref<10112x64xf32, #tpu.memory_space<vmem_shared>> -> memref<64x64xf32, #tpu.memory_space<vmem_shared>>
      tpu.wait_dma2 semaphore(%run_scoped3A : memref<!tpu.dma_semaphore, #tpu.memory_space<semaphore_mem>>) src(%arg16 : memref<64x64xf32, #tpu.memory_space<vmem>>) dst(%dma_wait3A_2187 : memref<64x64xf32, #tpu.memory_space<vmem_shared>>)
      tpu.yield
    }) : () -> ()
    %add3A_1934 = arith.constant 256 : i32
    %add3A_1935 = arith.addi %mul3A_0, %add3A_1934 : i32
    "tpu.region"() ({
      %run_scoped3A = tpu.sem_alloc : memref<!tpu.dma_semaphore, #tpu.memory_space<semaphore_mem>>
      %dma_start3A_2180 = arith.constant 0 : i32
      %dma_start3A_2181 = tpu.memref_slice %arg10[%add3A_1935, %dma_start3A_2180] : memref<10112x64xf32, #tpu.memory_space<vmem_shared>> -> memref<64x64xf32, #tpu.memory_space<vmem_shared>>
      %dma_start3A_2182 = arith.constant 0 : i32
      %dma_start3A_2183 = tpu.memref_slice %arg10[%add3A_1935, %dma_start3A_2182] : memref<10112x64xf32, #tpu.memory_space<vmem_shared>> -> memref<64x64xf32, #tpu.memory_space<vmem_shared>>
      tpu.enqueue_dma source(%arg16 : memref<64x64xf32, #tpu.memory_space<vmem>>) target(%dma_start3A_2183 : memref<64x64xf32, #tpu.memory_space<vmem_shared>>) target_semaphore(%run_scoped3A : memref<!tpu.dma_semaphore, #tpu.memory_space<semaphore_mem>>)
      %dma_wait3A_2184 = arith.constant 0 : i32
      %dma_wait3A_2185 = tpu.memref_slice %arg10[%add3A_1935, %dma_wait3A_2184] : memref<10112x64xf32, #tpu.memory_space<vmem_shared>> -> memref<64x64xf32, #tpu.memory_space<vmem_shared>>
      %dma_wait3A_2186 = arith.constant 0 : i32
      %dma_wait3A_2187 = tpu.memref_slice %arg10[%add3A_1935, %dma_wait3A_2186] : memref<10112x64xf32, #tpu.memory_space<vmem_shared>> -> memref<64x64xf32, #tpu.memory_space<vmem_shared>>
      tpu.wait_dma2 semaphore(%run_scoped3A : memref<!tpu.dma_semaphore, #tpu.memory_space<semaphore_mem>>) src(%arg16 : memref<64x64xf32, #tpu.memory_space<vmem>>) dst(%dma_wait3A_2187 : memref<64x64xf32, #tpu.memory_space<vmem_shared>>)
      tpu.yield
    }) : () -> ()
    %add3A_1936 = arith.constant 320 : i32
    %add3A_1937 = arith.addi %mul3A_0, %add3A_1936 : i32
    "tpu.region"() ({
      %run_scoped3A = tpu.sem_alloc : memref<!tpu.dma_semaphore, #tpu.memory_space<semaphore_mem>>
      %dma_start3A_2180 = arith.constant 0 : i32
      %dma_start3A_2181 = tpu.memref_slice %arg10[%add3A_1937, %dma_start3A_2180] : memref<10112x64xf32, #tpu.memory_space<vmem_shared>> -> memref<64x64xf32, #tpu.memory_space<vmem_shared>>
      %dma_start3A_2182 = arith.constant 0 : i32
      %dma_start3A_2183 = tpu.memref_slice %arg10[%add3A_1937, %dma_start3A_2182] : memref<10112x64xf32, #tpu.memory_space<vmem_shared>> -> memref<64x64xf32, #tpu.memory_space<vmem_shared>>
      tpu.enqueue_dma source(%arg16 : memref<64x64xf32, #tpu.memory_space<vmem>>) target(%dma_start3A_2183 : memref<64x64xf32, #tpu.memory_space<vmem_shared>>) target_semaphore(%run_scoped3A : memref<!tpu.dma_semaphore, #tpu.memory_space<semaphore_mem>>)
      %dma_wait3A_2184 = arith.constant 0 : i32
      %dma_wait3A_2185 = tpu.memref_slice %arg10[%add3A_1937, %dma_wait3A_2184] : memref<10112x64xf32, #tpu.memory_space<vmem_shared>> -> memref<64x64xf32, #tpu.memory_space<vmem_shared>>
      %dma_wait3A_2186 = arith.constant 0 : i32
      %dma_wait3A_2187 = tpu.memref_slice %arg10[%add3A_1937, %dma_wait3A_2186] : memref<10112x64xf32, #tpu.memory_space<vmem_shared>> -> memref<64x64xf32, #tpu.memory_space<vmem_shared>>
      tpu.wait_dma2 semaphore(%run_scoped3A : memref<!tpu.dma_semaphore, #tpu.memory_space<semaphore_mem>>) src(%arg16 : memref<64x64xf32, #tpu.memory_space<vmem>>) dst(%dma_wait3A_2187 : memref<64x64xf32, #tpu.memory_space<vmem_shared>>)
      tpu.yield
    }) : () -> ()
    %add3A_1938 = arith.constant 384 : i32
    %add3A_1939 = arith.addi %mul3A_0, %add3A_1938 : i32
    "tpu.region"() ({
      %run_scoped3A = tpu.sem_alloc : memref<!tpu.dma_semaphore, #tpu.memory_space<semaphore_mem>>
      %dma_start3A_2180 = arith.constant 0 : i32
      %dma_start3A_2181 = tpu.memref_slice %arg10[%add3A_1939, %dma_start3A_2180] : memref<10112x64xf32, #tpu.memory_space<vmem_shared>> -> memref<64x64xf32, #tpu.memory_space<vmem_shared>>
      %dma_start3A_2182 = arith.constant 0 : i32
      %dma_start3A_2183 = tpu.memref_slice %arg10[%add3A_1939, %dma_start3A_2182] : memref<10112x64xf32, #tpu.memory_space<vmem_shared>> -> memref<64x64xf32, #tpu.memory_space<vmem_shared>>
      tpu.enqueue_dma source(%arg16 : memref<64x64xf32, #tpu.memory_space<vmem>>) target(%dma_start3A_2183 : memref<64x64xf32, #tpu.memory_space<vmem_shared>>) target_semaphore(%run_scoped3A : memref<!tpu.dma_semaphore, #tpu.memory_space<semaphore_mem>>)
      %dma_wait3A_2184 = arith.constant 0 : i32
      %dma_wait3A_2185 = tpu.memref_slice %arg10[%add3A_1939, %dma_wait3A_2184] : memref<10112x64xf32, #tpu.memory_space<vmem_shared>> -> memref<64x64xf32, #tpu.memory_space<vmem_shared>>
      %dma_wait3A_2186 = arith.constant 0 : i32
      %dma_wait3A_2187 = tpu.memref_slice %arg10[%add3A_1939, %dma_wait3A_2186] : memref<10112x64xf32, #tpu.memory_space<vmem_shared>> -> memref<64x64xf32, #tpu.memory_space<vmem_shared>>
      tpu.wait_dma2 semaphore(%run_scoped3A : memref<!tpu.dma_semaphore, #tpu.memory_space<semaphore_mem>>) src(%arg16 : memref<64x64xf32, #tpu.memory_space<vmem>>) dst(%dma_wait3A_2187 : memref<64x64xf32, #tpu.memory_space<vmem_shared>>)
      tpu.yield
    }) : () -> ()
    %add3A_1940 = arith.constant 448 : i32
    %add3A_1941 = arith.addi %mul3A_0, %add3A_1940 : i32
    "tpu.region"() ({
      %run_scoped3A = tpu.sem_alloc : memref<!tpu.dma_semaphore, #tpu.memory_space<semaphore_mem>>
      %dma_start3A_2180 = arith.constant 0 : i32
      %dma_start3A_2181 = tpu.memref_slice %arg10[%add3A_1941, %dma_start3A_2180] : memref<10112x64xf32, #tpu.memory_space<vmem_shared>> -> memref<64x64xf32, #tpu.memory_space<vmem_shared>>
      %dma_start3A_2182 = arith.constant 0 : i32
      %dma_start3A_2183 = tpu.memref_slice %arg10[%add3A_1941, %dma_start3A_2182] : memref<10112x64xf32, #tpu.memory_space<vmem_shared>> -> memref<64x64xf32, #tpu.memory_space<vmem_shared>>
      tpu.enqueue_dma source(%arg16 : memref<64x64xf32, #tpu.memory_space<vmem>>) target(%dma_start3A_2183 : memref<64x64xf32, #tpu.memory_space<vmem_shared>>) target_semaphore(%run_scoped3A : memref<!tpu.dma_semaphore, #tpu.memory_space<semaphore_mem>>)
      %dma_wait3A_2184 = arith.constant 0 : i32
      %dma_wait3A_2185 = tpu.memref_slice %arg10[%add3A_1941, %dma_wait3A_2184] : memref<10112x64xf32, #tpu.memory_space<vmem_shared>> -> memref<64x64xf32, #tpu.memory_space<vmem_shared>>
      %dma_wait3A_2186 = arith.constant 0 : i32
      %dma_wait3A_2187 = tpu.memref_slice %arg10[%add3A_1941, %dma_wait3A_2186] : memref<10112x64xf32, #tpu.memory_space<vmem_shared>> -> memref<64x64xf32, #tpu.memory_space<vmem_shared>>
      tpu.wait_dma2 semaphore(%run_scoped3A : memref<!tpu.dma_semaphore, #tpu.memory_space<semaphore_mem>>) src(%arg16 : memref<64x64xf32, #tpu.memory_space<vmem>>) dst(%dma_wait3A_2187 : memref<64x64xf32, #tpu.memory_space<vmem_shared>>)
      tpu.yield
    }) : () -> ()
    %add3A_1942 = arith.constant 512 : i32
    %add3A_1943 = arith.addi %mul3A_0, %add3A_1942 : i32
    "tpu.region"() ({
      %run_scoped3A = tpu.sem_alloc : memref<!tpu.dma_semaphore, #tpu.memory_space<semaphore_mem>>
      %dma_start3A_2180 = arith.constant 0 : i32
      %dma_start3A_2181 = tpu.memref_slice %arg10[%add3A_1943, %dma_start3A_2180] : memref<10112x64xf32, #tpu.memory_space<vmem_shared>> -> memref<64x64xf32, #tpu.memory_space<vmem_shared>>
      %dma_start3A_2182 = arith.constant 0 : i32
      %dma_start3A_2183 = tpu.memref_slice %arg10[%add3A_1943, %dma_start3A_2182] : memref<10112x64xf32, #tpu.memory_space<vmem_shared>> -> memref<64x64xf32, #tpu.memory_space<vmem_shared>>
      tpu.enqueue_dma source(%arg16 : memref<64x64xf32, #tpu.memory_space<vmem>>) target(%dma_start3A_2183 : memref<64x64xf32, #tpu.memory_space<vmem_shared>>) target_semaphore(%run_scoped3A : memref<!tpu.dma_semaphore, #tpu.memory_space<semaphore_mem>>)
      %dma_wait3A_2184 = arith.constant 0 : i32
      %dma_wait3A_2185 = tpu.memref_slice %arg10[%add3A_1943, %dma_wait3A_2184] : memref<10112x64xf32, #tpu.memory_space<vmem_shared>> -> memref<64x64xf32, #tpu.memory_space<vmem_shared>>
      %dma_wait3A_2186 = arith.constant 0 : i32
      %dma_wait3A_2187 = tpu.memref_slice %arg10[%add3A_1943, %dma_wait3A_2186] : memref<10112x64xf32, #tpu.memory_space<vmem_shared>> -> memref<64x64xf32, #tpu.memory_space<vmem_shared>>
      tpu.wait_dma2 semaphore(%run_scoped3A : memref<!tpu.dma_semaphore, #tpu.memory_space<semaphore_mem>>) src(%arg16 : memref<64x64xf32, #tpu.memory_space<vmem>>) dst(%dma_wait3A_2187 : memref<64x64xf32, #tpu.memory_space<vmem_shared>>)
      tpu.yield
    }) : () -> ()
    %add3A_1944 = arith.constant 576 : i32
    %add3A_1945 = arith.addi %mul3A_0, %add3A_1944 : i32
    "tpu.region"() ({
      %run_scoped3A = tpu.sem_alloc : memref<!tpu.dma_semaphore, #tpu.memory_space<semaphore_mem>>
      %dma_start3A_2180 = arith.constant 0 : i32
      %dma_start3A_2181 = arith.constant 0 : i32
      %dma_start3A_2182 = tpu.memref_slice %arg16[%dma_start3A_2180, %dma_start3A_2181] : memref<64x64xf32, #tpu.memory_space<vmem>> -> memref<56x64xf32, #tpu.memory_space<vmem>>
      %dma_start3A_2183 = arith.constant 0 : i32
      %dma_start3A_2184 = tpu.memref_slice %arg10[%add3A_1945, %dma_start3A_2183] : memref<10112x64xf32, #tpu.memory_space<vmem_shared>> -> memref<56x64xf32, #tpu.memory_space<vmem_shared>>
      %dma_start3A_2185 = arith.constant 0 : i32
      %dma_start3A_2186 = tpu.memref_slice %arg10[%add3A_1945, %dma_start3A_2185] : memref<10112x64xf32, #tpu.memory_space<vmem_shared>> -> memref<56x64xf32, #tpu.memory_space<vmem_shared>>
      %dma_start3A_2187 = arith.constant 0 : i32
      %dma_start3A_2188 = arith.constant 0 : i32
      %dma_start3A_2189 = tpu.memref_slice %arg16[%dma_start3A_2187, %dma_start3A_2188] : memref<64x64xf32, #tpu.memory_space<vmem>> -> memref<56x64xf32, #tpu.memory_space<vmem>>
      tpu.enqueue_dma source(%dma_start3A_2189 : memref<56x64xf32, #tpu.memory_space<vmem>>) target(%dma_start3A_2186 : memref<56x64xf32, #tpu.memory_space<vmem_shared>>) target_semaphore(%run_scoped3A : memref<!tpu.dma_semaphore, #tpu.memory_space<semaphore_mem>>)
      %dma_wait3A_2190 = arith.constant 0 : i32
      %dma_wait3A_2191 = arith.constant 0 : i32
      %dma_wait3A_2192 = tpu.memref_slice %arg16[%dma_wait3A_2190, %dma_wait3A_2191] : memref<64x64xf32, #tpu.memory_space<vmem>> -> memref<56x64xf32, #tpu.memory_space<vmem>>
      %dma_wait3A_2193 = arith.constant 0 : i32
      %dma_wait3A_2194 = tpu.memref_slice %arg10[%add3A_1945, %dma_wait3A_2193] : memref<10112x64xf32, #tpu.memory_space<vmem_shared>> -> memref<56x64xf32, #tpu.memory_space<vmem_shared>>
      %dma_wait3A_2195 = arith.constant 0 : i32
      %dma_wait3A_2196 = tpu.memref_slice %arg10[%add3A_1945, %dma_wait3A_2195] : memref<10112x64xf32, #tpu.memory_space<vmem_shared>> -> memref<56x64xf32, #tpu.memory_space<vmem_shared>>
      %dma_wait3A_2197 = arith.constant 0 : i32
      %dma_wait3A_2198 = arith.constant 0 : i32
      %dma_wait3A_2199 = tpu.memref_slice %arg16[%dma_wait3A_2197, %dma_wait3A_2198] : memref<64x64xf32, #tpu.memory_space<vmem>> -> memref<56x64xf32, #tpu.memory_space<vmem>>
      tpu.wait_dma2 semaphore(%run_scoped3A : memref<!tpu.dma_semaphore, #tpu.memory_space<semaphore_mem>>) src(%dma_wait3A_2199 : memref<56x64xf32, #tpu.memory_space<vmem>>) dst(%dma_wait3A_2196 : memref<56x64xf32, #tpu.memory_space<vmem_shared>>)
      tpu.yield
    }) : () -> ()
    %add3A_1946 = arith.constant 0 : i32
    %add3A_1947 = arith.addi %mul3A_0, %add3A_1946 : i32
    "tpu.region"() ({
      %run_scoped3A = tpu.sem_alloc : memref<!tpu.dma_semaphore, #tpu.memory_space<semaphore_mem>>
      %dma_start3A_2180 = arith.constant 0 : i32
      %dma_start3A_2181 = tpu.memref_slice %arg11[%add3A_1947, %dma_start3A_2180] : memref<10112x16xf32, #tpu.memory_space<vmem_shared>> -> memref<64x16xf32, #tpu.memory_space<vmem_shared>>
      %dma_start3A_2182 = arith.constant 0 : i32
      %dma_start3A_2183 = tpu.memref_slice %arg11[%add3A_1947, %dma_start3A_2182] : memref<10112x16xf32, #tpu.memory_space<vmem_shared>> -> memref<64x16xf32, #tpu.memory_space<vmem_shared>>
      tpu.enqueue_dma source(%arg17 : memref<64x16xf32, #tpu.memory_space<vmem>>) target(%dma_start3A_2183 : memref<64x16xf32, #tpu.memory_space<vmem_shared>>) target_semaphore(%run_scoped3A : memref<!tpu.dma_semaphore, #tpu.memory_space<semaphore_mem>>)
      %dma_wait3A_2184 = arith.constant 0 : i32
      %dma_wait3A_2185 = tpu.memref_slice %arg11[%add3A_1947, %dma_wait3A_2184] : memref<10112x16xf32, #tpu.memory_space<vmem_shared>> -> memref<64x16xf32, #tpu.memory_space<vmem_shared>>
      %dma_wait3A_2186 = arith.constant 0 : i32
      %dma_wait3A_2187 = tpu.memref_slice %arg11[%add3A_1947, %dma_wait3A_2186] : memref<10112x16xf32, #tpu.memory_space<vmem_shared>> -> memref<64x16xf32, #tpu.memory_space<vmem_shared>>
      tpu.wait_dma2 semaphore(%run_scoped3A : memref<!tpu.dma_semaphore, #tpu.memory_space<semaphore_mem>>) src(%arg17 : memref<64x16xf32, #tpu.memory_space<vmem>>) dst(%dma_wait3A_2187 : memref<64x16xf32, #tpu.memory_space<vmem_shared>>)
      tpu.yield
    }) : () -> ()
    %add3A_1948 = arith.constant 64 : i32
    %add3A_1949 = arith.addi %mul3A_0, %add3A_1948 : i32
    "tpu.region"() ({
      %run_scoped3A = tpu.sem_alloc : memref<!tpu.dma_semaphore, #tpu.memory_space<semaphore_mem>>
      %dma_start3A_2180 = arith.constant 0 : i32
      %dma_start3A_2181 = tpu.memref_slice %arg11[%add3A_1949, %dma_start3A_2180] : memref<10112x16xf32, #tpu.memory_space<vmem_shared>> -> memref<64x16xf32, #tpu.memory_space<vmem_shared>>
      %dma_start3A_2182 = arith.constant 0 : i32
      %dma_start3A_2183 = tpu.memref_slice %arg11[%add3A_1949, %dma_start3A_2182] : memref<10112x16xf32, #tpu.memory_space<vmem_shared>> -> memref<64x16xf32, #tpu.memory_space<vmem_shared>>
      tpu.enqueue_dma source(%arg17 : memref<64x16xf32, #tpu.memory_space<vmem>>) target(%dma_start3A_2183 : memref<64x16xf32, #tpu.memory_space<vmem_shared>>) target_semaphore(%run_scoped3A : memref<!tpu.dma_semaphore, #tpu.memory_space<semaphore_mem>>)
      %dma_wait3A_2184 = arith.constant 0 : i32
      %dma_wait3A_2185 = tpu.memref_slice %arg11[%add3A_1949, %dma_wait3A_2184] : memref<10112x16xf32, #tpu.memory_space<vmem_shared>> -> memref<64x16xf32, #tpu.memory_space<vmem_shared>>
      %dma_wait3A_2186 = arith.constant 0 : i32
      %dma_wait3A_2187 = tpu.memref_slice %arg11[%add3A_1949, %dma_wait3A_2186] : memref<10112x16xf32, #tpu.memory_space<vmem_shared>> -> memref<64x16xf32, #tpu.memory_space<vmem_shared>>
      tpu.wait_dma2 semaphore(%run_scoped3A : memref<!tpu.dma_semaphore, #tpu.memory_space<semaphore_mem>>) src(%arg17 : memref<64x16xf32, #tpu.memory_space<vmem>>) dst(%dma_wait3A_2187 : memref<64x16xf32, #tpu.memory_space<vmem_shared>>)
      tpu.yield
    }) : () -> ()
    %add3A_1950 = arith.constant 128 : i32
    %add3A_1951 = arith.addi %mul3A_0, %add3A_1950 : i32
    "tpu.region"() ({
      %run_scoped3A = tpu.sem_alloc : memref<!tpu.dma_semaphore, #tpu.memory_space<semaphore_mem>>
      %dma_start3A_2180 = arith.constant 0 : i32
      %dma_start3A_2181 = tpu.memref_slice %arg11[%add3A_1951, %dma_start3A_2180] : memref<10112x16xf32, #tpu.memory_space<vmem_shared>> -> memref<64x16xf32, #tpu.memory_space<vmem_shared>>
      %dma_start3A_2182 = arith.constant 0 : i32
      %dma_start3A_2183 = tpu.memref_slice %arg11[%add3A_1951, %dma_start3A_2182] : memref<10112x16xf32, #tpu.memory_space<vmem_shared>> -> memref<64x16xf32, #tpu.memory_space<vmem_shared>>
      tpu.enqueue_dma source(%arg17 : memref<64x16xf32, #tpu.memory_space<vmem>>) target(%dma_start3A_2183 : memref<64x16xf32, #tpu.memory_space<vmem_shared>>) target_semaphore(%run_scoped3A : memref<!tpu.dma_semaphore, #tpu.memory_space<semaphore_mem>>)
      %dma_wait3A_2184 = arith.constant 0 : i32
      %dma_wait3A_2185 = tpu.memref_slice %arg11[%add3A_1951, %dma_wait3A_2184] : memref<10112x16xf32, #tpu.memory_space<vmem_shared>> -> memref<64x16xf32, #tpu.memory_space<vmem_shared>>
      %dma_wait3A_2186 = arith.constant 0 : i32
      %dma_wait3A_2187 = tpu.memref_slice %arg11[%add3A_1951, %dma_wait3A_2186] : memref<10112x16xf32, #tpu.memory_space<vmem_shared>> -> memref<64x16xf32, #tpu.memory_space<vmem_shared>>
      tpu.wait_dma2 semaphore(%run_scoped3A : memref<!tpu.dma_semaphore, #tpu.memory_space<semaphore_mem>>) src(%arg17 : memref<64x16xf32, #tpu.memory_space<vmem>>) dst(%dma_wait3A_2187 : memref<64x16xf32, #tpu.memory_space<vmem_shared>>)
      tpu.yield
    }) : () -> ()
    %add3A_1952 = arith.constant 192 : i32
    %add3A_1953 = arith.addi %mul3A_0, %add3A_1952 : i32
    "tpu.region"() ({
      %run_scoped3A = tpu.sem_alloc : memref<!tpu.dma_semaphore, #tpu.memory_space<semaphore_mem>>
      %dma_start3A_2180 = arith.constant 0 : i32
      %dma_start3A_2181 = tpu.memref_slice %arg11[%add3A_1953, %dma_start3A_2180] : memref<10112x16xf32, #tpu.memory_space<vmem_shared>> -> memref<64x16xf32, #tpu.memory_space<vmem_shared>>
      %dma_start3A_2182 = arith.constant 0 : i32
      %dma_start3A_2183 = tpu.memref_slice %arg11[%add3A_1953, %dma_start3A_2182] : memref<10112x16xf32, #tpu.memory_space<vmem_shared>> -> memref<64x16xf32, #tpu.memory_space<vmem_shared>>
      tpu.enqueue_dma source(%arg17 : memref<64x16xf32, #tpu.memory_space<vmem>>) target(%dma_start3A_2183 : memref<64x16xf32, #tpu.memory_space<vmem_shared>>) target_semaphore(%run_scoped3A : memref<!tpu.dma_semaphore, #tpu.memory_space<semaphore_mem>>)
      %dma_wait3A_2184 = arith.constant 0 : i32
      %dma_wait3A_2185 = tpu.memref_slice %arg11[%add3A_1953, %dma_wait3A_2184] : memref<10112x16xf32, #tpu.memory_space<vmem_shared>> -> memref<64x16xf32, #tpu.memory_space<vmem_shared>>
      %dma_wait3A_2186 = arith.constant 0 : i32
      %dma_wait3A_2187 = tpu.memref_slice %arg11[%add3A_1953, %dma_wait3A_2186] : memref<10112x16xf32, #tpu.memory_space<vmem_shared>> -> memref<64x16xf32, #tpu.memory_space<vmem_shared>>
      tpu.wait_dma2 semaphore(%run_scoped3A : memref<!tpu.dma_semaphore, #tpu.memory_space<semaphore_mem>>) src(%arg17 : memref<64x16xf32, #tpu.memory_space<vmem>>) dst(%dma_wait3A_2187 : memref<64x16xf32, #tpu.memory_space<vmem_shared>>)
      tpu.yield
    }) : () -> ()
    %add3A_1954 = arith.constant 256 : i32
    %add3A_1955 = arith.addi %mul3A_0, %add3A_1954 : i32
    "tpu.region"() ({
      %run_scoped3A = tpu.sem_alloc : memref<!tpu.dma_semaphore, #tpu.memory_space<semaphore_mem>>
      %dma_start3A_2180 = arith.constant 0 : i32
      %dma_start3A_2181 = tpu.memref_slice %arg11[%add3A_1955, %dma_start3A_2180] : memref<10112x16xf32, #tpu.memory_space<vmem_shared>> -> memref<64x16xf32, #tpu.memory_space<vmem_shared>>
      %dma_start3A_2182 = arith.constant 0 : i32
      %dma_start3A_2183 = tpu.memref_slice %arg11[%add3A_1955, %dma_start3A_2182] : memref<10112x16xf32, #tpu.memory_space<vmem_shared>> -> memref<64x16xf32, #tpu.memory_space<vmem_shared>>
      tpu.enqueue_dma source(%arg17 : memref<64x16xf32, #tpu.memory_space<vmem>>) target(%dma_start3A_2183 : memref<64x16xf32, #tpu.memory_space<vmem_shared>>) target_semaphore(%run_scoped3A : memref<!tpu.dma_semaphore, #tpu.memory_space<semaphore_mem>>)
      %dma_wait3A_2184 = arith.constant 0 : i32
      %dma_wait3A_2185 = tpu.memref_slice %arg11[%add3A_1955, %dma_wait3A_2184] : memref<10112x16xf32, #tpu.memory_space<vmem_shared>> -> memref<64x16xf32, #tpu.memory_space<vmem_shared>>
      %dma_wait3A_2186 = arith.constant 0 : i32
      %dma_wait3A_2187 = tpu.memref_slice %arg11[%add3A_1955, %dma_wait3A_2186] : memref<10112x16xf32, #tpu.memory_space<vmem_shared>> -> memref<64x16xf32, #tpu.memory_space<vmem_shared>>
      tpu.wait_dma2 semaphore(%run_scoped3A : memref<!tpu.dma_semaphore, #tpu.memory_space<semaphore_mem>>) src(%arg17 : memref<64x16xf32, #tpu.memory_space<vmem>>) dst(%dma_wait3A_2187 : memref<64x16xf32, #tpu.memory_space<vmem_shared>>)
      tpu.yield
    }) : () -> ()
    %add3A_1956 = arith.constant 320 : i32
    %add3A_1957 = arith.addi %mul3A_0, %add3A_1956 : i32
    "tpu.region"() ({
      %run_scoped3A = tpu.sem_alloc : memref<!tpu.dma_semaphore, #tpu.memory_space<semaphore_mem>>
      %dma_start3A_2180 = arith.constant 0 : i32
      %dma_start3A_2181 = tpu.memref_slice %arg11[%add3A_1957, %dma_start3A_2180] : memref<10112x16xf32, #tpu.memory_space<vmem_shared>> -> memref<64x16xf32, #tpu.memory_space<vmem_shared>>
      %dma_start3A_2182 = arith.constant 0 : i32
      %dma_start3A_2183 = tpu.memref_slice %arg11[%add3A_1957, %dma_start3A_2182] : memref<10112x16xf32, #tpu.memory_space<vmem_shared>> -> memref<64x16xf32, #tpu.memory_space<vmem_shared>>
      tpu.enqueue_dma source(%arg17 : memref<64x16xf32, #tpu.memory_space<vmem>>) target(%dma_start3A_2183 : memref<64x16xf32, #tpu.memory_space<vmem_shared>>) target_semaphore(%run_scoped3A : memref<!tpu.dma_semaphore, #tpu.memory_space<semaphore_mem>>)
      %dma_wait3A_2184 = arith.constant 0 : i32
      %dma_wait3A_2185 = tpu.memref_slice %arg11[%add3A_1957, %dma_wait3A_2184] : memref<10112x16xf32, #tpu.memory_space<vmem_shared>> -> memref<64x16xf32, #tpu.memory_space<vmem_shared>>
      %dma_wait3A_2186 = arith.constant 0 : i32
      %dma_wait3A_2187 = tpu.memref_slice %arg11[%add3A_1957, %dma_wait3A_2186] : memref<10112x16xf32, #tpu.memory_space<vmem_shared>> -> memref<64x16xf32, #tpu.memory_space<vmem_shared>>
      tpu.wait_dma2 semaphore(%run_scoped3A : memref<!tpu.dma_semaphore, #tpu.memory_space<semaphore_mem>>) src(%arg17 : memref<64x16xf32, #tpu.memory_space<vmem>>) dst(%dma_wait3A_2187 : memref<64x16xf32, #tpu.memory_space<vmem_shared>>)
      tpu.yield
    }) : () -> ()
    %add3A_1958 = arith.constant 384 : i32
    %add3A_1959 = arith.addi %mul3A_0, %add3A_1958 : i32
    "tpu.region"() ({
      %run_scoped3A = tpu.sem_alloc : memref<!tpu.dma_semaphore, #tpu.memory_space<semaphore_mem>>
      %dma_start3A_2180 = arith.constant 0 : i32
      %dma_start3A_2181 = tpu.memref_slice %arg11[%add3A_1959, %dma_start3A_2180] : memref<10112x16xf32, #tpu.memory_space<vmem_shared>> -> memref<64x16xf32, #tpu.memory_space<vmem_shared>>
      %dma_start3A_2182 = arith.constant 0 : i32
      %dma_start3A_2183 = tpu.memref_slice %arg11[%add3A_1959, %dma_start3A_2182] : memref<10112x16xf32, #tpu.memory_space<vmem_shared>> -> memref<64x16xf32, #tpu.memory_space<vmem_shared>>
      tpu.enqueue_dma source(%arg17 : memref<64x16xf32, #tpu.memory_space<vmem>>) target(%dma_start3A_2183 : memref<64x16xf32, #tpu.memory_space<vmem_shared>>) target_semaphore(%run_scoped3A : memref<!tpu.dma_semaphore, #tpu.memory_space<semaphore_mem>>)
      %dma_wait3A_2184 = arith.constant 0 : i32
      %dma_wait3A_2185 = tpu.memref_slice %arg11[%add3A_1959, %dma_wait3A_2184] : memref<10112x16xf32, #tpu.memory_space<vmem_shared>> -> memref<64x16xf32, #tpu.memory_space<vmem_shared>>
      %dma_wait3A_2186 = arith.constant 0 : i32
      %dma_wait3A_2187 = tpu.memref_slice %arg11[%add3A_1959, %dma_wait3A_2186] : memref<10112x16xf32, #tpu.memory_space<vmem_shared>> -> memref<64x16xf32, #tpu.memory_space<vmem_shared>>
      tpu.wait_dma2 semaphore(%run_scoped3A : memref<!tpu.dma_semaphore, #tpu.memory_space<semaphore_mem>>) src(%arg17 : memref<64x16xf32, #tpu.memory_space<vmem>>) dst(%dma_wait3A_2187 : memref<64x16xf32, #tpu.memory_space<vmem_shared>>)
      tpu.yield
    }) : () -> ()
    %add3A_1960 = arith.constant 448 : i32
    %add3A_1961 = arith.addi %mul3A_0, %add3A_1960 : i32
    "tpu.region"() ({
      %run_scoped3A = tpu.sem_alloc : memref<!tpu.dma_semaphore, #tpu.memory_space<semaphore_mem>>
      %dma_start3A_2180 = arith.constant 0 : i32
      %dma_start3A_2181 = tpu.memref_slice %arg11[%add3A_1961, %dma_start3A_2180] : memref<10112x16xf32, #tpu.memory_space<vmem_shared>> -> memref<64x16xf32, #tpu.memory_space<vmem_shared>>
      %dma_start3A_2182 = arith.constant 0 : i32
      %dma_start3A_2183 = tpu.memref_slice %arg11[%add3A_1961, %dma_start3A_2182] : memref<10112x16xf32, #tpu.memory_space<vmem_shared>> -> memref<64x16xf32, #tpu.memory_space<vmem_shared>>
      tpu.enqueue_dma source(%arg17 : memref<64x16xf32, #tpu.memory_space<vmem>>) target(%dma_start3A_2183 : memref<64x16xf32, #tpu.memory_space<vmem_shared>>) target_semaphore(%run_scoped3A : memref<!tpu.dma_semaphore, #tpu.memory_space<semaphore_mem>>)
      %dma_wait3A_2184 = arith.constant 0 : i32
      %dma_wait3A_2185 = tpu.memref_slice %arg11[%add3A_1961, %dma_wait3A_2184] : memref<10112x16xf32, #tpu.memory_space<vmem_shared>> -> memref<64x16xf32, #tpu.memory_space<vmem_shared>>
      %dma_wait3A_2186 = arith.constant 0 : i32
      %dma_wait3A_2187 = tpu.memref_slice %arg11[%add3A_1961, %dma_wait3A_2186] : memref<10112x16xf32, #tpu.memory_space<vmem_shared>> -> memref<64x16xf32, #tpu.memory_space<vmem_shared>>
      tpu.wait_dma2 semaphore(%run_scoped3A : memref<!tpu.dma_semaphore, #tpu.memory_space<semaphore_mem>>) src(%arg17 : memref<64x16xf32, #tpu.memory_space<vmem>>) dst(%dma_wait3A_2187 : memref<64x16xf32, #tpu.memory_space<vmem_shared>>)
      tpu.yield
    }) : () -> ()
    %add3A_1962 = arith.constant 512 : i32
    %add3A_1963 = arith.addi %mul3A_0, %add3A_1962 : i32
    "tpu.region"() ({
      %run_scoped3A = tpu.sem_alloc : memref<!tpu.dma_semaphore, #tpu.memory_space<semaphore_mem>>
      %dma_start3A_2180 = arith.constant 0 : i32
      %dma_start3A_2181 = tpu.memref_slice %arg11[%add3A_1963, %dma_start3A_2180] : memref<10112x16xf32, #tpu.memory_space<vmem_shared>> -> memref<64x16xf32, #tpu.memory_space<vmem_shared>>
      %dma_start3A_2182 = arith.constant 0 : i32
      %dma_start3A_2183 = tpu.memref_slice %arg11[%add3A_1963, %dma_start3A_2182] : memref<10112x16xf32, #tpu.memory_space<vmem_shared>> -> memref<64x16xf32, #tpu.memory_space<vmem_shared>>
      tpu.enqueue_dma source(%arg17 : memref<64x16xf32, #tpu.memory_space<vmem>>) target(%dma_start3A_2183 : memref<64x16xf32, #tpu.memory_space<vmem_shared>>) target_semaphore(%run_scoped3A : memref<!tpu.dma_semaphore, #tpu.memory_space<semaphore_mem>>)
      %dma_wait3A_2184 = arith.constant 0 : i32
      %dma_wait3A_2185 = tpu.memref_slice %arg11[%add3A_1963, %dma_wait3A_2184] : memref<10112x16xf32, #tpu.memory_space<vmem_shared>> -> memref<64x16xf32, #tpu.memory_space<vmem_shared>>
      %dma_wait3A_2186 = arith.constant 0 : i32
      %dma_wait3A_2187 = tpu.memref_slice %arg11[%add3A_1963, %dma_wait3A_2186] : memref<10112x16xf32, #tpu.memory_space<vmem_shared>> -> memref<64x16xf32, #tpu.memory_space<vmem_shared>>
      tpu.wait_dma2 semaphore(%run_scoped3A : memref<!tpu.dma_semaphore, #tpu.memory_space<semaphore_mem>>) src(%arg17 : memref<64x16xf32, #tpu.memory_space<vmem>>) dst(%dma_wait3A_2187 : memref<64x16xf32, #tpu.memory_space<vmem_shared>>)
      tpu.yield
    }) : () -> ()
    %add3A_1964 = arith.constant 576 : i32
    %add3A_1965 = arith.addi %mul3A_0, %add3A_1964 : i32
    "tpu.region"() ({
      %run_scoped3A = tpu.sem_alloc : memref<!tpu.dma_semaphore, #tpu.memory_space<semaphore_mem>>
      %dma_start3A_2180 = arith.constant 0 : i32
      %dma_start3A_2181 = arith.constant 0 : i32
      %dma_start3A_2182 = tpu.memref_slice %arg17[%dma_start3A_2180, %dma_start3A_2181] : memref<64x16xf32, #tpu.memory_space<vmem>> -> memref<56x16xf32, #tpu.memory_space<vmem>>
      %dma_start3A_2183 = arith.constant 0 : i32
      %dma_start3A_2184 = tpu.memref_slice %arg11[%add3A_1965, %dma_start3A_2183] : memref<10112x16xf32, #tpu.memory_space<vmem_shared>> -> memref<56x16xf32, #tpu.memory_space<vmem_shared>>
      %dma_start3A_2185 = arith.constant 0 : i32
      %dma_start3A_2186 = tpu.memref_slice %arg11[%add3A_1965, %dma_start3A_2185] : memref<10112x16xf32, #tpu.memory_space<vmem_shared>> -> memref<56x16xf32, #tpu.memory_space<vmem_shared>>
      %dma_start3A_2187 = arith.constant 0 : i32
      %dma_start3A_2188 = arith.constant 0 : i32
      %dma_start3A_2189 = tpu.memref_slice %arg17[%dma_start3A_2187, %dma_start3A_2188] : memref<64x16xf32, #tpu.memory_space<vmem>> -> memref<56x16xf32, #tpu.memory_space<vmem>>
      tpu.enqueue_dma source(%dma_start3A_2189 : memref<56x16xf32, #tpu.memory_space<vmem>>) target(%dma_start3A_2186 : memref<56x16xf32, #tpu.memory_space<vmem_shared>>) target_semaphore(%run_scoped3A : memref<!tpu.dma_semaphore, #tpu.memory_space<semaphore_mem>>)
      %dma_wait3A_2190 = arith.constant 0 : i32
      %dma_wait3A_2191 = arith.constant 0 : i32
      %dma_wait3A_2192 = tpu.memref_slice %arg17[%dma_wait3A_2190, %dma_wait3A_2191] : memref<64x16xf32, #tpu.memory_space<vmem>> -> memref<56x16xf32, #tpu.memory_space<vmem>>
      %dma_wait3A_2193 = arith.constant 0 : i32
      %dma_wait3A_2194 = tpu.memref_slice %arg11[%add3A_1965, %dma_wait3A_2193] : memref<10112x16xf32, #tpu.memory_space<vmem_shared>> -> memref<56x16xf32, #tpu.memory_space<vmem_shared>>
      %dma_wait3A_2195 = arith.constant 0 : i32
      %dma_wait3A_2196 = tpu.memref_slice %arg11[%add3A_1965, %dma_wait3A_2195] : memref<10112x16xf32, #tpu.memory_space<vmem_shared>> -> memref<56x16xf32, #tpu.memory_space<vmem_shared>>
      %dma_wait3A_2197 = arith.constant 0 : i32
      %dma_wait3A_2198 = arith.constant 0 : i32
      %dma_wait3A_2199 = tpu.memref_slice %arg17[%dma_wait3A_2197, %dma_wait3A_2198] : memref<64x16xf32, #tpu.memory_space<vmem>> -> memref<56x16xf32, #tpu.memory_space<vmem>>
      tpu.wait_dma2 semaphore(%run_scoped3A : memref<!tpu.dma_semaphore, #tpu.memory_space<semaphore_mem>>) src(%dma_wait3A_2199 : memref<56x16xf32, #tpu.memory_space<vmem>>) dst(%dma_wait3A_2196 : memref<56x16xf32, #tpu.memory_space<vmem_shared>>)
      tpu.yield
    }) : () -> ()
    %barrier3A = arith.constant 0 : index
    tpu.barrier barrier_id(%barrier3A)
    %mul3A_1966 = arith.constant 80 : i32
    %mul3A_1967 = arith.muli %arg0, %mul3A_1966 : i32
    %add3A_1968 = arith.constant 0 : i32
    %add3A_1969 = arith.addi %mul3A_1967, %add3A_1968 : i32
    %dma_start3A = arith.constant 0 : i32
    %dma_start3A_1970 = arith.constant 0 : i32
    %dma_start3A_1971 = arith.constant 0 : i32
    %dma_start3A_1972 = tpu.memref_slice %arg15[%dma_start3A, %dma_start3A_1970, %dma_start3A_1971] : memref<2x128x16xf32, #tpu.memory_space<vmem>> -> memref<1x128x16xf32, #tpu.memory_space<vmem>>
    %dma_start3A_1973 = tpu.memref_squeeze %dma_start3A_1972 : memref<1x128x16xf32, #tpu.memory_space<vmem>> -> memref<128x16xf32, #tpu.memory_space<vmem>>
    %dma_start3A_1974 = arith.constant 0 : i32
    %dma_start3A_1975 = tpu.memref_slice %arg12[%add3A_1969, %dma_start3A_1974] : memref<160x128xi32, #tpu.memory_space<vmem>> -> memref<1x128xi32, #tpu.memory_space<vmem>>
    %dma_start3A_1976 = tpu.memref_squeeze %dma_start3A_1975 : memref<1x128xi32, #tpu.memory_space<vmem>> -> memref<128xi32, #tpu.memory_space<vmem>>
    %dma_start3A_1977 = arith.constant 0 : i32
    %dma_start3A_1978 = arith.constant 0 : i32
    %dma_start3A_1979 = tpu.memref_slice %arg3[%dma_start3A_1977, %dma_start3A_1978] : memref<10112x16xf32, #tpu.memory_space<hbm>> -> memref<10112x16xf32, #tpu.memory_space<hbm>>
    tpu.enqueue_indirect_dma source(%dma_start3A_1979 : memref<10112x16xf32, #tpu.memory_space<hbm>>) target(%dma_start3A_1973 : memref<128x16xf32, #tpu.memory_space<vmem>>) offsets(%dma_start3A_1976 : memref<128xi32, #tpu.memory_space<vmem>>) semaphore(%arg18 : memref<!tpu.dma_semaphore, #tpu.memory_space<semaphore_mem>>)
    %scan3A = arith.constant 0 : i32
    %scan3A_1980 = arith.constant 0 : i32
    %scan3A_1981 = arith.constant 80 : i32
    %scan3A_1982 = arith.addi %scan3A_1980, %scan3A_1981 : i32
    %scan3A_1983 = arith.constant 1 : i32
    scf.for %scan3A_2180 = %scan3A_1980 to %scan3A_1982 step %scan3A_1983  : i32 {
      %ge3A = arith.constant 1 : i32
      %ge3A_2181 = arith.cmpi sge, %scan3A_2180, %ge3A : i32
      %convert_element_type3A_2182 = arith.extui %ge3A_2181 : i1 to i32
      %cond3A_2183 = arith.constant 0 : i32
      %cond3A_2184 = arith.cmpi ne, %convert_element_type3A_2182, %cond3A_2183 : i32
      scf.if %cond3A_2184 {
        %sub3A = arith.constant 1 : i32
        %sub3A_2241 = arith.subi %scan3A_2180, %sub3A : i32
        %jit3A_2242 = arith.constant 2 : i32
        %eq3A_2243 = arith.constant 0 : i32
        %eq3A_2244 = arith.cmpi eq, %jit3A_2242, %eq3A_2243 : i32
        %jit3A_2245 = arith.constant 1 : i32
        %select_n3A_2246 = arith.select %eq3A_2244, %jit3A_2245, %jit3A_2242 : i32
        %rem3A_2247 = arith.remsi %sub3A_2241, %select_n3A_2246 : i32
        %ne3A_2248 = arith.constant 0 : i32
        %ne3A_2249 = arith.cmpi ne, %rem3A_2247, %ne3A_2248 : i32
        %lt3A_2250 = arith.constant 0 : i32
        %lt3A_2251 = arith.cmpi slt, %rem3A_2247, %lt3A_2250 : i32
        %lt3A_2252 = arith.constant 0 : i32
        %lt3A_2253 = arith.cmpi slt, %select_n3A_2246, %lt3A_2252 : i32
        %ne3A_2254 = arith.xori %lt3A_2251, %lt3A_2253 : i1
        %and3A_2255 = arith.andi %ne3A_2254, %ne3A_2249 : i1
        %add3A_2256 = arith.addi %rem3A_2247, %select_n3A_2246 : i32
        %select_n3A_2257 = arith.select %and3A_2255, %add3A_2256, %rem3A_2247 : i32
        %add3A_2258 = arith.addi %mul3A_1967, %sub3A_2241 : i32
        %dma_wait3A_2259 = arith.constant 0 : i32
        %dma_wait3A_2260 = arith.constant 0 : i32
        %dma_wait3A_2261 = tpu.memref_slice %arg15[%select_n3A_2257, %dma_wait3A_2259, %dma_wait3A_2260] : memref<2x128x16xf32, #tpu.memory_space<vmem>> -> memref<1x128x16xf32, #tpu.memory_space<vmem>>
        %dma_wait3A_2262 = tpu.memref_squeeze %dma_wait3A_2261 : memref<1x128x16xf32, #tpu.memory_space<vmem>> -> memref<128x16xf32, #tpu.memory_space<vmem>>
        %dma_wait3A_2263 = arith.constant 0 : i32
        %dma_wait3A_2264 = tpu.memref_slice %arg13[%add3A_2258, %dma_wait3A_2263] : memref<160x128xi32, #tpu.memory_space<vmem>> -> memref<1x128xi32, #tpu.memory_space<vmem>>
        %dma_wait3A_2265 = tpu.memref_squeeze %dma_wait3A_2264 : memref<1x128xi32, #tpu.memory_space<vmem>> -> memref<128xi32, #tpu.memory_space<vmem>>
        %dma_wait3A_2266 = arith.constant 0 : i32
        %dma_wait3A_2267 = arith.constant 0 : i32
        %dma_wait3A_2268 = tpu.memref_slice %arg11[%dma_wait3A_2266, %dma_wait3A_2267] : memref<10112x16xf32, #tpu.memory_space<vmem_shared>> -> memref<10112x16xf32, #tpu.memory_space<vmem_shared>>
        tpu.wait_indirect_dma semaphore(%arg19 : memref<!tpu.dma_semaphore, #tpu.memory_space<semaphore_mem>>) src(%dma_wait3A_2262 : memref<128x16xf32, #tpu.memory_space<vmem>>) dst(%dma_wait3A_2268 : memref<10112x16xf32, #tpu.memory_space<vmem_shared>>)
      } else {
      }
      %add3A_2185 = arith.constant 1 : i32
      %add3A_2186 = arith.addi %scan3A_2180, %add3A_2185 : i32
      %lt3A_2187 = arith.constant 80 : i32
      %lt3A_2188 = arith.cmpi slt, %add3A_2186, %lt3A_2187 : i32
      %convert_element_type3A_2189 = arith.extui %lt3A_2188 : i1 to i32
      %cond3A_2190 = arith.constant 0 : i32
      %cond3A_2191 = arith.cmpi ne, %convert_element_type3A_2189, %cond3A_2190 : i32
      scf.if %cond3A_2191 {
        %add3A_2241 = arith.constant 1 : i32
        %add3A_2242 = arith.addi %scan3A_2180, %add3A_2241 : i32
        %add3A_2243 = arith.addi %mul3A_1967, %add3A_2242 : i32
        %jit3A_2244 = arith.constant 2 : i32
        %eq3A_2245 = arith.constant 0 : i32
        %eq3A_2246 = arith.cmpi eq, %jit3A_2244, %eq3A_2245 : i32
        %jit3A_2247 = arith.constant 1 : i32
        %select_n3A_2248 = arith.select %eq3A_2246, %jit3A_2247, %jit3A_2244 : i32
        %rem3A_2249 = arith.remsi %add3A_2242, %select_n3A_2248 : i32
        %ne3A_2250 = arith.constant 0 : i32
        %ne3A_2251 = arith.cmpi ne, %rem3A_2249, %ne3A_2250 : i32
        %lt3A_2252 = arith.constant 0 : i32
        %lt3A_2253 = arith.cmpi slt, %rem3A_2249, %lt3A_2252 : i32
        %lt3A_2254 = arith.constant 0 : i32
        %lt3A_2255 = arith.cmpi slt, %select_n3A_2248, %lt3A_2254 : i32
        %ne3A_2256 = arith.xori %lt3A_2253, %lt3A_2255 : i1
        %and3A_2257 = arith.andi %ne3A_2256, %ne3A_2251 : i1
        %add3A_2258 = arith.addi %rem3A_2249, %select_n3A_2248 : i32
        %select_n3A_2259 = arith.select %and3A_2257, %add3A_2258, %rem3A_2249 : i32
        %dma_start3A_2260 = arith.constant 0 : i32
        %dma_start3A_2261 = arith.constant 0 : i32
        %dma_start3A_2262 = tpu.memref_slice %arg15[%select_n3A_2259, %dma_start3A_2260, %dma_start3A_2261] : memref<2x128x16xf32, #tpu.memory_space<vmem>> -> memref<1x128x16xf32, #tpu.memory_space<vmem>>
        %dma_start3A_2263 = tpu.memref_squeeze %dma_start3A_2262 : memref<1x128x16xf32, #tpu.memory_space<vmem>> -> memref<128x16xf32, #tpu.memory_space<vmem>>
        %dma_start3A_2264 = arith.constant 0 : i32
        %dma_start3A_2265 = tpu.memref_slice %arg12[%add3A_2243, %dma_start3A_2264] : memref<160x128xi32, #tpu.memory_space<vmem>> -> memref<1x128xi32, #tpu.memory_space<vmem>>
        %dma_start3A_2266 = tpu.memref_squeeze %dma_start3A_2265 : memref<1x128xi32, #tpu.memory_space<vmem>> -> memref<128xi32, #tpu.memory_space<vmem>>
        %dma_start3A_2267 = arith.constant 0 : i32
        %dma_start3A_2268 = arith.constant 0 : i32
        %dma_start3A_2269 = tpu.memref_slice %arg3[%dma_start3A_2267, %dma_start3A_2268] : memref<10112x16xf32, #tpu.memory_space<hbm>> -> memref<10112x16xf32, #tpu.memory_space<hbm>>
        tpu.enqueue_indirect_dma source(%dma_start3A_2269 : memref<10112x16xf32, #tpu.memory_space<hbm>>) target(%dma_start3A_2263 : memref<128x16xf32, #tpu.memory_space<vmem>>) offsets(%dma_start3A_2266 : memref<128xi32, #tpu.memory_space<vmem>>) semaphore(%arg18 : memref<!tpu.dma_semaphore, #tpu.memory_space<semaphore_mem>>)
      } else {
      }
      %add3A_2192 = arith.addi %mul3A_1967, %scan3A_2180 : i32
      %jit3A = arith.constant 2 : i32
      %eq3A_2193 = arith.constant 0 : i32
      %eq3A_2194 = arith.cmpi eq, %jit3A, %eq3A_2193 : i32
      %jit3A_2195 = arith.constant 1 : i32
      %select_n3A = arith.select %eq3A_2194, %jit3A_2195, %jit3A : i32
      %rem3A = arith.remsi %scan3A_2180, %select_n3A : i32
      %ne3A = arith.constant 0 : i32
      %ne3A_2196 = arith.cmpi ne, %rem3A, %ne3A : i32
      %lt3A_2197 = arith.constant 0 : i32
      %lt3A_2198 = arith.cmpi slt, %rem3A, %lt3A_2197 : i32
      %lt3A_2199 = arith.constant 0 : i32
      %lt3A_2200 = arith.cmpi slt, %select_n3A, %lt3A_2199 : i32
      %ne3A_2201 = arith.xori %lt3A_2198, %lt3A_2200 : i1
      %and3A = arith.andi %ne3A_2201, %ne3A_2196 : i1
      %add3A_2202 = arith.addi %rem3A, %select_n3A : i32
      %select_n3A_2203 = arith.select %and3A, %add3A_2202, %rem3A : i32
      %dma_wait3A_2204 = arith.constant 0 : i32
      %dma_wait3A_2205 = arith.constant 0 : i32
      %dma_wait3A_2206 = tpu.memref_slice %arg15[%select_n3A_2203, %dma_wait3A_2204, %dma_wait3A_2205] : memref<2x128x16xf32, #tpu.memory_space<vmem>> -> memref<1x128x16xf32, #tpu.memory_space<vmem>>
      %dma_wait3A_2207 = tpu.memref_squeeze %dma_wait3A_2206 : memref<1x128x16xf32, #tpu.memory_space<vmem>> -> memref<128x16xf32, #tpu.memory_space<vmem>>
      %dma_wait3A_2208 = arith.constant 0 : i32
      %dma_wait3A_2209 = tpu.memref_slice %arg12[%add3A_2192, %dma_wait3A_2208] : memref<160x128xi32, #tpu.memory_space<vmem>> -> memref<1x128xi32, #tpu.memory_space<vmem>>
      %dma_wait3A_2210 = tpu.memref_squeeze %dma_wait3A_2209 : memref<1x128xi32, #tpu.memory_space<vmem>> -> memref<128xi32, #tpu.memory_space<vmem>>
      %dma_wait3A_2211 = arith.constant 0 : i32
      %dma_wait3A_2212 = arith.constant 0 : i32
      %dma_wait3A_2213 = tpu.memref_slice %arg3[%dma_wait3A_2211, %dma_wait3A_2212] : memref<10112x16xf32, #tpu.memory_space<hbm>> -> memref<10112x16xf32, #tpu.memory_space<hbm>>
      tpu.wait_indirect_dma semaphore(%arg18 : memref<!tpu.dma_semaphore, #tpu.memory_space<semaphore_mem>>) src(%dma_wait3A_2213 : memref<10112x16xf32, #tpu.memory_space<hbm>>) dst(%dma_wait3A_2207 : memref<128x16xf32, #tpu.memory_space<vmem>>)
      %jit3A_2214 = arith.constant 2 : i32
      %eq3A_2215 = arith.constant 0 : i32
      %eq3A_2216 = arith.cmpi eq, %jit3A_2214, %eq3A_2215 : i32
      %jit3A_2217 = arith.constant 1 : i32
      %select_n3A_2218 = arith.select %eq3A_2216, %jit3A_2217, %jit3A_2214 : i32
      %rem3A_2219 = arith.remsi %scan3A_2180, %select_n3A_2218 : i32
      %ne3A_2220 = arith.constant 0 : i32
      %ne3A_2221 = arith.cmpi ne, %rem3A_2219, %ne3A_2220 : i32
      %lt3A_2222 = arith.constant 0 : i32
      %lt3A_2223 = arith.cmpi slt, %rem3A_2219, %lt3A_2222 : i32
      %lt3A_2224 = arith.constant 0 : i32
      %lt3A_2225 = arith.cmpi slt, %select_n3A_2218, %lt3A_2224 : i32
      %ne3A_2226 = arith.xori %lt3A_2223, %lt3A_2225 : i1
      %and3A_2227 = arith.andi %ne3A_2226, %ne3A_2221 : i1
      %add3A_2228 = arith.addi %rem3A_2219, %select_n3A_2218 : i32
      %select_n3A_2229 = arith.select %and3A_2227, %add3A_2228, %rem3A_2219 : i32
      %add3A_2230 = arith.addi %mul3A_1967, %scan3A_2180 : i32
      %dma_start3A_2231 = arith.constant 0 : i32
      %dma_start3A_2232 = arith.constant 0 : i32
      %dma_start3A_2233 = tpu.memref_slice %arg15[%select_n3A_2229, %dma_start3A_2231, %dma_start3A_2232] : memref<2x128x16xf32, #tpu.memory_space<vmem>> -> memref<1x128x16xf32, #tpu.memory_space<vmem>>
      %dma_start3A_2234 = tpu.memref_squeeze %dma_start3A_2233 : memref<1x128x16xf32, #tpu.memory_space<vmem>> -> memref<128x16xf32, #tpu.memory_space<vmem>>
      %dma_start3A_2235 = arith.constant 0 : i32
      %dma_start3A_2236 = tpu.memref_slice %arg13[%add3A_2230, %dma_start3A_2235] : memref<160x128xi32, #tpu.memory_space<vmem>> -> memref<1x128xi32, #tpu.memory_space<vmem>>
      %dma_start3A_2237 = tpu.memref_squeeze %dma_start3A_2236 : memref<1x128xi32, #tpu.memory_space<vmem>> -> memref<128xi32, #tpu.memory_space<vmem>>
      %dma_start3A_2238 = arith.constant 0 : i32
      %dma_start3A_2239 = arith.constant 0 : i32
      %dma_start3A_2240 = tpu.memref_slice %arg11[%dma_start3A_2238, %dma_start3A_2239] : memref<10112x16xf32, #tpu.memory_space<vmem_shared>> -> memref<10112x16xf32, #tpu.memory_space<vmem_shared>>
      tpu.enqueue_indirect_dma source(%dma_start3A_2234 : memref<128x16xf32, #tpu.memory_space<vmem>>) target(%dma_start3A_2240 : memref<10112x16xf32, #tpu.memory_space<vmem_shared>>) offsets(%dma_start3A_2237 : memref<128xi32, #tpu.memory_space<vmem>>) semaphore(%arg19 : memref<!tpu.dma_semaphore, #tpu.memory_space<semaphore_mem>>) {add = true}
    }
    %scan3A_1984 = arith.constant 80 : i32
    %add3A_1985 = arith.constant 79 : i32
    %add3A_1986 = arith.addi %mul3A_1967, %add3A_1985 : i32
    %dma_wait3A = arith.constant 1 : i32
    %dma_wait3A_1987 = arith.constant 0 : i32
    %dma_wait3A_1988 = arith.constant 0 : i32
    %dma_wait3A_1989 = tpu.memref_slice %arg15[%dma_wait3A, %dma_wait3A_1987, %dma_wait3A_1988] : memref<2x128x16xf32, #tpu.memory_space<vmem>> -> memref<1x128x16xf32, #tpu.memory_space<vmem>>
    %dma_wait3A_1990 = tpu.memref_squeeze %dma_wait3A_1989 : memref<1x128x16xf32, #tpu.memory_space<vmem>> -> memref<128x16xf32, #tpu.memory_space<vmem>>
    %dma_wait3A_1991 = arith.constant 0 : i32
    %dma_wait3A_1992 = tpu.memref_slice %arg13[%add3A_1986, %dma_wait3A_1991] : memref<160x128xi32, #tpu.memory_space<vmem>> -> memref<1x128xi32, #tpu.memory_space<vmem>>
    %dma_wait3A_1993 = tpu.memref_squeeze %dma_wait3A_1992 : memref<1x128xi32, #tpu.memory_space<vmem>> -> memref<128xi32, #tpu.memory_space<vmem>>
    %dma_wait3A_1994 = arith.constant 0 : i32
    %dma_wait3A_1995 = arith.constant 0 : i32
    %dma_wait3A_1996 = tpu.memref_slice %arg11[%dma_wait3A_1994, %dma_wait3A_1995] : memref<10112x16xf32, #tpu.memory_space<vmem_shared>> -> memref<10112x16xf32, #tpu.memory_space<vmem_shared>>
    tpu.wait_indirect_dma semaphore(%arg19 : memref<!tpu.dma_semaphore, #tpu.memory_space<semaphore_mem>>) src(%dma_wait3A_1990 : memref<128x16xf32, #tpu.memory_space<vmem>>) dst(%dma_wait3A_1996 : memref<10112x16xf32, #tpu.memory_space<vmem_shared>>)
    %dma_start3A_1997 = arith.constant 0 : i32
    %dma_start3A_1998 = arith.constant 0 : i32
    %dma_start3A_1999 = arith.constant 0 : i32
    %dma_start3A_2000 = arith.constant 0 : i32
    %dma_start3A_2001 = tpu.memref_slice %arg14[%dma_start3A_1998, %dma_start3A_1999, %dma_start3A_2000] : memref<3x128x64xf32, #tpu.memory_space<vmem>> -> memref<1x128x64xf32, #tpu.memory_space<vmem>>
    %dma_start3A_2002 = tpu.memref_squeeze %dma_start3A_2001 : memref<1x128x64xf32, #tpu.memory_space<vmem>> -> memref<128x64xf32, #tpu.memory_space<vmem>>
    %dma_start3A_2003 = arith.constant 0 : i32
    %dma_start3A_2004 = tpu.memref_slice %arg12[%dma_start3A_1997, %dma_start3A_2003] : memref<160x128xi32, #tpu.memory_space<vmem>> -> memref<1x128xi32, #tpu.memory_space<vmem>>
    %dma_start3A_2005 = tpu.memref_squeeze %dma_start3A_2004 : memref<1x128xi32, #tpu.memory_space<vmem>> -> memref<128xi32, #tpu.memory_space<vmem>>
    %dma_start3A_2006 = arith.constant 0 : i32
    %dma_start3A_2007 = arith.constant 0 : i32
    %dma_start3A_2008 = tpu.memref_slice %arg2[%arg0, %dma_start3A_2006, %dma_start3A_2007] : memref<2x10112x64xf32, #tpu.memory_space<hbm>> -> memref<1x10112x64xf32, #tpu.memory_space<hbm>>
    %dma_start3A_2009 = tpu.memref_squeeze %dma_start3A_2008 : memref<1x10112x64xf32, #tpu.memory_space<hbm>> -> memref<10112x64xf32, #tpu.memory_space<hbm>>
    %dma_start3A_2010 = arith.constant 0 : i32
    %dma_start3A_2011 = arith.constant 0 : i32
    %dma_start3A_2012 = tpu.memref_slice %dma_start3A_2009[%dma_start3A_2010, %dma_start3A_2011] : memref<10112x64xf32, #tpu.memory_space<hbm>> -> memref<10112x64xf32, #tpu.memory_space<hbm>>
    tpu.enqueue_indirect_dma source(%dma_start3A_2012 : memref<10112x64xf32, #tpu.memory_space<hbm>>) target(%dma_start3A_2002 : memref<128x64xf32, #tpu.memory_space<vmem>>) offsets(%dma_start3A_2005 : memref<128xi32, #tpu.memory_space<vmem>>) semaphore(%arg18 : memref<!tpu.dma_semaphore, #tpu.memory_space<semaphore_mem>>)
    %scan3A_2013 = arith.constant 0 : i32
    %scan3A_2014 = arith.constant 0 : i32
    %scan3A_2015 = arith.constant 160 : i32
    %scan3A_2016 = arith.addi %scan3A_2014, %scan3A_2015 : i32
    %scan3A_2017 = arith.constant 1 : i32
    scf.for %scan3A_2180 = %scan3A_2014 to %scan3A_2016 step %scan3A_2017  : i32 {
      %ge3A = arith.constant 2 : i32
      %ge3A_2181 = arith.cmpi sge, %scan3A_2180, %ge3A : i32
      %convert_element_type3A_2182 = arith.extui %ge3A_2181 : i1 to i32
      %cond3A_2183 = arith.constant 0 : i32
      %cond3A_2184 = arith.cmpi ne, %convert_element_type3A_2182, %cond3A_2183 : i32
      scf.if %cond3A_2184 {
        %sub3A = arith.constant 2 : i32
        %sub3A_2247 = arith.subi %scan3A_2180, %sub3A : i32
        %jit3A_2248 = arith.constant 3 : i32
        %eq3A_2249 = arith.constant 0 : i32
        %eq3A_2250 = arith.cmpi eq, %jit3A_2248, %eq3A_2249 : i32
        %jit3A_2251 = arith.constant 1 : i32
        %select_n3A_2252 = arith.select %eq3A_2250, %jit3A_2251, %jit3A_2248 : i32
        %rem3A_2253 = arith.remsi %sub3A_2247, %select_n3A_2252 : i32
        %ne3A_2254 = arith.constant 0 : i32
        %ne3A_2255 = arith.cmpi ne, %rem3A_2253, %ne3A_2254 : i32
        %lt3A_2256 = arith.constant 0 : i32
        %lt3A_2257 = arith.cmpi slt, %rem3A_2253, %lt3A_2256 : i32
        %lt3A_2258 = arith.constant 0 : i32
        %lt3A_2259 = arith.cmpi slt, %select_n3A_2252, %lt3A_2258 : i32
        %ne3A_2260 = arith.xori %lt3A_2257, %lt3A_2259 : i1
        %and3A_2261 = arith.andi %ne3A_2260, %ne3A_2255 : i1
        %add3A_2262 = arith.addi %rem3A_2253, %select_n3A_2252 : i32
        %select_n3A_2263 = arith.select %and3A_2261, %add3A_2262, %rem3A_2253 : i32
        %add3A_2264 = arith.constant 0 : i32
        %add3A_2265 = arith.addi %add3A_2264, %sub3A_2247 : i32
        %dma_wait3A_2266 = arith.constant 0 : i32
        %dma_wait3A_2267 = arith.constant 0 : i32
        %dma_wait3A_2268 = tpu.memref_slice %arg14[%select_n3A_2263, %dma_wait3A_2266, %dma_wait3A_2267] : memref<3x128x64xf32, #tpu.memory_space<vmem>> -> memref<1x128x64xf32, #tpu.memory_space<vmem>>
        %dma_wait3A_2269 = tpu.memref_squeeze %dma_wait3A_2268 : memref<1x128x64xf32, #tpu.memory_space<vmem>> -> memref<128x64xf32, #tpu.memory_space<vmem>>
        %dma_wait3A_2270 = arith.constant 0 : i32
        %dma_wait3A_2271 = tpu.memref_slice %arg13[%add3A_2265, %dma_wait3A_2270] : memref<160x128xi32, #tpu.memory_space<vmem>> -> memref<1x128xi32, #tpu.memory_space<vmem>>
        %dma_wait3A_2272 = tpu.memref_squeeze %dma_wait3A_2271 : memref<1x128xi32, #tpu.memory_space<vmem>> -> memref<128xi32, #tpu.memory_space<vmem>>
        %dma_wait3A_2273 = arith.constant 0 : i32
        %dma_wait3A_2274 = arith.constant 0 : i32
        %dma_wait3A_2275 = tpu.memref_slice %arg10[%dma_wait3A_2273, %dma_wait3A_2274] : memref<10112x64xf32, #tpu.memory_space<vmem_shared>> -> memref<10112x64xf32, #tpu.memory_space<vmem_shared>>
        tpu.wait_indirect_dma semaphore(%arg19 : memref<!tpu.dma_semaphore, #tpu.memory_space<semaphore_mem>>) src(%dma_wait3A_2269 : memref<128x64xf32, #tpu.memory_space<vmem>>) dst(%dma_wait3A_2275 : memref<10112x64xf32, #tpu.memory_space<vmem_shared>>)
      } else {
      }
      %add3A_2185 = arith.constant 1 : i32
      %add3A_2186 = arith.addi %scan3A_2180, %add3A_2185 : i32
      %lt3A_2187 = arith.constant 160 : i32
      %lt3A_2188 = arith.cmpi slt, %add3A_2186, %lt3A_2187 : i32
      %convert_element_type3A_2189 = arith.extui %lt3A_2188 : i1 to i32
      %cond3A_2190 = arith.constant 0 : i32
      %cond3A_2191 = arith.cmpi ne, %convert_element_type3A_2189, %cond3A_2190 : i32
      scf.if %cond3A_2191 {
        %add3A_2247 = arith.constant 1 : i32
        %add3A_2248 = arith.addi %scan3A_2180, %add3A_2247 : i32
        %add3A_2249 = arith.constant 0 : i32
        %add3A_2250 = arith.addi %add3A_2249, %add3A_2248 : i32
        %jit3A_2251 = arith.constant 3 : i32
        %eq3A_2252 = arith.constant 0 : i32
        %eq3A_2253 = arith.cmpi eq, %jit3A_2251, %eq3A_2252 : i32
        %jit3A_2254 = arith.constant 1 : i32
        %select_n3A_2255 = arith.select %eq3A_2253, %jit3A_2254, %jit3A_2251 : i32
        %rem3A_2256 = arith.remsi %add3A_2248, %select_n3A_2255 : i32
        %ne3A_2257 = arith.constant 0 : i32
        %ne3A_2258 = arith.cmpi ne, %rem3A_2256, %ne3A_2257 : i32
        %lt3A_2259 = arith.constant 0 : i32
        %lt3A_2260 = arith.cmpi slt, %rem3A_2256, %lt3A_2259 : i32
        %lt3A_2261 = arith.constant 0 : i32
        %lt3A_2262 = arith.cmpi slt, %select_n3A_2255, %lt3A_2261 : i32
        %ne3A_2263 = arith.xori %lt3A_2260, %lt3A_2262 : i1
        %and3A_2264 = arith.andi %ne3A_2263, %ne3A_2258 : i1
        %add3A_2265 = arith.addi %rem3A_2256, %select_n3A_2255 : i32
        %select_n3A_2266 = arith.select %and3A_2264, %add3A_2265, %rem3A_2256 : i32
        %dma_start3A_2267 = arith.constant 0 : i32
        %dma_start3A_2268 = arith.constant 0 : i32
        %dma_start3A_2269 = tpu.memref_slice %arg14[%select_n3A_2266, %dma_start3A_2267, %dma_start3A_2268] : memref<3x128x64xf32, #tpu.memory_space<vmem>> -> memref<1x128x64xf32, #tpu.memory_space<vmem>>
        %dma_start3A_2270 = tpu.memref_squeeze %dma_start3A_2269 : memref<1x128x64xf32, #tpu.memory_space<vmem>> -> memref<128x64xf32, #tpu.memory_space<vmem>>
        %dma_start3A_2271 = arith.constant 0 : i32
        %dma_start3A_2272 = tpu.memref_slice %arg12[%add3A_2250, %dma_start3A_2271] : memref<160x128xi32, #tpu.memory_space<vmem>> -> memref<1x128xi32, #tpu.memory_space<vmem>>
        %dma_start3A_2273 = tpu.memref_squeeze %dma_start3A_2272 : memref<1x128xi32, #tpu.memory_space<vmem>> -> memref<128xi32, #tpu.memory_space<vmem>>
        %dma_start3A_2274 = arith.constant 0 : i32
        %dma_start3A_2275 = arith.constant 0 : i32
        %dma_start3A_2276 = tpu.memref_slice %arg2[%arg0, %dma_start3A_2274, %dma_start3A_2275] : memref<2x10112x64xf32, #tpu.memory_space<hbm>> -> memref<1x10112x64xf32, #tpu.memory_space<hbm>>
        %dma_start3A_2277 = tpu.memref_squeeze %dma_start3A_2276 : memref<1x10112x64xf32, #tpu.memory_space<hbm>> -> memref<10112x64xf32, #tpu.memory_space<hbm>>
        %dma_start3A_2278 = arith.constant 0 : i32
        %dma_start3A_2279 = arith.constant 0 : i32
        %dma_start3A_2280 = tpu.memref_slice %dma_start3A_2277[%dma_start3A_2278, %dma_start3A_2279] : memref<10112x64xf32, #tpu.memory_space<hbm>> -> memref<10112x64xf32, #tpu.memory_space<hbm>>
        tpu.enqueue_indirect_dma source(%dma_start3A_2280 : memref<10112x64xf32, #tpu.memory_space<hbm>>) target(%dma_start3A_2270 : memref<128x64xf32, #tpu.memory_space<vmem>>) offsets(%dma_start3A_2273 : memref<128xi32, #tpu.memory_space<vmem>>) semaphore(%arg18 : memref<!tpu.dma_semaphore, #tpu.memory_space<semaphore_mem>>)
      } else {
      }
      %add3A_2192 = arith.constant 0 : i32
      %add3A_2193 = arith.addi %add3A_2192, %scan3A_2180 : i32
      %jit3A = arith.constant 3 : i32
      %eq3A_2194 = arith.constant 0 : i32
      %eq3A_2195 = arith.cmpi eq, %jit3A, %eq3A_2194 : i32
      %jit3A_2196 = arith.constant 1 : i32
      %select_n3A = arith.select %eq3A_2195, %jit3A_2196, %jit3A : i32
      %rem3A = arith.remsi %scan3A_2180, %select_n3A : i32
      %ne3A = arith.constant 0 : i32
      %ne3A_2197 = arith.cmpi ne, %rem3A, %ne3A : i32
      %lt3A_2198 = arith.constant 0 : i32
      %lt3A_2199 = arith.cmpi slt, %rem3A, %lt3A_2198 : i32
      %lt3A_2200 = arith.constant 0 : i32
      %lt3A_2201 = arith.cmpi slt, %select_n3A, %lt3A_2200 : i32
      %ne3A_2202 = arith.xori %lt3A_2199, %lt3A_2201 : i1
      %and3A = arith.andi %ne3A_2202, %ne3A_2197 : i1
      %add3A_2203 = arith.addi %rem3A, %select_n3A : i32
      %select_n3A_2204 = arith.select %and3A, %add3A_2203, %rem3A : i32
      %dma_wait3A_2205 = arith.constant 0 : i32
      %dma_wait3A_2206 = arith.constant 0 : i32
      %dma_wait3A_2207 = tpu.memref_slice %arg14[%select_n3A_2204, %dma_wait3A_2205, %dma_wait3A_2206] : memref<3x128x64xf32, #tpu.memory_space<vmem>> -> memref<1x128x64xf32, #tpu.memory_space<vmem>>
      %dma_wait3A_2208 = tpu.memref_squeeze %dma_wait3A_2207 : memref<1x128x64xf32, #tpu.memory_space<vmem>> -> memref<128x64xf32, #tpu.memory_space<vmem>>
      %dma_wait3A_2209 = arith.constant 0 : i32
      %dma_wait3A_2210 = tpu.memref_slice %arg12[%add3A_2193, %dma_wait3A_2209] : memref<160x128xi32, #tpu.memory_space<vmem>> -> memref<1x128xi32, #tpu.memory_space<vmem>>
      %dma_wait3A_2211 = tpu.memref_squeeze %dma_wait3A_2210 : memref<1x128xi32, #tpu.memory_space<vmem>> -> memref<128xi32, #tpu.memory_space<vmem>>
      %dma_wait3A_2212 = arith.constant 0 : i32
      %dma_wait3A_2213 = arith.constant 0 : i32
      %dma_wait3A_2214 = tpu.memref_slice %arg2[%arg0, %dma_wait3A_2212, %dma_wait3A_2213] : memref<2x10112x64xf32, #tpu.memory_space<hbm>> -> memref<1x10112x64xf32, #tpu.memory_space<hbm>>
      %dma_wait3A_2215 = tpu.memref_squeeze %dma_wait3A_2214 : memref<1x10112x64xf32, #tpu.memory_space<hbm>> -> memref<10112x64xf32, #tpu.memory_space<hbm>>
      %dma_wait3A_2216 = arith.constant 0 : i32
      %dma_wait3A_2217 = arith.constant 0 : i32
      %dma_wait3A_2218 = tpu.memref_slice %dma_wait3A_2215[%dma_wait3A_2216, %dma_wait3A_2217] : memref<10112x64xf32, #tpu.memory_space<hbm>> -> memref<10112x64xf32, #tpu.memory_space<hbm>>
      tpu.wait_indirect_dma semaphore(%arg18 : memref<!tpu.dma_semaphore, #tpu.memory_space<semaphore_mem>>) src(%dma_wait3A_2218 : memref<10112x64xf32, #tpu.memory_space<hbm>>) dst(%dma_wait3A_2208 : memref<128x64xf32, #tpu.memory_space<vmem>>)
      %jit3A_2219 = arith.constant 3 : i32
      %eq3A_2220 = arith.constant 0 : i32
      %eq3A_2221 = arith.cmpi eq, %jit3A_2219, %eq3A_2220 : i32
      %jit3A_2222 = arith.constant 1 : i32
      %select_n3A_2223 = arith.select %eq3A_2221, %jit3A_2222, %jit3A_2219 : i32
      %rem3A_2224 = arith.remsi %scan3A_2180, %select_n3A_2223 : i32
      %ne3A_2225 = arith.constant 0 : i32
      %ne3A_2226 = arith.cmpi ne, %rem3A_2224, %ne3A_2225 : i32
      %lt3A_2227 = arith.constant 0 : i32
      %lt3A_2228 = arith.cmpi slt, %rem3A_2224, %lt3A_2227 : i32
      %lt3A_2229 = arith.constant 0 : i32
      %lt3A_2230 = arith.cmpi slt, %select_n3A_2223, %lt3A_2229 : i32
      %ne3A_2231 = arith.xori %lt3A_2228, %lt3A_2230 : i1
      %and3A_2232 = arith.andi %ne3A_2231, %ne3A_2226 : i1
      %add3A_2233 = arith.addi %rem3A_2224, %select_n3A_2223 : i32
      %select_n3A_2234 = arith.select %and3A_2232, %add3A_2233, %rem3A_2224 : i32
      %add3A_2235 = arith.constant 0 : i32
      %add3A_2236 = arith.addi %add3A_2235, %scan3A_2180 : i32
      %dma_start3A_2237 = arith.constant 0 : i32
      %dma_start3A_2238 = arith.constant 0 : i32
      %dma_start3A_2239 = tpu.memref_slice %arg14[%select_n3A_2234, %dma_start3A_2237, %dma_start3A_2238] : memref<3x128x64xf32, #tpu.memory_space<vmem>> -> memref<1x128x64xf32, #tpu.memory_space<vmem>>
      %dma_start3A_2240 = tpu.memref_squeeze %dma_start3A_2239 : memref<1x128x64xf32, #tpu.memory_space<vmem>> -> memref<128x64xf32, #tpu.memory_space<vmem>>
      %dma_start3A_2241 = arith.constant 0 : i32
      %dma_start3A_2242 = tpu.memref_slice %arg13[%add3A_2236, %dma_start3A_2241] : memref<160x128xi32, #tpu.memory_space<vmem>> -> memref<1x128xi32, #tpu.memory_space<vmem>>
      %dma_start3A_2243 = tpu.memref_squeeze %dma_start3A_2242 : memref<1x128xi32, #tpu.memory_space<vmem>> -> memref<128xi32, #tpu.memory_space<vmem>>
      %dma_start3A_2244 = arith.constant 0 : i32
      %dma_start3A_2245 = arith.constant 0 : i32
      %dma_start3A_2246 = tpu.memref_slice %arg10[%dma_start3A_2244, %dma_start3A_2245] : memref<10112x64xf32, #tpu.memory_space<vmem_shared>> -> memref<10112x64xf32, #tpu.memory_space<vmem_shared>>
      tpu.enqueue_indirect_dma source(%dma_start3A_2240 : memref<128x64xf32, #tpu.memory_space<vmem>>) target(%dma_start3A_2246 : memref<10112x64xf32, #tpu.memory_space<vmem_shared>>) offsets(%dma_start3A_2243 : memref<128xi32, #tpu.memory_space<vmem>>) semaphore(%arg19 : memref<!tpu.dma_semaphore, #tpu.memory_space<semaphore_mem>>) {add = true}
    }
    %scan3A_2018 = arith.constant 160 : i32
    %dma_wait3A_2019 = arith.constant 2 : i32
    %dma_wait3A_2020 = arith.constant 158 : i32
    %dma_wait3A_2021 = arith.constant 0 : i32
    %dma_wait3A_2022 = arith.constant 0 : i32
    %dma_wait3A_2023 = tpu.memref_slice %arg14[%dma_wait3A_2019, %dma_wait3A_2021, %dma_wait3A_2022] : memref<3x128x64xf32, #tpu.memory_space<vmem>> -> memref<1x128x64xf32, #tpu.memory_space<vmem>>
    %dma_wait3A_2024 = tpu.memref_squeeze %dma_wait3A_2023 : memref<1x128x64xf32, #tpu.memory_space<vmem>> -> memref<128x64xf32, #tpu.memory_space<vmem>>
    %dma_wait3A_2025 = arith.constant 0 : i32
    %dma_wait3A_2026 = tpu.memref_slice %arg13[%dma_wait3A_2020, %dma_wait3A_2025] : memref<160x128xi32, #tpu.memory_space<vmem>> -> memref<1x128xi32, #tpu.memory_space<vmem>>
    %dma_wait3A_2027 = tpu.memref_squeeze %dma_wait3A_2026 : memref<1x128xi32, #tpu.memory_space<vmem>> -> memref<128xi32, #tpu.memory_space<vmem>>
    %dma_wait3A_2028 = arith.constant 0 : i32
    %dma_wait3A_2029 = arith.constant 0 : i32
    %dma_wait3A_2030 = tpu.memref_slice %arg10[%dma_wait3A_2028, %dma_wait3A_2029] : memref<10112x64xf32, #tpu.memory_space<vmem_shared>> -> memref<10112x64xf32, #tpu.memory_space<vmem_shared>>
    tpu.wait_indirect_dma semaphore(%arg19 : memref<!tpu.dma_semaphore, #tpu.memory_space<semaphore_mem>>) src(%dma_wait3A_2024 : memref<128x64xf32, #tpu.memory_space<vmem>>) dst(%dma_wait3A_2030 : memref<10112x64xf32, #tpu.memory_space<vmem_shared>>)
    %dma_wait3A_2031 = arith.constant 0 : i32
    %dma_wait3A_2032 = arith.constant 159 : i32
    %dma_wait3A_2033 = arith.constant 0 : i32
    %dma_wait3A_2034 = arith.constant 0 : i32
    %dma_wait3A_2035 = tpu.memref_slice %arg14[%dma_wait3A_2031, %dma_wait3A_2033, %dma_wait3A_2034] : memref<3x128x64xf32, #tpu.memory_space<vmem>> -> memref<1x128x64xf32, #tpu.memory_space<vmem>>
    %dma_wait3A_2036 = tpu.memref_squeeze %dma_wait3A_2035 : memref<1x128x64xf32, #tpu.memory_space<vmem>> -> memref<128x64xf32, #tpu.memory_space<vmem>>
    %dma_wait3A_2037 = arith.constant 0 : i32
    %dma_wait3A_2038 = tpu.memref_slice %arg13[%dma_wait3A_2032, %dma_wait3A_2037] : memref<160x128xi32, #tpu.memory_space<vmem>> -> memref<1x128xi32, #tpu.memory_space<vmem>>
    %dma_wait3A_2039 = tpu.memref_squeeze %dma_wait3A_2038 : memref<1x128xi32, #tpu.memory_space<vmem>> -> memref<128xi32, #tpu.memory_space<vmem>>
    %dma_wait3A_2040 = arith.constant 0 : i32
    %dma_wait3A_2041 = arith.constant 0 : i32
    %dma_wait3A_2042 = tpu.memref_slice %arg10[%dma_wait3A_2040, %dma_wait3A_2041] : memref<10112x64xf32, #tpu.memory_space<vmem_shared>> -> memref<10112x64xf32, #tpu.memory_space<vmem_shared>>
    tpu.wait_indirect_dma semaphore(%arg19 : memref<!tpu.dma_semaphore, #tpu.memory_space<semaphore_mem>>) src(%dma_wait3A_2036 : memref<128x64xf32, #tpu.memory_space<vmem>>) dst(%dma_wait3A_2042 : memref<10112x64xf32, #tpu.memory_space<vmem_shared>>)
    %barrier3A_2043 = arith.constant 0 : index
    tpu.barrier barrier_id(%barrier3A_2043)
    "tpu.region"() ({
      %run_scoped3A = tpu.sem_alloc : memref<!tpu.dma_semaphore, #tpu.memory_space<semaphore_mem>>
      %dma_start3A_2180 = arith.constant 0 : i32
      %dma_start3A_2181 = arith.constant 0 : i32
      %dma_start3A_2182 = tpu.memref_slice %arg8[%arg0, %dma_start3A_2180, %dma_start3A_2181] : memref<2x10112x64xf32, #tpu.memory_space<hbm>> -> memref<1x10112x64xf32, #tpu.memory_space<hbm>>
      %dma_start3A_2183 = tpu.memref_squeeze %dma_start3A_2182 : memref<1x10112x64xf32, #tpu.memory_space<hbm>> -> memref<10112x64xf32, #tpu.memory_space<hbm>>
      %dma_start3A_2184 = arith.constant 0 : i32
      %dma_start3A_2185 = tpu.memref_slice %dma_start3A_2183[%mul3A_0, %dma_start3A_2184] : memref<10112x64xf32, #tpu.memory_space<hbm>> -> memref<632x64xf32, #tpu.memory_space<hbm>>
      %dma_start3A_2186 = arith.constant 0 : i32
      %dma_start3A_2187 = tpu.memref_slice %arg10[%mul3A_0, %dma_start3A_2186] : memref<10112x64xf32, #tpu.memory_space<vmem_shared>> -> memref<632x64xf32, #tpu.memory_space<vmem_shared>>
      tpu.enqueue_dma source(%dma_start3A_2187 : memref<632x64xf32, #tpu.memory_space<vmem_shared>>) target(%dma_start3A_2185 : memref<632x64xf32, #tpu.memory_space<hbm>>) target_semaphore(%run_scoped3A : memref<!tpu.dma_semaphore, #tpu.memory_space<semaphore_mem>>)
      %dma_wait3A_2188 = arith.constant 0 : i32
      %dma_wait3A_2189 = arith.constant 0 : i32
      %dma_wait3A_2190 = tpu.memref_slice %arg8[%arg0, %dma_wait3A_2188, %dma_wait3A_2189] : memref<2x10112x64xf32, #tpu.memory_space<hbm>> -> memref<1x10112x64xf32, #tpu.memory_space<hbm>>
      %dma_wait3A_2191 = tpu.memref_squeeze %dma_wait3A_2190 : memref<1x10112x64xf32, #tpu.memory_space<hbm>> -> memref<10112x64xf32, #tpu.memory_space<hbm>>
      %dma_wait3A_2192 = arith.constant 0 : i32
      %dma_wait3A_2193 = tpu.memref_slice %dma_wait3A_2191[%mul3A_0, %dma_wait3A_2192] : memref<10112x64xf32, #tpu.memory_space<hbm>> -> memref<632x64xf32, #tpu.memory_space<hbm>>
      %dma_wait3A_2194 = arith.constant 0 : i32
      %dma_wait3A_2195 = tpu.memref_slice %arg10[%mul3A_0, %dma_wait3A_2194] : memref<10112x64xf32, #tpu.memory_space<vmem_shared>> -> memref<632x64xf32, #tpu.memory_space<vmem_shared>>
      tpu.wait_dma2 semaphore(%run_scoped3A : memref<!tpu.dma_semaphore, #tpu.memory_space<semaphore_mem>>) src(%dma_wait3A_2195 : memref<632x64xf32, #tpu.memory_space<vmem_shared>>) dst(%dma_wait3A_2193 : memref<632x64xf32, #tpu.memory_space<hbm>>)
      tpu.yield
    }) : () -> ()
    "tpu.region"() ({
      %run_scoped3A = tpu.sem_alloc : memref<!tpu.dma_semaphore, #tpu.memory_space<semaphore_mem>>
      %dma_start3A_2180 = arith.constant 0 : i32
      %dma_start3A_2181 = arith.constant 0 : i32
      %dma_start3A_2182 = tpu.memref_slice %arg7[%arg0, %dma_start3A_2180, %dma_start3A_2181] : memref<2x10112x16xf32, #tpu.memory_space<hbm>> -> memref<1x10112x16xf32, #tpu.memory_space<hbm>>
      %dma_start3A_2183 = tpu.memref_squeeze %dma_start3A_2182 : memref<1x10112x16xf32, #tpu.memory_space<hbm>> -> memref<10112x16xf32, #tpu.memory_space<hbm>>
      %dma_start3A_2184 = arith.constant 0 : i32
      %dma_start3A_2185 = tpu.memref_slice %dma_start3A_2183[%mul3A_0, %dma_start3A_2184] : memref<10112x16xf32, #tpu.memory_space<hbm>> -> memref<632x16xf32, #tpu.memory_space<hbm>>
      %dma_start3A_2186 = arith.constant 0 : i32
      %dma_start3A_2187 = tpu.memref_slice %arg11[%mul3A_0, %dma_start3A_2186] : memref<10112x16xf32, #tpu.memory_space<vmem_shared>> -> memref<632x16xf32, #tpu.memory_space<vmem_shared>>
      tpu.enqueue_dma source(%dma_start3A_2187 : memref<632x16xf32, #tpu.memory_space<vmem_shared>>) target(%dma_start3A_2185 : memref<632x16xf32, #tpu.memory_space<hbm>>) target_semaphore(%run_scoped3A : memref<!tpu.dma_semaphore, #tpu.memory_space<semaphore_mem>>)
      %dma_wait3A_2188 = arith.constant 0 : i32
      %dma_wait3A_2189 = arith.constant 0 : i32
      %dma_wait3A_2190 = tpu.memref_slice %arg7[%arg0, %dma_wait3A_2188, %dma_wait3A_2189] : memref<2x10112x16xf32, #tpu.memory_space<hbm>> -> memref<1x10112x16xf32, #tpu.memory_space<hbm>>
      %dma_wait3A_2191 = tpu.memref_squeeze %dma_wait3A_2190 : memref<1x10112x16xf32, #tpu.memory_space<hbm>> -> memref<10112x16xf32, #tpu.memory_space<hbm>>
      %dma_wait3A_2192 = arith.constant 0 : i32
      %dma_wait3A_2193 = tpu.memref_slice %dma_wait3A_2191[%mul3A_0, %dma_wait3A_2192] : memref<10112x16xf32, #tpu.memory_space<hbm>> -> memref<632x16xf32, #tpu.memory_space<hbm>>
      %dma_wait3A_2194 = arith.constant 0 : i32
      %dma_wait3A_2195 = tpu.memref_slice %arg11[%mul3A_0, %dma_wait3A_2194] : memref<10112x16xf32, #tpu.memory_space<vmem_shared>> -> memref<632x16xf32, #tpu.memory_space<vmem_shared>>
      tpu.wait_dma2 semaphore(%run_scoped3A : memref<!tpu.dma_semaphore, #tpu.memory_space<semaphore_mem>>) src(%dma_wait3A_2195 : memref<632x16xf32, #tpu.memory_space<vmem_shared>>) dst(%dma_wait3A_2193 : memref<632x16xf32, #tpu.memory_space<hbm>>)
      tpu.yield
    }) : () -> ()
    %add3A_2044 = arith.constant 0 : i32
    %add3A_2045 = arith.addi %mul3A_0, %add3A_2044 : i32
    "tpu.region"() ({
      %run_scoped3A = tpu.sem_alloc : memref<!tpu.dma_semaphore, #tpu.memory_space<semaphore_mem>>
      %dma_start3A_2180 = arith.constant 0 : i32
      %dma_start3A_2181 = tpu.memref_slice %arg10[%add3A_2045, %dma_start3A_2180] : memref<10112x64xf32, #tpu.memory_space<vmem_shared>> -> memref<64x64xf32, #tpu.memory_space<vmem_shared>>
      %dma_start3A_2182 = arith.constant 0 : i32
      %dma_start3A_2183 = tpu.memref_slice %arg10[%add3A_2045, %dma_start3A_2182] : memref<10112x64xf32, #tpu.memory_space<vmem_shared>> -> memref<64x64xf32, #tpu.memory_space<vmem_shared>>
      tpu.enqueue_dma source(%arg16 : memref<64x64xf32, #tpu.memory_space<vmem>>) target(%dma_start3A_2183 : memref<64x64xf32, #tpu.memory_space<vmem_shared>>) target_semaphore(%run_scoped3A : memref<!tpu.dma_semaphore, #tpu.memory_space<semaphore_mem>>)
      %dma_wait3A_2184 = arith.constant 0 : i32
      %dma_wait3A_2185 = tpu.memref_slice %arg10[%add3A_2045, %dma_wait3A_2184] : memref<10112x64xf32, #tpu.memory_space<vmem_shared>> -> memref<64x64xf32, #tpu.memory_space<vmem_shared>>
      %dma_wait3A_2186 = arith.constant 0 : i32
      %dma_wait3A_2187 = tpu.memref_slice %arg10[%add3A_2045, %dma_wait3A_2186] : memref<10112x64xf32, #tpu.memory_space<vmem_shared>> -> memref<64x64xf32, #tpu.memory_space<vmem_shared>>
      tpu.wait_dma2 semaphore(%run_scoped3A : memref<!tpu.dma_semaphore, #tpu.memory_space<semaphore_mem>>) src(%arg16 : memref<64x64xf32, #tpu.memory_space<vmem>>) dst(%dma_wait3A_2187 : memref<64x64xf32, #tpu.memory_space<vmem_shared>>)
      tpu.yield
    }) : () -> ()
    %add3A_2046 = arith.constant 64 : i32
    %add3A_2047 = arith.addi %mul3A_0, %add3A_2046 : i32
    "tpu.region"() ({
      %run_scoped3A = tpu.sem_alloc : memref<!tpu.dma_semaphore, #tpu.memory_space<semaphore_mem>>
      %dma_start3A_2180 = arith.constant 0 : i32
      %dma_start3A_2181 = tpu.memref_slice %arg10[%add3A_2047, %dma_start3A_2180] : memref<10112x64xf32, #tpu.memory_space<vmem_shared>> -> memref<64x64xf32, #tpu.memory_space<vmem_shared>>
      %dma_start3A_2182 = arith.constant 0 : i32
      %dma_start3A_2183 = tpu.memref_slice %arg10[%add3A_2047, %dma_start3A_2182] : memref<10112x64xf32, #tpu.memory_space<vmem_shared>> -> memref<64x64xf32, #tpu.memory_space<vmem_shared>>
      tpu.enqueue_dma source(%arg16 : memref<64x64xf32, #tpu.memory_space<vmem>>) target(%dma_start3A_2183 : memref<64x64xf32, #tpu.memory_space<vmem_shared>>) target_semaphore(%run_scoped3A : memref<!tpu.dma_semaphore, #tpu.memory_space<semaphore_mem>>)
      %dma_wait3A_2184 = arith.constant 0 : i32
      %dma_wait3A_2185 = tpu.memref_slice %arg10[%add3A_2047, %dma_wait3A_2184] : memref<10112x64xf32, #tpu.memory_space<vmem_shared>> -> memref<64x64xf32, #tpu.memory_space<vmem_shared>>
      %dma_wait3A_2186 = arith.constant 0 : i32
      %dma_wait3A_2187 = tpu.memref_slice %arg10[%add3A_2047, %dma_wait3A_2186] : memref<10112x64xf32, #tpu.memory_space<vmem_shared>> -> memref<64x64xf32, #tpu.memory_space<vmem_shared>>
      tpu.wait_dma2 semaphore(%run_scoped3A : memref<!tpu.dma_semaphore, #tpu.memory_space<semaphore_mem>>) src(%arg16 : memref<64x64xf32, #tpu.memory_space<vmem>>) dst(%dma_wait3A_2187 : memref<64x64xf32, #tpu.memory_space<vmem_shared>>)
      tpu.yield
    }) : () -> ()
    %add3A_2048 = arith.constant 128 : i32
    %add3A_2049 = arith.addi %mul3A_0, %add3A_2048 : i32
    "tpu.region"() ({
      %run_scoped3A = tpu.sem_alloc : memref<!tpu.dma_semaphore, #tpu.memory_space<semaphore_mem>>
      %dma_start3A_2180 = arith.constant 0 : i32
      %dma_start3A_2181 = tpu.memref_slice %arg10[%add3A_2049, %dma_start3A_2180] : memref<10112x64xf32, #tpu.memory_space<vmem_shared>> -> memref<64x64xf32, #tpu.memory_space<vmem_shared>>
      %dma_start3A_2182 = arith.constant 0 : i32
      %dma_start3A_2183 = tpu.memref_slice %arg10[%add3A_2049, %dma_start3A_2182] : memref<10112x64xf32, #tpu.memory_space<vmem_shared>> -> memref<64x64xf32, #tpu.memory_space<vmem_shared>>
      tpu.enqueue_dma source(%arg16 : memref<64x64xf32, #tpu.memory_space<vmem>>) target(%dma_start3A_2183 : memref<64x64xf32, #tpu.memory_space<vmem_shared>>) target_semaphore(%run_scoped3A : memref<!tpu.dma_semaphore, #tpu.memory_space<semaphore_mem>>)
      %dma_wait3A_2184 = arith.constant 0 : i32
      %dma_wait3A_2185 = tpu.memref_slice %arg10[%add3A_2049, %dma_wait3A_2184] : memref<10112x64xf32, #tpu.memory_space<vmem_shared>> -> memref<64x64xf32, #tpu.memory_space<vmem_shared>>
      %dma_wait3A_2186 = arith.constant 0 : i32
      %dma_wait3A_2187 = tpu.memref_slice %arg10[%add3A_2049, %dma_wait3A_2186] : memref<10112x64xf32, #tpu.memory_space<vmem_shared>> -> memref<64x64xf32, #tpu.memory_space<vmem_shared>>
      tpu.wait_dma2 semaphore(%run_scoped3A : memref<!tpu.dma_semaphore, #tpu.memory_space<semaphore_mem>>) src(%arg16 : memref<64x64xf32, #tpu.memory_space<vmem>>) dst(%dma_wait3A_2187 : memref<64x64xf32, #tpu.memory_space<vmem_shared>>)
      tpu.yield
    }) : () -> ()
    %add3A_2050 = arith.constant 192 : i32
    %add3A_2051 = arith.addi %mul3A_0, %add3A_2050 : i32
    "tpu.region"() ({
      %run_scoped3A = tpu.sem_alloc : memref<!tpu.dma_semaphore, #tpu.memory_space<semaphore_mem>>
      %dma_start3A_2180 = arith.constant 0 : i32
      %dma_start3A_2181 = tpu.memref_slice %arg10[%add3A_2051, %dma_start3A_2180] : memref<10112x64xf32, #tpu.memory_space<vmem_shared>> -> memref<64x64xf32, #tpu.memory_space<vmem_shared>>
      %dma_start3A_2182 = arith.constant 0 : i32
      %dma_start3A_2183 = tpu.memref_slice %arg10[%add3A_2051, %dma_start3A_2182] : memref<10112x64xf32, #tpu.memory_space<vmem_shared>> -> memref<64x64xf32, #tpu.memory_space<vmem_shared>>
      tpu.enqueue_dma source(%arg16 : memref<64x64xf32, #tpu.memory_space<vmem>>) target(%dma_start3A_2183 : memref<64x64xf32, #tpu.memory_space<vmem_shared>>) target_semaphore(%run_scoped3A : memref<!tpu.dma_semaphore, #tpu.memory_space<semaphore_mem>>)
      %dma_wait3A_2184 = arith.constant 0 : i32
      %dma_wait3A_2185 = tpu.memref_slice %arg10[%add3A_2051, %dma_wait3A_2184] : memref<10112x64xf32, #tpu.memory_space<vmem_shared>> -> memref<64x64xf32, #tpu.memory_space<vmem_shared>>
      %dma_wait3A_2186 = arith.constant 0 : i32
      %dma_wait3A_2187 = tpu.memref_slice %arg10[%add3A_2051, %dma_wait3A_2186] : memref<10112x64xf32, #tpu.memory_space<vmem_shared>> -> memref<64x64xf32, #tpu.memory_space<vmem_shared>>
      tpu.wait_dma2 semaphore(%run_scoped3A : memref<!tpu.dma_semaphore, #tpu.memory_space<semaphore_mem>>) src(%arg16 : memref<64x64xf32, #tpu.memory_space<vmem>>) dst(%dma_wait3A_2187 : memref<64x64xf32, #tpu.memory_space<vmem_shared>>)
      tpu.yield
    }) : () -> ()
    %add3A_2052 = arith.constant 256 : i32
    %add3A_2053 = arith.addi %mul3A_0, %add3A_2052 : i32
    "tpu.region"() ({
      %run_scoped3A = tpu.sem_alloc : memref<!tpu.dma_semaphore, #tpu.memory_space<semaphore_mem>>
      %dma_start3A_2180 = arith.constant 0 : i32
      %dma_start3A_2181 = tpu.memref_slice %arg10[%add3A_2053, %dma_start3A_2180] : memref<10112x64xf32, #tpu.memory_space<vmem_shared>> -> memref<64x64xf32, #tpu.memory_space<vmem_shared>>
      %dma_start3A_2182 = arith.constant 0 : i32
      %dma_start3A_2183 = tpu.memref_slice %arg10[%add3A_2053, %dma_start3A_2182] : memref<10112x64xf32, #tpu.memory_space<vmem_shared>> -> memref<64x64xf32, #tpu.memory_space<vmem_shared>>
      tpu.enqueue_dma source(%arg16 : memref<64x64xf32, #tpu.memory_space<vmem>>) target(%dma_start3A_2183 : memref<64x64xf32, #tpu.memory_space<vmem_shared>>) target_semaphore(%run_scoped3A : memref<!tpu.dma_semaphore, #tpu.memory_space<semaphore_mem>>)
      %dma_wait3A_2184 = arith.constant 0 : i32
      %dma_wait3A_2185 = tpu.memref_slice %arg10[%add3A_2053, %dma_wait3A_2184] : memref<10112x64xf32, #tpu.memory_space<vmem_shared>> -> memref<64x64xf32, #tpu.memory_space<vmem_shared>>
      %dma_wait3A_2186 = arith.constant 0 : i32
      %dma_wait3A_2187 = tpu.memref_slice %arg10[%add3A_2053, %dma_wait3A_2186] : memref<10112x64xf32, #tpu.memory_space<vmem_shared>> -> memref<64x64xf32, #tpu.memory_space<vmem_shared>>
      tpu.wait_dma2 semaphore(%run_scoped3A : memref<!tpu.dma_semaphore, #tpu.memory_space<semaphore_mem>>) src(%arg16 : memref<64x64xf32, #tpu.memory_space<vmem>>) dst(%dma_wait3A_2187 : memref<64x64xf32, #tpu.memory_space<vmem_shared>>)
      tpu.yield
    }) : () -> ()
    %add3A_2054 = arith.constant 320 : i32
    %add3A_2055 = arith.addi %mul3A_0, %add3A_2054 : i32
    "tpu.region"() ({
      %run_scoped3A = tpu.sem_alloc : memref<!tpu.dma_semaphore, #tpu.memory_space<semaphore_mem>>
      %dma_start3A_2180 = arith.constant 0 : i32
      %dma_start3A_2181 = tpu.memref_slice %arg10[%add3A_2055, %dma_start3A_2180] : memref<10112x64xf32, #tpu.memory_space<vmem_shared>> -> memref<64x64xf32, #tpu.memory_space<vmem_shared>>
      %dma_start3A_2182 = arith.constant 0 : i32
      %dma_start3A_2183 = tpu.memref_slice %arg10[%add3A_2055, %dma_start3A_2182] : memref<10112x64xf32, #tpu.memory_space<vmem_shared>> -> memref<64x64xf32, #tpu.memory_space<vmem_shared>>
      tpu.enqueue_dma source(%arg16 : memref<64x64xf32, #tpu.memory_space<vmem>>) target(%dma_start3A_2183 : memref<64x64xf32, #tpu.memory_space<vmem_shared>>) target_semaphore(%run_scoped3A : memref<!tpu.dma_semaphore, #tpu.memory_space<semaphore_mem>>)
      %dma_wait3A_2184 = arith.constant 0 : i32
      %dma_wait3A_2185 = tpu.memref_slice %arg10[%add3A_2055, %dma_wait3A_2184] : memref<10112x64xf32, #tpu.memory_space<vmem_shared>> -> memref<64x64xf32, #tpu.memory_space<vmem_shared>>
      %dma_wait3A_2186 = arith.constant 0 : i32
      %dma_wait3A_2187 = tpu.memref_slice %arg10[%add3A_2055, %dma_wait3A_2186] : memref<10112x64xf32, #tpu.memory_space<vmem_shared>> -> memref<64x64xf32, #tpu.memory_space<vmem_shared>>
      tpu.wait_dma2 semaphore(%run_scoped3A : memref<!tpu.dma_semaphore, #tpu.memory_space<semaphore_mem>>) src(%arg16 : memref<64x64xf32, #tpu.memory_space<vmem>>) dst(%dma_wait3A_2187 : memref<64x64xf32, #tpu.memory_space<vmem_shared>>)
      tpu.yield
    }) : () -> ()
    %add3A_2056 = arith.constant 384 : i32
    %add3A_2057 = arith.addi %mul3A_0, %add3A_2056 : i32
    "tpu.region"() ({
      %run_scoped3A = tpu.sem_alloc : memref<!tpu.dma_semaphore, #tpu.memory_space<semaphore_mem>>
      %dma_start3A_2180 = arith.constant 0 : i32
      %dma_start3A_2181 = tpu.memref_slice %arg10[%add3A_2057, %dma_start3A_2180] : memref<10112x64xf32, #tpu.memory_space<vmem_shared>> -> memref<64x64xf32, #tpu.memory_space<vmem_shared>>
      %dma_start3A_2182 = arith.constant 0 : i32
      %dma_start3A_2183 = tpu.memref_slice %arg10[%add3A_2057, %dma_start3A_2182] : memref<10112x64xf32, #tpu.memory_space<vmem_shared>> -> memref<64x64xf32, #tpu.memory_space<vmem_shared>>
      tpu.enqueue_dma source(%arg16 : memref<64x64xf32, #tpu.memory_space<vmem>>) target(%dma_start3A_2183 : memref<64x64xf32, #tpu.memory_space<vmem_shared>>) target_semaphore(%run_scoped3A : memref<!tpu.dma_semaphore, #tpu.memory_space<semaphore_mem>>)
      %dma_wait3A_2184 = arith.constant 0 : i32
      %dma_wait3A_2185 = tpu.memref_slice %arg10[%add3A_2057, %dma_wait3A_2184] : memref<10112x64xf32, #tpu.memory_space<vmem_shared>> -> memref<64x64xf32, #tpu.memory_space<vmem_shared>>
      %dma_wait3A_2186 = arith.constant 0 : i32
      %dma_wait3A_2187 = tpu.memref_slice %arg10[%add3A_2057, %dma_wait3A_2186] : memref<10112x64xf32, #tpu.memory_space<vmem_shared>> -> memref<64x64xf32, #tpu.memory_space<vmem_shared>>
      tpu.wait_dma2 semaphore(%run_scoped3A : memref<!tpu.dma_semaphore, #tpu.memory_space<semaphore_mem>>) src(%arg16 : memref<64x64xf32, #tpu.memory_space<vmem>>) dst(%dma_wait3A_2187 : memref<64x64xf32, #tpu.memory_space<vmem_shared>>)
      tpu.yield
    }) : () -> ()
    %add3A_2058 = arith.constant 448 : i32
    %add3A_2059 = arith.addi %mul3A_0, %add3A_2058 : i32
    "tpu.region"() ({
      %run_scoped3A = tpu.sem_alloc : memref<!tpu.dma_semaphore, #tpu.memory_space<semaphore_mem>>
      %dma_start3A_2180 = arith.constant 0 : i32
      %dma_start3A_2181 = tpu.memref_slice %arg10[%add3A_2059, %dma_start3A_2180] : memref<10112x64xf32, #tpu.memory_space<vmem_shared>> -> memref<64x64xf32, #tpu.memory_space<vmem_shared>>
      %dma_start3A_2182 = arith.constant 0 : i32
      %dma_start3A_2183 = tpu.memref_slice %arg10[%add3A_2059, %dma_start3A_2182] : memref<10112x64xf32, #tpu.memory_space<vmem_shared>> -> memref<64x64xf32, #tpu.memory_space<vmem_shared>>
      tpu.enqueue_dma source(%arg16 : memref<64x64xf32, #tpu.memory_space<vmem>>) target(%dma_start3A_2183 : memref<64x64xf32, #tpu.memory_space<vmem_shared>>) target_semaphore(%run_scoped3A : memref<!tpu.dma_semaphore, #tpu.memory_space<semaphore_mem>>)
      %dma_wait3A_2184 = arith.constant 0 : i32
      %dma_wait3A_2185 = tpu.memref_slice %arg10[%add3A_2059, %dma_wait3A_2184] : memref<10112x64xf32, #tpu.memory_space<vmem_shared>> -> memref<64x64xf32, #tpu.memory_space<vmem_shared>>
      %dma_wait3A_2186 = arith.constant 0 : i32
      %dma_wait3A_2187 = tpu.memref_slice %arg10[%add3A_2059, %dma_wait3A_2186] : memref<10112x64xf32, #tpu.memory_space<vmem_shared>> -> memref<64x64xf32, #tpu.memory_space<vmem_shared>>
      tpu.wait_dma2 semaphore(%run_scoped3A : memref<!tpu.dma_semaphore, #tpu.memory_space<semaphore_mem>>) src(%arg16 : memref<64x64xf32, #tpu.memory_space<vmem>>) dst(%dma_wait3A_2187 : memref<64x64xf32, #tpu.memory_space<vmem_shared>>)
      tpu.yield
    }) : () -> ()
    %add3A_2060 = arith.constant 512 : i32
    %add3A_2061 = arith.addi %mul3A_0, %add3A_2060 : i32
    "tpu.region"() ({
      %run_scoped3A = tpu.sem_alloc : memref<!tpu.dma_semaphore, #tpu.memory_space<semaphore_mem>>
      %dma_start3A_2180 = arith.constant 0 : i32
      %dma_start3A_2181 = tpu.memref_slice %arg10[%add3A_2061, %dma_start3A_2180] : memref<10112x64xf32, #tpu.memory_space<vmem_shared>> -> memref<64x64xf32, #tpu.memory_space<vmem_shared>>
      %dma_start3A_2182 = arith.constant 0 : i32
      %dma_start3A_2183 = tpu.memref_slice %arg10[%add3A_2061, %dma_start3A_2182] : memref<10112x64xf32, #tpu.memory_space<vmem_shared>> -> memref<64x64xf32, #tpu.memory_space<vmem_shared>>
      tpu.enqueue_dma source(%arg16 : memref<64x64xf32, #tpu.memory_space<vmem>>) target(%dma_start3A_2183 : memref<64x64xf32, #tpu.memory_space<vmem_shared>>) target_semaphore(%run_scoped3A : memref<!tpu.dma_semaphore, #tpu.memory_space<semaphore_mem>>)
      %dma_wait3A_2184 = arith.constant 0 : i32
      %dma_wait3A_2185 = tpu.memref_slice %arg10[%add3A_2061, %dma_wait3A_2184] : memref<10112x64xf32, #tpu.memory_space<vmem_shared>> -> memref<64x64xf32, #tpu.memory_space<vmem_shared>>
      %dma_wait3A_2186 = arith.constant 0 : i32
      %dma_wait3A_2187 = tpu.memref_slice %arg10[%add3A_2061, %dma_wait3A_2186] : memref<10112x64xf32, #tpu.memory_space<vmem_shared>> -> memref<64x64xf32, #tpu.memory_space<vmem_shared>>
      tpu.wait_dma2 semaphore(%run_scoped3A : memref<!tpu.dma_semaphore, #tpu.memory_space<semaphore_mem>>) src(%arg16 : memref<64x64xf32, #tpu.memory_space<vmem>>) dst(%dma_wait3A_2187 : memref<64x64xf32, #tpu.memory_space<vmem_shared>>)
      tpu.yield
    }) : () -> ()
    %add3A_2062 = arith.constant 576 : i32
    %add3A_2063 = arith.addi %mul3A_0, %add3A_2062 : i32
    "tpu.region"() ({
      %run_scoped3A = tpu.sem_alloc : memref<!tpu.dma_semaphore, #tpu.memory_space<semaphore_mem>>
      %dma_start3A_2180 = arith.constant 0 : i32
      %dma_start3A_2181 = arith.constant 0 : i32
      %dma_start3A_2182 = tpu.memref_slice %arg16[%dma_start3A_2180, %dma_start3A_2181] : memref<64x64xf32, #tpu.memory_space<vmem>> -> memref<56x64xf32, #tpu.memory_space<vmem>>
      %dma_start3A_2183 = arith.constant 0 : i32
      %dma_start3A_2184 = tpu.memref_slice %arg10[%add3A_2063, %dma_start3A_2183] : memref<10112x64xf32, #tpu.memory_space<vmem_shared>> -> memref<56x64xf32, #tpu.memory_space<vmem_shared>>
      %dma_start3A_2185 = arith.constant 0 : i32
      %dma_start3A_2186 = tpu.memref_slice %arg10[%add3A_2063, %dma_start3A_2185] : memref<10112x64xf32, #tpu.memory_space<vmem_shared>> -> memref<56x64xf32, #tpu.memory_space<vmem_shared>>
      %dma_start3A_2187 = arith.constant 0 : i32
      %dma_start3A_2188 = arith.constant 0 : i32
      %dma_start3A_2189 = tpu.memref_slice %arg16[%dma_start3A_2187, %dma_start3A_2188] : memref<64x64xf32, #tpu.memory_space<vmem>> -> memref<56x64xf32, #tpu.memory_space<vmem>>
      tpu.enqueue_dma source(%dma_start3A_2189 : memref<56x64xf32, #tpu.memory_space<vmem>>) target(%dma_start3A_2186 : memref<56x64xf32, #tpu.memory_space<vmem_shared>>) target_semaphore(%run_scoped3A : memref<!tpu.dma_semaphore, #tpu.memory_space<semaphore_mem>>)
      %dma_wait3A_2190 = arith.constant 0 : i32
      %dma_wait3A_2191 = arith.constant 0 : i32
      %dma_wait3A_2192 = tpu.memref_slice %arg16[%dma_wait3A_2190, %dma_wait3A_2191] : memref<64x64xf32, #tpu.memory_space<vmem>> -> memref<56x64xf32, #tpu.memory_space<vmem>>
      %dma_wait3A_2193 = arith.constant 0 : i32
      %dma_wait3A_2194 = tpu.memref_slice %arg10[%add3A_2063, %dma_wait3A_2193] : memref<10112x64xf32, #tpu.memory_space<vmem_shared>> -> memref<56x64xf32, #tpu.memory_space<vmem_shared>>
      %dma_wait3A_2195 = arith.constant 0 : i32
      %dma_wait3A_2196 = tpu.memref_slice %arg10[%add3A_2063, %dma_wait3A_2195] : memref<10112x64xf32, #tpu.memory_space<vmem_shared>> -> memref<56x64xf32, #tpu.memory_space<vmem_shared>>
      %dma_wait3A_2197 = arith.constant 0 : i32
      %dma_wait3A_2198 = arith.constant 0 : i32
      %dma_wait3A_2199 = tpu.memref_slice %arg16[%dma_wait3A_2197, %dma_wait3A_2198] : memref<64x64xf32, #tpu.memory_space<vmem>> -> memref<56x64xf32, #tpu.memory_space<vmem>>
      tpu.wait_dma2 semaphore(%run_scoped3A : memref<!tpu.dma_semaphore, #tpu.memory_space<semaphore_mem>>) src(%dma_wait3A_2199 : memref<56x64xf32, #tpu.memory_space<vmem>>) dst(%dma_wait3A_2196 : memref<56x64xf32, #tpu.memory_space<vmem_shared>>)
      tpu.yield
    }) : () -> ()
    %barrier3A_2064 = arith.constant 0 : index
    tpu.barrier barrier_id(%barrier3A_2064)
    %dma_start3A_2065 = arith.constant 0 : i32
    %dma_start3A_2066 = arith.constant 0 : i32
    %dma_start3A_2067 = arith.constant 0 : i32
    %dma_start3A_2068 = arith.constant 0 : i32
    %dma_start3A_2069 = tpu.memref_slice %arg14[%dma_start3A_2066, %dma_start3A_2067, %dma_start3A_2068] : memref<3x128x64xf32, #tpu.memory_space<vmem>> -> memref<1x128x64xf32, #tpu.memory_space<vmem>>
    %dma_start3A_2070 = tpu.memref_squeeze %dma_start3A_2069 : memref<1x128x64xf32, #tpu.memory_space<vmem>> -> memref<128x64xf32, #tpu.memory_space<vmem>>
    %dma_start3A_2071 = arith.constant 0 : i32
    %dma_start3A_2072 = tpu.memref_slice %arg12[%dma_start3A_2065, %dma_start3A_2071] : memref<160x128xi32, #tpu.memory_space<vmem>> -> memref<1x128xi32, #tpu.memory_space<vmem>>
    %dma_start3A_2073 = tpu.memref_squeeze %dma_start3A_2072 : memref<1x128xi32, #tpu.memory_space<vmem>> -> memref<128xi32, #tpu.memory_space<vmem>>
    %dma_start3A_2074 = arith.constant 0 : i32
    %dma_start3A_2075 = arith.constant 0 : i32
    %dma_start3A_2076 = tpu.memref_slice %arg8[%arg0, %dma_start3A_2074, %dma_start3A_2075] : memref<2x10112x64xf32, #tpu.memory_space<hbm>> -> memref<1x10112x64xf32, #tpu.memory_space<hbm>>
    %dma_start3A_2077 = tpu.memref_squeeze %dma_start3A_2076 : memref<1x10112x64xf32, #tpu.memory_space<hbm>> -> memref<10112x64xf32, #tpu.memory_space<hbm>>
    %dma_start3A_2078 = arith.constant 0 : i32
    %dma_start3A_2079 = arith.constant 0 : i32
    %dma_start3A_2080 = tpu.memref_slice %dma_start3A_2077[%dma_start3A_2078, %dma_start3A_2079] : memref<10112x64xf32, #tpu.memory_space<hbm>> -> memref<10112x64xf32, #tpu.memory_space<hbm>>
    tpu.enqueue_indirect_dma source(%dma_start3A_2080 : memref<10112x64xf32, #tpu.memory_space<hbm>>) target(%dma_start3A_2070 : memref<128x64xf32, #tpu.memory_space<vmem>>) offsets(%dma_start3A_2073 : memref<128xi32, #tpu.memory_space<vmem>>) semaphore(%arg18 : memref<!tpu.dma_semaphore, #tpu.memory_space<semaphore_mem>>)
    %scan3A_2081 = arith.constant 0 : i32
    %scan3A_2082 = arith.constant 0 : i32
    %scan3A_2083 = arith.constant 160 : i32
    %scan3A_2084 = arith.addi %scan3A_2082, %scan3A_2083 : i32
    %scan3A_2085 = arith.constant 1 : i32
    scf.for %scan3A_2180 = %scan3A_2082 to %scan3A_2084 step %scan3A_2085  : i32 {
      %ge3A = arith.constant 2 : i32
      %ge3A_2181 = arith.cmpi sge, %scan3A_2180, %ge3A : i32
      %convert_element_type3A_2182 = arith.extui %ge3A_2181 : i1 to i32
      %cond3A_2183 = arith.constant 0 : i32
      %cond3A_2184 = arith.cmpi ne, %convert_element_type3A_2182, %cond3A_2183 : i32
      scf.if %cond3A_2184 {
        %sub3A = arith.constant 2 : i32
        %sub3A_2247 = arith.subi %scan3A_2180, %sub3A : i32
        %jit3A_2248 = arith.constant 3 : i32
        %eq3A_2249 = arith.constant 0 : i32
        %eq3A_2250 = arith.cmpi eq, %jit3A_2248, %eq3A_2249 : i32
        %jit3A_2251 = arith.constant 1 : i32
        %select_n3A_2252 = arith.select %eq3A_2250, %jit3A_2251, %jit3A_2248 : i32
        %rem3A_2253 = arith.remsi %sub3A_2247, %select_n3A_2252 : i32
        %ne3A_2254 = arith.constant 0 : i32
        %ne3A_2255 = arith.cmpi ne, %rem3A_2253, %ne3A_2254 : i32
        %lt3A_2256 = arith.constant 0 : i32
        %lt3A_2257 = arith.cmpi slt, %rem3A_2253, %lt3A_2256 : i32
        %lt3A_2258 = arith.constant 0 : i32
        %lt3A_2259 = arith.cmpi slt, %select_n3A_2252, %lt3A_2258 : i32
        %ne3A_2260 = arith.xori %lt3A_2257, %lt3A_2259 : i1
        %and3A_2261 = arith.andi %ne3A_2260, %ne3A_2255 : i1
        %add3A_2262 = arith.addi %rem3A_2253, %select_n3A_2252 : i32
        %select_n3A_2263 = arith.select %and3A_2261, %add3A_2262, %rem3A_2253 : i32
        %add3A_2264 = arith.constant 0 : i32
        %add3A_2265 = arith.addi %add3A_2264, %sub3A_2247 : i32
        %dma_wait3A_2266 = arith.constant 0 : i32
        %dma_wait3A_2267 = arith.constant 0 : i32
        %dma_wait3A_2268 = tpu.memref_slice %arg14[%select_n3A_2263, %dma_wait3A_2266, %dma_wait3A_2267] : memref<3x128x64xf32, #tpu.memory_space<vmem>> -> memref<1x128x64xf32, #tpu.memory_space<vmem>>
        %dma_wait3A_2269 = tpu.memref_squeeze %dma_wait3A_2268 : memref<1x128x64xf32, #tpu.memory_space<vmem>> -> memref<128x64xf32, #tpu.memory_space<vmem>>
        %dma_wait3A_2270 = arith.constant 0 : i32
        %dma_wait3A_2271 = tpu.memref_slice %arg13[%add3A_2265, %dma_wait3A_2270] : memref<160x128xi32, #tpu.memory_space<vmem>> -> memref<1x128xi32, #tpu.memory_space<vmem>>
        %dma_wait3A_2272 = tpu.memref_squeeze %dma_wait3A_2271 : memref<1x128xi32, #tpu.memory_space<vmem>> -> memref<128xi32, #tpu.memory_space<vmem>>
        %dma_wait3A_2273 = arith.constant 0 : i32
        %dma_wait3A_2274 = arith.constant 0 : i32
        %dma_wait3A_2275 = tpu.memref_slice %arg10[%dma_wait3A_2273, %dma_wait3A_2274] : memref<10112x64xf32, #tpu.memory_space<vmem_shared>> -> memref<10112x64xf32, #tpu.memory_space<vmem_shared>>
        tpu.wait_indirect_dma semaphore(%arg19 : memref<!tpu.dma_semaphore, #tpu.memory_space<semaphore_mem>>) src(%dma_wait3A_2269 : memref<128x64xf32, #tpu.memory_space<vmem>>) dst(%dma_wait3A_2275 : memref<10112x64xf32, #tpu.memory_space<vmem_shared>>)
      } else {
      }
      %add3A_2185 = arith.constant 1 : i32
      %add3A_2186 = arith.addi %scan3A_2180, %add3A_2185 : i32
      %lt3A_2187 = arith.constant 160 : i32
      %lt3A_2188 = arith.cmpi slt, %add3A_2186, %lt3A_2187 : i32
      %convert_element_type3A_2189 = arith.extui %lt3A_2188 : i1 to i32
      %cond3A_2190 = arith.constant 0 : i32
      %cond3A_2191 = arith.cmpi ne, %convert_element_type3A_2189, %cond3A_2190 : i32
      scf.if %cond3A_2191 {
        %add3A_2247 = arith.constant 1 : i32
        %add3A_2248 = arith.addi %scan3A_2180, %add3A_2247 : i32
        %add3A_2249 = arith.constant 0 : i32
        %add3A_2250 = arith.addi %add3A_2249, %add3A_2248 : i32
        %jit3A_2251 = arith.constant 3 : i32
        %eq3A_2252 = arith.constant 0 : i32
        %eq3A_2253 = arith.cmpi eq, %jit3A_2251, %eq3A_2252 : i32
        %jit3A_2254 = arith.constant 1 : i32
        %select_n3A_2255 = arith.select %eq3A_2253, %jit3A_2254, %jit3A_2251 : i32
        %rem3A_2256 = arith.remsi %add3A_2248, %select_n3A_2255 : i32
        %ne3A_2257 = arith.constant 0 : i32
        %ne3A_2258 = arith.cmpi ne, %rem3A_2256, %ne3A_2257 : i32
        %lt3A_2259 = arith.constant 0 : i32
        %lt3A_2260 = arith.cmpi slt, %rem3A_2256, %lt3A_2259 : i32
        %lt3A_2261 = arith.constant 0 : i32
        %lt3A_2262 = arith.cmpi slt, %select_n3A_2255, %lt3A_2261 : i32
        %ne3A_2263 = arith.xori %lt3A_2260, %lt3A_2262 : i1
        %and3A_2264 = arith.andi %ne3A_2263, %ne3A_2258 : i1
        %add3A_2265 = arith.addi %rem3A_2256, %select_n3A_2255 : i32
        %select_n3A_2266 = arith.select %and3A_2264, %add3A_2265, %rem3A_2256 : i32
        %dma_start3A_2267 = arith.constant 0 : i32
        %dma_start3A_2268 = arith.constant 0 : i32
        %dma_start3A_2269 = tpu.memref_slice %arg14[%select_n3A_2266, %dma_start3A_2267, %dma_start3A_2268] : memref<3x128x64xf32, #tpu.memory_space<vmem>> -> memref<1x128x64xf32, #tpu.memory_space<vmem>>
        %dma_start3A_2270 = tpu.memref_squeeze %dma_start3A_2269 : memref<1x128x64xf32, #tpu.memory_space<vmem>> -> memref<128x64xf32, #tpu.memory_space<vmem>>
        %dma_start3A_2271 = arith.constant 0 : i32
        %dma_start3A_2272 = tpu.memref_slice %arg12[%add3A_2250, %dma_start3A_2271] : memref<160x128xi32, #tpu.memory_space<vmem>> -> memref<1x128xi32, #tpu.memory_space<vmem>>
        %dma_start3A_2273 = tpu.memref_squeeze %dma_start3A_2272 : memref<1x128xi32, #tpu.memory_space<vmem>> -> memref<128xi32, #tpu.memory_space<vmem>>
        %dma_start3A_2274 = arith.constant 0 : i32
        %dma_start3A_2275 = arith.constant 0 : i32
        %dma_start3A_2276 = tpu.memref_slice %arg8[%arg0, %dma_start3A_2274, %dma_start3A_2275] : memref<2x10112x64xf32, #tpu.memory_space<hbm>> -> memref<1x10112x64xf32, #tpu.memory_space<hbm>>
        %dma_start3A_2277 = tpu.memref_squeeze %dma_start3A_2276 : memref<1x10112x64xf32, #tpu.memory_space<hbm>> -> memref<10112x64xf32, #tpu.memory_space<hbm>>
        %dma_start3A_2278 = arith.constant 0 : i32
        %dma_start3A_2279 = arith.constant 0 : i32
        %dma_start3A_2280 = tpu.memref_slice %dma_start3A_2277[%dma_start3A_2278, %dma_start3A_2279] : memref<10112x64xf32, #tpu.memory_space<hbm>> -> memref<10112x64xf32, #tpu.memory_space<hbm>>
        tpu.enqueue_indirect_dma source(%dma_start3A_2280 : memref<10112x64xf32, #tpu.memory_space<hbm>>) target(%dma_start3A_2270 : memref<128x64xf32, #tpu.memory_space<vmem>>) offsets(%dma_start3A_2273 : memref<128xi32, #tpu.memory_space<vmem>>) semaphore(%arg18 : memref<!tpu.dma_semaphore, #tpu.memory_space<semaphore_mem>>)
      } else {
      }
      %add3A_2192 = arith.constant 0 : i32
      %add3A_2193 = arith.addi %add3A_2192, %scan3A_2180 : i32
      %jit3A = arith.constant 3 : i32
      %eq3A_2194 = arith.constant 0 : i32
      %eq3A_2195 = arith.cmpi eq, %jit3A, %eq3A_2194 : i32
      %jit3A_2196 = arith.constant 1 : i32
      %select_n3A = arith.select %eq3A_2195, %jit3A_2196, %jit3A : i32
      %rem3A = arith.remsi %scan3A_2180, %select_n3A : i32
      %ne3A = arith.constant 0 : i32
      %ne3A_2197 = arith.cmpi ne, %rem3A, %ne3A : i32
      %lt3A_2198 = arith.constant 0 : i32
      %lt3A_2199 = arith.cmpi slt, %rem3A, %lt3A_2198 : i32
      %lt3A_2200 = arith.constant 0 : i32
      %lt3A_2201 = arith.cmpi slt, %select_n3A, %lt3A_2200 : i32
      %ne3A_2202 = arith.xori %lt3A_2199, %lt3A_2201 : i1
      %and3A = arith.andi %ne3A_2202, %ne3A_2197 : i1
      %add3A_2203 = arith.addi %rem3A, %select_n3A : i32
      %select_n3A_2204 = arith.select %and3A, %add3A_2203, %rem3A : i32
      %dma_wait3A_2205 = arith.constant 0 : i32
      %dma_wait3A_2206 = arith.constant 0 : i32
      %dma_wait3A_2207 = tpu.memref_slice %arg14[%select_n3A_2204, %dma_wait3A_2205, %dma_wait3A_2206] : memref<3x128x64xf32, #tpu.memory_space<vmem>> -> memref<1x128x64xf32, #tpu.memory_space<vmem>>
      %dma_wait3A_2208 = tpu.memref_squeeze %dma_wait3A_2207 : memref<1x128x64xf32, #tpu.memory_space<vmem>> -> memref<128x64xf32, #tpu.memory_space<vmem>>
      %dma_wait3A_2209 = arith.constant 0 : i32
      %dma_wait3A_2210 = tpu.memref_slice %arg12[%add3A_2193, %dma_wait3A_2209] : memref<160x128xi32, #tpu.memory_space<vmem>> -> memref<1x128xi32, #tpu.memory_space<vmem>>
      %dma_wait3A_2211 = tpu.memref_squeeze %dma_wait3A_2210 : memref<1x128xi32, #tpu.memory_space<vmem>> -> memref<128xi32, #tpu.memory_space<vmem>>
      %dma_wait3A_2212 = arith.constant 0 : i32
      %dma_wait3A_2213 = arith.constant 0 : i32
      %dma_wait3A_2214 = tpu.memref_slice %arg8[%arg0, %dma_wait3A_2212, %dma_wait3A_2213] : memref<2x10112x64xf32, #tpu.memory_space<hbm>> -> memref<1x10112x64xf32, #tpu.memory_space<hbm>>
      %dma_wait3A_2215 = tpu.memref_squeeze %dma_wait3A_2214 : memref<1x10112x64xf32, #tpu.memory_space<hbm>> -> memref<10112x64xf32, #tpu.memory_space<hbm>>
      %dma_wait3A_2216 = arith.constant 0 : i32
      %dma_wait3A_2217 = arith.constant 0 : i32
      %dma_wait3A_2218 = tpu.memref_slice %dma_wait3A_2215[%dma_wait3A_2216, %dma_wait3A_2217] : memref<10112x64xf32, #tpu.memory_space<hbm>> -> memref<10112x64xf32, #tpu.memory_space<hbm>>
      tpu.wait_indirect_dma semaphore(%arg18 : memref<!tpu.dma_semaphore, #tpu.memory_space<semaphore_mem>>) src(%dma_wait3A_2218 : memref<10112x64xf32, #tpu.memory_space<hbm>>) dst(%dma_wait3A_2208 : memref<128x64xf32, #tpu.memory_space<vmem>>)
      %jit3A_2219 = arith.constant 3 : i32
      %eq3A_2220 = arith.constant 0 : i32
      %eq3A_2221 = arith.cmpi eq, %jit3A_2219, %eq3A_2220 : i32
      %jit3A_2222 = arith.constant 1 : i32
      %select_n3A_2223 = arith.select %eq3A_2221, %jit3A_2222, %jit3A_2219 : i32
      %rem3A_2224 = arith.remsi %scan3A_2180, %select_n3A_2223 : i32
      %ne3A_2225 = arith.constant 0 : i32
      %ne3A_2226 = arith.cmpi ne, %rem3A_2224, %ne3A_2225 : i32
      %lt3A_2227 = arith.constant 0 : i32
      %lt3A_2228 = arith.cmpi slt, %rem3A_2224, %lt3A_2227 : i32
      %lt3A_2229 = arith.constant 0 : i32
      %lt3A_2230 = arith.cmpi slt, %select_n3A_2223, %lt3A_2229 : i32
      %ne3A_2231 = arith.xori %lt3A_2228, %lt3A_2230 : i1
      %and3A_2232 = arith.andi %ne3A_2231, %ne3A_2226 : i1
      %add3A_2233 = arith.addi %rem3A_2224, %select_n3A_2223 : i32
      %select_n3A_2234 = arith.select %and3A_2232, %add3A_2233, %rem3A_2224 : i32
      %add3A_2235 = arith.constant 0 : i32
      %add3A_2236 = arith.addi %add3A_2235, %scan3A_2180 : i32
      %dma_start3A_2237 = arith.constant 0 : i32
      %dma_start3A_2238 = arith.constant 0 : i32
      %dma_start3A_2239 = tpu.memref_slice %arg14[%select_n3A_2234, %dma_start3A_2237, %dma_start3A_2238] : memref<3x128x64xf32, #tpu.memory_space<vmem>> -> memref<1x128x64xf32, #tpu.memory_space<vmem>>
      %dma_start3A_2240 = tpu.memref_squeeze %dma_start3A_2239 : memref<1x128x64xf32, #tpu.memory_space<vmem>> -> memref<128x64xf32, #tpu.memory_space<vmem>>
      %dma_start3A_2241 = arith.constant 0 : i32
      %dma_start3A_2242 = tpu.memref_slice %arg13[%add3A_2236, %dma_start3A_2241] : memref<160x128xi32, #tpu.memory_space<vmem>> -> memref<1x128xi32, #tpu.memory_space<vmem>>
      %dma_start3A_2243 = tpu.memref_squeeze %dma_start3A_2242 : memref<1x128xi32, #tpu.memory_space<vmem>> -> memref<128xi32, #tpu.memory_space<vmem>>
      %dma_start3A_2244 = arith.constant 0 : i32
      %dma_start3A_2245 = arith.constant 0 : i32
      %dma_start3A_2246 = tpu.memref_slice %arg10[%dma_start3A_2244, %dma_start3A_2245] : memref<10112x64xf32, #tpu.memory_space<vmem_shared>> -> memref<10112x64xf32, #tpu.memory_space<vmem_shared>>
      tpu.enqueue_indirect_dma source(%dma_start3A_2240 : memref<128x64xf32, #tpu.memory_space<vmem>>) target(%dma_start3A_2246 : memref<10112x64xf32, #tpu.memory_space<vmem_shared>>) offsets(%dma_start3A_2243 : memref<128xi32, #tpu.memory_space<vmem>>) semaphore(%arg19 : memref<!tpu.dma_semaphore, #tpu.memory_space<semaphore_mem>>) {add = true}
    }
    %scan3A_2086 = arith.constant 160 : i32
    %dma_wait3A_2087 = arith.constant 2 : i32
    %dma_wait3A_2088 = arith.constant 158 : i32
    %dma_wait3A_2089 = arith.constant 0 : i32
    %dma_wait3A_2090 = arith.constant 0 : i32
    %dma_wait3A_2091 = tpu.memref_slice %arg14[%dma_wait3A_2087, %dma_wait3A_2089, %dma_wait3A_2090] : memref<3x128x64xf32, #tpu.memory_space<vmem>> -> memref<1x128x64xf32, #tpu.memory_space<vmem>>
    %dma_wait3A_2092 = tpu.memref_squeeze %dma_wait3A_2091 : memref<1x128x64xf32, #tpu.memory_space<vmem>> -> memref<128x64xf32, #tpu.memory_space<vmem>>
    %dma_wait3A_2093 = arith.constant 0 : i32
    %dma_wait3A_2094 = tpu.memref_slice %arg13[%dma_wait3A_2088, %dma_wait3A_2093] : memref<160x128xi32, #tpu.memory_space<vmem>> -> memref<1x128xi32, #tpu.memory_space<vmem>>
    %dma_wait3A_2095 = tpu.memref_squeeze %dma_wait3A_2094 : memref<1x128xi32, #tpu.memory_space<vmem>> -> memref<128xi32, #tpu.memory_space<vmem>>
    %dma_wait3A_2096 = arith.constant 0 : i32
    %dma_wait3A_2097 = arith.constant 0 : i32
    %dma_wait3A_2098 = tpu.memref_slice %arg10[%dma_wait3A_2096, %dma_wait3A_2097] : memref<10112x64xf32, #tpu.memory_space<vmem_shared>> -> memref<10112x64xf32, #tpu.memory_space<vmem_shared>>
    tpu.wait_indirect_dma semaphore(%arg19 : memref<!tpu.dma_semaphore, #tpu.memory_space<semaphore_mem>>) src(%dma_wait3A_2092 : memref<128x64xf32, #tpu.memory_space<vmem>>) dst(%dma_wait3A_2098 : memref<10112x64xf32, #tpu.memory_space<vmem_shared>>)
    %dma_wait3A_2099 = arith.constant 0 : i32
    %dma_wait3A_2100 = arith.constant 159 : i32
    %dma_wait3A_2101 = arith.constant 0 : i32
    %dma_wait3A_2102 = arith.constant 0 : i32
    %dma_wait3A_2103 = tpu.memref_slice %arg14[%dma_wait3A_2099, %dma_wait3A_2101, %dma_wait3A_2102] : memref<3x128x64xf32, #tpu.memory_space<vmem>> -> memref<1x128x64xf32, #tpu.memory_space<vmem>>
    %dma_wait3A_2104 = tpu.memref_squeeze %dma_wait3A_2103 : memref<1x128x64xf32, #tpu.memory_space<vmem>> -> memref<128x64xf32, #tpu.memory_space<vmem>>
    %dma_wait3A_2105 = arith.constant 0 : i32
    %dma_wait3A_2106 = tpu.memref_slice %arg13[%dma_wait3A_2100, %dma_wait3A_2105] : memref<160x128xi32, #tpu.memory_space<vmem>> -> memref<1x128xi32, #tpu.memory_space<vmem>>
    %dma_wait3A_2107 = tpu.memref_squeeze %dma_wait3A_2106 : memref<1x128xi32, #tpu.memory_space<vmem>> -> memref<128xi32, #tpu.memory_space<vmem>>
    %dma_wait3A_2108 = arith.constant 0 : i32
    %dma_wait3A_2109 = arith.constant 0 : i32
    %dma_wait3A_2110 = tpu.memref_slice %arg10[%dma_wait3A_2108, %dma_wait3A_2109] : memref<10112x64xf32, #tpu.memory_space<vmem_shared>> -> memref<10112x64xf32, #tpu.memory_space<vmem_shared>>
    tpu.wait_indirect_dma semaphore(%arg19 : memref<!tpu.dma_semaphore, #tpu.memory_space<semaphore_mem>>) src(%dma_wait3A_2104 : memref<128x64xf32, #tpu.memory_space<vmem>>) dst(%dma_wait3A_2110 : memref<10112x64xf32, #tpu.memory_space<vmem_shared>>)
    %barrier3A_2111 = arith.constant 0 : index
    tpu.barrier barrier_id(%barrier3A_2111)
    "tpu.region"() ({
      %run_scoped3A = tpu.sem_alloc : memref<!tpu.dma_semaphore, #tpu.memory_space<semaphore_mem>>
      %dma_start3A_2180 = arith.constant 0 : i32
      %dma_start3A_2181 = arith.constant 0 : i32
      %dma_start3A_2182 = tpu.memref_slice %arg9[%arg0, %dma_start3A_2180, %dma_start3A_2181] : memref<2x10112x64xf32, #tpu.memory_space<hbm>> -> memref<1x10112x64xf32, #tpu.memory_space<hbm>>
      %dma_start3A_2183 = tpu.memref_squeeze %dma_start3A_2182 : memref<1x10112x64xf32, #tpu.memory_space<hbm>> -> memref<10112x64xf32, #tpu.memory_space<hbm>>
      %dma_start3A_2184 = arith.constant 0 : i32
      %dma_start3A_2185 = tpu.memref_slice %dma_start3A_2183[%mul3A_0, %dma_start3A_2184] : memref<10112x64xf32, #tpu.memory_space<hbm>> -> memref<632x64xf32, #tpu.memory_space<hbm>>
      %dma_start3A_2186 = arith.constant 0 : i32
      %dma_start3A_2187 = tpu.memref_slice %arg10[%mul3A_0, %dma_start3A_2186] : memref<10112x64xf32, #tpu.memory_space<vmem_shared>> -> memref<632x64xf32, #tpu.memory_space<vmem_shared>>
      tpu.enqueue_dma source(%dma_start3A_2187 : memref<632x64xf32, #tpu.memory_space<vmem_shared>>) target(%dma_start3A_2185 : memref<632x64xf32, #tpu.memory_space<hbm>>) target_semaphore(%run_scoped3A : memref<!tpu.dma_semaphore, #tpu.memory_space<semaphore_mem>>)
      %dma_wait3A_2188 = arith.constant 0 : i32
      %dma_wait3A_2189 = arith.constant 0 : i32
      %dma_wait3A_2190 = tpu.memref_slice %arg9[%arg0, %dma_wait3A_2188, %dma_wait3A_2189] : memref<2x10112x64xf32, #tpu.memory_space<hbm>> -> memref<1x10112x64xf32, #tpu.memory_space<hbm>>
      %dma_wait3A_2191 = tpu.memref_squeeze %dma_wait3A_2190 : memref<1x10112x64xf32, #tpu.memory_space<hbm>> -> memref<10112x64xf32, #tpu.memory_space<hbm>>
      %dma_wait3A_2192 = arith.constant 0 : i32
      %dma_wait3A_2193 = tpu.memref_slice %dma_wait3A_2191[%mul3A_0, %dma_wait3A_2192] : memref<10112x64xf32, #tpu.memory_space<hbm>> -> memref<632x64xf32, #tpu.memory_space<hbm>>
      %dma_wait3A_2194 = arith.constant 0 : i32
      %dma_wait3A_2195 = tpu.memref_slice %arg10[%mul3A_0, %dma_wait3A_2194] : memref<10112x64xf32, #tpu.memory_space<vmem_shared>> -> memref<632x64xf32, #tpu.memory_space<vmem_shared>>
      tpu.wait_dma2 semaphore(%run_scoped3A : memref<!tpu.dma_semaphore, #tpu.memory_space<semaphore_mem>>) src(%dma_wait3A_2195 : memref<632x64xf32, #tpu.memory_space<vmem_shared>>) dst(%dma_wait3A_2193 : memref<632x64xf32, #tpu.memory_space<hbm>>)
      tpu.yield
    }) : () -> ()
    %add3A_2112 = arith.constant 0 : i32
    %add3A_2113 = arith.addi %mul3A_0, %add3A_2112 : i32
    "tpu.region"() ({
      %run_scoped3A = tpu.sem_alloc : memref<!tpu.dma_semaphore, #tpu.memory_space<semaphore_mem>>
      %dma_start3A_2180 = arith.constant 0 : i32
      %dma_start3A_2181 = tpu.memref_slice %arg10[%add3A_2113, %dma_start3A_2180] : memref<10112x64xf32, #tpu.memory_space<vmem_shared>> -> memref<64x64xf32, #tpu.memory_space<vmem_shared>>
      %dma_start3A_2182 = arith.constant 0 : i32
      %dma_start3A_2183 = tpu.memref_slice %arg10[%add3A_2113, %dma_start3A_2182] : memref<10112x64xf32, #tpu.memory_space<vmem_shared>> -> memref<64x64xf32, #tpu.memory_space<vmem_shared>>
      tpu.enqueue_dma source(%arg16 : memref<64x64xf32, #tpu.memory_space<vmem>>) target(%dma_start3A_2183 : memref<64x64xf32, #tpu.memory_space<vmem_shared>>) target_semaphore(%run_scoped3A : memref<!tpu.dma_semaphore, #tpu.memory_space<semaphore_mem>>)
      %dma_wait3A_2184 = arith.constant 0 : i32
      %dma_wait3A_2185 = tpu.memref_slice %arg10[%add3A_2113, %dma_wait3A_2184] : memref<10112x64xf32, #tpu.memory_space<vmem_shared>> -> memref<64x64xf32, #tpu.memory_space<vmem_shared>>
      %dma_wait3A_2186 = arith.constant 0 : i32
      %dma_wait3A_2187 = tpu.memref_slice %arg10[%add3A_2113, %dma_wait3A_2186] : memref<10112x64xf32, #tpu.memory_space<vmem_shared>> -> memref<64x64xf32, #tpu.memory_space<vmem_shared>>
      tpu.wait_dma2 semaphore(%run_scoped3A : memref<!tpu.dma_semaphore, #tpu.memory_space<semaphore_mem>>) src(%arg16 : memref<64x64xf32, #tpu.memory_space<vmem>>) dst(%dma_wait3A_2187 : memref<64x64xf32, #tpu.memory_space<vmem_shared>>)
      tpu.yield
    }) : () -> ()
    %add3A_2114 = arith.constant 64 : i32
    %add3A_2115 = arith.addi %mul3A_0, %add3A_2114 : i32
    "tpu.region"() ({
      %run_scoped3A = tpu.sem_alloc : memref<!tpu.dma_semaphore, #tpu.memory_space<semaphore_mem>>
      %dma_start3A_2180 = arith.constant 0 : i32
      %dma_start3A_2181 = tpu.memref_slice %arg10[%add3A_2115, %dma_start3A_2180] : memref<10112x64xf32, #tpu.memory_space<vmem_shared>> -> memref<64x64xf32, #tpu.memory_space<vmem_shared>>
      %dma_start3A_2182 = arith.constant 0 : i32
      %dma_start3A_2183 = tpu.memref_slice %arg10[%add3A_2115, %dma_start3A_2182] : memref<10112x64xf32, #tpu.memory_space<vmem_shared>> -> memref<64x64xf32, #tpu.memory_space<vmem_shared>>
      tpu.enqueue_dma source(%arg16 : memref<64x64xf32, #tpu.memory_space<vmem>>) target(%dma_start3A_2183 : memref<64x64xf32, #tpu.memory_space<vmem_shared>>) target_semaphore(%run_scoped3A : memref<!tpu.dma_semaphore, #tpu.memory_space<semaphore_mem>>)
      %dma_wait3A_2184 = arith.constant 0 : i32
      %dma_wait3A_2185 = tpu.memref_slice %arg10[%add3A_2115, %dma_wait3A_2184] : memref<10112x64xf32, #tpu.memory_space<vmem_shared>> -> memref<64x64xf32, #tpu.memory_space<vmem_shared>>
      %dma_wait3A_2186 = arith.constant 0 : i32
      %dma_wait3A_2187 = tpu.memref_slice %arg10[%add3A_2115, %dma_wait3A_2186] : memref<10112x64xf32, #tpu.memory_space<vmem_shared>> -> memref<64x64xf32, #tpu.memory_space<vmem_shared>>
      tpu.wait_dma2 semaphore(%run_scoped3A : memref<!tpu.dma_semaphore, #tpu.memory_space<semaphore_mem>>) src(%arg16 : memref<64x64xf32, #tpu.memory_space<vmem>>) dst(%dma_wait3A_2187 : memref<64x64xf32, #tpu.memory_space<vmem_shared>>)
      tpu.yield
    }) : () -> ()
    %add3A_2116 = arith.constant 128 : i32
    %add3A_2117 = arith.addi %mul3A_0, %add3A_2116 : i32
    "tpu.region"() ({
      %run_scoped3A = tpu.sem_alloc : memref<!tpu.dma_semaphore, #tpu.memory_space<semaphore_mem>>
      %dma_start3A_2180 = arith.constant 0 : i32
      %dma_start3A_2181 = tpu.memref_slice %arg10[%add3A_2117, %dma_start3A_2180] : memref<10112x64xf32, #tpu.memory_space<vmem_shared>> -> memref<64x64xf32, #tpu.memory_space<vmem_shared>>
      %dma_start3A_2182 = arith.constant 0 : i32
      %dma_start3A_2183 = tpu.memref_slice %arg10[%add3A_2117, %dma_start3A_2182] : memref<10112x64xf32, #tpu.memory_space<vmem_shared>> -> memref<64x64xf32, #tpu.memory_space<vmem_shared>>
      tpu.enqueue_dma source(%arg16 : memref<64x64xf32, #tpu.memory_space<vmem>>) target(%dma_start3A_2183 : memref<64x64xf32, #tpu.memory_space<vmem_shared>>) target_semaphore(%run_scoped3A : memref<!tpu.dma_semaphore, #tpu.memory_space<semaphore_mem>>)
      %dma_wait3A_2184 = arith.constant 0 : i32
      %dma_wait3A_2185 = tpu.memref_slice %arg10[%add3A_2117, %dma_wait3A_2184] : memref<10112x64xf32, #tpu.memory_space<vmem_shared>> -> memref<64x64xf32, #tpu.memory_space<vmem_shared>>
      %dma_wait3A_2186 = arith.constant 0 : i32
      %dma_wait3A_2187 = tpu.memref_slice %arg10[%add3A_2117, %dma_wait3A_2186] : memref<10112x64xf32, #tpu.memory_space<vmem_shared>> -> memref<64x64xf32, #tpu.memory_space<vmem_shared>>
      tpu.wait_dma2 semaphore(%run_scoped3A : memref<!tpu.dma_semaphore, #tpu.memory_space<semaphore_mem>>) src(%arg16 : memref<64x64xf32, #tpu.memory_space<vmem>>) dst(%dma_wait3A_2187 : memref<64x64xf32, #tpu.memory_space<vmem_shared>>)
      tpu.yield
    }) : () -> ()
    %add3A_2118 = arith.constant 192 : i32
    %add3A_2119 = arith.addi %mul3A_0, %add3A_2118 : i32
    "tpu.region"() ({
      %run_scoped3A = tpu.sem_alloc : memref<!tpu.dma_semaphore, #tpu.memory_space<semaphore_mem>>
      %dma_start3A_2180 = arith.constant 0 : i32
      %dma_start3A_2181 = tpu.memref_slice %arg10[%add3A_2119, %dma_start3A_2180] : memref<10112x64xf32, #tpu.memory_space<vmem_shared>> -> memref<64x64xf32, #tpu.memory_space<vmem_shared>>
      %dma_start3A_2182 = arith.constant 0 : i32
      %dma_start3A_2183 = tpu.memref_slice %arg10[%add3A_2119, %dma_start3A_2182] : memref<10112x64xf32, #tpu.memory_space<vmem_shared>> -> memref<64x64xf32, #tpu.memory_space<vmem_shared>>
      tpu.enqueue_dma source(%arg16 : memref<64x64xf32, #tpu.memory_space<vmem>>) target(%dma_start3A_2183 : memref<64x64xf32, #tpu.memory_space<vmem_shared>>) target_semaphore(%run_scoped3A : memref<!tpu.dma_semaphore, #tpu.memory_space<semaphore_mem>>)
      %dma_wait3A_2184 = arith.constant 0 : i32
      %dma_wait3A_2185 = tpu.memref_slice %arg10[%add3A_2119, %dma_wait3A_2184] : memref<10112x64xf32, #tpu.memory_space<vmem_shared>> -> memref<64x64xf32, #tpu.memory_space<vmem_shared>>
      %dma_wait3A_2186 = arith.constant 0 : i32
      %dma_wait3A_2187 = tpu.memref_slice %arg10[%add3A_2119, %dma_wait3A_2186] : memref<10112x64xf32, #tpu.memory_space<vmem_shared>> -> memref<64x64xf32, #tpu.memory_space<vmem_shared>>
      tpu.wait_dma2 semaphore(%run_scoped3A : memref<!tpu.dma_semaphore, #tpu.memory_space<semaphore_mem>>) src(%arg16 : memref<64x64xf32, #tpu.memory_space<vmem>>) dst(%dma_wait3A_2187 : memref<64x64xf32, #tpu.memory_space<vmem_shared>>)
      tpu.yield
    }) : () -> ()
    %add3A_2120 = arith.constant 256 : i32
    %add3A_2121 = arith.addi %mul3A_0, %add3A_2120 : i32
    "tpu.region"() ({
      %run_scoped3A = tpu.sem_alloc : memref<!tpu.dma_semaphore, #tpu.memory_space<semaphore_mem>>
      %dma_start3A_2180 = arith.constant 0 : i32
      %dma_start3A_2181 = tpu.memref_slice %arg10[%add3A_2121, %dma_start3A_2180] : memref<10112x64xf32, #tpu.memory_space<vmem_shared>> -> memref<64x64xf32, #tpu.memory_space<vmem_shared>>
      %dma_start3A_2182 = arith.constant 0 : i32
      %dma_start3A_2183 = tpu.memref_slice %arg10[%add3A_2121, %dma_start3A_2182] : memref<10112x64xf32, #tpu.memory_space<vmem_shared>> -> memref<64x64xf32, #tpu.memory_space<vmem_shared>>
      tpu.enqueue_dma source(%arg16 : memref<64x64xf32, #tpu.memory_space<vmem>>) target(%dma_start3A_2183 : memref<64x64xf32, #tpu.memory_space<vmem_shared>>) target_semaphore(%run_scoped3A : memref<!tpu.dma_semaphore, #tpu.memory_space<semaphore_mem>>)
      %dma_wait3A_2184 = arith.constant 0 : i32
      %dma_wait3A_2185 = tpu.memref_slice %arg10[%add3A_2121, %dma_wait3A_2184] : memref<10112x64xf32, #tpu.memory_space<vmem_shared>> -> memref<64x64xf32, #tpu.memory_space<vmem_shared>>
      %dma_wait3A_2186 = arith.constant 0 : i32
      %dma_wait3A_2187 = tpu.memref_slice %arg10[%add3A_2121, %dma_wait3A_2186] : memref<10112x64xf32, #tpu.memory_space<vmem_shared>> -> memref<64x64xf32, #tpu.memory_space<vmem_shared>>
      tpu.wait_dma2 semaphore(%run_scoped3A : memref<!tpu.dma_semaphore, #tpu.memory_space<semaphore_mem>>) src(%arg16 : memref<64x64xf32, #tpu.memory_space<vmem>>) dst(%dma_wait3A_2187 : memref<64x64xf32, #tpu.memory_space<vmem_shared>>)
      tpu.yield
    }) : () -> ()
    %add3A_2122 = arith.constant 320 : i32
    %add3A_2123 = arith.addi %mul3A_0, %add3A_2122 : i32
    "tpu.region"() ({
      %run_scoped3A = tpu.sem_alloc : memref<!tpu.dma_semaphore, #tpu.memory_space<semaphore_mem>>
      %dma_start3A_2180 = arith.constant 0 : i32
      %dma_start3A_2181 = tpu.memref_slice %arg10[%add3A_2123, %dma_start3A_2180] : memref<10112x64xf32, #tpu.memory_space<vmem_shared>> -> memref<64x64xf32, #tpu.memory_space<vmem_shared>>
      %dma_start3A_2182 = arith.constant 0 : i32
      %dma_start3A_2183 = tpu.memref_slice %arg10[%add3A_2123, %dma_start3A_2182] : memref<10112x64xf32, #tpu.memory_space<vmem_shared>> -> memref<64x64xf32, #tpu.memory_space<vmem_shared>>
      tpu.enqueue_dma source(%arg16 : memref<64x64xf32, #tpu.memory_space<vmem>>) target(%dma_start3A_2183 : memref<64x64xf32, #tpu.memory_space<vmem_shared>>) target_semaphore(%run_scoped3A : memref<!tpu.dma_semaphore, #tpu.memory_space<semaphore_mem>>)
      %dma_wait3A_2184 = arith.constant 0 : i32
      %dma_wait3A_2185 = tpu.memref_slice %arg10[%add3A_2123, %dma_wait3A_2184] : memref<10112x64xf32, #tpu.memory_space<vmem_shared>> -> memref<64x64xf32, #tpu.memory_space<vmem_shared>>
      %dma_wait3A_2186 = arith.constant 0 : i32
      %dma_wait3A_2187 = tpu.memref_slice %arg10[%add3A_2123, %dma_wait3A_2186] : memref<10112x64xf32, #tpu.memory_space<vmem_shared>> -> memref<64x64xf32, #tpu.memory_space<vmem_shared>>
      tpu.wait_dma2 semaphore(%run_scoped3A : memref<!tpu.dma_semaphore, #tpu.memory_space<semaphore_mem>>) src(%arg16 : memref<64x64xf32, #tpu.memory_space<vmem>>) dst(%dma_wait3A_2187 : memref<64x64xf32, #tpu.memory_space<vmem_shared>>)
      tpu.yield
    }) : () -> ()
    %add3A_2124 = arith.constant 384 : i32
    %add3A_2125 = arith.addi %mul3A_0, %add3A_2124 : i32
    "tpu.region"() ({
      %run_scoped3A = tpu.sem_alloc : memref<!tpu.dma_semaphore, #tpu.memory_space<semaphore_mem>>
      %dma_start3A_2180 = arith.constant 0 : i32
      %dma_start3A_2181 = tpu.memref_slice %arg10[%add3A_2125, %dma_start3A_2180] : memref<10112x64xf32, #tpu.memory_space<vmem_shared>> -> memref<64x64xf32, #tpu.memory_space<vmem_shared>>
      %dma_start3A_2182 = arith.constant 0 : i32
      %dma_start3A_2183 = tpu.memref_slice %arg10[%add3A_2125, %dma_start3A_2182] : memref<10112x64xf32, #tpu.memory_space<vmem_shared>> -> memref<64x64xf32, #tpu.memory_space<vmem_shared>>
      tpu.enqueue_dma source(%arg16 : memref<64x64xf32, #tpu.memory_space<vmem>>) target(%dma_start3A_2183 : memref<64x64xf32, #tpu.memory_space<vmem_shared>>) target_semaphore(%run_scoped3A : memref<!tpu.dma_semaphore, #tpu.memory_space<semaphore_mem>>)
      %dma_wait3A_2184 = arith.constant 0 : i32
      %dma_wait3A_2185 = tpu.memref_slice %arg10[%add3A_2125, %dma_wait3A_2184] : memref<10112x64xf32, #tpu.memory_space<vmem_shared>> -> memref<64x64xf32, #tpu.memory_space<vmem_shared>>
      %dma_wait3A_2186 = arith.constant 0 : i32
      %dma_wait3A_2187 = tpu.memref_slice %arg10[%add3A_2125, %dma_wait3A_2186] : memref<10112x64xf32, #tpu.memory_space<vmem_shared>> -> memref<64x64xf32, #tpu.memory_space<vmem_shared>>
      tpu.wait_dma2 semaphore(%run_scoped3A : memref<!tpu.dma_semaphore, #tpu.memory_space<semaphore_mem>>) src(%arg16 : memref<64x64xf32, #tpu.memory_space<vmem>>) dst(%dma_wait3A_2187 : memref<64x64xf32, #tpu.memory_space<vmem_shared>>)
      tpu.yield
    }) : () -> ()
    %add3A_2126 = arith.constant 448 : i32
    %add3A_2127 = arith.addi %mul3A_0, %add3A_2126 : i32
    "tpu.region"() ({
      %run_scoped3A = tpu.sem_alloc : memref<!tpu.dma_semaphore, #tpu.memory_space<semaphore_mem>>
      %dma_start3A_2180 = arith.constant 0 : i32
      %dma_start3A_2181 = tpu.memref_slice %arg10[%add3A_2127, %dma_start3A_2180] : memref<10112x64xf32, #tpu.memory_space<vmem_shared>> -> memref<64x64xf32, #tpu.memory_space<vmem_shared>>
      %dma_start3A_2182 = arith.constant 0 : i32
      %dma_start3A_2183 = tpu.memref_slice %arg10[%add3A_2127, %dma_start3A_2182] : memref<10112x64xf32, #tpu.memory_space<vmem_shared>> -> memref<64x64xf32, #tpu.memory_space<vmem_shared>>
      tpu.enqueue_dma source(%arg16 : memref<64x64xf32, #tpu.memory_space<vmem>>) target(%dma_start3A_2183 : memref<64x64xf32, #tpu.memory_space<vmem_shared>>) target_semaphore(%run_scoped3A : memref<!tpu.dma_semaphore, #tpu.memory_space<semaphore_mem>>)
      %dma_wait3A_2184 = arith.constant 0 : i32
      %dma_wait3A_2185 = tpu.memref_slice %arg10[%add3A_2127, %dma_wait3A_2184] : memref<10112x64xf32, #tpu.memory_space<vmem_shared>> -> memref<64x64xf32, #tpu.memory_space<vmem_shared>>
      %dma_wait3A_2186 = arith.constant 0 : i32
      %dma_wait3A_2187 = tpu.memref_slice %arg10[%add3A_2127, %dma_wait3A_2186] : memref<10112x64xf32, #tpu.memory_space<vmem_shared>> -> memref<64x64xf32, #tpu.memory_space<vmem_shared>>
      tpu.wait_dma2 semaphore(%run_scoped3A : memref<!tpu.dma_semaphore, #tpu.memory_space<semaphore_mem>>) src(%arg16 : memref<64x64xf32, #tpu.memory_space<vmem>>) dst(%dma_wait3A_2187 : memref<64x64xf32, #tpu.memory_space<vmem_shared>>)
      tpu.yield
    }) : () -> ()
    %add3A_2128 = arith.constant 512 : i32
    %add3A_2129 = arith.addi %mul3A_0, %add3A_2128 : i32
    "tpu.region"() ({
      %run_scoped3A = tpu.sem_alloc : memref<!tpu.dma_semaphore, #tpu.memory_space<semaphore_mem>>
      %dma_start3A_2180 = arith.constant 0 : i32
      %dma_start3A_2181 = tpu.memref_slice %arg10[%add3A_2129, %dma_start3A_2180] : memref<10112x64xf32, #tpu.memory_space<vmem_shared>> -> memref<64x64xf32, #tpu.memory_space<vmem_shared>>
      %dma_start3A_2182 = arith.constant 0 : i32
      %dma_start3A_2183 = tpu.memref_slice %arg10[%add3A_2129, %dma_start3A_2182] : memref<10112x64xf32, #tpu.memory_space<vmem_shared>> -> memref<64x64xf32, #tpu.memory_space<vmem_shared>>
      tpu.enqueue_dma source(%arg16 : memref<64x64xf32, #tpu.memory_space<vmem>>) target(%dma_start3A_2183 : memref<64x64xf32, #tpu.memory_space<vmem_shared>>) target_semaphore(%run_scoped3A : memref<!tpu.dma_semaphore, #tpu.memory_space<semaphore_mem>>)
      %dma_wait3A_2184 = arith.constant 0 : i32
      %dma_wait3A_2185 = tpu.memref_slice %arg10[%add3A_2129, %dma_wait3A_2184] : memref<10112x64xf32, #tpu.memory_space<vmem_shared>> -> memref<64x64xf32, #tpu.memory_space<vmem_shared>>
      %dma_wait3A_2186 = arith.constant 0 : i32
      %dma_wait3A_2187 = tpu.memref_slice %arg10[%add3A_2129, %dma_wait3A_2186] : memref<10112x64xf32, #tpu.memory_space<vmem_shared>> -> memref<64x64xf32, #tpu.memory_space<vmem_shared>>
      tpu.wait_dma2 semaphore(%run_scoped3A : memref<!tpu.dma_semaphore, #tpu.memory_space<semaphore_mem>>) src(%arg16 : memref<64x64xf32, #tpu.memory_space<vmem>>) dst(%dma_wait3A_2187 : memref<64x64xf32, #tpu.memory_space<vmem_shared>>)
      tpu.yield
    }) : () -> ()
    %add3A_2130 = arith.constant 576 : i32
    %add3A_2131 = arith.addi %mul3A_0, %add3A_2130 : i32
    "tpu.region"() ({
      %run_scoped3A = tpu.sem_alloc : memref<!tpu.dma_semaphore, #tpu.memory_space<semaphore_mem>>
      %dma_start3A_2180 = arith.constant 0 : i32
      %dma_start3A_2181 = arith.constant 0 : i32
      %dma_start3A_2182 = tpu.memref_slice %arg16[%dma_start3A_2180, %dma_start3A_2181] : memref<64x64xf32, #tpu.memory_space<vmem>> -> memref<56x64xf32, #tpu.memory_space<vmem>>
      %dma_start3A_2183 = arith.constant 0 : i32
      %dma_start3A_2184 = tpu.memref_slice %arg10[%add3A_2131, %dma_start3A_2183] : memref<10112x64xf32, #tpu.memory_space<vmem_shared>> -> memref<56x64xf32, #tpu.memory_space<vmem_shared>>
      %dma_start3A_2185 = arith.constant 0 : i32
      %dma_start3A_2186 = tpu.memref_slice %arg10[%add3A_2131, %dma_start3A_2185] : memref<10112x64xf32, #tpu.memory_space<vmem_shared>> -> memref<56x64xf32, #tpu.memory_space<vmem_shared>>
      %dma_start3A_2187 = arith.constant 0 : i32
      %dma_start3A_2188 = arith.constant 0 : i32
      %dma_start3A_2189 = tpu.memref_slice %arg16[%dma_start3A_2187, %dma_start3A_2188] : memref<64x64xf32, #tpu.memory_space<vmem>> -> memref<56x64xf32, #tpu.memory_space<vmem>>
      tpu.enqueue_dma source(%dma_start3A_2189 : memref<56x64xf32, #tpu.memory_space<vmem>>) target(%dma_start3A_2186 : memref<56x64xf32, #tpu.memory_space<vmem_shared>>) target_semaphore(%run_scoped3A : memref<!tpu.dma_semaphore, #tpu.memory_space<semaphore_mem>>)
      %dma_wait3A_2190 = arith.constant 0 : i32
      %dma_wait3A_2191 = arith.constant 0 : i32
      %dma_wait3A_2192 = tpu.memref_slice %arg16[%dma_wait3A_2190, %dma_wait3A_2191] : memref<64x64xf32, #tpu.memory_space<vmem>> -> memref<56x64xf32, #tpu.memory_space<vmem>>
      %dma_wait3A_2193 = arith.constant 0 : i32
      %dma_wait3A_2194 = tpu.memref_slice %arg10[%add3A_2131, %dma_wait3A_2193] : memref<10112x64xf32, #tpu.memory_space<vmem_shared>> -> memref<56x64xf32, #tpu.memory_space<vmem_shared>>
      %dma_wait3A_2195 = arith.constant 0 : i32
      %dma_wait3A_2196 = tpu.memref_slice %arg10[%add3A_2131, %dma_wait3A_2195] : memref<10112x64xf32, #tpu.memory_space<vmem_shared>> -> memref<56x64xf32, #tpu.memory_space<vmem_shared>>
      %dma_wait3A_2197 = arith.constant 0 : i32
      %dma_wait3A_2198 = arith.constant 0 : i32
      %dma_wait3A_2199 = tpu.memref_slice %arg16[%dma_wait3A_2197, %dma_wait3A_2198] : memref<64x64xf32, #tpu.memory_space<vmem>> -> memref<56x64xf32, #tpu.memory_space<vmem>>
      tpu.wait_dma2 semaphore(%run_scoped3A : memref<!tpu.dma_semaphore, #tpu.memory_space<semaphore_mem>>) src(%dma_wait3A_2199 : memref<56x64xf32, #tpu.memory_space<vmem>>) dst(%dma_wait3A_2196 : memref<56x64xf32, #tpu.memory_space<vmem_shared>>)
      tpu.yield
    }) : () -> ()
    %barrier3A_2132 = arith.constant 0 : index
    tpu.barrier barrier_id(%barrier3A_2132)
    %dma_start3A_2133 = arith.constant 0 : i32
    %dma_start3A_2134 = arith.constant 0 : i32
    %dma_start3A_2135 = arith.constant 0 : i32
    %dma_start3A_2136 = arith.constant 0 : i32
    %dma_start3A_2137 = tpu.memref_slice %arg14[%dma_start3A_2134, %dma_start3A_2135, %dma_start3A_2136] : memref<3x128x64xf32, #tpu.memory_space<vmem>> -> memref<1x128x64xf32, #tpu.memory_space<vmem>>
    %dma_start3A_2138 = tpu.memref_squeeze %dma_start3A_2137 : memref<1x128x64xf32, #tpu.memory_space<vmem>> -> memref<128x64xf32, #tpu.memory_space<vmem>>
    %dma_start3A_2139 = arith.constant 0 : i32
    %dma_start3A_2140 = tpu.memref_slice %arg12[%dma_start3A_2133, %dma_start3A_2139] : memref<160x128xi32, #tpu.memory_space<vmem>> -> memref<1x128xi32, #tpu.memory_space<vmem>>
    %dma_start3A_2141 = tpu.memref_squeeze %dma_start3A_2140 : memref<1x128xi32, #tpu.memory_space<vmem>> -> memref<128xi32, #tpu.memory_space<vmem>>
    %dma_start3A_2142 = arith.constant 0 : i32
    %dma_start3A_2143 = arith.constant 0 : i32
    %dma_start3A_2144 = tpu.memref_slice %arg9[%arg0, %dma_start3A_2142, %dma_start3A_2143] : memref<2x10112x64xf32, #tpu.memory_space<hbm>> -> memref<1x10112x64xf32, #tpu.memory_space<hbm>>
    %dma_start3A_2145 = tpu.memref_squeeze %dma_start3A_2144 : memref<1x10112x64xf32, #tpu.memory_space<hbm>> -> memref<10112x64xf32, #tpu.memory_space<hbm>>
    %dma_start3A_2146 = arith.constant 0 : i32
    %dma_start3A_2147 = arith.constant 0 : i32
    %dma_start3A_2148 = tpu.memref_slice %dma_start3A_2145[%dma_start3A_2146, %dma_start3A_2147] : memref<10112x64xf32, #tpu.memory_space<hbm>> -> memref<10112x64xf32, #tpu.memory_space<hbm>>
    tpu.enqueue_indirect_dma source(%dma_start3A_2148 : memref<10112x64xf32, #tpu.memory_space<hbm>>) target(%dma_start3A_2138 : memref<128x64xf32, #tpu.memory_space<vmem>>) offsets(%dma_start3A_2141 : memref<128xi32, #tpu.memory_space<vmem>>) semaphore(%arg18 : memref<!tpu.dma_semaphore, #tpu.memory_space<semaphore_mem>>)
    %scan3A_2149 = arith.constant 0 : i32
    %scan3A_2150 = arith.constant 0 : i32
    %scan3A_2151 = arith.constant 160 : i32
    %scan3A_2152 = arith.addi %scan3A_2150, %scan3A_2151 : i32
    %scan3A_2153 = arith.constant 1 : i32
    scf.for %scan3A_2180 = %scan3A_2150 to %scan3A_2152 step %scan3A_2153  : i32 {
      %ge3A = arith.constant 2 : i32
      %ge3A_2181 = arith.cmpi sge, %scan3A_2180, %ge3A : i32
      %convert_element_type3A_2182 = arith.extui %ge3A_2181 : i1 to i32
      %cond3A_2183 = arith.constant 0 : i32
      %cond3A_2184 = arith.cmpi ne, %convert_element_type3A_2182, %cond3A_2183 : i32
      scf.if %cond3A_2184 {
        %sub3A = arith.constant 2 : i32
        %sub3A_2247 = arith.subi %scan3A_2180, %sub3A : i32
        %jit3A_2248 = arith.constant 3 : i32
        %eq3A_2249 = arith.constant 0 : i32
        %eq3A_2250 = arith.cmpi eq, %jit3A_2248, %eq3A_2249 : i32
        %jit3A_2251 = arith.constant 1 : i32
        %select_n3A_2252 = arith.select %eq3A_2250, %jit3A_2251, %jit3A_2248 : i32
        %rem3A_2253 = arith.remsi %sub3A_2247, %select_n3A_2252 : i32
        %ne3A_2254 = arith.constant 0 : i32
        %ne3A_2255 = arith.cmpi ne, %rem3A_2253, %ne3A_2254 : i32
        %lt3A_2256 = arith.constant 0 : i32
        %lt3A_2257 = arith.cmpi slt, %rem3A_2253, %lt3A_2256 : i32
        %lt3A_2258 = arith.constant 0 : i32
        %lt3A_2259 = arith.cmpi slt, %select_n3A_2252, %lt3A_2258 : i32
        %ne3A_2260 = arith.xori %lt3A_2257, %lt3A_2259 : i1
        %and3A_2261 = arith.andi %ne3A_2260, %ne3A_2255 : i1
        %add3A_2262 = arith.addi %rem3A_2253, %select_n3A_2252 : i32
        %select_n3A_2263 = arith.select %and3A_2261, %add3A_2262, %rem3A_2253 : i32
        %add3A_2264 = arith.constant 0 : i32
        %add3A_2265 = arith.addi %add3A_2264, %sub3A_2247 : i32
        %dma_wait3A_2266 = arith.constant 0 : i32
        %dma_wait3A_2267 = arith.constant 0 : i32
        %dma_wait3A_2268 = tpu.memref_slice %arg14[%select_n3A_2263, %dma_wait3A_2266, %dma_wait3A_2267] : memref<3x128x64xf32, #tpu.memory_space<vmem>> -> memref<1x128x64xf32, #tpu.memory_space<vmem>>
        %dma_wait3A_2269 = tpu.memref_squeeze %dma_wait3A_2268 : memref<1x128x64xf32, #tpu.memory_space<vmem>> -> memref<128x64xf32, #tpu.memory_space<vmem>>
        %dma_wait3A_2270 = arith.constant 0 : i32
        %dma_wait3A_2271 = tpu.memref_slice %arg13[%add3A_2265, %dma_wait3A_2270] : memref<160x128xi32, #tpu.memory_space<vmem>> -> memref<1x128xi32, #tpu.memory_space<vmem>>
        %dma_wait3A_2272 = tpu.memref_squeeze %dma_wait3A_2271 : memref<1x128xi32, #tpu.memory_space<vmem>> -> memref<128xi32, #tpu.memory_space<vmem>>
        %dma_wait3A_2273 = arith.constant 0 : i32
        %dma_wait3A_2274 = arith.constant 0 : i32
        %dma_wait3A_2275 = tpu.memref_slice %arg10[%dma_wait3A_2273, %dma_wait3A_2274] : memref<10112x64xf32, #tpu.memory_space<vmem_shared>> -> memref<10112x64xf32, #tpu.memory_space<vmem_shared>>
        tpu.wait_indirect_dma semaphore(%arg19 : memref<!tpu.dma_semaphore, #tpu.memory_space<semaphore_mem>>) src(%dma_wait3A_2269 : memref<128x64xf32, #tpu.memory_space<vmem>>) dst(%dma_wait3A_2275 : memref<10112x64xf32, #tpu.memory_space<vmem_shared>>)
      } else {
      }
      %add3A_2185 = arith.constant 1 : i32
      %add3A_2186 = arith.addi %scan3A_2180, %add3A_2185 : i32
      %lt3A_2187 = arith.constant 160 : i32
      %lt3A_2188 = arith.cmpi slt, %add3A_2186, %lt3A_2187 : i32
      %convert_element_type3A_2189 = arith.extui %lt3A_2188 : i1 to i32
      %cond3A_2190 = arith.constant 0 : i32
      %cond3A_2191 = arith.cmpi ne, %convert_element_type3A_2189, %cond3A_2190 : i32
      scf.if %cond3A_2191 {
        %add3A_2247 = arith.constant 1 : i32
        %add3A_2248 = arith.addi %scan3A_2180, %add3A_2247 : i32
        %add3A_2249 = arith.constant 0 : i32
        %add3A_2250 = arith.addi %add3A_2249, %add3A_2248 : i32
        %jit3A_2251 = arith.constant 3 : i32
        %eq3A_2252 = arith.constant 0 : i32
        %eq3A_2253 = arith.cmpi eq, %jit3A_2251, %eq3A_2252 : i32
        %jit3A_2254 = arith.constant 1 : i32
        %select_n3A_2255 = arith.select %eq3A_2253, %jit3A_2254, %jit3A_2251 : i32
        %rem3A_2256 = arith.remsi %add3A_2248, %select_n3A_2255 : i32
        %ne3A_2257 = arith.constant 0 : i32
        %ne3A_2258 = arith.cmpi ne, %rem3A_2256, %ne3A_2257 : i32
        %lt3A_2259 = arith.constant 0 : i32
        %lt3A_2260 = arith.cmpi slt, %rem3A_2256, %lt3A_2259 : i32
        %lt3A_2261 = arith.constant 0 : i32
        %lt3A_2262 = arith.cmpi slt, %select_n3A_2255, %lt3A_2261 : i32
        %ne3A_2263 = arith.xori %lt3A_2260, %lt3A_2262 : i1
        %and3A_2264 = arith.andi %ne3A_2263, %ne3A_2258 : i1
        %add3A_2265 = arith.addi %rem3A_2256, %select_n3A_2255 : i32
        %select_n3A_2266 = arith.select %and3A_2264, %add3A_2265, %rem3A_2256 : i32
        %dma_start3A_2267 = arith.constant 0 : i32
        %dma_start3A_2268 = arith.constant 0 : i32
        %dma_start3A_2269 = tpu.memref_slice %arg14[%select_n3A_2266, %dma_start3A_2267, %dma_start3A_2268] : memref<3x128x64xf32, #tpu.memory_space<vmem>> -> memref<1x128x64xf32, #tpu.memory_space<vmem>>
        %dma_start3A_2270 = tpu.memref_squeeze %dma_start3A_2269 : memref<1x128x64xf32, #tpu.memory_space<vmem>> -> memref<128x64xf32, #tpu.memory_space<vmem>>
        %dma_start3A_2271 = arith.constant 0 : i32
        %dma_start3A_2272 = tpu.memref_slice %arg12[%add3A_2250, %dma_start3A_2271] : memref<160x128xi32, #tpu.memory_space<vmem>> -> memref<1x128xi32, #tpu.memory_space<vmem>>
        %dma_start3A_2273 = tpu.memref_squeeze %dma_start3A_2272 : memref<1x128xi32, #tpu.memory_space<vmem>> -> memref<128xi32, #tpu.memory_space<vmem>>
        %dma_start3A_2274 = arith.constant 0 : i32
        %dma_start3A_2275 = arith.constant 0 : i32
        %dma_start3A_2276 = tpu.memref_slice %arg9[%arg0, %dma_start3A_2274, %dma_start3A_2275] : memref<2x10112x64xf32, #tpu.memory_space<hbm>> -> memref<1x10112x64xf32, #tpu.memory_space<hbm>>
        %dma_start3A_2277 = tpu.memref_squeeze %dma_start3A_2276 : memref<1x10112x64xf32, #tpu.memory_space<hbm>> -> memref<10112x64xf32, #tpu.memory_space<hbm>>
        %dma_start3A_2278 = arith.constant 0 : i32
        %dma_start3A_2279 = arith.constant 0 : i32
        %dma_start3A_2280 = tpu.memref_slice %dma_start3A_2277[%dma_start3A_2278, %dma_start3A_2279] : memref<10112x64xf32, #tpu.memory_space<hbm>> -> memref<10112x64xf32, #tpu.memory_space<hbm>>
        tpu.enqueue_indirect_dma source(%dma_start3A_2280 : memref<10112x64xf32, #tpu.memory_space<hbm>>) target(%dma_start3A_2270 : memref<128x64xf32, #tpu.memory_space<vmem>>) offsets(%dma_start3A_2273 : memref<128xi32, #tpu.memory_space<vmem>>) semaphore(%arg18 : memref<!tpu.dma_semaphore, #tpu.memory_space<semaphore_mem>>)
      } else {
      }
      %add3A_2192 = arith.constant 0 : i32
      %add3A_2193 = arith.addi %add3A_2192, %scan3A_2180 : i32
      %jit3A = arith.constant 3 : i32
      %eq3A_2194 = arith.constant 0 : i32
      %eq3A_2195 = arith.cmpi eq, %jit3A, %eq3A_2194 : i32
      %jit3A_2196 = arith.constant 1 : i32
      %select_n3A = arith.select %eq3A_2195, %jit3A_2196, %jit3A : i32
      %rem3A = arith.remsi %scan3A_2180, %select_n3A : i32
      %ne3A = arith.constant 0 : i32
      %ne3A_2197 = arith.cmpi ne, %rem3A, %ne3A : i32
      %lt3A_2198 = arith.constant 0 : i32
      %lt3A_2199 = arith.cmpi slt, %rem3A, %lt3A_2198 : i32
      %lt3A_2200 = arith.constant 0 : i32
      %lt3A_2201 = arith.cmpi slt, %select_n3A, %lt3A_2200 : i32
      %ne3A_2202 = arith.xori %lt3A_2199, %lt3A_2201 : i1
      %and3A = arith.andi %ne3A_2202, %ne3A_2197 : i1
      %add3A_2203 = arith.addi %rem3A, %select_n3A : i32
      %select_n3A_2204 = arith.select %and3A, %add3A_2203, %rem3A : i32
      %dma_wait3A_2205 = arith.constant 0 : i32
      %dma_wait3A_2206 = arith.constant 0 : i32
      %dma_wait3A_2207 = tpu.memref_slice %arg14[%select_n3A_2204, %dma_wait3A_2205, %dma_wait3A_2206] : memref<3x128x64xf32, #tpu.memory_space<vmem>> -> memref<1x128x64xf32, #tpu.memory_space<vmem>>
      %dma_wait3A_2208 = tpu.memref_squeeze %dma_wait3A_2207 : memref<1x128x64xf32, #tpu.memory_space<vmem>> -> memref<128x64xf32, #tpu.memory_space<vmem>>
      %dma_wait3A_2209 = arith.constant 0 : i32
      %dma_wait3A_2210 = tpu.memref_slice %arg12[%add3A_2193, %dma_wait3A_2209] : memref<160x128xi32, #tpu.memory_space<vmem>> -> memref<1x128xi32, #tpu.memory_space<vmem>>
      %dma_wait3A_2211 = tpu.memref_squeeze %dma_wait3A_2210 : memref<1x128xi32, #tpu.memory_space<vmem>> -> memref<128xi32, #tpu.memory_space<vmem>>
      %dma_wait3A_2212 = arith.constant 0 : i32
      %dma_wait3A_2213 = arith.constant 0 : i32
      %dma_wait3A_2214 = tpu.memref_slice %arg9[%arg0, %dma_wait3A_2212, %dma_wait3A_2213] : memref<2x10112x64xf32, #tpu.memory_space<hbm>> -> memref<1x10112x64xf32, #tpu.memory_space<hbm>>
      %dma_wait3A_2215 = tpu.memref_squeeze %dma_wait3A_2214 : memref<1x10112x64xf32, #tpu.memory_space<hbm>> -> memref<10112x64xf32, #tpu.memory_space<hbm>>
      %dma_wait3A_2216 = arith.constant 0 : i32
      %dma_wait3A_2217 = arith.constant 0 : i32
      %dma_wait3A_2218 = tpu.memref_slice %dma_wait3A_2215[%dma_wait3A_2216, %dma_wait3A_2217] : memref<10112x64xf32, #tpu.memory_space<hbm>> -> memref<10112x64xf32, #tpu.memory_space<hbm>>
      tpu.wait_indirect_dma semaphore(%arg18 : memref<!tpu.dma_semaphore, #tpu.memory_space<semaphore_mem>>) src(%dma_wait3A_2218 : memref<10112x64xf32, #tpu.memory_space<hbm>>) dst(%dma_wait3A_2208 : memref<128x64xf32, #tpu.memory_space<vmem>>)
      %jit3A_2219 = arith.constant 3 : i32
      %eq3A_2220 = arith.constant 0 : i32
      %eq3A_2221 = arith.cmpi eq, %jit3A_2219, %eq3A_2220 : i32
      %jit3A_2222 = arith.constant 1 : i32
      %select_n3A_2223 = arith.select %eq3A_2221, %jit3A_2222, %jit3A_2219 : i32
      %rem3A_2224 = arith.remsi %scan3A_2180, %select_n3A_2223 : i32
      %ne3A_2225 = arith.constant 0 : i32
      %ne3A_2226 = arith.cmpi ne, %rem3A_2224, %ne3A_2225 : i32
      %lt3A_2227 = arith.constant 0 : i32
      %lt3A_2228 = arith.cmpi slt, %rem3A_2224, %lt3A_2227 : i32
      %lt3A_2229 = arith.constant 0 : i32
      %lt3A_2230 = arith.cmpi slt, %select_n3A_2223, %lt3A_2229 : i32
      %ne3A_2231 = arith.xori %lt3A_2228, %lt3A_2230 : i1
      %and3A_2232 = arith.andi %ne3A_2231, %ne3A_2226 : i1
      %add3A_2233 = arith.addi %rem3A_2224, %select_n3A_2223 : i32
      %select_n3A_2234 = arith.select %and3A_2232, %add3A_2233, %rem3A_2224 : i32
      %add3A_2235 = arith.constant 0 : i32
      %add3A_2236 = arith.addi %add3A_2235, %scan3A_2180 : i32
      %dma_start3A_2237 = arith.constant 0 : i32
      %dma_start3A_2238 = arith.constant 0 : i32
      %dma_start3A_2239 = tpu.memref_slice %arg14[%select_n3A_2234, %dma_start3A_2237, %dma_start3A_2238] : memref<3x128x64xf32, #tpu.memory_space<vmem>> -> memref<1x128x64xf32, #tpu.memory_space<vmem>>
      %dma_start3A_2240 = tpu.memref_squeeze %dma_start3A_2239 : memref<1x128x64xf32, #tpu.memory_space<vmem>> -> memref<128x64xf32, #tpu.memory_space<vmem>>
      %dma_start3A_2241 = arith.constant 0 : i32
      %dma_start3A_2242 = tpu.memref_slice %arg13[%add3A_2236, %dma_start3A_2241] : memref<160x128xi32, #tpu.memory_space<vmem>> -> memref<1x128xi32, #tpu.memory_space<vmem>>
      %dma_start3A_2243 = tpu.memref_squeeze %dma_start3A_2242 : memref<1x128xi32, #tpu.memory_space<vmem>> -> memref<128xi32, #tpu.memory_space<vmem>>
      %dma_start3A_2244 = arith.constant 0 : i32
      %dma_start3A_2245 = arith.constant 0 : i32
      %dma_start3A_2246 = tpu.memref_slice %arg10[%dma_start3A_2244, %dma_start3A_2245] : memref<10112x64xf32, #tpu.memory_space<vmem_shared>> -> memref<10112x64xf32, #tpu.memory_space<vmem_shared>>
      tpu.enqueue_indirect_dma source(%dma_start3A_2240 : memref<128x64xf32, #tpu.memory_space<vmem>>) target(%dma_start3A_2246 : memref<10112x64xf32, #tpu.memory_space<vmem_shared>>) offsets(%dma_start3A_2243 : memref<128xi32, #tpu.memory_space<vmem>>) semaphore(%arg19 : memref<!tpu.dma_semaphore, #tpu.memory_space<semaphore_mem>>) {add = true}
    }
    %scan3A_2154 = arith.constant 160 : i32
    %dma_wait3A_2155 = arith.constant 2 : i32
    %dma_wait3A_2156 = arith.constant 158 : i32
    %dma_wait3A_2157 = arith.constant 0 : i32
    %dma_wait3A_2158 = arith.constant 0 : i32
    %dma_wait3A_2159 = tpu.memref_slice %arg14[%dma_wait3A_2155, %dma_wait3A_2157, %dma_wait3A_2158] : memref<3x128x64xf32, #tpu.memory_space<vmem>> -> memref<1x128x64xf32, #tpu.memory_space<vmem>>
    %dma_wait3A_2160 = tpu.memref_squeeze %dma_wait3A_2159 : memref<1x128x64xf32, #tpu.memory_space<vmem>> -> memref<128x64xf32, #tpu.memory_space<vmem>>
    %dma_wait3A_2161 = arith.constant 0 : i32
    %dma_wait3A_2162 = tpu.memref_slice %arg13[%dma_wait3A_2156, %dma_wait3A_2161] : memref<160x128xi32, #tpu.memory_space<vmem>> -> memref<1x128xi32, #tpu.memory_space<vmem>>
    %dma_wait3A_2163 = tpu.memref_squeeze %dma_wait3A_2162 : memref<1x128xi32, #tpu.memory_space<vmem>> -> memref<128xi32, #tpu.memory_space<vmem>>
    %dma_wait3A_2164 = arith.constant 0 : i32
    %dma_wait3A_2165 = arith.constant 0 : i32
    %dma_wait3A_2166 = tpu.memref_slice %arg10[%dma_wait3A_2164, %dma_wait3A_2165] : memref<10112x64xf32, #tpu.memory_space<vmem_shared>> -> memref<10112x64xf32, #tpu.memory_space<vmem_shared>>
    tpu.wait_indirect_dma semaphore(%arg19 : memref<!tpu.dma_semaphore, #tpu.memory_space<semaphore_mem>>) src(%dma_wait3A_2160 : memref<128x64xf32, #tpu.memory_space<vmem>>) dst(%dma_wait3A_2166 : memref<10112x64xf32, #tpu.memory_space<vmem_shared>>)
    %dma_wait3A_2167 = arith.constant 0 : i32
    %dma_wait3A_2168 = arith.constant 159 : i32
    %dma_wait3A_2169 = arith.constant 0 : i32
    %dma_wait3A_2170 = arith.constant 0 : i32
    %dma_wait3A_2171 = tpu.memref_slice %arg14[%dma_wait3A_2167, %dma_wait3A_2169, %dma_wait3A_2170] : memref<3x128x64xf32, #tpu.memory_space<vmem>> -> memref<1x128x64xf32, #tpu.memory_space<vmem>>
    %dma_wait3A_2172 = tpu.memref_squeeze %dma_wait3A_2171 : memref<1x128x64xf32, #tpu.memory_space<vmem>> -> memref<128x64xf32, #tpu.memory_space<vmem>>
    %dma_wait3A_2173 = arith.constant 0 : i32
    %dma_wait3A_2174 = tpu.memref_slice %arg13[%dma_wait3A_2168, %dma_wait3A_2173] : memref<160x128xi32, #tpu.memory_space<vmem>> -> memref<1x128xi32, #tpu.memory_space<vmem>>
    %dma_wait3A_2175 = tpu.memref_squeeze %dma_wait3A_2174 : memref<1x128xi32, #tpu.memory_space<vmem>> -> memref<128xi32, #tpu.memory_space<vmem>>
    %dma_wait3A_2176 = arith.constant 0 : i32
    %dma_wait3A_2177 = arith.constant 0 : i32
    %dma_wait3A_2178 = tpu.memref_slice %arg10[%dma_wait3A_2176, %dma_wait3A_2177] : memref<10112x64xf32, #tpu.memory_space<vmem_shared>> -> memref<10112x64xf32, #tpu.memory_space<vmem_shared>>
    tpu.wait_indirect_dma semaphore(%arg19 : memref<!tpu.dma_semaphore, #tpu.memory_space<semaphore_mem>>) src(%dma_wait3A_2172 : memref<128x64xf32, #tpu.memory_space<vmem>>) dst(%dma_wait3A_2178 : memref<10112x64xf32, #tpu.memory_space<vmem_shared>>)
    %barrier3A_2179 = arith.constant 0 : index
    tpu.barrier barrier_id(%barrier3A_2179)
    "tpu.region"() ({
      %run_scoped3A = tpu.sem_alloc : memref<!tpu.dma_semaphore, #tpu.memory_space<semaphore_mem>>
      %dma_start3A_2180 = arith.constant 0 : i32
      %dma_start3A_2181 = arith.constant 0 : i32
      %dma_start3A_2182 = tpu.memref_slice %arg6[%arg0, %dma_start3A_2180, %dma_start3A_2181] : memref<2x10112x64xf32, #tpu.memory_space<hbm>> -> memref<1x10112x64xf32, #tpu.memory_space<hbm>>
      %dma_start3A_2183 = tpu.memref_squeeze %dma_start3A_2182 : memref<1x10112x64xf32, #tpu.memory_space<hbm>> -> memref<10112x64xf32, #tpu.memory_space<hbm>>
      %dma_start3A_2184 = arith.constant 0 : i32
      %dma_start3A_2185 = tpu.memref_slice %dma_start3A_2183[%mul3A_0, %dma_start3A_2184] : memref<10112x64xf32, #tpu.memory_space<hbm>> -> memref<632x64xf32, #tpu.memory_space<hbm>>
      %dma_start3A_2186 = arith.constant 0 : i32
      %dma_start3A_2187 = tpu.memref_slice %arg10[%mul3A_0, %dma_start3A_2186] : memref<10112x64xf32, #tpu.memory_space<vmem_shared>> -> memref<632x64xf32, #tpu.memory_space<vmem_shared>>
      tpu.enqueue_dma source(%dma_start3A_2187 : memref<632x64xf32, #tpu.memory_space<vmem_shared>>) target(%dma_start3A_2185 : memref<632x64xf32, #tpu.memory_space<hbm>>) target_semaphore(%run_scoped3A : memref<!tpu.dma_semaphore, #tpu.memory_space<semaphore_mem>>)
      %dma_wait3A_2188 = arith.constant 0 : i32
      %dma_wait3A_2189 = arith.constant 0 : i32
      %dma_wait3A_2190 = tpu.memref_slice %arg6[%arg0, %dma_wait3A_2188, %dma_wait3A_2189] : memref<2x10112x64xf32, #tpu.memory_space<hbm>> -> memref<1x10112x64xf32, #tpu.memory_space<hbm>>
      %dma_wait3A_2191 = tpu.memref_squeeze %dma_wait3A_2190 : memref<1x10112x64xf32, #tpu.memory_space<hbm>> -> memref<10112x64xf32, #tpu.memory_space<hbm>>
      %dma_wait3A_2192 = arith.constant 0 : i32
      %dma_wait3A_2193 = tpu.memref_slice %dma_wait3A_2191[%mul3A_0, %dma_wait3A_2192] : memref<10112x64xf32, #tpu.memory_space<hbm>> -> memref<632x64xf32, #tpu.memory_space<hbm>>
      %dma_wait3A_2194 = arith.constant 0 : i32
      %dma_wait3A_2195 = tpu.memref_slice %arg10[%mul3A_0, %dma_wait3A_2194] : memref<10112x64xf32, #tpu.memory_space<vmem_shared>> -> memref<632x64xf32, #tpu.memory_space<vmem_shared>>
      tpu.wait_dma2 semaphore(%run_scoped3A : memref<!tpu.dma_semaphore, #tpu.memory_space<semaphore_mem>>) src(%dma_wait3A_2195 : memref<632x64xf32, #tpu.memory_space<vmem_shared>>) dst(%dma_wait3A_2193 : memref<632x64xf32, #tpu.memory_space<hbm>>)
      tpu.yield
    }) : () -> ()
    return
  }
}

module attributes {stable_mosaic.version = 14 : i64} {
  func.func @_tc_gate_kernel(%arg0: i32, %arg1: memref<1000x128xf32, #tpu.memory_space<vmem>>, %arg2: memref<128x128xf32, #tpu.memory_space<vmem>>, %arg3: memref<1x128xf32, #tpu.memory_space<vmem>>, %arg4: memref<1000x64xf32, #tpu.memory_space<vmem>>, %arg5: memref<1000x64xf32, #tpu.memory_space<vmem>>, %arg6: memref<1000x16xf32, #tpu.memory_space<vmem>>) attributes {dimension_semantics = [#tpu.dimension_semantics<arbitrary>], iteration_bounds = array<i64: 10>, scalar_prefetch = 0 : i64, scratch_operands = 0 : i64, tpu.core_type = #tpu.core_type<tc>, window_params = [{transform_indices = @transform_0, window_bounds = array<i64: 1000, 128>}, {pipeline_mode = #tpu.pipeline_mode<synchronous>, transform_indices = @transform_1, window_bounds = array<i64: 128, 128>}, {pipeline_mode = #tpu.pipeline_mode<synchronous>, transform_indices = @transform_2, window_bounds = array<i64: 1, 128>}, {transform_indices = @transform_3, window_bounds = array<i64: 1000, 64>}, {transform_indices = @transform_4, window_bounds = array<i64: 1000, 64>}, {transform_indices = @transform_5, window_bounds = array<i64: 1000, 16>}]} {
    %get3A = arith.constant 0 : index
    %get3A_0 = arith.constant 0 : index
    %get3A_1 = vector.load %arg1[%get3A, %get3A_0] : memref<1000x128xf32, #tpu.memory_space<vmem>>, vector<1000x128xf32>
    %get3A_2 = arith.constant 0 : index
    %get3A_3 = arith.constant 0 : index
    %get3A_4 = vector.load %arg2[%get3A_2, %get3A_3] : memref<128x128xf32, #tpu.memory_space<vmem>>, vector<128x128xf32>
    %dot_general3A = arith.constant dense<0.000000e+00> : vector<1000x128xf32>
    %dot_general3A_5 = tpu.matmul %get3A_1, %get3A_4, %dot_general3A {dimension_numbers = #tpu.dot_dimension_numbers<[1], [0], [0], [1], [0, 0, 1, 1], [], []>, transpose_lhs_hint = false} : vector<1000x128xf32>, vector<128x128xf32>, vector<1000x128xf32> -> vector<1000x128xf32>
    %get3A_6 = arith.constant 0 : index
    %get3A_7 = arith.constant 0 : index
    %get3A_8 = vector.load %arg3[%get3A_6, %get3A_7] : memref<1x128xf32, #tpu.memory_space<vmem>>, vector<1x128xf32>
    %mul3A = vector.broadcast %get3A_8 : vector<1x128xf32> to vector<1000x128xf32>
    %mul3A_9 = arith.mulf %dot_general3A_5, %mul3A : vector<1000x128xf32>
    %reduce_sum3A = arith.constant dense<0.000000e+00> : vector<1000xf32>
    %reduce_sum3A_10 = vector.multi_reduction <add>, %mul3A_9, %reduce_sum3A [1] : vector<1000x128xf32> to vector<1000xf32>
    %broadcast_in_dim3A = vector.shape_cast %reduce_sum3A_10 : vector<1000xf32> to vector<1000x1xf32>
    %ge3A = arith.constant 0.000000e+00 : f32
    %ge3A_11 = vector.broadcast %ge3A : f32 to vector<1000x1xf32>
    %ge3A_12 = arith.cmpf oge, %broadcast_in_dim3A, %ge3A_11 : vector<1000x1xf32>
    %mul3A_13 = arith.constant 1.000000e-01 : f32
    %mul3A_14 = vector.broadcast %mul3A_13 : f32 to vector<1000x1xf32>
    %mul3A_15 = arith.mulf %mul3A_14, %broadcast_in_dim3A : vector<1000x1xf32>
    %select_n3A = arith.select %ge3A_12, %broadcast_in_dim3A, %mul3A_15 : vector<1000x1xi1>, vector<1000x1xf32>
    %logistic3A = arith.negf %select_n3A : vector<1000x1xf32>
    %logistic3A_16 = math.exp %logistic3A : vector<1000x1xf32>
    %logistic3A_17 = arith.constant 1.000000e+00 : f32
    %logistic3A_18 = vector.broadcast %logistic3A_17 : f32 to vector<1000x1xf32>
    %logistic3A_19 = arith.addf %logistic3A_18, %logistic3A_16 : vector<1000x1xf32>
    %logistic3A_20 = arith.divf %logistic3A_18, %logistic3A_19 : vector<1000x1xf32>
    %mul3A_21 = vector.broadcast %logistic3A_20 : vector<1000x1xf32> to vector<1000x128xf32>
    %mul3A_22 = arith.mulf %dot_general3A_5, %mul3A_21 : vector<1000x128xf32>
    %slice3A = vector.extract_strided_slice %mul3A_22 {offsets = [0, 0], sizes = [1000, 64], strides = [1, 1]} : vector<1000x128xf32> to vector<1000x64xf32>
    %swap3A = arith.constant 0 : index
    %swap3A_23 = arith.constant 0 : index
    %swap3A_24 = vector.load %arg4[%swap3A, %swap3A_23] : memref<1000x64xf32, #tpu.memory_space<vmem>>, vector<1000x64xf32>
    tpu.vector_store %arg4[%swap3A, %swap3A_23], %slice3A {strides = array<i32>} : memref<1000x64xf32, #tpu.memory_space<vmem>>, vector<1000x64xf32>,
    %slice3A_25 = vector.extract_strided_slice %mul3A_22 {offsets = [0, 64], sizes = [1000, 64], strides = [1, 1]} : vector<1000x128xf32> to vector<1000x64xf32>
    %swap3A_26 = arith.constant 0 : index
    %swap3A_27 = arith.constant 0 : index
    %swap3A_28 = vector.load %arg5[%swap3A_26, %swap3A_27] : memref<1000x64xf32, #tpu.memory_space<vmem>>, vector<1000x64xf32>
    tpu.vector_store %arg5[%swap3A_26, %swap3A_27], %slice3A_25 {strides = array<i32>} : memref<1000x64xf32, #tpu.memory_space<vmem>>, vector<1000x64xf32>,
    %broadcast_in_dim3A_29 = vector.shape_cast %logistic3A_20 : vector<1000x1xf32> to vector<1000x1xf32>
    %broadcast_in_dim3A_30 = vector.broadcast %broadcast_in_dim3A_29 : vector<1000x1xf32> to vector<1000x16xf32>
    %swap3A_31 = arith.constant 0 : index
    %swap3A_32 = arith.constant 0 : index
    %swap3A_33 = vector.load %arg6[%swap3A_31, %swap3A_32] : memref<1000x16xf32, #tpu.memory_space<vmem>>, vector<1000x16xf32>
    tpu.vector_store %arg6[%swap3A_31, %swap3A_32], %broadcast_in_dim3A_30 {strides = array<i32>} : memref<1000x16xf32, #tpu.memory_space<vmem>>, vector<1000x16xf32>,
    return
  }
  func.func @transform_0(%arg0: i32) -> (i32, i32) {
    %c0_i32 = arith.constant 0 : i32
    %c0_i32_0 = arith.constant 0 : i32
    return %arg0, %c0_i32 : i32, i32
  }
  func.func @transform_1(%arg0: i32) -> (i32, i32) {
    %c0_i32 = arith.constant 0 : i32
    %c0_i32_0 = arith.constant 0 : i32
    %c0_i32_1 = arith.constant 0 : i32
    return %c0_i32, %c0_i32_0 : i32, i32
  }
  func.func @transform_2(%arg0: i32) -> (i32, i32) {
    %c0_i32 = arith.constant 0 : i32
    %c0_i32_0 = arith.constant 0 : i32
    %c0_i32_1 = arith.constant 0 : i32
    return %c0_i32, %c0_i32_0 : i32, i32
  }
  func.func @transform_3(%arg0: i32) -> (i32, i32) {
    %c0_i32 = arith.constant 0 : i32
    %c0_i32_0 = arith.constant 0 : i32
    return %arg0, %c0_i32 : i32, i32
  }
  func.func @transform_4(%arg0: i32) -> (i32, i32) {
    %c0_i32 = arith.constant 0 : i32
    %c0_i32_0 = arith.constant 0 : i32
    return %arg0, %c0_i32 : i32, i32
  }
  func.func @transform_5(%arg0: i32) -> (i32, i32) {
    %c0_i32 = arith.constant 0 : i32
    %c0_i32_0 = arith.constant 0 : i32
    return %arg0, %c0_i32 : i32, i32
  }
}

module attributes {stable_mosaic.version = 14 : i64} {
  func.func @_tc_final_kernel(%arg0: i32, %arg1: memref<1x1000x64xf32, #tpu.memory_space<vmem>>, %arg2: memref<1x1000x64xf32, #tpu.memory_space<vmem>>, %arg3: memref<1x1000x16xf32, #tpu.memory_space<vmem>>, %arg4: memref<1x1000x16xf32, #tpu.memory_space<vmem>>, %arg5: memref<1000x128xf32, #tpu.memory_space<vmem>>) attributes {dimension_semantics = [#tpu.dimension_semantics<arbitrary>], iteration_bounds = array<i64: 10>, scalar_prefetch = 0 : i64, scratch_operands = 0 : i64, tpu.core_type = #tpu.core_type<tc>, window_params = [{transform_indices = @transform_0, window_bounds = array<i64: 1, 1000, 64>}, {transform_indices = @transform_1, window_bounds = array<i64: 1, 1000, 64>}, {transform_indices = @transform_2, window_bounds = array<i64: 1, 1000, 16>}, {transform_indices = @transform_3, window_bounds = array<i64: 1, 1000, 16>}, {transform_indices = @transform_4, window_bounds = array<i64: 1000, 128>}]} {
    %get3A = arith.constant 0 : index
    %get3A_0 = arith.constant 0 : index
    %get3A_1 = arith.constant 0 : index
    %get3A_2 = vector.load %arg3[%get3A, %get3A_0, %get3A_1] : memref<1x1000x16xf32, #tpu.memory_space<vmem>>, vector<1x1000x1xf32>
    %get3A_3 = vector.shape_cast %get3A_2 : vector<1x1000x1xf32> to vector<1000x1xf32>
    %get3A_4 = arith.constant 0 : index
    %get3A_5 = arith.constant 0 : index
    %get3A_6 = arith.constant 0 : index
    %get3A_7 = vector.load %arg4[%get3A_4, %get3A_5, %get3A_6] : memref<1x1000x16xf32, #tpu.memory_space<vmem>>, vector<1x1000x1xf32>
    %get3A_8 = vector.shape_cast %get3A_7 : vector<1x1000x1xf32> to vector<1000x1xf32>
    %add3A = arith.addf %get3A_3, %get3A_8 : vector<1000x1xf32>
    %get3A_9 = arith.constant 0 : index
    %get3A_10 = arith.constant 0 : index
    %get3A_11 = arith.constant 0 : index
    %get3A_12 = vector.load %arg1[%get3A_9, %get3A_10, %get3A_11] : memref<1x1000x64xf32, #tpu.memory_space<vmem>>, vector<1x1000x64xf32>
    %get3A_13 = vector.shape_cast %get3A_12 : vector<1x1000x64xf32> to vector<1000x64xf32>
    %get3A_14 = arith.constant 0 : index
    %get3A_15 = arith.constant 0 : index
    %get3A_16 = arith.constant 0 : index
    %get3A_17 = vector.load %arg2[%get3A_14, %get3A_15, %get3A_16] : memref<1x1000x64xf32, #tpu.memory_space<vmem>>, vector<1x1000x64xf32>
    %get3A_18 = vector.shape_cast %get3A_17 : vector<1x1000x64xf32> to vector<1000x64xf32>
    %concatenate3A = tpu.concatenate %get3A_13, %get3A_18 in 1 : vector<1000x64xf32>, vector<1000x64xf32> -> vector<1000x128xf32>
    %div3A = vector.broadcast %add3A : vector<1000x1xf32> to vector<1000x128xf32>
    %div3A_19 = arith.divf %concatenate3A, %div3A : vector<1000x128xf32>
    %gt3A = arith.constant 0.000000e+00 : f32
    %gt3A_20 = vector.broadcast %gt3A : f32 to vector<1000x128xf32>
    %gt3A_21 = arith.cmpf ogt, %div3A_19, %gt3A_20 : vector<1000x128xf32>
    %min3A = arith.constant 0.000000e+00 : f32
    %min3A_22 = vector.broadcast %min3A : f32 to vector<1000x128xf32>
    %min3A_23 = arith.minimumf %div3A_19, %min3A_22 : vector<1000x128xf32>
    %exp3A = math.exp %min3A_23 : vector<1000x128xf32>
    %sub3A = arith.constant 1.000000e+00 : f32
    %sub3A_24 = vector.broadcast %sub3A : f32 to vector<1000x128xf32>
    %sub3A_25 = arith.subf %exp3A, %sub3A_24 : vector<1000x128xf32>
    %select_n3A = arith.select %gt3A_21, %div3A_19, %sub3A_25 : vector<1000x128xi1>, vector<1000x128xf32>
    %swap3A = arith.constant 0 : index
    %swap3A_26 = arith.constant 0 : index
    %swap3A_27 = vector.load %arg5[%swap3A, %swap3A_26] : memref<1000x128xf32, #tpu.memory_space<vmem>>, vector<1000x128xf32>
    tpu.vector_store %arg5[%swap3A, %swap3A_26], %select_n3A {strides = array<i32>} : memref<1000x128xf32, #tpu.memory_space<vmem>>, vector<1000x128xf32>,
    return
  }
  func.func @transform_0(%arg0: i32) -> (i32, i32, i32) {
    %c0_i32 = arith.constant 0 : i32
    %c0_i32_0 = arith.constant 0 : i32
    %c0_i32_1 = arith.constant 0 : i32
    return %c0_i32, %arg0, %c0_i32_0 : i32, i32, i32
  }
  func.func @transform_1(%arg0: i32) -> (i32, i32, i32) {
    %c1_i32 = arith.constant 1 : i32
    %c0_i32 = arith.constant 0 : i32
    %c0_i32_0 = arith.constant 0 : i32
    return %c1_i32, %arg0, %c0_i32 : i32, i32, i32
  }
  func.func @transform_2(%arg0: i32) -> (i32, i32, i32) {
    %c0_i32 = arith.constant 0 : i32
    %c0_i32_0 = arith.constant 0 : i32
    %c0_i32_1 = arith.constant 0 : i32
    return %c0_i32, %arg0, %c0_i32_0 : i32, i32, i32
  }
  func.func @transform_3(%arg0: i32) -> (i32, i32, i32) {
    %c1_i32 = arith.constant 1 : i32
    %c0_i32 = arith.constant 0 : i32
    %c0_i32_0 = arith.constant 0 : i32
    return %c1_i32, %arg0, %c0_i32 : i32, i32, i32
  }
  func.func @transform_4(%arg0: i32) -> (i32, i32) {
    %c0_i32 = arith.constant 0 : i32
    %c0_i32_0 = arith.constant 0 : i32
    return %arg0, %c0_i32 : i32, i32
  }
}

</mosaic_0001>

<sc_bundles>
// kernel: kernel.5.cloned.1.call-start
scs
__scs_entry_jumppad:
0x0: {  	(pc) =	sbr.rel $0x88, $3  }
0x1: {  	(tag) =	ssettag $0x0;
	lr =	simm.s32 $0x1  }
0x2: {  	[smem:$0x3F9D] =	sst lr;
	_ =	strace $0xD0000000  }
0x3: {  	_ = 	snop  }
0x4: {  	_ = 	snop  }
0x5: {  	_ = 	snop  }
0x6: {  	_ = 	snop  }
0x7: {  	_ = 	snop  }
__scs_overlays_trampoline_lowered:
0x8: {  	[smem:$0x3FAC] =	sst s0  }
0x9: {  	[smem:$0x3FAD] =	sst s1  }
0xa: {  	[smem:$0x3FAE] =	sst s2  }
0xb: {  	[smem:$0x3FAF] =	sst s3  }
0xc: {  	[smem:$0x3FB0] =	sst s4  }
0xd: {  	[smem:$0x3FB1] =	sst s5  }
0xe: {  	[smem:$0x3FB2] =	sst s6  }
0xf: {  	[smem:$0x3FB3] =	sst s7  }
0x10: {  	[smem:$0x3FB4] =	sst s8  }
0x11: {  	[smem:$0x3FB5] =	sst s9;
	s0 =	simm.s32 @!p0 $0x0  }
0x12: {  	s1 =	sld [smem:$0x3F9B];
	s0 =	simm.s32 @p0 $0x1  }
0x13: {  	[smem:$0x3FB6] =	sst s0;
	s0 =	simm.s32 @!p1 $0x0  }
0x14: {  	s2 =	sld [smem:$0x3F9A];
	s0 =	simm.s32 @p1 $0x1  }
0x15: {  	[smem:$0x3FB7] =	sst s0;
	s0 =	simm.s32 @!p2 $0x0  }
0x16: {  	s3 =	sld [smem:$0x3FDB];
	s0 =	simm.s32 @p2 $0x1  }
0x17: {  	s4 =	simm.s32 $0x1BF5;
	[smem:$0x3FB9] =	sst s0  }
0x18: {  	s0 =	sld [smem:$0x3F9C];
	_ =	swait.ge [sflag:s4], $0x0  }
0x19: {  	s7 =	sld [smem:$0x3F9D]  }
0x1a: {  	s8 =	sadd.s32 $0xFFFFE003, lr  }
0x1b: {  	s9 =	sadd.s32 $0xFFFFFEF7, lr;
	s5 =	simm.s32 $0xFFFFFFFF;
	p2 =	slt.u32 s8, $0xFFFFF086  }
0x1c: {  	p1 =	slt.u32 s9, $0xF7A;
	s5 =	simm.s32 @!p2 $0x0  }
0x1d: {  	s5 =	simm.s32 @p1 $0x1;
	p0 =	seq.s32 s7, s2  }
0x1e: {  	s7 =	smul.u32 @!p0 $0xF7A, s2;
	p2 =	seq.s32 @!p0 s5, $0x0  }
0x1f: {  	s9 =	smul.u32 $0xF7A, s1;
	s8 =	simm.s32 @!p0 $0x1BF5;
	p2 =	por !p2, p0  }
0x20: {  	[sflag:s8] =	ssyncset.s32 @!p0 $0xFFFFF086;
	s6 =	sadd.s32 @!p0 s3, s7;
	s7 =	simm.s32 @!p0 $0x108  }
0x21: {  	s3 =	sadd.s32 s3, s9;
	s6 =	sadd.s32 @!p0 $0x88, s6;
	s7 =	simm.s32 @p2 $0x1082  }
0x22: {  	[simem:s7], [sflag:s8] =	dma.local @!p0 [hbm:s6], $0xF7A  }
0x23: {  	s9 =	sor.u32 $0xD0000000, s2;
	s6 =	simm.s32 $0x108;
	_ =	swait.ge @!p0 [sflag:s8], $0x0  }
0x24: {  	s3 =	sadd.s32 $0x88, s3;
	s6 =	simm.s32 @!p1 $0x1082;
	[sflag:s4] =	ssyncset.s32 $0xFFFFF086  }
0x25: {  	[simem:s6], [sflag:s4] =	dma.local [hbm:s3], $0xF7A  }
0x26: {  	[smem:$0x3F9D] =	sst s1;
	(tag) =	ssettag s2;
	_ =	strace s9  }
0x27: {  	s1 =	sld [smem:$0x3FAD]  }
0x28: {  	s2 =	sld [smem:$0x3FAE]  }
0x29: {  	s4 =	sld [smem:$0x3FB0]  }
0x2a: {  	p0 =	seq.s32 s5, $0x0;
	s5 =	sld [smem:$0x3FB1]  }
0x2b: {  	s6 =	sld [smem:$0x3FB2]  }
0x2c: {  	s7 =	sld [smem:$0x3FB3]  }
0x2d: {  	s3 =	simm.s32 $0x108;
	s8 =	sld [smem:$0x3FB4]  }
0x2e: {  	s3 =	simm.s32 @!p0 $0x1082;
	s9 =	sld [smem:$0x3FB5]  }
0x2f: {  	lr =	sadd.s32 s0, s3;
	s0 =	sld [smem:$0x3FAC]  }
0x30: {  	s3 =	sld [smem:$0x3FAF]  }
0x31: {  	[smem:$0x3FB8] =	sst s10  }
0x32: {  	s10 =	sld [smem:$0x3FB6];
	_ =	sdelay $0x3  }
0x33: {  	p0 =	seq.s32 s10, $0x1;
	s10 =	sld [smem:$0x3FB8];
	_ =	sdelay $0x3  }
0x34: {  	[smem:$0x3FB8] =	sst s10  }
0x35: {  	s10 =	sld [smem:$0x3FB7];
	_ =	sdelay $0x3  }
0x36: {  	p1 =	seq.s32 s10, $0x1;
	s10 =	sld [smem:$0x3FB8];
	_ =	sdelay $0x3  }
0x37: {  	[smem:$0x3FB8] =	sst s10  }
0x38: {  	s10 =	sld [smem:$0x3FB9]  }
0x39: {  	_ = 	snop;
	(pc) =	sbr.ind lr, $3  }
0x3a: {  	_ = 	snop  }
0x3b: {  	_ = 	snop  }
0x3c: {  	p2 =	seq.s32 s10, $0x1;
	s10 =	sld [smem:$0x3FB8]  }
0x3d: {  	_ =	shalt  }
0x3e: {  	_ =	shalt  }
0x3f: {  	_ =	shalt  }
0x40: {  	_ =	shalt  }
0x41: {  	_ =	shalt  }
0x42: {  	_ =	shalt  }
0x43: {  	_ =	shalt  }
0x44: {  	_ =	shalt  }
0x45: {  	_ =	shalt  }
0x46: {  	_ =	shalt  }
0x47: {  	_ =	shalt  }
0x48: {  	_ =	shalt  }
0x49: {  	_ =	shalt  }
0x4a: {  	_ =	shalt  }
0x4b: {  	_ =	shalt  }
0x4c: {  	_ =	shalt  }
0x4d: {  	_ =	shalt  }
0x4e: {  	_ =	shalt  }
0x4f: {  	_ =	shalt  }
0x50: {  	_ =	shalt  }
0x51: {  	_ =	shalt  }
0x52: {  	_ =	shalt  }
0x53: {  	_ =	shalt  }
0x54: {  	_ =	shalt  }
0x55: {  	_ =	shalt  }
0x56: {  	_ =	shalt  }
0x57: {  	_ =	shalt  }
0x58: {  	_ =	shalt  }
0x59: {  	_ =	shalt  }
0x5a: {  	_ =	shalt  }
0x5b: {  	_ =	shalt  }
0x5c: {  	_ =	shalt  }
0x5d: {  	_ =	shalt  }
0x5e: {  	_ =	shalt  }
0x5f: {  	_ =	shalt  }
0x60: {  	_ =	shalt  }
0x61: {  	_ =	shalt  }
0x62: {  	_ =	shalt  }
0x63: {  	_ =	shalt  }
0x64: {  	_ =	shalt  }
0x65: {  	_ =	shalt  }
0x66: {  	_ =	shalt  }
0x67: {  	_ =	shalt  }
0x68: {  	_ =	shalt  }
0x69: {  	_ =	shalt  }
0x6a: {  	_ =	shalt  }
0x6b: {  	_ =	shalt  }
0x6c: {  	_ =	shalt  }
0x6d: {  	_ =	shalt  }
0x6e: {  	_ =	shalt  }
0x6f: {  	_ =	shalt  }
0x70: {  	_ =	shalt  }
0x71: {  	_ =	shalt  }
0x72: {  	_ =	shalt  }
0x73: {  	_ =	shalt  }
0x74: {  	_ =	shalt  }
0x75: {  	_ =	shalt  }
0x76: {  	_ =	shalt  }
0x77: {  	_ =	shalt  }
0x78: {  	_ =	shalt  }
0x79: {  	_ =	shalt  }
0x7a: {  	_ =	shalt  }
0x7b: {  	_ =	shalt  }
0x7c: {  	_ =	shalt  }
0x7d: {  	_ =	shalt  }
0x7e: {  	_ =	shalt  }
0x7f: {  	_ =	shalt  }
0x80: {  	_ =	shalt  }
0x81: {  	_ =	shalt  }
0x82: {  	_ =	shalt  }
0x83: {  	_ =	shalt  }
0x84: {  	_ =	shalt  }
0x85: {  	_ =	shalt  }
0x86: {  	_ =	shalt  }
0x87: {  	_ =	shalt  }
.Lfunc_end0:
.L_simem_size_0:
called_computation_lowered:
.L_overlay_start_0:
0x88: {  	s2 =	sld [smem:$0x3FD9]  }
0x89: {  	s3 =	sld [smem:$0x3FFE];
	_ =	sdelay $0x1  }
0x8a: {  	s1 =	srdreg.scid  }
0x8b: {  	s0 =	sand.u32 $0x1, s1  }
0x8c: {  	s17 =	sshll.u32 s0, $0xA;
	s2 =	sadd.s32 s3, s2  }
0x8d: {  	s2 =	sadd.s32 s2, s17  }
0x8e: {  	[smem:$0x3FC4] =	sst s2  }
0x8f: {  	_ = 	snop  }
0x90: {  	s2 =	sld [smem:$0x3FD0];
	(tm) =	ssettm $0x1  }
0x91: {  	s18 =	sld [smem:$0x3FFB];
	_ =	sdelay $0x3  }
0x92: {  	_ =	strace s18  }
0x93: {  	s3 =	sld [smem:$0x3FFC];
	_ =	sdelay $0x3  }
0x94: {  	_ =	strace s3  }
0x95: {  	s3 =	sld [smem:$0x3FFD];
	_ =	sdelay $0x3  }
0x96: {  	_ =	strace s3  }
0x97: {  	_ =	strace $0x8FFFFFFF  }
0x98: {  	s19 =	sld [smem:$0x3FDB];
	_ =	sdelay $0x1  }
0x99: {  	s4 =	simm.s32 $_scs_section_size  }
0x9a: {  	s5 =	simm.s32 $_size__tile_overlayer_lowered;
	s6 =	simm.s32 $_tile_overlayer_lowered  }
0x9b: {  	s22 =	simm.s32 $0x1BFF;
	s21 =	sshll.u32 s6, $0x1;
	s3 =	sadd.s32 s4, s19  }
0x9c: {  	s7 =	simm.s32 $0x0;
	s20 =	sshll.u32 s5, $0x1;
	s5 =	sadd.s32 s21, s3  }
0x9d: {  	[timem:s7], [sflag:s22] =	dma.local [hbm:s5], s20  }
0x9e: {  	_ =	swait.ge [sflag:s22], s20  }
0x9f: {  	s4 =	ssub.s32 $0x0, s20;
	[sflag:s22] =	ssyncset.done $0x0  }
0xa0: {  	[sflag:s22] =	ssyncadd.s32 s4;
	_ =	sdelay $0x1  }
0xa1: {  	s23 =	simm.s32 $0x1B8B  }
0xa2: {  	_ =	swait.ge [sflag:s23], $0x1  }
0xa3: {  	[sflag:s23] =	ssyncset.done $0x0  }
0xa4: {  	s25 =	simm.s32 $0x1B8E;
	s24 =	sld [smem:$0x3FFE];
	[sflag:s23] =	ssyncadd.s32 $0xFFFFFFFF  }
0xa5: {  	s26 =	simm.s32 $execute0_lowered;
	[smem:$0x3FD2] =	sst s25  }
0xa6: {  	s5 =	sshll.u32 s26, $0x1;
	_ =	strace $0x80000046;
	[dreg:$0x1] =	wrdreg $0xFFFFFFFF  }
0xa7: {  	s28 =	simm.s32 $_size_execute0_lowered;
	s3 =	sadd.s32 s3, s5;
	[dreg:$0x0] =	wrdreg $0x0  }
0xa8: {  	s5 =	sshll.u32 s28, $0x1;
	[dreg:$0x2] =	wrdreg s3  }
0xa9: {  	[dreg:$0x3] =	wrdreg s5  }
0xaa: {  	[dreg:$0x4] =	wrdreg $0xC0  }
0xab: {  	_ =	task [dreg:s7], $0x5FFFF  }
0xac: {  	[dreg:$0x1] =	wrdreg $0xFFFFFFFF  }
0xad: {  	[dreg:$0x0] =	wrdreg $0x60  }
0xae: {  	[dreg:$0x2] =	wrdreg s24  }
0xaf: {  	[dreg:$0x3] =	wrdreg s2  }
0xb0: {  	[dreg:$0x4] =	wrdreg $0x0  }
0xb1: {  	[dreg:$0x5] =	wrdreg $0x9E000  }
0xb2: {  	[dreg:$0x6] =	wrdreg $0x9  }
0xb3: {  	_ =	task.clear_ibuf [dreg:s7], $0x7FFFF;
	_ =	strace $0x90000046  }
0xb4: {  	s29 =	simm.s32 $0x9;
	_ =	strace $0x80000048  }
0xb5: {  	_ =	swait.ge [sflag:s29], $0x1  }
0xb6: {  	[sflag:s29] =	ssyncadd.s32 $0xFFFFFFFF  }
0xb7: {  	_ =	strace $0x90000048  }
0xb8: {  	_ =	sfence  }
0xb9: {  	s30 =	sld [smem:$0x0];
	_ =	sdelay $0x2  }
0xba: {  	s31 =	sshll.u32 s1, $0xD;
	s1 =	sshrl.u32 s1, $0x2  }
0xbb: {  	s3 =	sand.u32 $0x4000, s31;
	s1 =	sadd.s32 s1, s30  }
0xbc: {  	s0 =	sor.u32 s3, s0;
	s1 =	sshll.u32 s1, $0x11  }
0xbd: {  	s0 =	sor.u32 s1, s0  }
0xbe: {  	s0 =	sadd.s32 $0x8F2B, s0  }
0xbf: {  	[sflag:s0] =	ssyncadd.remote.s32 $0x1  }
0xc0: {  	_ =	sfence.sel $0xFFFF  }
0xc1: {  	[dreg:$0x0] =	wrdreg $0xFFFFFFFF;
	(pc) =	sbr.abs _section_cstart, $3  }
0xc2: {  	[dreg:$0x1] =	wrdreg $0xFFFFFFFF  }
0xc3: {  	_ =	task.clear_ibuf [dreg:s7], $0x2FFFF;
	_ =	strace $0x9FFFFFFF  }
0xc4: {  	(tm) =	ssettm $0x7FFFFFFF  }
0xc5: {  	_ =	shalt  }
tec
execute0_lowered:
.L_overlay_start_1:
0x0: {  	(tag) =	ssettag $0x1  }
0x1: {  	s3 =	rddreg [dreg:$0x0]  }
0x2: {  	s4 =	rddreg [dreg:$0x1]  }
0x3: {  	s1 =	rddreg [dreg:$0x2];
	s26 =	stileid.u32  }
0x4: {  	s2 =	rddreg [dreg:$0x3];
	s12 =	smul.u32 $0x278, s26  }
0x5: {  	s5 =	simm.s32 $0x0;
	s0 =	srdreg.scid;
	s15 =	smul.u32 $0xA00, s26  }
0x6: {  	s29 =	simm.s32 $0x0;
	[smem:$0x7FF] =	sst s5;
	s21 =	smul.u32 $0x2780, s26  }
0x7: {  	s0 =	sand.u32 $0x1, s0;
	p0 =	seq.s32 s26, $0xF;
	s26 =	smul.u32 $0x9E00, s26  }
0x8: {  	s5 =	sadd.s32 $0x29000, s3;
	s7 =	sadd.s32 $0x2E000, s3;
	s6 =	smul.u32 $0x13C00, s0  }
0x9: {  	s16 =	sadd.s32 $0x9C40, s4;
	s8 =	smul.u32 $0x4F00, s0;
	s9 =	ssub.s32 $0x2, s0  }
0xa: {  	_ =	strace $0x80000047;
	s30 =	smul.u32 $0x50, s0;
	s31 =	sshrl.u32 s9, $0x1  }
0xb: {  	s19 =	sadd.s32 $0x40, s12;
	s17 =	sadd.s32 s4, s15;
	s4 =	sadd.s32 $0xC0, s12  }
0xc: {  	s20 =	sadd.s32 $0x100, s12;
	s22 =	sadd.s32 $0x140, s12;
	s15 =	sadd.s32 @!p0 s15, s16  }
0xd: {  	s23 =	sadd.s32 $0x180, s12;
	s18 =	sshrl.u32 s21, $0x3;
	s21 =	sadd.s32 s21, s2  }
0xe: {  	s6 =	sadd.s32 s6, s3;
	s14 =	sadd.s32 s8, s3;
	s13 =	ssub.s32 s9, s31  }
0xf: {  	s3 =	sadd.s32 $0x2EA00, s3;
	s10 =	sshll.u32 s19, $0x6;
	[dreg:$0x7] =	wrdreg s15  }
0x10: {  	s17 =	smov.u32 @p0 s7;
	s24 =	sshll.u32 s22, $0x6;
	[dreg:$0x9] =	wrdreg s21  }
0x11: {  	s25 =	sshll.u32 s23, $0x6;
	[dreg:$0x6] =	wrdreg s3;
	s8 =	sadd.s32 s10, s1  }
0x12: {  	s3 =	sadd.s32 $0x80, s12;
	s10 =	sshll.u32 s4, $0x6;
	s14 =	sadd.s32 $0x7E400, s14  }
0x13: {  	[dreg:$0x5] =	wrdreg s17;
	s15 =	sadd.s32 s25, s1;
	s25 =	sshll.u32 s19, $0x4  }
0x14: {  	s19 =	sshll.u32 s22, $0x4;
	s13 =	smax.u32 s13, $0x1;
	s11 =	sshll.u32 s3, $0x6  }
0x15: {  	s10 =	sadd.s32 s10, s1;
	s7 =	sadd.s32 s18, s14;
	s14 =	sadd.s32 s24, s1  }
0x16: {  	s24 =	sadd.s32 $0x200, s12;
	s25 =	sadd.s32 s25, s2;
	s3 =	sshll.u32 s3, $0x4  }
0x17: {  	[dreg:$0x14] =	wrdreg s13;
	s9 =	sadd.s32 s11, s1;
	s11 =	sshll.u32 s20, $0x6  }
0x18: {  	[dreg:$0x8] =	wrdreg s7;
	s7 =	sadd.s32 $0x1C0, s12;
	s12 =	sadd.s32 $0x240, s12  }
0x19: {  	s31 =	sshll.u32 s24, $0x6;
	[dreg:$0xa] =	wrdreg s25;
	s3 =	sadd.s32 s3, s2  }
0x1a: {  	s24 =	sshll.u32 s24, $0x4;
	s11 =	sadd.s32 s11, s1;
	s28 =	sshll.u32 s7, $0x6  }
0x1b: {  	s18 =	sshll.u32 s12, $0x6;
	s17 =	sadd.s32 s31, s1;
	[dreg:$0xb] =	wrdreg s3  }
0x1c: {  	s31 =	sshll.u32 s20, $0x4;
	s20 =	sshll.u32 s23, $0x4;
	s21 =	sshll.u32 s7, $0x4  }
0x1d: {  	s23 =	smul.u32 $0xA000, s0;
	s25 =	sshll.u32 s12, $0x4;
	s0 =	sadd.s32 s26, s1  }
0x1e: {  	s16 =	sadd.s32 s28, s1;
	s28 =	sshll.u32 s4, $0x4;
	s4 =	sadd.s32 s31, s2  }
0x1f: {  	s7 =	sadd.s32 $0x2F400, s6;
	s22 =	sadd.s32 s21, s2;
	[dreg:$0xd] =	wrdreg s4  }
0x20: {  	s12 =	sadd.s32 $0x56C00, s6;
	s3 =	sadd.s32 s28, s2;
	[dreg:$0x10] =	wrdreg s22  }
0x21: {  	s18 =	sadd.s32 s18, s1;
	s4 =	sadd.s32 s24, s2;
	[dreg:$0xc] =	wrdreg s3  }
0x22: {  	s21 =	simm.s32 $0x3;
	s28 =	sadd.s32 s25, s2;
	[dreg:$0x11] =	wrdreg s4  }
0x23: {  	s22 =	simm.s32 $0x1D580;
	s3 =	sadd.s32 s19, s2;
	[dreg:$0x12] =	wrdreg s28  }
0x24: {  	s24 =	simm.s32 $0x80;
	[dreg:$0xe] =	wrdreg s3;
	s3 =	sadd.s32 s20, s2  }
0x25: {  	s4 =	sadd.s32 $0x1800, s6;
	[dreg:$0xf] =	wrdreg s3;
	s3 =	sshrl.u32 s23, $0x2  }
0x26: {  	s6 =	sadd.s32 $0x88200, s6;
	s31 =	sor.u32 $0xC580, s3;
	s3 =	sshrl.u32 s26, $0x3  }
0x27: {  	s25 =	simm.s32 $0x1;
	[dreg:$0x13] =	wrdreg s31;
	s6 =	sadd.s32 s3, s6  }
0x28: {  	v0 =	vimm.f32 $0.0e+00;
	s23 =	simm.s32 $0x1E580;
	[dreg:$0x15] =	wrdreg s6;
	s6 =	simm.s32 $0x2  }
.LBB2_1:
0x29: {  	[tilespmem:$0x1D580] =	vst v0  }
0x2a: {  	[tilespmem:$0x1D590] =	vst v0  }
0x2b: {  	[tilespmem:$0x1D5A0] =	vst v0  }
0x2c: {  	[tilespmem:$0x1D5B0] =	vst v0  }
0x2d: {  	[tilespmem:$0x1E580] =	vst v0  }
0x2e: {  	[tilespmem:$0x1D5C0] =	vst v0  }
0x2f: {  	[tilespmem:$0x1D5D0] =	vst v0  }
0x30: {  	[tilespmem:$0x1D5E0] =	vst v0  }
0x31: {  	[tilespmem:$0x1D5F0] =	vst v0  }
0x32: {  	[tilespmem:$0x1E590] =	vst v0  }
0x33: {  	[tilespmem:$0x1D600] =	vst v0  }
0x34: {  	[tilespmem:$0x1D610] =	vst v0  }
0x35: {  	[tilespmem:$0x1D620] =	vst v0  }
0x36: {  	[tilespmem:$0x1D630] =	vst v0  }
0x37: {  	[tilespmem:$0x1E5A0] =	vst v0  }
0x38: {  	[tilespmem:$0x1D640] =	vst v0  }
0x39: {  	[tilespmem:$0x1D650] =	vst v0  }
0x3a: {  	[tilespmem:$0x1D660] =	vst v0  }
0x3b: {  	[tilespmem:$0x1D670] =	vst v0  }
0x3c: {  	[tilespmem:$0x1E5B0] =	vst v0  }
0x3d: {  	[tilespmem:$0x1D680] =	vst v0  }
0x3e: {  	[tilespmem:$0x1D690] =	vst v0  }
0x3f: {  	[tilespmem:$0x1D6A0] =	vst v0  }
0x40: {  	[tilespmem:$0x1D6B0] =	vst v0  }
0x41: {  	[tilespmem:$0x1E5C0] =	vst v0  }
0x42: {  	[tilespmem:$0x1D6C0] =	vst v0  }
0x43: {  	[tilespmem:$0x1D6D0] =	vst v0  }
0x44: {  	[tilespmem:$0x1D6E0] =	vst v0  }
0x45: {  	[tilespmem:$0x1D6F0] =	vst v0  }
0x46: {  	[tilespmem:$0x1E5D0] =	vst v0  }
0x47: {  	[tilespmem:$0x1D700] =	vst v0  }
0x48: {  	[tilespmem:$0x1D710] =	vst v0  }
0x49: {  	[tilespmem:$0x1D720] =	vst v0  }
0x4a: {  	[tilespmem:$0x1D730] =	vst v0  }
0x4b: {  	[tilespmem:$0x1E5E0] =	vst v0  }
0x4c: {  	[tilespmem:$0x1D740] =	vst v0  }
0x4d: {  	[tilespmem:$0x1D750] =	vst v0  }
0x4e: {  	[tilespmem:$0x1D760] =	vst v0  }
0x4f: {  	[tilespmem:$0x1D770] =	vst v0  }
0x50: {  	[tilespmem:$0x1E5F0] =	vst v0  }
0x51: {  	[tilespmem:$0x1D780] =	vst v0  }
0x52: {  	[tilespmem:$0x1D790] =	vst v0  }
0x53: {  	[tilespmem:$0x1D7A0] =	vst v0  }
0x54: {  	[tilespmem:$0x1D7B0] =	vst v0  }
0x55: {  	[tilespmem:$0x1E600] =	vst v0  }
0x56: {  	[tilespmem:$0x1D7C0] =	vst v0  }
0x57: {  	[tilespmem:$0x1D7D0] =	vst v0  }
0x58: {  	[tilespmem:$0x1D7E0] =	vst v0  }
0x59: {  	[tilespmem:$0x1D7F0] =	vst v0  }
0x5a: {  	[tilespmem:$0x1E610] =	vst v0  }
0x5b: {  	[tilespmem:$0x1D800] =	vst v0  }
0x5c: {  	[tilespmem:$0x1D810] =	vst v0  }
0x5d: {  	[tilespmem:$0x1D820] =	vst v0  }
0x5e: {  	[tilespmem:$0x1D830] =	vst v0  }
0x5f: {  	[tilespmem:$0x1E620] =	vst v0  }
0x60: {  	[tilespmem:$0x1D840] =	vst v0  }
0x61: {  	[tilespmem:$0x1D850] =	vst v0  }
0x62: {  	[tilespmem:$0x1D860] =	vst v0  }
0x63: {  	[tilespmem:$0x1D870] =	vst v0  }
0x64: {  	[tilespmem:$0x1E630] =	vst v0  }
0x65: {  	[tilespmem:$0x1D880] =	vst v0  }
0x66: {  	[tilespmem:$0x1D890] =	vst v0  }
0x67: {  	[tilespmem:$0x1D8A0] =	vst v0  }
0x68: {  	[tilespmem:$0x1D8B0] =	vst v0  }
0x69: {  	[tilespmem:$0x1E640] =	vst v0  }
0x6a: {  	[tilespmem:$0x1D8C0] =	vst v0  }
0x6b: {  	[tilespmem:$0x1D8D0] =	vst v0  }
0x6c: {  	[tilespmem:$0x1D8E0] =	vst v0  }
0x6d: {  	[tilespmem:$0x1D8F0] =	vst v0  }
0x6e: {  	[tilespmem:$0x1E650] =	vst v0  }
0x6f: {  	[tilespmem:$0x1D900] =	vst v0  }
0x70: {  	[tilespmem:$0x1D910] =	vst v0  }
0x71: {  	[tilespmem:$0x1D920] =	vst v0  }
0x72: {  	[tilespmem:$0x1D930] =	vst v0  }
0x73: {  	[tilespmem:$0x1E660] =	vst v0  }
0x74: {  	[tilespmem:$0x1D940] =	vst v0  }
0x75: {  	[tilespmem:$0x1D950] =	vst v0  }
0x76: {  	[tilespmem:$0x1D960] =	vst v0  }
0x77: {  	[tilespmem:$0x1D970] =	vst v0  }
0x78: {  	[tilespmem:$0x1E670] =	vst v0  }
0x79: {  	[tilespmem:$0x1D980] =	vst v0  }
0x7a: {  	[tilespmem:$0x1D990] =	vst v0  }
0x7b: {  	[tilespmem:$0x1D9A0] =	vst v0  }
0x7c: {  	[tilespmem:$0x1D9B0] =	vst v0  }
0x7d: {  	[tilespmem:$0x1E680] =	vst v0  }
0x7e: {  	[tilespmem:$0x1D9C0] =	vst v0  }
0x7f: {  	[tilespmem:$0x1D9D0] =	vst v0  }
0x80: {  	[tilespmem:$0x1D9E0] =	vst v0  }
0x81: {  	[tilespmem:$0x1D9F0] =	vst v0  }
0x82: {  	[tilespmem:$0x1E690] =	vst v0  }
0x83: {  	[tilespmem:$0x1DA00] =	vst v0  }
0x84: {  	[tilespmem:$0x1DA10] =	vst v0  }
0x85: {  	[tilespmem:$0x1DA20] =	vst v0  }
0x86: {  	[tilespmem:$0x1DA30] =	vst v0  }
0x87: {  	[tilespmem:$0x1E6A0] =	vst v0  }
0x88: {  	[tilespmem:$0x1DA40] =	vst v0  }
0x89: {  	[tilespmem:$0x1DA50] =	vst v0  }
0x8a: {  	[tilespmem:$0x1DA60] =	vst v0  }
0x8b: {  	[tilespmem:$0x1DA70] =	vst v0  }
0x8c: {  	[tilespmem:$0x1E6B0] =	vst v0  }
0x8d: {  	[tilespmem:$0x1DA80] =	vst v0  }
0x8e: {  	[tilespmem:$0x1DA90] =	vst v0  }
0x8f: {  	[tilespmem:$0x1DAA0] =	vst v0  }
0x90: {  	[tilespmem:$0x1DAB0] =	vst v0  }
0x91: {  	[tilespmem:$0x1E6C0] =	vst v0  }
0x92: {  	[tilespmem:$0x1DAC0] =	vst v0  }
0x93: {  	[tilespmem:$0x1DAD0] =	vst v0  }
0x94: {  	[tilespmem:$0x1DAE0] =	vst v0  }
0x95: {  	[tilespmem:$0x1DAF0] =	vst v0  }
0x96: {  	[tilespmem:$0x1E6D0] =	vst v0  }
0x97: {  	[tilespmem:$0x1DB00] =	vst v0  }
0x98: {  	[tilespmem:$0x1DB10] =	vst v0  }
0x99: {  	[tilespmem:$0x1DB20] =	vst v0  }
0x9a: {  	[tilespmem:$0x1DB30] =	vst v0  }
0x9b: {  	[tilespmem:$0x1E6E0] =	vst v0  }
0x9c: {  	[tilespmem:$0x1DB40] =	vst v0  }
0x9d: {  	[tilespmem:$0x1DB50] =	vst v0  }
0x9e: {  	[tilespmem:$0x1DB60] =	vst v0  }
0x9f: {  	[tilespmem:$0x1DB70] =	vst v0  }
0xa0: {  	[tilespmem:$0x1E6F0] =	vst v0  }
0xa1: {  	[tilespmem:$0x1DB80] =	vst v0  }
0xa2: {  	[tilespmem:$0x1DB90] =	vst v0  }
0xa3: {  	[tilespmem:$0x1DBA0] =	vst v0  }
0xa4: {  	[tilespmem:$0x1DBB0] =	vst v0  }
0xa5: {  	[tilespmem:$0x1E700] =	vst v0  }
0xa6: {  	[tilespmem:$0x1DBC0] =	vst v0  }
0xa7: {  	[tilespmem:$0x1DBD0] =	vst v0  }
0xa8: {  	[tilespmem:$0x1DBE0] =	vst v0  }
0xa9: {  	[tilespmem:$0x1DBF0] =	vst v0  }
0xaa: {  	[tilespmem:$0x1E710] =	vst v0  }
0xab: {  	[tilespmem:$0x1DC00] =	vst v0  }
0xac: {  	[tilespmem:$0x1DC10] =	vst v0  }
0xad: {  	[tilespmem:$0x1DC20] =	vst v0  }
0xae: {  	[tilespmem:$0x1DC30] =	vst v0  }
0xaf: {  	[tilespmem:$0x1E720] =	vst v0  }
0xb0: {  	[tilespmem:$0x1DC40] =	vst v0  }
0xb1: {  	[tilespmem:$0x1DC50] =	vst v0  }
0xb2: {  	[tilespmem:$0x1DC60] =	vst v0  }
0xb3: {  	[tilespmem:$0x1DC70] =	vst v0  }
0xb4: {  	[tilespmem:$0x1E730] =	vst v0  }
0xb5: {  	[tilespmem:$0x1DC80] =	vst v0  }
0xb6: {  	[tilespmem:$0x1DC90] =	vst v0  }
0xb7: {  	[tilespmem:$0x1DCA0] =	vst v0  }
0xb8: {  	[tilespmem:$0x1DCB0] =	vst v0  }
0xb9: {  	[tilespmem:$0x1E740] =	vst v0  }
0xba: {  	[tilespmem:$0x1DCC0] =	vst v0  }
0xbb: {  	[tilespmem:$0x1DCD0] =	vst v0  }
0xbc: {  	[tilespmem:$0x1DCE0] =	vst v0  }
0xbd: {  	[tilespmem:$0x1DCF0] =	vst v0  }
0xbe: {  	[tilespmem:$0x1E750] =	vst v0  }
0xbf: {  	[tilespmem:$0x1DD00] =	vst v0  }
0xc0: {  	[tilespmem:$0x1DD10] =	vst v0  }
0xc1: {  	[tilespmem:$0x1DD20] =	vst v0  }
0xc2: {  	[tilespmem:$0x1DD30] =	vst v0  }
0xc3: {  	[tilespmem:$0x1E760] =	vst v0  }
0xc4: {  	[tilespmem:$0x1DD40] =	vst v0  }
0xc5: {  	[tilespmem:$0x1DD50] =	vst v0  }
0xc6: {  	[tilespmem:$0x1DD60] =	vst v0  }
0xc7: {  	[tilespmem:$0x1DD70] =	vst v0  }
0xc8: {  	[tilespmem:$0x1E770] =	vst v0  }
0xc9: {  	[tilespmem:$0x1DD80] =	vst v0  }
0xca: {  	[tilespmem:$0x1DD90] =	vst v0  }
0xcb: {  	[tilespmem:$0x1DDA0] =	vst v0  }
0xcc: {  	[tilespmem:$0x1DDB0] =	vst v0  }
0xcd: {  	[tilespmem:$0x1E780] =	vst v0  }
0xce: {  	[tilespmem:$0x1DDC0] =	vst v0  }
0xcf: {  	[tilespmem:$0x1DDD0] =	vst v0  }
0xd0: {  	[tilespmem:$0x1DDE0] =	vst v0  }
0xd1: {  	[tilespmem:$0x1DDF0] =	vst v0  }
0xd2: {  	[tilespmem:$0x1E790] =	vst v0  }
0xd3: {  	[tilespmem:$0x1DE00] =	vst v0  }
0xd4: {  	[tilespmem:$0x1DE10] =	vst v0  }
0xd5: {  	[tilespmem:$0x1DE20] =	vst v0  }
0xd6: {  	[tilespmem:$0x1DE30] =	vst v0  }
0xd7: {  	[tilespmem:$0x1E7A0] =	vst v0  }
0xd8: {  	[tilespmem:$0x1DE40] =	vst v0  }
0xd9: {  	[tilespmem:$0x1DE50] =	vst v0  }
0xda: {  	[tilespmem:$0x1DE60] =	vst v0  }
0xdb: {  	[tilespmem:$0x1DE70] =	vst v0  }
0xdc: {  	[tilespmem:$0x1E7B0] =	vst v0  }
0xdd: {  	[tilespmem:$0x1DE80] =	vst v0  }
0xde: {  	[tilespmem:$0x1DE90] =	vst v0  }
0xdf: {  	[tilespmem:$0x1DEA0] =	vst v0  }
0xe0: {  	[tilespmem:$0x1DEB0] =	vst v0  }
0xe1: {  	[tilespmem:$0x1E7C0] =	vst v0  }
0xe2: {  	[tilespmem:$0x1DEC0] =	vst v0  }
0xe3: {  	[tilespmem:$0x1DED0] =	vst v0  }
0xe4: {  	[tilespmem:$0x1DEE0] =	vst v0  }
0xe5: {  	[tilespmem:$0x1DEF0] =	vst v0  }
0xe6: {  	[tilespmem:$0x1E7D0] =	vst v0  }
0xe7: {  	[tilespmem:$0x1DF00] =	vst v0  }
0xe8: {  	[tilespmem:$0x1DF10] =	vst v0  }
0xe9: {  	[tilespmem:$0x1DF20] =	vst v0  }
0xea: {  	[tilespmem:$0x1DF30] =	vst v0  }
0xeb: {  	[tilespmem:$0x1E7E0] =	vst v0  }
0xec: {  	[tilespmem:$0x1DF40] =	vst v0  }
0xed: {  	[tilespmem:$0x1DF50] =	vst v0  }
0xee: {  	[tilespmem:$0x1DF60] =	vst v0  }
0xef: {  	[tilespmem:$0x1DF70] =	vst v0  }
0xf0: {  	[tilespmem:$0x1E7F0] =	vst v0  }
0xf1: {  	[tilespmem:$0x1DF80] =	vst v0  }
0xf2: {  	[tilespmem:$0x1DF90] =	vst v0  }
0xf3: {  	[tilespmem:$0x1DFA0] =	vst v0  }
0xf4: {  	[tilespmem:$0x1DFB0] =	vst v0  }
0xf5: {  	[tilespmem:$0x1E800] =	vst v0  }
0xf6: {  	[tilespmem:$0x1DFC0] =	vst v0  }
0xf7: {  	[tilespmem:$0x1DFD0] =	vst v0  }
0xf8: {  	[tilespmem:$0x1DFE0] =	vst v0  }
0xf9: {  	[tilespmem:$0x1DFF0] =	vst v0  }
0xfa: {  	[tilespmem:$0x1E810] =	vst v0  }
0xfb: {  	[tilespmem:$0x1E000] =	vst v0  }
0xfc: {  	[tilespmem:$0x1E010] =	vst v0  }
0xfd: {  	[tilespmem:$0x1E020] =	vst v0  }
0xfe: {  	[tilespmem:$0x1E030] =	vst v0  }
0xff: {  	[tilespmem:$0x1E820] =	vst v0  }
0x100: {  	[tilespmem:$0x1E040] =	vst v0  }
0x101: {  	[tilespmem:$0x1E050] =	vst v0  }
0x102: {  	[tilespmem:$0x1E060] =	vst v0  }
0x103: {  	[tilespmem:$0x1E070] =	vst v0  }
0x104: {  	[tilespmem:$0x1E830] =	vst v0  }
0x105: {  	[tilespmem:$0x1E080] =	vst v0  }
0x106: {  	[tilespmem:$0x1E090] =	vst v0  }
0x107: {  	[tilespmem:$0x1E0A0] =	vst v0  }
0x108: {  	[tilespmem:$0x1E0B0] =	vst v0  }
0x109: {  	[tilespmem:$0x1E840] =	vst v0  }
0x10a: {  	[tilespmem:$0x1E0C0] =	vst v0  }
0x10b: {  	[tilespmem:$0x1E0D0] =	vst v0  }
0x10c: {  	[tilespmem:$0x1E0E0] =	vst v0  }
0x10d: {  	[tilespmem:$0x1E0F0] =	vst v0  }
0x10e: {  	[tilespmem:$0x1E850] =	vst v0  }
0x10f: {  	[tilespmem:$0x1E100] =	vst v0  }
0x110: {  	[tilespmem:$0x1E110] =	vst v0  }
0x111: {  	[tilespmem:$0x1E120] =	vst v0  }
0x112: {  	[tilespmem:$0x1E130] =	vst v0  }
0x113: {  	[tilespmem:$0x1E860] =	vst v0  }
0x114: {  	[tilespmem:$0x1E140] =	vst v0  }
0x115: {  	[tilespmem:$0x1E150] =	vst v0  }
0x116: {  	[tilespmem:$0x1E160] =	vst v0  }
0x117: {  	[tilespmem:$0x1E170] =	vst v0  }
0x118: {  	[tilespmem:$0x1E870] =	vst v0  }
0x119: {  	[tilespmem:$0x1E180] =	vst v0  }
0x11a: {  	[tilespmem:$0x1E190] =	vst v0  }
0x11b: {  	[tilespmem:$0x1E1A0] =	vst v0  }
0x11c: {  	[tilespmem:$0x1E1B0] =	vst v0  }
0x11d: {  	[tilespmem:$0x1E880] =	vst v0  }
0x11e: {  	[tilespmem:$0x1E1C0] =	vst v0  }
0x11f: {  	[tilespmem:$0x1E1D0] =	vst v0  }
0x120: {  	[tilespmem:$0x1E1E0] =	vst v0  }
0x121: {  	[tilespmem:$0x1E1F0] =	vst v0  }
0x122: {  	[tilespmem:$0x1E890] =	vst v0  }
0x123: {  	[tilespmem:$0x1E200] =	vst v0  }
0x124: {  	[tilespmem:$0x1E210] =	vst v0  }
0x125: {  	[tilespmem:$0x1E220] =	vst v0  }
0x126: {  	[tilespmem:$0x1E230] =	vst v0  }
0x127: {  	[tilespmem:$0x1E8A0] =	vst v0  }
0x128: {  	[tilespmem:$0x1E570] =	vst v0  }
0x129: {  	[tilespmem:$0x1E240] =	vst v0  }
0x12a: {  	[tilespmem:$0x1E970] =	vst v0  }
0x12b: {  	[tilespmem:$0x1E250] =	vst v0  }
0x12c: {  	[tilespmem:$0x1E270] =	vst v0  }
0x12d: {  	[tilespmem:$0x1E8B0] =	vst v0  }
0x12e: {  	[tilespmem:$0x1E280] =	vst v0  }
0x12f: {  	[tilespmem:$0x1E290] =	vst v0  }
0x130: {  	[tilespmem:$0x1E2A0] =	vst v0  }
0x131: {  	[tilespmem:$0x1E2B0] =	vst v0  }
0x132: {  	[tilespmem:$0x1E8C0] =	vst v0  }
0x133: {  	[tilespmem:$0x1E2C0] =	vst v0  }
0x134: {  	[tilespmem:$0x1E2D0] =	vst v0  }
0x135: {  	[tilespmem:$0x1E2E0] =	vst v0  }
0x136: {  	[tilespmem:$0x1E2F0] =	vst v0  }
0x137: {  	[tilespmem:$0x1E8D0] =	vst v0  }
0x138: {  	[tilespmem:$0x1E300] =	vst v0  }
0x139: {  	[tilespmem:$0x1E310] =	vst v0  }
0x13a: {  	[tilespmem:$0x1E320] =	vst v0  }
0x13b: {  	[tilespmem:$0x1E330] =	vst v0  }
0x13c: {  	[tilespmem:$0x1E8E0] =	vst v0  }
0x13d: {  	[tilespmem:$0x1E340] =	vst v0  }
0x13e: {  	[tilespmem:$0x1E350] =	vst v0  }
0x13f: {  	[tilespmem:$0x1E360] =	vst v0  }
0x140: {  	[tilespmem:$0x1E370] =	vst v0  }
0x141: {  	[tilespmem:$0x1E8F0] =	vst v0  }
0x142: {  	[tilespmem:$0x1E380] =	vst v0  }
0x143: {  	[tilespmem:$0x1E390] =	vst v0  }
0x144: {  	[tilespmem:$0x1E3A0] =	vst v0  }
0x145: {  	[tilespmem:$0x1E3B0] =	vst v0  }
0x146: {  	[tilespmem:$0x1E900] =	vst v0  }
0x147: {  	[tilespmem:$0x1E3C0] =	vst v0  }
0x148: {  	[tilespmem:$0x1E3D0] =	vst v0  }
0x149: {  	[tilespmem:$0x1E3E0] =	vst v0  }
0x14a: {  	[tilespmem:$0x1E3F0] =	vst v0  }
0x14b: {  	[tilespmem:$0x1E910] =	vst v0  }
0x14c: {  	[tilespmem:$0x1E400] =	vst v0  }
0x14d: {  	[tilespmem:$0x1E410] =	vst v0  }
0x14e: {  	[tilespmem:$0x1E420] =	vst v0  }
0x14f: {  	[tilespmem:$0x1E430] =	vst v0  }
0x150: {  	[tilespmem:$0x1E920] =	vst v0  }
0x151: {  	[tilespmem:$0x1E440] =	vst v0  }
0x152: {  	[tilespmem:$0x1E450] =	vst v0  }
0x153: {  	[tilespmem:$0x1E460] =	vst v0  }
0x154: {  	[tilespmem:$0x1E470] =	vst v0  }
0x155: {  	[tilespmem:$0x1E930] =	vst v0  }
0x156: {  	[tilespmem:$0x1E480] =	vst v0  }
0x157: {  	[tilespmem:$0x1E490] =	vst v0  }
0x158: {  	[tilespmem:$0x1E4A0] =	vst v0  }
0x159: {  	[tilespmem:$0x1E4B0] =	vst v0  }
0x15a: {  	[tilespmem:$0x1E940] =	vst v0  }
0x15b: {  	[tilespmem:$0x1E4C0] =	vst v0  }
0x15c: {  	[tilespmem:$0x1E4D0] =	vst v0  }
0x15d: {  	[tilespmem:$0x1E4E0] =	vst v0  }
0x15e: {  	[tilespmem:$0x1E4F0] =	vst v0  }
0x15f: {  	[tilespmem:$0x1E950] =	vst v0  }
0x160: {  	[tilespmem:$0x1E500] =	vst v0  }
0x161: {  	[tilespmem:$0x1E510] =	vst v0  }
0x162: {  	[tilespmem:$0x1E520] =	vst v0  }
0x163: {  	[tilespmem:$0x1E530] =	vst v0  }
0x164: {  	[tilespmem:$0x1E960] =	vst v0  }
0x165: {  	[tilespmem:$0x1E540] =	vst v0  }
0x166: {  	[tilespmem:$0x1E550] =	vst v0  }
0x167: {  	[tilespmem:$0x1E560] =	vst v0  }
0x168: {  	s13 =	simm.s32 @p0 $0x0;
	s20 =	simm.s32 @p0 $0xC580;
	[tilespmem:$0x1E260] =	vst v0;
	s19 =	rddreg [dreg:$0x6]  }
0x169: {  	[tilespmem:s20], [sflag:$0x3] =	stream.linear.gather @p0 [hbm4b:s19+s13], $0x5000, $0x38;
	[tilespmem:$0x1E980] =	vst v63  }
0x16a: {  	s13 =	simm.s32 @p0 $0x3  }
0x16b: {  	_ =	swait.ge @p0 [sflag:s13], $0x5000  }
0x16c: {  	s20 =	simm.s32 @!p0 $0xC580;
	[sflag:s13] =	ssyncset.done @p0 $0x0  }
0x16d: {  	s19 =	rddreg [dreg:$0x7];
	[sflag:s13] =	ssyncadd.s32 @p0 $0xFFFFB000;
	s13 =	simm.s32 @!p0 $0x0  }
0x16e: {  	[tilespmem:s20], [sflag:$0x3] =	stream.linear.gather @!p0 [hbm4b:s19+s13], $0x5000, $0x38;
	[tilespmem:$0x1E980] =	vst v63  }
0x16f: {  	s13 =	simm.s32 @!p0 $0x3  }
0x170: {  	_ =	swait.ge @!p0 [sflag:s13], $0x5000  }
0x171: {  	s26 =	simm.s32 $0x11580;
	[sflag:s13] =	ssyncset.done @!p0 $0x0  }
0x172: {  	s19 =	simm.s32 $0x0;
	s20 =	rddreg [dreg:$0x5];
	[sflag:s13] =	ssyncadd.s32 @!p0 $0xFFFFB000  }
0x173: {  	[tilespmem:s26], [sflag:$0x3] =	stream.linear.gather [hbm4b:s20+s19], $0x5000, $0x38;
	[tilespmem:$0x1E980] =	vst v63  }
0x174: {  	_ =	swait.ge [sflag:s21], $0x5000  }
0x175: {  	[sflag:s21] =	ssyncset.done $0x0  }
0x176: {  	[sflag:s21] =	ssyncadd.s32 $0xFFFFB000  }
0x177: {  	[spmem:s0] =	stream.linear.scatter [tilespmem:s22], [sflag:$0x3], $0x1000, $0x38;
	[tilespmem:$0x1E980] =	vst v63  }
0x178: {  	_ =	swait.ge [sflag:s21], $0x1000  }
0x179: {  	[sflag:s21] =	ssyncset.done $0x0  }
0x17a: {  	[sflag:s21] =	ssyncadd.s32 $0xFFFFF000  }
0x17b: {  	[spmem:s8] =	stream.linear.scatter [tilespmem:s22], [sflag:$0x3], $0x1000, $0x38;
	[tilespmem:$0x1E980] =	vst v63  }
0x17c: {  	_ =	swait.ge [sflag:s21], $0x1000  }
0x17d: {  	[sflag:s21] =	ssyncset.done $0x0  }
0x17e: {  	[sflag:s21] =	ssyncadd.s32 $0xFFFFF000  }
0x17f: {  	[spmem:s9] =	stream.linear.scatter [tilespmem:s22], [sflag:$0x3], $0x1000, $0x38;
	[tilespmem:$0x1E980] =	vst v63  }
0x180: {  	_ =	swait.ge [sflag:s21], $0x1000  }
0x181: {  	[sflag:s21] =	ssyncset.done $0x0  }
0x182: {  	[sflag:s21] =	ssyncadd.s32 $0xFFFFF000  }
0x183: {  	[spmem:s10] =	stream.linear.scatter [tilespmem:s22], [sflag:$0x3], $0x1000, $0x38;
	[tilespmem:$0x1E980] =	vst v63  }
0x184: {  	_ =	swait.ge [sflag:s21], $0x1000  }
0x185: {  	[sflag:s21] =	ssyncset.done $0x0  }
0x186: {  	[sflag:s21] =	ssyncadd.s32 $0xFFFFF000  }
0x187: {  	[spmem:s11] =	stream.linear.scatter [tilespmem:s22], [sflag:$0x3], $0x1000, $0x38;
	[tilespmem:$0x1E980] =	vst v63  }
0x188: {  	_ =	swait.ge [sflag:s21], $0x1000  }
0x189: {  	[sflag:s21] =	ssyncset.done $0x0  }
0x18a: {  	[sflag:s21] =	ssyncadd.s32 $0xFFFFF000  }
0x18b: {  	[spmem:s14] =	stream.linear.scatter [tilespmem:s22], [sflag:$0x3], $0x1000, $0x38;
	[tilespmem:$0x1E980] =	vst v63  }
0x18c: {  	_ =	swait.ge [sflag:s21], $0x1000  }
0x18d: {  	[sflag:s21] =	ssyncset.done $0x0  }
0x18e: {  	[sflag:s21] =	ssyncadd.s32 $0xFFFFF000  }
0x18f: {  	[spmem:s15] =	stream.linear.scatter [tilespmem:s22], [sflag:$0x3], $0x1000, $0x38;
	[tilespmem:$0x1E980] =	vst v63  }
0x190: {  	_ =	swait.ge [sflag:s21], $0x1000  }
0x191: {  	[sflag:s21] =	ssyncset.done $0x0  }
0x192: {  	[sflag:s21] =	ssyncadd.s32 $0xFFFFF000  }
0x193: {  	[spmem:s16] =	stream.linear.scatter [tilespmem:s22], [sflag:$0x3], $0x1000, $0x38;
	[tilespmem:$0x1E980] =	vst v63  }
0x194: {  	_ =	swait.ge [sflag:s21], $0x1000  }
0x195: {  	[sflag:s21] =	ssyncset.done $0x0  }
0x196: {  	[sflag:s21] =	ssyncadd.s32 $0xFFFFF000  }
0x197: {  	[spmem:s17] =	stream.linear.scatter [tilespmem:s22], [sflag:$0x3], $0x1000, $0x38;
	[tilespmem:$0x1E980] =	vst v63  }
0x198: {  	_ =	swait.ge [sflag:s21], $0x1000  }
0x199: {  	[sflag:s21] =	ssyncset.done $0x0  }
0x19a: {  	[sflag:s21] =	ssyncadd.s32 $0xFFFFF000  }
0x19b: {  	[spmem:s18] =	stream.linear.scatter [tilespmem:s22], [sflag:$0x3], $0xE00, $0x38;
	[tilespmem:$0x1E980] =	vst v63  }
0x19c: {  	_ =	swait.ge [sflag:s21], $0xE00  }
0x19d: {  	[sflag:s21] =	ssyncset.done $0x0  }
0x19e: {  	s28 =	rddreg [dreg:$0x9];
	[sflag:s21] =	ssyncadd.s32 $0xFFFFF200  }
0x19f: {  	[spmem:s28] =	stream.linear.scatter [tilespmem:s23], [sflag:$0x3], $0x400, $0x38;
	[tilespmem:$0x1E980] =	vst v63  }
0x1a0: {  	_ =	swait.ge [sflag:s21], $0x400  }
0x1a1: {  	[sflag:s21] =	ssyncset.done $0x0  }
0x1a2: {  	s31 =	rddreg [dreg:$0xa];
	[sflag:s21] =	ssyncadd.s32 $0xFFFFFC00  }
0x1a3: {  	[spmem:s31] =	stream.linear.scatter [tilespmem:s23], [sflag:$0x3], $0x400, $0x38;
	[tilespmem:$0x1E980] =	vst v63  }
0x1a4: {  	_ =	swait.ge [sflag:s21], $0x400  }
0x1a5: {  	[sflag:s21] =	ssyncset.done $0x0  }
0x1a6: {  	s19 =	rddreg [dreg:$0xb];
	[sflag:s21] =	ssyncadd.s32 $0xFFFFFC00  }
0x1a7: {  	[spmem:s19] =	stream.linear.scatter [tilespmem:s23], [sflag:$0x3], $0x400, $0x38;
	[tilespmem:$0x1E980] =	vst v63  }
0x1a8: {  	_ =	swait.ge [sflag:s21], $0x400  }
0x1a9: {  	[sflag:s21] =	ssyncset.done $0x0  }
0x1aa: {  	s20 =	rddreg [dreg:$0xc];
	[sflag:s21] =	ssyncadd.s32 $0xFFFFFC00  }
0x1ab: {  	[spmem:s20] =	stream.linear.scatter [tilespmem:s23], [sflag:$0x3], $0x400, $0x38;
	[tilespmem:$0x1E980] =	vst v63  }
0x1ac: {  	_ =	swait.ge [sflag:s21], $0x400  }
0x1ad: {  	[sflag:s21] =	ssyncset.done $0x0  }
0x1ae: {  	s26 =	rddreg [dreg:$0xd];
	[sflag:s21] =	ssyncadd.s32 $0xFFFFFC00  }
0x1af: {  	[spmem:s26] =	stream.linear.scatter [tilespmem:s23], [sflag:$0x3], $0x400, $0x38;
	[tilespmem:$0x1E980] =	vst v63  }
0x1b0: {  	_ =	swait.ge [sflag:s21], $0x400  }
0x1b1: {  	[sflag:s21] =	ssyncset.done $0x0  }
0x1b2: {  	s28 =	rddreg [dreg:$0xe];
	[sflag:s21] =	ssyncadd.s32 $0xFFFFFC00  }
0x1b3: {  	[spmem:s28] =	stream.linear.scatter [tilespmem:s23], [sflag:$0x3], $0x400, $0x38;
	[tilespmem:$0x1E980] =	vst v63  }
0x1b4: {  	_ =	swait.ge [sflag:s21], $0x400  }
0x1b5: {  	[sflag:s21] =	ssyncset.done $0x0  }
0x1b6: {  	s31 =	rddreg [dreg:$0xf];
	[sflag:s21] =	ssyncadd.s32 $0xFFFFFC00  }
0x1b7: {  	[spmem:s31] =	stream.linear.scatter [tilespmem:s23], [sflag:$0x3], $0x400, $0x38;
	[tilespmem:$0x1E980] =	vst v63  }
0x1b8: {  	_ =	swait.ge [sflag:s21], $0x400  }
0x1b9: {  	[sflag:s21] =	ssyncset.done $0x0  }
0x1ba: {  	s19 =	rddreg [dreg:$0x10];
	[sflag:s21] =	ssyncadd.s32 $0xFFFFFC00  }
0x1bb: {  	[spmem:s19] =	stream.linear.scatter [tilespmem:s23], [sflag:$0x3], $0x400, $0x38;
	[tilespmem:$0x1E980] =	vst v63  }
0x1bc: {  	_ =	swait.ge [sflag:s21], $0x400  }
0x1bd: {  	[sflag:s21] =	ssyncset.done $0x0  }
0x1be: {  	s20 =	rddreg [dreg:$0x11];
	[sflag:s21] =	ssyncadd.s32 $0xFFFFFC00  }
0x1bf: {  	[spmem:s20] =	stream.linear.scatter [tilespmem:s23], [sflag:$0x3], $0x400, $0x38;
	[tilespmem:$0x1E980] =	vst v63  }
0x1c0: {  	_ =	swait.ge [sflag:s21], $0x400  }
0x1c1: {  	[sflag:s21] =	ssyncset.done $0x0  }
0x1c2: {  	s26 =	rddreg [dreg:$0x12];
	[sflag:s21] =	ssyncadd.s32 $0xFFFFFC00  }
0x1c3: {  	[spmem:s26] =	stream.linear.scatter [tilespmem:s23], [sflag:$0x3], $0x380, $0x38;
	[tilespmem:$0x1E980] =	vst v63  }
0x1c4: {  	_ =	swait.ge [sflag:s21], $0x380  }
.Ltmp0:
0x1c5: {  	[sflag:s21] =	ssyncset.done $0x0;
	(pc) =	sbr.rel .LBB2_2-.Ltmp0, $4  }
0x1c6: {  	[sflag:s21] =	ssyncadd.s32 $0xFFFFFC80  }
0x1c7: {  	[bflag:$0x0] =	sbarrier.arrive $0xFFFF  }
0x1c8: {  	s13 =	simm.s32 $0x0;
	s31 =	simm.s32 $0x1C580;
	s28 =	rddreg [dreg:$0x13]  }
0x1c9: {  	[tilespmem:s31], [sflag:$0x1] =	stream.indirect.gather [hbm4b:s5+s24], $0x10, s28, s24, $0xb8;
	[tilespmem:$0x1E980] =	vst v63  }
.LBB2_4:
0x1ca: {  	s26 =	sadd.s32 s30, s13;
	s31 =	sshll.u32 s13, $0xB;
	p1 =	slt.u32 s20, $0x50  }
.Ltmp1:
0x1cb: {  	_ =	swait.ge [sflag:s25], $0x800;
	s26 =	sshll.u32 s26, $0x7;
	(pc) =	sbr.rel @!p1 .LBB2_5-.Ltmp1, $4  }
0x1cc: {  	s13 =	sand.u32 $0x800, s31;
	[sflag:s25] =	ssyncset.done $0x0;
	s26 =	sand.u32 $0x3FFFFF80, s26  }
0x1cd: {  	s13 =	sor.u32 $0x1C580, s13;
	[sflag:s25] =	ssyncadd.s32 $0xFFFFF800;
	s26 =	sadd.s32 $0x11580, s26  }
0x1ce: {  	[spmem:s2] =	stream.indirect.scatter.add.f32 [tilespmem:s13], [sflag:$0x2], $0x10, s26, s24, $0xb8;
	[tilespmem:$0x1E980] =	vst v63  }
0x1cf: {  	s13 =	smov.u32 s20  }
.LBB2_2:
0x1d0: {  	p1 =	seq.s32 s13, $0x0  }
0x1d1: {  	p2 =	seq.s32 @!p1 s13, $0x4F  }
0x1d2: {  	p2 =	por p1, !p2  }
.Ltmp2:
0x1d3: {  	_ = 	snop;
	(pc) =	sbr.rel @!p2 .LBB2_4-.Ltmp2, $4  }
0x1d4: {  	s20 =	simm.s32 @!p1 $0x2  }
0x1d5: {  	_ =	swait.ge @!p1 [sflag:s20], $0x800  }
0x1d6: {  	[sflag:s20] =	ssyncset.done @!p1 $0x0  }
0x1d7: {  	[sflag:s20] =	ssyncadd.s32 @!p1 $0xFFFFF800;
	s20 =	simm.s32 @!p1 $0x50  }
0x1d8: {  	s20 =	sadd.s32 @!p1 $0x1, s13  }
0x1d9: {  	s20 =	simm.s32 @p1 $0x1  }
.Ltmp3:
0x1da: {  	s26 =	sadd.s32 s30, s20;
	(pc) =	sbr.rel .LBB2_4-.Ltmp3, $4  }
0x1db: {  	s31 =	sshll.u32 s20, $0xB;
	s26 =	sshll.u32 s26, $0x7  }
0x1dc: {  	s31 =	sand.u32 $0x800, s31;
	s26 =	sand.u32 $0x3FFFFF80, s26  }
0x1dd: {  	s31 =	sor.u32 $0x1C580, s31;
	s26 =	sadd.s32 $0xC580, s26  }
0x1de: {  	[tilespmem:s31], [sflag:$0x1] =	stream.indirect.gather [hbm4b:s5+s24], $0x10, s26, s24, $0xb8;
	[tilespmem:$0x1E980] =	vst v63  }
.LBB2_5:
0x1df: {  	_ =	swait.ge [sflag:s6], $0x800  }
0x1e0: {  	[sflag:s6] =	ssyncset.done $0x0  }
0x1e1: {  	s13 =	simm.s32 $0xC580;
	s19 =	simm.s32 $0x16580;
	[sflag:s6] =	ssyncadd.s32 $0xFFFFF800  }
0x1e2: {  	[tilespmem:s19], [sflag:$0x1] =	stream.indirect.gather [hbm4b:s4+s24], $0x40, s13, s24, $0xb8;
	[tilespmem:$0x1E980] =	vst v63  }
0x1e3: {  	s13 =	simm.s32 $0x0  }
.LBB2_6:
0x1e4: {  	p1 =	slt.u32 s13, $0x2  }
0x1e5: {  	s20 =	simm.s32 @!p1 $0x2  }
0x1e6: {  	_ =	swait.ge @!p1 [sflag:s20], $0x2000  }
0x1e7: {  	p2 =	seq.s32 @!p1 s13, $0x9F;
	[sflag:s20] =	ssyncset.done @!p1 $0x0  }
0x1e8: {  	p2 =	por p1, !p2;
	[sflag:s20] =	ssyncadd.s32 @!p1 $0xFFFFE000;
	s20 =	simm.s32 @!p1 $0xA0  }
0x1e9: {  	s20 =	sadd.s32 @p2 $0x1, s13  }
0x1ea: {  	s26 =	smul.u32 @p2 $0xAB, s20;
	_ =	sdelay $0x1  }
0x1eb: {  	s26 =	sshrl.u32 @p2 s26, $0x9  }
0x1ec: {  	s26 =	sand.u32 @p2 $0x7F, s26  }
0x1ed: {  	s26 =	smul.u32 @p2 $0x3, s26;
	_ =	sdelay $0x1  }
0x1ee: {  	s26 =	ssub.s32 @p2 s20, s26  }
0x1ef: {  	s31 =	sshll.u32 @p2 s20, $0x7;
	s26 =	sand.u32 @p2 $0xFF, s26  }
0x1f0: {  	s31 =	sand.u32 @p2 $0x3FFFFF80, s31;
	s26 =	sshll.u32 @p2 s26, $0xD  }
0x1f1: {  	s28 =	smul.u32 $0xAB, s13;
	s31 =	sadd.s32 @p2 $0xC580, s31;
	s26 =	sadd.s32 @p2 $0x16580, s26  }
0x1f2: {  	[tilespmem:s26], [sflag:$0x1] =	stream.indirect.gather @p2 [hbm4b:s4+s24], $0x40, s31, s24, $0xb8;
	[tilespmem:$0x1E980] =	vst v63  }
0x1f3: {  	s26 =	sshrl.u32 s28, $0x9  }
0x1f4: {  	s26 =	sand.u32 $0x7F, s26  }
0x1f5: {  	s26 =	smul.u32 $0x3, s26;
	_ =	sdelay $0x1  }
0x1f6: {  	p1 =	slt.u32 s20, $0xA0;
	s31 =	sshll.u32 s13, $0x7;
	s26 =	ssub.s32 s13, s26  }
.Ltmp4:
0x1f7: {  	_ =	swait.ge [sflag:s25], $0x2000;
	s26 =	sand.u32 $0xFF, s26;
	(pc) =	sbr.rel @p1 .LBB2_6-.Ltmp4, $4  }
0x1f8: {  	[sflag:s25] =	ssyncset.done $0x0;
	s13 =	sand.u32 $0x3FFFFF80, s31;
	s26 =	sshll.u32 s26, $0xD  }
0x1f9: {  	[sflag:s25] =	ssyncadd.s32 $0xFFFFE000;
	s13 =	sadd.s32 $0x11580, s13;
	s26 =	sadd.s32 $0x16580, s26  }
0x1fa: {  	[spmem:s1] =	stream.indirect.scatter.add.f32 [tilespmem:s26], [sflag:$0x2], $0x40, s13, s24, $0xb8;
	[tilespmem:$0x1E980] =	vst v63  }
0x1fb: {  	s13 =	smov.u32 s20  }
0x1fc: {  	_ =	swait.ge [sflag:s6], $0x2000  }
0x1fd: {  	[sflag:s6] =	ssyncset.done $0x0  }
0x1fe: {  	[sflag:s6] =	ssyncadd.s32 $0xFFFFE000  }
0x1ff: {  	_ =	swait.ge [sflag:s6], $0x2000  }
0x200: {  	s13 =	stileid.u32;
	[sflag:s6] =	ssyncset.done $0x0  }
0x201: {  	s20 =	sadd.s32 s3, s7;
	s13 =	sshll.u32 s13, $0x6;
	[sflag:s6] =	ssyncadd.s32 $0xFFFFE000  }
0x202: {  	s31 =	sor.u32 $0x1C03, s13;
	s13 =	sshrl.u32 s0, $0x3;
	[bflag:$0x0] =	sbarrier.arrive $0xFFFF  }
0x203: {  	[hbm:s20], [sflag:s31] =	dma.local [spmem:s13], $0x13C0  }
0x204: {  	_ =	swait.ge [sflag:s21], $0x13C0  }
0x205: {  	[sflag:s21] =	ssyncset.done $0x0;
	s19 =	rddreg [dreg:$0x9]  }
0x206: {  	s28 =	rddreg [dreg:$0x8];
	[sflag:s21] =	ssyncadd.s32 $0xFFFFEC40;
	s26 =	sshrl.u32 s19, $0x3  }
0x207: {  	[hbm:s28], [sflag:s31] =	dma.local [spmem:s26], $0x4F0  }
0x208: {  	_ =	swait.ge [sflag:s21], $0x4F0  }
0x209: {  	[sflag:s21] =	ssyncset.done $0x0  }
0x20a: {  	[sflag:s21] =	ssyncadd.s32 $0xFFFFFB10  }
0x20b: {  	[spmem:s0] =	stream.linear.scatter [tilespmem:s22], [sflag:$0x3], $0x1000, $0x38;
	[tilespmem:$0x1E980] =	vst v63  }
0x20c: {  	_ =	swait.ge [sflag:s21], $0x1000  }
0x20d: {  	[sflag:s21] =	ssyncset.done $0x0  }
0x20e: {  	[sflag:s21] =	ssyncadd.s32 $0xFFFFF000  }
0x20f: {  	[spmem:s8] =	stream.linear.scatter [tilespmem:s22], [sflag:$0x3], $0x1000, $0x38;
	[tilespmem:$0x1E980] =	vst v63  }
0x210: {  	_ =	swait.ge [sflag:s21], $0x1000  }
0x211: {  	[sflag:s21] =	ssyncset.done $0x0  }
0x212: {  	[sflag:s21] =	ssyncadd.s32 $0xFFFFF000  }
0x213: {  	[spmem:s9] =	stream.linear.scatter [tilespmem:s22], [sflag:$0x3], $0x1000, $0x38;
	[tilespmem:$0x1E980] =	vst v63  }
0x214: {  	_ =	swait.ge [sflag:s21], $0x1000  }
0x215: {  	[sflag:s21] =	ssyncset.done $0x0  }
0x216: {  	[sflag:s21] =	ssyncadd.s32 $0xFFFFF000  }
0x217: {  	[spmem:s10] =	stream.linear.scatter [tilespmem:s22], [sflag:$0x3], $0x1000, $0x38;
	[tilespmem:$0x1E980] =	vst v63  }
0x218: {  	_ =	swait.ge [sflag:s21], $0x1000  }
0x219: {  	[sflag:s21] =	ssyncset.done $0x0  }
0x21a: {  	[sflag:s21] =	ssyncadd.s32 $0xFFFFF000  }
0x21b: {  	[spmem:s11] =	stream.linear.scatter [tilespmem:s22], [sflag:$0x3], $0x1000, $0x38;
	[tilespmem:$0x1E980] =	vst v63  }
0x21c: {  	_ =	swait.ge [sflag:s21], $0x1000  }
0x21d: {  	[sflag:s21] =	ssyncset.done $0x0  }
0x21e: {  	[sflag:s21] =	ssyncadd.s32 $0xFFFFF000  }
0x21f: {  	[spmem:s14] =	stream.linear.scatter [tilespmem:s22], [sflag:$0x3], $0x1000, $0x38;
	[tilespmem:$0x1E980] =	vst v63  }
0x220: {  	_ =	swait.ge [sflag:s21], $0x1000  }
0x221: {  	[sflag:s21] =	ssyncset.done $0x0  }
0x222: {  	[sflag:s21] =	ssyncadd.s32 $0xFFFFF000  }
0x223: {  	[spmem:s15] =	stream.linear.scatter [tilespmem:s22], [sflag:$0x3], $0x1000, $0x38;
	[tilespmem:$0x1E980] =	vst v63  }
0x224: {  	_ =	swait.ge [sflag:s21], $0x1000  }
0x225: {  	[sflag:s21] =	ssyncset.done $0x0  }
0x226: {  	[sflag:s21] =	ssyncadd.s32 $0xFFFFF000  }
0x227: {  	[spmem:s16] =	stream.linear.scatter [tilespmem:s22], [sflag:$0x3], $0x1000, $0x38;
	[tilespmem:$0x1E980] =	vst v63  }
0x228: {  	_ =	swait.ge [sflag:s21], $0x1000  }
0x229: {  	[sflag:s21] =	ssyncset.done $0x0  }
0x22a: {  	[sflag:s21] =	ssyncadd.s32 $0xFFFFF000  }
0x22b: {  	[spmem:s17] =	stream.linear.scatter [tilespmem:s22], [sflag:$0x3], $0x1000, $0x38;
	[tilespmem:$0x1E980] =	vst v63  }
0x22c: {  	_ =	swait.ge [sflag:s21], $0x1000  }
0x22d: {  	[sflag:s21] =	ssyncset.done $0x0  }
0x22e: {  	[sflag:s21] =	ssyncadd.s32 $0xFFFFF000  }
0x22f: {  	[spmem:s18] =	stream.linear.scatter [tilespmem:s22], [sflag:$0x3], $0xE00, $0x38;
	[tilespmem:$0x1E980] =	vst v63  }
0x230: {  	_ =	swait.ge [sflag:s21], $0xE00  }
0x231: {  	[sflag:s21] =	ssyncset.done $0x0  }
0x232: {  	s20 =	simm.s32 $0x0;
	[sflag:s21] =	ssyncadd.s32 $0xFFFFF200  }
0x233: {  	s26 =	simm.s32 $0xC580;
	s28 =	simm.s32 $0x16580;
	[bflag:$0x0] =	sbarrier.arrive $0xFFFF  }
0x234: {  	[tilespmem:s28], [sflag:$0x1] =	stream.indirect.gather [hbm4b:s7+s24], $0x40, s26, s24, $0xb8;
	[tilespmem:$0x1E980] =	vst v63  }
.LBB2_8:
0x235: {  	p1 =	slt.u32 s20, $0x2  }
0x236: {  	s26 =	simm.s32 @!p1 $0x2  }
0x237: {  	_ =	swait.ge @!p1 [sflag:s26], $0x2000  }
0x238: {  	p2 =	seq.s32 @!p1 s20, $0x9F;
	[sflag:s26] =	ssyncset.done @!p1 $0x0  }
0x239: {  	p2 =	por p1, !p2;
	[sflag:s26] =	ssyncadd.s32 @!p1 $0xFFFFE000;
	s26 =	simm.s32 @!p1 $0xA0  }
0x23a: {  	s26 =	sadd.s32 @p2 $0x1, s20  }
0x23b: {  	s28 =	smul.u32 @p2 $0xAB, s26;
	_ =	sdelay $0x1  }
0x23c: {  	s28 =	sshrl.u32 @p2 s28, $0x9  }
0x23d: {  	s28 =	sand.u32 @p2 $0x7F, s28  }
0x23e: {  	s28 =	smul.u32 @p2 $0x3, s28;
	_ =	sdelay $0x1  }
0x23f: {  	s28 =	ssub.s32 @p2 s26, s28  }
0x240: {  	s19 =	sshll.u32 @p2 s26, $0x7;
	s28 =	sand.u32 @p2 $0xFF, s28  }
0x241: {  	s19 =	sand.u32 @p2 $0x3FFFFF80, s19;
	s28 =	sshll.u32 @p2 s28, $0xD  }
0x242: {  	s19 =	sadd.s32 @p2 $0xC580, s19;
	s28 =	sadd.s32 @p2 $0x16580, s28  }
0x243: {  	[tilespmem:s28], [sflag:$0x1] =	stream.indirect.gather @p2 [hbm4b:s7+s24], $0x40, s19, s24, $0xb8;
	[tilespmem:$0x1E980] =	vst v63  }
0x244: {  	s28 =	smul.u32 $0xAB, s20;
	_ =	sdelay $0x1  }
0x245: {  	s19 =	sshrl.u32 s28, $0x9  }
0x246: {  	s19 =	sand.u32 $0x7F, s19  }
0x247: {  	s19 =	smul.u32 $0x3, s19;
	_ =	sdelay $0x1  }
0x248: {  	p1 =	slt.u32 s26, $0xA0;
	_ =	swait.ge [sflag:s25], $0x2000;
	s19 =	ssub.s32 s20, s19  }
.Ltmp5:
0x249: {  	s28 =	sshll.u32 s20, $0x7;
	s19 =	sand.u32 $0xFF, s19;
	(pc) =	sbr.rel @p1 .LBB2_8-.Ltmp5, $4  }
0x24a: {  	[sflag:s25] =	ssyncset.done $0x0;
	s20 =	sand.u32 $0x3FFFFF80, s28;
	s19 =	sshll.u32 s19, $0xD  }
0x24b: {  	[sflag:s25] =	ssyncadd.s32 $0xFFFFE000;
	s20 =	sadd.s32 $0x11580, s20;
	s19 =	sadd.s32 $0x16580, s19  }
0x24c: {  	[spmem:s1] =	stream.indirect.scatter.add.f32 [tilespmem:s19], [sflag:$0x2], $0x40, s20, s24, $0xb8;
	[tilespmem:$0x1E980] =	vst v63  }
0x24d: {  	s20 =	smov.u32 s26  }
0x24e: {  	_ =	swait.ge [sflag:s6], $0x2000  }
0x24f: {  	[sflag:s6] =	ssyncset.done $0x0  }
0x250: {  	[sflag:s6] =	ssyncadd.s32 $0xFFFFE000  }
0x251: {  	_ =	swait.ge [sflag:s6], $0x2000  }
0x252: {  	[sflag:s6] =	ssyncset.done $0x0  }
0x253: {  	[sflag:s6] =	ssyncadd.s32 $0xFFFFE000  }
0x254: {  	s19 =	sadd.s32 s3, s12;
	[bflag:$0x0] =	sbarrier.arrive $0xFFFF  }
0x255: {  	[hbm:s19], [sflag:s31] =	dma.local [spmem:s13], $0x13C0  }
0x256: {  	_ =	swait.ge [sflag:s21], $0x13C0  }
0x257: {  	[sflag:s21] =	ssyncset.done $0x0  }
0x258: {  	[sflag:s21] =	ssyncadd.s32 $0xFFFFEC40  }
0x259: {  	[spmem:s0] =	stream.linear.scatter [tilespmem:s22], [sflag:$0x3], $0x1000, $0x38;
	[tilespmem:$0x1E980] =	vst v63  }
0x25a: {  	_ =	swait.ge [sflag:s21], $0x1000  }
0x25b: {  	[sflag:s21] =	ssyncset.done $0x0  }
0x25c: {  	[sflag:s21] =	ssyncadd.s32 $0xFFFFF000  }
0x25d: {  	[spmem:s8] =	stream.linear.scatter [tilespmem:s22], [sflag:$0x3], $0x1000, $0x38;
	[tilespmem:$0x1E980] =	vst v63  }
0x25e: {  	_ =	swait.ge [sflag:s21], $0x1000  }
0x25f: {  	[sflag:s21] =	ssyncset.done $0x0  }
0x260: {  	[sflag:s21] =	ssyncadd.s32 $0xFFFFF000  }
0x261: {  	[spmem:s9] =	stream.linear.scatter [tilespmem:s22], [sflag:$0x3], $0x1000, $0x38;
	[tilespmem:$0x1E980] =	vst v63  }
0x262: {  	_ =	swait.ge [sflag:s21], $0x1000  }
0x263: {  	[sflag:s21] =	ssyncset.done $0x0  }
0x264: {  	[sflag:s21] =	ssyncadd.s32 $0xFFFFF000  }
0x265: {  	[spmem:s10] =	stream.linear.scatter [tilespmem:s22], [sflag:$0x3], $0x1000, $0x38;
	[tilespmem:$0x1E980] =	vst v63  }
0x266: {  	_ =	swait.ge [sflag:s21], $0x1000  }
0x267: {  	[sflag:s21] =	ssyncset.done $0x0  }
0x268: {  	[sflag:s21] =	ssyncadd.s32 $0xFFFFF000  }
0x269: {  	[spmem:s11] =	stream.linear.scatter [tilespmem:s22], [sflag:$0x3], $0x1000, $0x38;
	[tilespmem:$0x1E980] =	vst v63  }
0x26a: {  	_ =	swait.ge [sflag:s21], $0x1000  }
0x26b: {  	[sflag:s21] =	ssyncset.done $0x0  }
0x26c: {  	[sflag:s21] =	ssyncadd.s32 $0xFFFFF000  }
0x26d: {  	[spmem:s14] =	stream.linear.scatter [tilespmem:s22], [sflag:$0x3], $0x1000, $0x38;
	[tilespmem:$0x1E980] =	vst v63  }
0x26e: {  	_ =	swait.ge [sflag:s21], $0x1000  }
0x26f: {  	[sflag:s21] =	ssyncset.done $0x0  }
0x270: {  	[sflag:s21] =	ssyncadd.s32 $0xFFFFF000  }
0x271: {  	[spmem:s15] =	stream.linear.scatter [tilespmem:s22], [sflag:$0x3], $0x1000, $0x38;
	[tilespmem:$0x1E980] =	vst v63  }
0x272: {  	_ =	swait.ge [sflag:s21], $0x1000  }
0x273: {  	[sflag:s21] =	ssyncset.done $0x0  }
0x274: {  	[sflag:s21] =	ssyncadd.s32 $0xFFFFF000  }
0x275: {  	[spmem:s16] =	stream.linear.scatter [tilespmem:s22], [sflag:$0x3], $0x1000, $0x38;
	[tilespmem:$0x1E980] =	vst v63  }
0x276: {  	_ =	swait.ge [sflag:s21], $0x1000  }
0x277: {  	[sflag:s21] =	ssyncset.done $0x0  }
0x278: {  	[sflag:s21] =	ssyncadd.s32 $0xFFFFF000  }
0x279: {  	[spmem:s17] =	stream.linear.scatter [tilespmem:s22], [sflag:$0x3], $0x1000, $0x38;
	[tilespmem:$0x1E980] =	vst v63  }
0x27a: {  	_ =	swait.ge [sflag:s21], $0x1000  }
0x27b: {  	[sflag:s21] =	ssyncset.done $0x0  }
0x27c: {  	[sflag:s21] =	ssyncadd.s32 $0xFFFFF000  }
0x27d: {  	[spmem:s18] =	stream.linear.scatter [tilespmem:s22], [sflag:$0x3], $0xE00, $0x38;
	[tilespmem:$0x1E980] =	vst v63  }
0x27e: {  	_ =	swait.ge [sflag:s21], $0xE00  }
0x27f: {  	[sflag:s21] =	ssyncset.done $0x0  }
0x280: {  	[sflag:s21] =	ssyncadd.s32 $0xFFFFF200  }
0x281: {  	s28 =	simm.s32 $0xC580;
	s20 =	simm.s32 $0x16580;
	[bflag:$0x0] =	sbarrier.arrive $0xFFFF  }
0x282: {  	[tilespmem:s20], [sflag:$0x1] =	stream.indirect.gather [hbm4b:s12+s24], $0x40, s28, s24, $0xb8;
	[tilespmem:$0x1E980] =	vst v63  }
0x283: {  	s20 =	simm.s32 $0x0  }
.LBB2_10:
0x284: {  	p1 =	slt.u32 s20, $0x2  }
0x285: {  	s19 =	simm.s32 @!p1 $0x2;
	p2 =	seq.s32 @!p1 s20, $0x9F  }
0x286: {  	s26 =	simm.s32 @!p1 $0xA0;
	_ =	swait.ge @!p1 [sflag:s19], $0x2000;
	p2 =	por p1, !p2  }
0x287: {  	[sflag:s19] =	ssyncset.done @!p1 $0x0;
	s26 =	sadd.s32 @p2 $0x1, s20  }
0x288: {  	[sflag:s19] =	ssyncadd.s32 @!p1 $0xFFFFE000;
	s19 =	smul.u32 @p2 $0xAB, s26;
	_ =	sdelay $0x1  }
0x289: {  	s19 =	sshrl.u32 @p2 s19, $0x9  }
0x28a: {  	s19 =	sand.u32 @p2 $0x7F, s19  }
0x28b: {  	s19 =	smul.u32 @p2 $0x3, s19;
	_ =	sdelay $0x1  }
0x28c: {  	s19 =	ssub.s32 @p2 s26, s19  }
0x28d: {  	s28 =	sshll.u32 @p2 s26, $0x7;
	s19 =	sand.u32 @p2 $0xFF, s19  }
0x28e: {  	s28 =	sand.u32 @p2 $0x3FFFFF80, s28;
	s19 =	sshll.u32 @p2 s19, $0xD  }
0x28f: {  	s28 =	sadd.s32 @p2 $0xC580, s28;
	s19 =	sadd.s32 @p2 $0x16580, s19  }
0x290: {  	[tilespmem:s19], [sflag:$0x1] =	stream.indirect.gather @p2 [hbm4b:s12+s24], $0x40, s28, s24, $0xb8;
	[tilespmem:$0x1E980] =	vst v63  }
0x291: {  	s28 =	smul.u32 $0xAB, s20;
	_ =	sdelay $0x1  }
0x292: {  	s19 =	sshrl.u32 s28, $0x9  }
0x293: {  	s19 =	sand.u32 $0x7F, s19  }
0x294: {  	s19 =	smul.u32 $0x3, s19;
	_ =	sdelay $0x1  }
0x295: {  	p1 =	slt.u32 s26, $0xA0;
	_ =	swait.ge [sflag:s25], $0x2000;
	s19 =	ssub.s32 s20, s19  }
.Ltmp6:
0x296: {  	s28 =	sshll.u32 s20, $0x7;
	s19 =	sand.u32 $0xFF, s19;
	(pc) =	sbr.rel @p1 .LBB2_10-.Ltmp6, $4  }
0x297: {  	[sflag:s25] =	ssyncset.done $0x0;
	s20 =	sand.u32 $0x3FFFFF80, s28;
	s19 =	sshll.u32 s19, $0xD  }
0x298: {  	[sflag:s25] =	ssyncadd.s32 $0xFFFFE000;
	s20 =	sadd.s32 $0x11580, s20;
	s19 =	sadd.s32 $0x16580, s19  }
0x299: {  	[spmem:s1] =	stream.indirect.scatter.add.f32 [tilespmem:s19], [sflag:$0x2], $0x40, s20, s24, $0xb8;
	[tilespmem:$0x1E980] =	vst v63  }
0x29a: {  	s20 =	smov.u32 s26  }
0x29b: {  	_ =	swait.ge [sflag:s6], $0x2000  }
0x29c: {  	[sflag:s6] =	ssyncset.done $0x0  }
0x29d: {  	[sflag:s6] =	ssyncadd.s32 $0xFFFFE000  }
0x29e: {  	_ =	swait.ge [sflag:s6], $0x2000  }
0x29f: {  	[sflag:s6] =	ssyncset.done $0x0  }
0x2a0: {  	[sflag:s6] =	ssyncadd.s32 $0xFFFFE000  }
0x2a1: {  	[bflag:$0x0] =	sbarrier.arrive $0xFFFF  }
0x2a2: {  	s19 =	rddreg [dreg:$0x15]  }
0x2a3: {  	[hbm:s19], [sflag:s31] =	dma.local [spmem:s13], $0x13C0  }
0x2a4: {  	_ =	swait.ge [sflag:s21], $0x13C0  }
0x2a5: {  	s29 =	sadd.s32 $0x1, s29;
	s31 =	rddreg [dreg:$0x14]  }
0x2a6: {  	p1 =	sne.s32 s29, s31  }
.Ltmp7:
0x2a7: {  	_ = 	snop;
	(pc) =	sbr.rel @p1 .LBB2_1-.Ltmp7, $3  }
0x2a8: {  	_ =	sdelay $0x1  }
0x2a9: {  	[sflag:s21] =	ssyncset.done $0x0  }
0x2aa: {  	[sflag:s21] =	ssyncadd.s32 $0xFFFFEC40  }
0x2ab: {  	_ =	sfence.sel $0x180000  }
0x2ac: {  	[bflag:$0x0] =	sbarrier.arrive $0xFFFF  }
0x2ad: {  	_ =	strace $0x90000047  }
0x2ae: {  	s0 =	stileid.u32;
	[bflag:$0x2] =	sbarrier.arrive $0xFFFF  }
0x2af: {  	p0 =	sne.s32 s0, $0x0;
	s0 =	rddreg [dreg:$0x4]  }
0x2b0: {  	s0 =	sadd.s32 @!p0 $0x100000, s0  }
0x2b1: {  	[sflag:s0] =	ssyncadd.tile.s32 @!p0 $0x1;
	_ =	shalt  }
.Lfunc_end2:
_tile_overlayer_lowered:
.L_overlay_start_2:
0x2b2: {  	(tag) =	ssettag $0x2  }
0x2b3: {  	s0 =	rddreg [dreg:$0x0];
	s2 =	stileid.u32  }
0x2b4: {  	s1 =	rddreg [dreg:$0x1];
	p0 =	sne.s32 s2, $0x0  }
0x2b5: {  	s3 =	rddreg [dreg:$0x2];
	[bflag:$0x3] =	sbarrier.arrive $0xFFFF;
	s2 =	simm.s32 @!p0 $0x1C03  }
0x2b6: {  	[timem:s3], [sflag:s2] =	dma.local @!p0 [hbm:s0], s1  }
0x2b7: {  	s0 =	simm.s32 @!p0 $0x3  }
0x2b8: {  	_ =	swait.ge @!p0 [sflag:s0], s1  }
0x2b9: {  	s1 =	ssub.s32 @!p0 $0x0, s1;
	[sflag:s0] =	ssyncset.done @!p0 $0x0  }
0x2ba: {  	[sflag:s0] =	ssyncadd.s32 @!p0 s1  }
0x2bb: {  	[bflag:$0x3] =	sbarrier.arrive $0xFFFF  }
0x2bc: {  	_ =	shalt  }

</sc_bundles>
